<compile_context>
chip_gen: v7x
topology: tpu7x:2x2x1
jax: 0.10.2.dev20260603
libtpu: 0.0.44.dev20260713+nightly
codegen_flags: <defaults>
</compile_context>

<pallas_src>
import functools

import jax
import jax.numpy as jnp
from jax import lax
from jax.experimental import pallas as pl
from jax.experimental.pallas import tpu as pltpu
from jax.experimental.pallas import tpu_sc as plsc

B, N1, N2, C1, C2, M0, M1 = 4, 4096, 1024, 32, 64, 64, 64
TILE = 4096
NT = N1 // TILE
EPS = 1e-5
BIG = 1e30

NROWS = 3 * B * N1
SC_WORKERS = 32
SC_CHUNK = 128
SC_CPW = NROWS // (SC_WORKERS * SC_CHUNK)


def _dot_bf(a, b):
    return lax.dot_general(a.astype(jnp.bfloat16), b.astype(jnp.bfloat16),
                           (((1,), (0,)), ((), ())),
                           preferred_element_type=jnp.float32)


def _dot_t_bf(a, b):
    return lax.dot_general(a.astype(jnp.bfloat16), b.astype(jnp.bfloat16),
                           (((0,), (0,)), ((), ())),
                           preferred_element_type=jnp.float32)


def _norms(c):
    return (c[0:1] * c[0:1] + c[1:2] * c[1:2]) + c[2:3] * c[2:3]


def _bn_rows(y, n, g, b):
    m = jnp.sum(y, axis=0, keepdims=True) / n
    ym = y - m
    v = jnp.sum(ym * ym, axis=0, keepdims=True) / n
    scale = g * lax.rsqrt(v + EPS)
    return ym * scale + b


def _prep_kernel(feat2_ref, feat1_ref, Wf0_ref, bf0_ref, gf0_ref, bef0_ref,
                 Ws0_ref, bs0_ref, gs0_ref, bes0_ref, p2_ref, skip_ref):
    f2 = jnp.concatenate([feat2_ref[b] for b in range(B)], axis=1)
    y2 = _dot_t_bf(f2, Wf0_ref[...]) + bf0_ref[...]
    p2_ref[...] = _bn_rows(y2, B * N2, gf0_ref[...], bef0_ref[...])
    f1 = jnp.concatenate([feat1_ref[b] for b in range(B)], axis=1)
    y1 = _dot_t_bf(f1, Ws0_ref[...]) + bs0_ref[...]
    sk = _bn_rows(y1, B * N1, gs0_ref[...], bes0_ref[...])
    skip_ref[...] = sk.reshape(B, N1, M0)


def _search_kernel(c1_ref, c2_ref, aux_ref):
    c1 = c1_ref[0]
    c2 = c2_ref[0]
    g = lax.dot_general(c1.astype(jnp.bfloat16), c2.astype(jnp.bfloat16),
                        (((0,), (0,)), ((), ())),
                        preferred_element_type=jnp.float32)
    n1c = _norms(c1).T
    n2 = _norms(c2)
    d = (n1c + n2) - 2.0 * g
    iota = lax.broadcasted_iota(jnp.int32, (1, N2), 1).astype(jnp.float32)
    nf = float(N2)
    m1 = jnp.min(d, axis=1, keepdims=True)
    i1 = jnp.min(jnp.where(d == m1, iota, nf), axis=1, keepdims=True)
    d = jnp.where(iota == i1, BIG, d)
    m2 = jnp.min(d, axis=1, keepdims=True)
    i2 = jnp.min(jnp.where(d == m2, iota, nf), axis=1, keepdims=True)
    d = jnp.where(iota == i2, BIG, d)
    m3 = jnp.min(d, axis=1, keepdims=True)
    i3 = jnp.min(jnp.where(d == m3, iota, nf), axis=1, keepdims=True)
    r1 = 1.0 / (m1 + 1e-8)
    r2 = 1.0 / (m2 + 1e-8)
    r3 = 1.0 / (m3 + 1e-8)
    s = r1 + r2 + r3
    boff = (pl.program_id(0) * N2).astype(jnp.float32)
    packed = jnp.concatenate(
        [i1 + boff, i2 + boff, i3 + boff, r1 / s, r2 / s, r3 / s, r1, r1],
        axis=1)
    aux_ref[0] = packed.T


def _sc_gather_kernel(aux_hbm, p2_hbm, out_hbm, p2_sp, idxf_v, idx_v, rows_v, sem0, sem1):
    sid = lax.axis_index("s")
    wid = sid * 2 + lax.axis_index("c")

    @pl.when(sid == 0)
    def _():
        pltpu.sync_copy(p2_hbm, p2_sp)

    plsc.subcore_barrier()
    for j in range(SC_CPW):
        s = wid * SC_CPW + j
        k = s // (NROWS // SC_CHUNK // 3)
        ss = s % (NROWS // SC_CHUNK // 3)
        pb = TILE // SC_CHUNK
        blk = ss // pb
        lane = (ss % pb) * SC_CHUNK
        pltpu.sync_copy(aux_hbm.at[blk, k, pl.ds(lane, SC_CHUNK)], idxf_v.at[j])
    for j in range(SC_CPW):
        for i in range(SC_CHUNK // 16):
            idx_v[j, pl.ds(i * 16, 16)] = idxf_v[j, pl.ds(i * 16, 16)].astype(jnp.int32)
    sems = [sem0, sem1]
    copies = [None, None]
    copies[0] = pltpu.async_copy(p2_sp.at[idx_v.at[0]], rows_v.at[0], sems[0])
    for j in range(SC_CPW):
        if j + 1 < SC_CPW:
            copies[(j + 1) % 2] = pltpu.async_copy(
                p2_sp.at[idx_v.at[j + 1]], rows_v.at[(j + 1) % 2], sems[(j + 1) % 2])
        copies[j % 2].wait()
        s = wid * SC_CPW + j
        pltpu.sync_copy(rows_v.at[j % 2], out_hbm.at[pl.ds(s * SC_CHUNK, SC_CHUNK)])


def _combine_kernel(gat_ref, aux_ref, skip_ref, W1_ref, b1_ref,
                    z_ref, s1_ref, s2_ref):
    auxt = aux_ref[0].T
    w1 = auxt[:, 3:4]
    w2 = auxt[:, 4:5]
    w3 = auxt[:, 5:6]
    interp = w1 * gat_ref[0, 0] + w2 * gat_ref[1, 0] + w3 * gat_ref[2, 0]
    x = jnp.maximum(interp + skip_ref[0], 0.0)
    z = _dot_bf(x, W1_ref[...]) + b1_ref[...]
    z_ref[0] = z
    zs = jnp.sum(z, axis=0, keepdims=True)
    zs2 = jnp.sum(z * z, axis=0, keepdims=True)

    first = (pl.program_id(0) == 0) & (pl.program_id(1) == 0)

    @pl.when(first)
    def _():
        s1_ref[...] = jnp.zeros((8, M1), jnp.float32)
        s2_ref[...] = jnp.zeros((8, M1), jnp.float32)

    s1_ref[...] += jnp.broadcast_to(zs, (8, M1))
    s2_ref[...] += jnp.broadcast_to(zs2, (8, M1))


def _final_kernel(z_ref, s1_ref, s2_ref, g1_ref, be1_ref, out_ref):
    n = jnp.float32(B * N1)
    m = s1_ref[0:1, :] / n
    v = s2_ref[0:1, :] / n - m * m
    scale = g1_ref[...] * lax.rsqrt(v + EPS)
    shift = be1_ref[...] - m * scale
    y = jnp.maximum(z_ref[0] * scale + shift, 0.0)
    out_ref[0] = y.T


def kernel(center1, feat1, center2, feat2, Wf0, bf0, gf0, bef0,
           Ws0, bs0, gs0, bes0, W1, b1, g1, be1):
    r = lambda p: p.reshape(1, -1)
    p2, skip = pl.pallas_call(
        _prep_kernel,
        out_shape=[
            jax.ShapeDtypeStruct((B * N2, M0), jnp.float32),
            jax.ShapeDtypeStruct((B, N1, M0), jnp.float32),
        ],
    )(feat2, feat1, Wf0, r(bf0), r(gf0), r(bef0), Ws0, r(bs0), r(gs0), r(bes0))

    aux = pl.pallas_call(
        _search_kernel,
        grid=(B, NT),
        in_specs=[
            pl.BlockSpec((1, 3, TILE), lambda b, t: (b, 0, t)),
            pl.BlockSpec((1, 3, N2), lambda b, t: (b, 0, 0)),
        ],
        out_specs=pl.BlockSpec((1, 8, TILE), lambda b, t: (b * NT + t, 0, 0)),
        out_shape=jax.ShapeDtypeStruct((B * NT, 8, TILE), jnp.float32),
    )(center1, center2)

    sc_gather = functools.partial(
        pl.kernel,
        mesh=plsc.VectorSubcoreMesh(core_axis_name="c", subcore_axis_name="s"),
        out_type=jax.ShapeDtypeStruct((NROWS, M0), jnp.float32),
        scratch_types=[
            pltpu.VMEM_SHARED((B * N2, M0), jnp.float32),
            pltpu.VMEM((SC_CPW, SC_CHUNK), jnp.float32),
            pltpu.VMEM((SC_CPW, SC_CHUNK), jnp.int32),
            pltpu.VMEM((2, SC_CHUNK, M0), jnp.float32),
            pltpu.SemaphoreType.DMA,
            pltpu.SemaphoreType.DMA,
        ],
    )(_sc_gather_kernel)
    gathered = sc_gather(aux, p2)

    z, s1, s2 = pl.pallas_call(
        _combine_kernel,
        grid=(B, NT),
        in_specs=[
            pl.BlockSpec((3, 1, TILE, M0), lambda b, t: (0, b * NT + t, 0, 0)),
            pl.BlockSpec((1, 8, TILE), lambda b, t: (b * NT + t, 0, 0)),
            pl.BlockSpec((1, TILE, M0), lambda b, t: (b, t, 0)),
            pl.BlockSpec((M0, M1), lambda b, t: (0, 0)),
            pl.BlockSpec((1, M1), lambda b, t: (0, 0)),
        ],
        out_specs=[
            pl.BlockSpec((1, TILE, M1), lambda b, t: (b, t, 0)),
            pl.BlockSpec((8, M1), lambda b, t: (0, 0)),
            pl.BlockSpec((8, M1), lambda b, t: (0, 0)),
        ],
        out_shape=[
            jax.ShapeDtypeStruct((B, N1, M1), jnp.float32),
            jax.ShapeDtypeStruct((8, M1), jnp.float32),
            jax.ShapeDtypeStruct((8, M1), jnp.float32),
        ],
    )(gathered.reshape(3, B * NT, TILE, M0), aux, skip, W1, r(b1))

    out = pl.pallas_call(
        _final_kernel,
        grid=(B, NT),
        in_specs=[
            pl.BlockSpec((1, TILE, M1), lambda b, t: (b, t, 0)),
            pl.BlockSpec((8, M1), lambda b, t: (0, 0)),
            pl.BlockSpec((8, M1), lambda b, t: (0, 0)),
            pl.BlockSpec((1, M1), lambda b, t: (0, 0)),
            pl.BlockSpec((1, M1), lambda b, t: (0, 0)),
        ],
        out_specs=pl.BlockSpec((1, M1, TILE), lambda b, t: (b, 0, t)),
        out_shape=jax.ShapeDtypeStruct((B, M1, N1), jnp.float32),
    )(z, s1, s2, r(g1), r(be1))
    return out

# --- scband reference (transcript-rebuilt; emitter-appended) ---
"""Pipeline reference for scband-surface-feature-propagation-cd-81870666596693 (READ-ONLY COPY).

The authoritative reference and input builder live on the scoring server;
editing this copy changes nothing except your own understanding.
"""

import jax, jax.numpy as jnp
import numpy as np

B, N1, N2, C1, C2, M0, M1 = 4, 4096, 1024, 32, 64, 64, 64

def setup_inputs(seed: int = 0) -> dict:
    key = jax.random.key(seed)
    ks = jax.random.split(key, 8)
    inp = {
        "center1": jax.random.normal(ks[0], (B, 3, N1), dtype=jnp.float32),
        "feat1": jax.random.normal(ks[1], (B, C1, N1), dtype=jnp.float32),
        "center2": jax.random.normal(ks[2], (B, 3, N2), dtype=jnp.float32),
        "feat2": jax.random.normal(ks[3], (B, C2, N2), dtype=jnp.float32),
        "Wf0": jax.random.normal(ks[4], (C2, M0), dtype=jnp.float32) * 0.05,
        "bf0": jnp.zeros((M0,), dtype=jnp.float32),
        "gf0": jnp.ones((M0,), dtype=jnp.float32),
        "bef0": jnp.zeros((M0,), dtype=jnp.float32),
        "Ws0": jax.random.normal(ks[5], (C1, M0), dtype=jnp.float32) * 0.05,
        "bs0": jnp.zeros((M0,), dtype=jnp.float32),
        "gs0": jnp.ones((M0,), dtype=jnp.float32),
        "bes0": jnp.zeros((M0,), dtype=jnp.float32),
        "W1": jax.random.normal(ks[6], (M0, M1), dtype=jnp.float32) * 0.05,
        "b1": jnp.zeros((M1,), dtype=jnp.float32),
        "g1": jnp.ones((M1,), dtype=jnp.float32),
        "be1": jnp.zeros((M1,), dtype=jnp.float32),
    }
    return inp

def _bn(x, g, b, eps=1e-5):
    # BatchNorm1d in training mode: batch statistics over dim 0 of [B*N, C]
    m = x.mean(axis=0)
    v = x.var(axis=0)
    return g * (x - m) / jnp.sqrt(v + eps) + b

def reference(center1, feat1, center2, feat2, Wf0, bf0, gf0, bef0, Ws0, bs0, gs0, bes0, W1, b1, g1, be1):
    xyz1 = jnp.transpose(center1, (0, 2, 1))   # [B,N1,3]
    xyz2 = jnp.transpose(center2, (0, 2, 1))   # [B,N2,3]
    points2 = jnp.transpose(feat2, (0, 2, 1))  # [B,N2,C2]
    points1 = jnp.transpose(feat1, (0, 2, 1))  # [B,N1,C1]
    Bb, N1_, _ = xyz1.shape
    N2_ = points2.shape[1]
    # three_nn: squared distances to the 3 nearest coarse points
    d = (jnp.sum(xyz1 ** 2, axis=-1)[:, :, None]
         + jnp.sum(xyz2 ** 2, axis=-1)[:, None, :]
         - 2.0 * jnp.einsum('bnd,bmd->bnm', xyz1, xyz2))  # [B,N1,N2]
    negd, idx = jax.lax.top_k(-d, 3)
    dist = -negd                              # [B,N1,3]
    dist_recip = 1.0 / (dist + 1e-8)
    weight = dist_recip / jnp.sum(dist_recip, axis=-1, keepdims=True)
    # project coarse features then interpolate (gather 3-NN)
    p2 = _bn((points2 @ Wf0 + bf0).reshape(Bb * N2_, -1), gf0, bef0).reshape(Bb, N2_, -1)
    gathered = p2[jnp.arange(Bb)[:, None, None], idx]        # [B,N1,3,M0]
    interpolated = jnp.sum(gathered * weight[..., None], axis=2)  # [B,N1,M0]
    # skip connection branch
    skip = _bn((points1 @ Ws0 + bs0).reshape(Bb * N1_, -1), gs0, bes0).reshape(Bb, N1_, -1)
    x = jax.nn.relu(interpolated + skip)
    # trailing mlp conv + bn + relu
    x = jax.nn.relu(_bn((x @ W1 + b1).reshape(Bb * N1_, -1), g1, be1).reshape(Bb, N1_, -1))
    return jnp.transpose(x, (0, 2, 1))  # [B,M1,N1]

if __name__ == "__main__":
    import jax
    _d = setup_inputs()
    print(jax.jit(kernel)(*tuple(_d.values())))

</pallas_src>

<mosaic_0001>
#map = affine_map<(d0, d1) -> (0, 0, 0)>
#map1 = affine_map<(d0, d1) -> (0, 0)>
module attributes {stable_mosaic.version = 14 : i64} {
  func.func @_sc_gather_kernel(%arg0: i32, %arg1: i32, %arg2: memref<4x8x4096xf32, #tpu.memory_space<hbm>>, %arg3: memref<4096x64xf32, #tpu.memory_space<hbm>>, %arg4: memref<49152x64xf32, #tpu.memory_space<hbm>>, %arg5: memref<4096x64xf32, #tpu.memory_space<vmem_shared>>, %arg6: memref<12x128xf32, #tpu.memory_space<vmem>>, %arg7: memref<12x128xi32, #tpu.memory_space<vmem>>, %arg8: memref<2x128x64xf32, #tpu.memory_space<vmem>>, %arg9: memref<!tpu.dma_semaphore, #tpu.memory_space<semaphore_mem>>, %arg10: memref<!tpu.dma_semaphore, #tpu.memory_space<semaphore_mem>>) attributes {dimension_semantics = [#tpu.dimension_semantics<core_parallel>, #tpu.dimension_semantics<subcore_parallel>], iteration_bounds = array<i64: 2, 16>, scalar_prefetch = 0 : i64, scratch_operands = 6 : i64, tpu.core_type = #tpu.core_type<sc_vector_subcore>, window_params = [{transform_indices = #map}, {transform_indices = #map1}, {transform_indices = #map1}]} {
    %mul3A = arith.constant 2 : i32
    %mul3A_0 = arith.muli %arg1, %mul3A : i32
    %add3A = arith.addi %mul3A_0, %arg0 : i32
    %eq3A = arith.constant 0 : i32
    %eq3A_1 = arith.cmpi eq, %arg1, %eq3A : i32
    %convert_element_type3A = arith.extui %eq3A_1 : i1 to i32
    %cond3A = arith.constant 0 : i32
    %cond3A_2 = arith.cmpi ne, %convert_element_type3A, %cond3A : i32
    scf.if %cond3A_2 {
      "tpu.region"() ({
        %run_scoped3A_2557 = tpu.sem_alloc : memref<!tpu.dma_semaphore, #tpu.memory_space<semaphore_mem>>
        tpu.enqueue_dma source(%arg3 : memref<4096x64xf32, #tpu.memory_space<hbm>>) target(%arg5 : memref<4096x64xf32, #tpu.memory_space<vmem_shared>>) target_semaphore(%run_scoped3A_2557 : memref<!tpu.dma_semaphore, #tpu.memory_space<semaphore_mem>>)
        tpu.wait_dma2 semaphore(%run_scoped3A_2557 : memref<!tpu.dma_semaphore, #tpu.memory_space<semaphore_mem>>) src(%arg3 : memref<4096x64xf32, #tpu.memory_space<hbm>>) dst(%arg5 : memref<4096x64xf32, #tpu.memory_space<vmem_shared>>)
        tpu.yield
      }) : () -> ()
    } else {
    }
    %barrier3A = arith.constant 0 : index
    tpu.barrier barrier_id(%barrier3A)
    %mul3A_3 = arith.constant 12 : i32
    %mul3A_4 = arith.muli %add3A, %mul3A_3 : i32
    %add3A_5 = arith.constant 0 : i32
    %add3A_6 = arith.addi %mul3A_4, %add3A_5 : i32
    %jit3A = arith.constant 128 : i32
    %div3A = arith.divsi %add3A_6, %jit3A : i32
    %sign3A = arith.constant 0 : i32
    %sign3A_7 = arith.cmpi sgt, %add3A_6, %sign3A : i32
    %sign3A_8 = arith.extui %sign3A_7 : i1 to i32
    %sign3A_9 = arith.constant 0 : i32
    %sign3A_10 = arith.cmpi slt, %add3A_6, %sign3A_9 : i32
    %sign3A_11 = arith.extui %sign3A_10 : i1 to i32
    %sign3A_12 = arith.subi %sign3A_8, %sign3A_11 : i32
    %sign3A_13 = arith.constant 0 : i32
    %sign3A_14 = arith.cmpi sgt, %jit3A, %sign3A_13 : i32
    %sign3A_15 = arith.extui %sign3A_14 : i1 to i32
    %sign3A_16 = arith.constant 0 : i32
    %sign3A_17 = arith.cmpi slt, %jit3A, %sign3A_16 : i32
    %sign3A_18 = arith.extui %sign3A_17 : i1 to i32
    %sign3A_19 = arith.subi %sign3A_15, %sign3A_18 : i32
    %ne3A = arith.cmpi ne, %sign3A_12, %sign3A_19 : i32
    %rem3A = arith.remsi %add3A_6, %jit3A : i32
    %ne3A_20 = arith.constant 0 : i32
    %ne3A_21 = arith.cmpi ne, %rem3A, %ne3A_20 : i32
    %and3A = arith.andi %ne3A, %ne3A_21 : i1
    %sub3A = arith.constant 1 : i32
    %sub3A_22 = arith.subi %div3A, %sub3A : i32
    %select_n3A = arith.select %and3A, %sub3A_22, %div3A : i32
    %jit3A_23 = arith.constant 128 : i32
    %eq3A_24 = arith.constant 0 : i32
    %eq3A_25 = arith.cmpi eq, %jit3A_23, %eq3A_24 : i32
    %jit3A_26 = arith.constant 1 : i32
    %select_n3A_27 = arith.select %eq3A_25, %jit3A_26, %jit3A_23 : i32
    %rem3A_28 = arith.remsi %add3A_6, %select_n3A_27 : i32
    %ne3A_29 = arith.constant 0 : i32
    %ne3A_30 = arith.cmpi ne, %rem3A_28, %ne3A_29 : i32
    %lt3A = arith.constant 0 : i32
    %lt3A_31 = arith.cmpi slt, %rem3A_28, %lt3A : i32
    %lt3A_32 = arith.constant 0 : i32
    %lt3A_33 = arith.cmpi slt, %select_n3A_27, %lt3A_32 : i32
    %ne3A_34 = arith.xori %lt3A_31, %lt3A_33 : i1
    %and3A_35 = arith.andi %ne3A_34, %ne3A_30 : i1
    %add3A_36 = arith.addi %rem3A_28, %select_n3A_27 : i32
    %select_n3A_37 = arith.select %and3A_35, %add3A_36, %rem3A_28 : i32
    %jit3A_38 = arith.constant 32 : i32
    %div3A_39 = arith.divsi %select_n3A_37, %jit3A_38 : i32
    %sign3A_40 = arith.constant 0 : i32
    %sign3A_41 = arith.cmpi sgt, %select_n3A_37, %sign3A_40 : i32
    %sign3A_42 = arith.extui %sign3A_41 : i1 to i32
    %sign3A_43 = arith.constant 0 : i32
    %sign3A_44 = arith.cmpi slt, %select_n3A_37, %sign3A_43 : i32
    %sign3A_45 = arith.extui %sign3A_44 : i1 to i32
    %sign3A_46 = arith.subi %sign3A_42, %sign3A_45 : i32
    %sign3A_47 = arith.constant 0 : i32
    %sign3A_48 = arith.cmpi sgt, %jit3A_38, %sign3A_47 : i32
    %sign3A_49 = arith.extui %sign3A_48 : i1 to i32
    %sign3A_50 = arith.constant 0 : i32
    %sign3A_51 = arith.cmpi slt, %jit3A_38, %sign3A_50 : i32
    %sign3A_52 = arith.extui %sign3A_51 : i1 to i32
    %sign3A_53 = arith.subi %sign3A_49, %sign3A_52 : i32
    %ne3A_54 = arith.cmpi ne, %sign3A_46, %sign3A_53 : i32
    %rem3A_55 = arith.remsi %select_n3A_37, %jit3A_38 : i32
    %ne3A_56 = arith.constant 0 : i32
    %ne3A_57 = arith.cmpi ne, %rem3A_55, %ne3A_56 : i32
    %and3A_58 = arith.andi %ne3A_54, %ne3A_57 : i1
    %sub3A_59 = arith.constant 1 : i32
    %sub3A_60 = arith.subi %div3A_39, %sub3A_59 : i32
    %select_n3A_61 = arith.select %and3A_58, %sub3A_60, %div3A_39 : i32
    %jit3A_62 = arith.constant 32 : i32
    %eq3A_63 = arith.constant 0 : i32
    %eq3A_64 = arith.cmpi eq, %jit3A_62, %eq3A_63 : i32
    %jit3A_65 = arith.constant 1 : i32
    %select_n3A_66 = arith.select %eq3A_64, %jit3A_65, %jit3A_62 : i32
    %rem3A_67 = arith.remsi %select_n3A_37, %select_n3A_66 : i32
    %ne3A_68 = arith.constant 0 : i32
    %ne3A_69 = arith.cmpi ne, %rem3A_67, %ne3A_68 : i32
    %lt3A_70 = arith.constant 0 : i32
    %lt3A_71 = arith.cmpi slt, %rem3A_67, %lt3A_70 : i32
    %lt3A_72 = arith.constant 0 : i32
    %lt3A_73 = arith.cmpi slt, %select_n3A_66, %lt3A_72 : i32
    %ne3A_74 = arith.xori %lt3A_71, %lt3A_73 : i1
    %and3A_75 = arith.andi %ne3A_74, %ne3A_69 : i1
    %add3A_76 = arith.addi %rem3A_67, %select_n3A_66 : i32
    %select_n3A_77 = arith.select %and3A_75, %add3A_76, %rem3A_67 : i32
    %mul3A_78 = arith.constant 128 : i32
    %mul3A_79 = arith.muli %select_n3A_77, %mul3A_78 : i32
    %run_scoped3A = arith.constant 0 : i32
    "tpu.region"() ({
      %run_scoped3A_2557 = tpu.sem_alloc : memref<!tpu.dma_semaphore, #tpu.memory_space<semaphore_mem>>
      %dma_start3A_2558 = arith.constant 0 : i32
      %dma_start3A_2559 = tpu.memref_slice %arg6[%run_scoped3A, %dma_start3A_2558] : memref<12x128xf32, #tpu.memory_space<vmem>> -> memref<1x128xf32, #tpu.memory_space<vmem>>
      %dma_start3A_2560 = tpu.memref_squeeze %dma_start3A_2559 : memref<1x128xf32, #tpu.memory_space<vmem>> -> memref<128xf32, #tpu.memory_space<vmem>>
      %dma_start3A_2561 = tpu.memref_slice %arg2[%select_n3A_61, %select_n3A, %mul3A_79] : memref<4x8x4096xf32, #tpu.memory_space<hbm>> -> memref<1x1x128xf32, #tpu.memory_space<hbm>>
      %dma_start3A_2562 = tpu.memref_squeeze %dma_start3A_2561 : memref<1x1x128xf32, #tpu.memory_space<hbm>> -> memref<128xf32, #tpu.memory_space<hbm>>
      %dma_start3A_2563 = arith.constant 0 : i32
      %dma_start3A_2564 = tpu.memref_slice %arg6[%run_scoped3A, %dma_start3A_2563] : memref<12x128xf32, #tpu.memory_space<vmem>> -> memref<1x128xf32, #tpu.memory_space<vmem>>
      %dma_start3A_2565 = tpu.memref_squeeze %dma_start3A_2564 : memref<1x128xf32, #tpu.memory_space<vmem>> -> memref<128xf32, #tpu.memory_space<vmem>>
      %dma_start3A_2566 = tpu.memref_slice %arg2[%select_n3A_61, %select_n3A, %mul3A_79] : memref<4x8x4096xf32, #tpu.memory_space<hbm>> -> memref<1x1x128xf32, #tpu.memory_space<hbm>>
      %dma_start3A_2567 = tpu.memref_squeeze %dma_start3A_2566 : memref<1x1x128xf32, #tpu.memory_space<hbm>> -> memref<128xf32, #tpu.memory_space<hbm>>
      tpu.enqueue_dma source(%dma_start3A_2567 : memref<128xf32, #tpu.memory_space<hbm>>) target(%dma_start3A_2565 : memref<128xf32, #tpu.memory_space<vmem>>) target_semaphore(%run_scoped3A_2557 : memref<!tpu.dma_semaphore, #tpu.memory_space<semaphore_mem>>)
      %dma_wait3A_2568 = arith.constant 0 : i32
      %dma_wait3A_2569 = tpu.memref_slice %arg6[%run_scoped3A, %dma_wait3A_2568] : memref<12x128xf32, #tpu.memory_space<vmem>> -> memref<1x128xf32, #tpu.memory_space<vmem>>
      %dma_wait3A_2570 = tpu.memref_squeeze %dma_wait3A_2569 : memref<1x128xf32, #tpu.memory_space<vmem>> -> memref<128xf32, #tpu.memory_space<vmem>>
      %dma_wait3A_2571 = tpu.memref_slice %arg2[%select_n3A_61, %select_n3A, %mul3A_79] : memref<4x8x4096xf32, #tpu.memory_space<hbm>> -> memref<1x1x128xf32, #tpu.memory_space<hbm>>
      %dma_wait3A_2572 = tpu.memref_squeeze %dma_wait3A_2571 : memref<1x1x128xf32, #tpu.memory_space<hbm>> -> memref<128xf32, #tpu.memory_space<hbm>>
      %dma_wait3A_2573 = arith.constant 0 : i32
      %dma_wait3A_2574 = tpu.memref_slice %arg6[%run_scoped3A, %dma_wait3A_2573] : memref<12x128xf32, #tpu.memory_space<vmem>> -> memref<1x128xf32, #tpu.memory_space<vmem>>
      %dma_wait3A_2575 = tpu.memref_squeeze %dma_wait3A_2574 : memref<1x128xf32, #tpu.memory_space<vmem>> -> memref<128xf32, #tpu.memory_space<vmem>>
      %dma_wait3A_2576 = tpu.memref_slice %arg2[%select_n3A_61, %select_n3A, %mul3A_79] : memref<4x8x4096xf32, #tpu.memory_space<hbm>> -> memref<1x1x128xf32, #tpu.memory_space<hbm>>
      %dma_wait3A_2577 = tpu.memref_squeeze %dma_wait3A_2576 : memref<1x1x128xf32, #tpu.memory_space<hbm>> -> memref<128xf32, #tpu.memory_space<hbm>>
      tpu.wait_dma2 semaphore(%run_scoped3A_2557 : memref<!tpu.dma_semaphore, #tpu.memory_space<semaphore_mem>>) src(%dma_wait3A_2577 : memref<128xf32, #tpu.memory_space<hbm>>) dst(%dma_wait3A_2575 : memref<128xf32, #tpu.memory_space<vmem>>)
      tpu.yield
    }) : () -> ()
    %mul3A_80 = arith.constant 12 : i32
    %mul3A_81 = arith.muli %add3A, %mul3A_80 : i32
    %add3A_82 = arith.constant 1 : i32
    %add3A_83 = arith.addi %mul3A_81, %add3A_82 : i32
    %jit3A_84 = arith.constant 128 : i32
    %div3A_85 = arith.divsi %add3A_83, %jit3A_84 : i32
    %sign3A_86 = arith.constant 0 : i32
    %sign3A_87 = arith.cmpi sgt, %add3A_83, %sign3A_86 : i32
    %sign3A_88 = arith.extui %sign3A_87 : i1 to i32
    %sign3A_89 = arith.constant 0 : i32
    %sign3A_90 = arith.cmpi slt, %add3A_83, %sign3A_89 : i32
    %sign3A_91 = arith.extui %sign3A_90 : i1 to i32
    %sign3A_92 = arith.subi %sign3A_88, %sign3A_91 : i32
    %sign3A_93 = arith.constant 0 : i32
    %sign3A_94 = arith.cmpi sgt, %jit3A_84, %sign3A_93 : i32
    %sign3A_95 = arith.extui %sign3A_94 : i1 to i32
    %sign3A_96 = arith.constant 0 : i32
    %sign3A_97 = arith.cmpi slt, %jit3A_84, %sign3A_96 : i32
    %sign3A_98 = arith.extui %sign3A_97 : i1 to i32
    %sign3A_99 = arith.subi %sign3A_95, %sign3A_98 : i32
    %ne3A_100 = arith.cmpi ne, %sign3A_92, %sign3A_99 : i32
    %rem3A_101 = arith.remsi %add3A_83, %jit3A_84 : i32
    %ne3A_102 = arith.constant 0 : i32
    %ne3A_103 = arith.cmpi ne, %rem3A_101, %ne3A_102 : i32
    %and3A_104 = arith.andi %ne3A_100, %ne3A_103 : i1
    %sub3A_105 = arith.constant 1 : i32
    %sub3A_106 = arith.subi %div3A_85, %sub3A_105 : i32
    %select_n3A_107 = arith.select %and3A_104, %sub3A_106, %div3A_85 : i32
    %jit3A_108 = arith.constant 128 : i32
    %eq3A_109 = arith.constant 0 : i32
    %eq3A_110 = arith.cmpi eq, %jit3A_108, %eq3A_109 : i32
    %jit3A_111 = arith.constant 1 : i32
    %select_n3A_112 = arith.select %eq3A_110, %jit3A_111, %jit3A_108 : i32
    %rem3A_113 = arith.remsi %add3A_83, %select_n3A_112 : i32
    %ne3A_114 = arith.constant 0 : i32
    %ne3A_115 = arith.cmpi ne, %rem3A_113, %ne3A_114 : i32
    %lt3A_116 = arith.constant 0 : i32
    %lt3A_117 = arith.cmpi slt, %rem3A_113, %lt3A_116 : i32
    %lt3A_118 = arith.constant 0 : i32
    %lt3A_119 = arith.cmpi slt, %select_n3A_112, %lt3A_118 : i32
    %ne3A_120 = arith.xori %lt3A_117, %lt3A_119 : i1
    %and3A_121 = arith.andi %ne3A_120, %ne3A_115 : i1
    %add3A_122 = arith.addi %rem3A_113, %select_n3A_112 : i32
    %select_n3A_123 = arith.select %and3A_121, %add3A_122, %rem3A_113 : i32
    %jit3A_124 = arith.constant 32 : i32
    %div3A_125 = arith.divsi %select_n3A_123, %jit3A_124 : i32
    %sign3A_126 = arith.constant 0 : i32
    %sign3A_127 = arith.cmpi sgt, %select_n3A_123, %sign3A_126 : i32
    %sign3A_128 = arith.extui %sign3A_127 : i1 to i32
    %sign3A_129 = arith.constant 0 : i32
    %sign3A_130 = arith.cmpi slt, %select_n3A_123, %sign3A_129 : i32
    %sign3A_131 = arith.extui %sign3A_130 : i1 to i32
    %sign3A_132 = arith.subi %sign3A_128, %sign3A_131 : i32
    %sign3A_133 = arith.constant 0 : i32
    %sign3A_134 = arith.cmpi sgt, %jit3A_124, %sign3A_133 : i32
    %sign3A_135 = arith.extui %sign3A_134 : i1 to i32
    %sign3A_136 = arith.constant 0 : i32
    %sign3A_137 = arith.cmpi slt, %jit3A_124, %sign3A_136 : i32
    %sign3A_138 = arith.extui %sign3A_137 : i1 to i32
    %sign3A_139 = arith.subi %sign3A_135, %sign3A_138 : i32
    %ne3A_140 = arith.cmpi ne, %sign3A_132, %sign3A_139 : i32
    %rem3A_141 = arith.remsi %select_n3A_123, %jit3A_124 : i32
    %ne3A_142 = arith.constant 0 : i32
    %ne3A_143 = arith.cmpi ne, %rem3A_141, %ne3A_142 : i32
    %and3A_144 = arith.andi %ne3A_140, %ne3A_143 : i1
    %sub3A_145 = arith.constant 1 : i32
    %sub3A_146 = arith.subi %div3A_125, %sub3A_145 : i32
    %select_n3A_147 = arith.select %and3A_144, %sub3A_146, %div3A_125 : i32
    %jit3A_148 = arith.constant 32 : i32
    %eq3A_149 = arith.constant 0 : i32
    %eq3A_150 = arith.cmpi eq, %jit3A_148, %eq3A_149 : i32
    %jit3A_151 = arith.constant 1 : i32
    %select_n3A_152 = arith.select %eq3A_150, %jit3A_151, %jit3A_148 : i32
    %rem3A_153 = arith.remsi %select_n3A_123, %select_n3A_152 : i32
    %ne3A_154 = arith.constant 0 : i32
    %ne3A_155 = arith.cmpi ne, %rem3A_153, %ne3A_154 : i32
    %lt3A_156 = arith.constant 0 : i32
    %lt3A_157 = arith.cmpi slt, %rem3A_153, %lt3A_156 : i32
    %lt3A_158 = arith.constant 0 : i32
    %lt3A_159 = arith.cmpi slt, %select_n3A_152, %lt3A_158 : i32
    %ne3A_160 = arith.xori %lt3A_157, %lt3A_159 : i1
    %and3A_161 = arith.andi %ne3A_160, %ne3A_155 : i1
    %add3A_162 = arith.addi %rem3A_153, %select_n3A_152 : i32
    %select_n3A_163 = arith.select %and3A_161, %add3A_162, %rem3A_153 : i32
    %mul3A_164 = arith.constant 128 : i32
    %mul3A_165 = arith.muli %select_n3A_163, %mul3A_164 : i32
    %run_scoped3A_166 = arith.constant 1 : i32
    "tpu.region"() ({
      %run_scoped3A_2557 = tpu.sem_alloc : memref<!tpu.dma_semaphore, #tpu.memory_space<semaphore_mem>>
      %dma_start3A_2558 = arith.constant 0 : i32
      %dma_start3A_2559 = tpu.memref_slice %arg6[%run_scoped3A_166, %dma_start3A_2558] : memref<12x128xf32, #tpu.memory_space<vmem>> -> memref<1x128xf32, #tpu.memory_space<vmem>>
      %dma_start3A_2560 = tpu.memref_squeeze %dma_start3A_2559 : memref<1x128xf32, #tpu.memory_space<vmem>> -> memref<128xf32, #tpu.memory_space<vmem>>
      %dma_start3A_2561 = tpu.memref_slice %arg2[%select_n3A_147, %select_n3A_107, %mul3A_165] : memref<4x8x4096xf32, #tpu.memory_space<hbm>> -> memref<1x1x128xf32, #tpu.memory_space<hbm>>
      %dma_start3A_2562 = tpu.memref_squeeze %dma_start3A_2561 : memref<1x1x128xf32, #tpu.memory_space<hbm>> -> memref<128xf32, #tpu.memory_space<hbm>>
      %dma_start3A_2563 = arith.constant 0 : i32
      %dma_start3A_2564 = tpu.memref_slice %arg6[%run_scoped3A_166, %dma_start3A_2563] : memref<12x128xf32, #tpu.memory_space<vmem>> -> memref<1x128xf32, #tpu.memory_space<vmem>>
      %dma_start3A_2565 = tpu.memref_squeeze %dma_start3A_2564 : memref<1x128xf32, #tpu.memory_space<vmem>> -> memref<128xf32, #tpu.memory_space<vmem>>
      %dma_start3A_2566 = tpu.memref_slice %arg2[%select_n3A_147, %select_n3A_107, %mul3A_165] : memref<4x8x4096xf32, #tpu.memory_space<hbm>> -> memref<1x1x128xf32, #tpu.memory_space<hbm>>
      %dma_start3A_2567 = tpu.memref_squeeze %dma_start3A_2566 : memref<1x1x128xf32, #tpu.memory_space<hbm>> -> memref<128xf32, #tpu.memory_space<hbm>>
      tpu.enqueue_dma source(%dma_start3A_2567 : memref<128xf32, #tpu.memory_space<hbm>>) target(%dma_start3A_2565 : memref<128xf32, #tpu.memory_space<vmem>>) target_semaphore(%run_scoped3A_2557 : memref<!tpu.dma_semaphore, #tpu.memory_space<semaphore_mem>>)
      %dma_wait3A_2568 = arith.constant 0 : i32
      %dma_wait3A_2569 = tpu.memref_slice %arg6[%run_scoped3A_166, %dma_wait3A_2568] : memref<12x128xf32, #tpu.memory_space<vmem>> -> memref<1x128xf32, #tpu.memory_space<vmem>>
      %dma_wait3A_2570 = tpu.memref_squeeze %dma_wait3A_2569 : memref<1x128xf32, #tpu.memory_space<vmem>> -> memref<128xf32, #tpu.memory_space<vmem>>
      %dma_wait3A_2571 = tpu.memref_slice %arg2[%select_n3A_147, %select_n3A_107, %mul3A_165] : memref<4x8x4096xf32, #tpu.memory_space<hbm>> -> memref<1x1x128xf32, #tpu.memory_space<hbm>>
      %dma_wait3A_2572 = tpu.memref_squeeze %dma_wait3A_2571 : memref<1x1x128xf32, #tpu.memory_space<hbm>> -> memref<128xf32, #tpu.memory_space<hbm>>
      %dma_wait3A_2573 = arith.constant 0 : i32
      %dma_wait3A_2574 = tpu.memref_slice %arg6[%run_scoped3A_166, %dma_wait3A_2573] : memref<12x128xf32, #tpu.memory_space<vmem>> -> memref<1x128xf32, #tpu.memory_space<vmem>>
      %dma_wait3A_2575 = tpu.memref_squeeze %dma_wait3A_2574 : memref<1x128xf32, #tpu.memory_space<vmem>> -> memref<128xf32, #tpu.memory_space<vmem>>
      %dma_wait3A_2576 = tpu.memref_slice %arg2[%select_n3A_147, %select_n3A_107, %mul3A_165] : memref<4x8x4096xf32, #tpu.memory_space<hbm>> -> memref<1x1x128xf32, #tpu.memory_space<hbm>>
      %dma_wait3A_2577 = tpu.memref_squeeze %dma_wait3A_2576 : memref<1x1x128xf32, #tpu.memory_space<hbm>> -> memref<128xf32, #tpu.memory_space<hbm>>
      tpu.wait_dma2 semaphore(%run_scoped3A_2557 : memref<!tpu.dma_semaphore, #tpu.memory_space<semaphore_mem>>) src(%dma_wait3A_2577 : memref<128xf32, #tpu.memory_space<hbm>>) dst(%dma_wait3A_2575 : memref<128xf32, #tpu.memory_space<vmem>>)
      tpu.yield
    }) : () -> ()
    %mul3A_167 = arith.constant 12 : i32
    %mul3A_168 = arith.muli %add3A, %mul3A_167 : i32
    %add3A_169 = arith.constant 2 : i32
    %add3A_170 = arith.addi %mul3A_168, %add3A_169 : i32
    %jit3A_171 = arith.constant 128 : i32
    %div3A_172 = arith.divsi %add3A_170, %jit3A_171 : i32
    %sign3A_173 = arith.constant 0 : i32
    %sign3A_174 = arith.cmpi sgt, %add3A_170, %sign3A_173 : i32
    %sign3A_175 = arith.extui %sign3A_174 : i1 to i32
    %sign3A_176 = arith.constant 0 : i32
    %sign3A_177 = arith.cmpi slt, %add3A_170, %sign3A_176 : i32
    %sign3A_178 = arith.extui %sign3A_177 : i1 to i32
    %sign3A_179 = arith.subi %sign3A_175, %sign3A_178 : i32
    %sign3A_180 = arith.constant 0 : i32
    %sign3A_181 = arith.cmpi sgt, %jit3A_171, %sign3A_180 : i32
    %sign3A_182 = arith.extui %sign3A_181 : i1 to i32
    %sign3A_183 = arith.constant 0 : i32
    %sign3A_184 = arith.cmpi slt, %jit3A_171, %sign3A_183 : i32
    %sign3A_185 = arith.extui %sign3A_184 : i1 to i32
    %sign3A_186 = arith.subi %sign3A_182, %sign3A_185 : i32
    %ne3A_187 = arith.cmpi ne, %sign3A_179, %sign3A_186 : i32
    %rem3A_188 = arith.remsi %add3A_170, %jit3A_171 : i32
    %ne3A_189 = arith.constant 0 : i32
    %ne3A_190 = arith.cmpi ne, %rem3A_188, %ne3A_189 : i32
    %and3A_191 = arith.andi %ne3A_187, %ne3A_190 : i1
    %sub3A_192 = arith.constant 1 : i32
    %sub3A_193 = arith.subi %div3A_172, %sub3A_192 : i32
    %select_n3A_194 = arith.select %and3A_191, %sub3A_193, %div3A_172 : i32
    %jit3A_195 = arith.constant 128 : i32
    %eq3A_196 = arith.constant 0 : i32
    %eq3A_197 = arith.cmpi eq, %jit3A_195, %eq3A_196 : i32
    %jit3A_198 = arith.constant 1 : i32
    %select_n3A_199 = arith.select %eq3A_197, %jit3A_198, %jit3A_195 : i32
    %rem3A_200 = arith.remsi %add3A_170, %select_n3A_199 : i32
    %ne3A_201 = arith.constant 0 : i32
    %ne3A_202 = arith.cmpi ne, %rem3A_200, %ne3A_201 : i32
    %lt3A_203 = arith.constant 0 : i32
    %lt3A_204 = arith.cmpi slt, %rem3A_200, %lt3A_203 : i32
    %lt3A_205 = arith.constant 0 : i32
    %lt3A_206 = arith.cmpi slt, %select_n3A_199, %lt3A_205 : i32
    %ne3A_207 = arith.xori %lt3A_204, %lt3A_206 : i1
    %and3A_208 = arith.andi %ne3A_207, %ne3A_202 : i1
    %add3A_209 = arith.addi %rem3A_200, %select_n3A_199 : i32
    %select_n3A_210 = arith.select %and3A_208, %add3A_209, %rem3A_200 : i32
    %jit3A_211 = arith.constant 32 : i32
    %div3A_212 = arith.divsi %select_n3A_210, %jit3A_211 : i32
    %sign3A_213 = arith.constant 0 : i32
    %sign3A_214 = arith.cmpi sgt, %select_n3A_210, %sign3A_213 : i32
    %sign3A_215 = arith.extui %sign3A_214 : i1 to i32
    %sign3A_216 = arith.constant 0 : i32
    %sign3A_217 = arith.cmpi slt, %select_n3A_210, %sign3A_216 : i32
    %sign3A_218 = arith.extui %sign3A_217 : i1 to i32
    %sign3A_219 = arith.subi %sign3A_215, %sign3A_218 : i32
    %sign3A_220 = arith.constant 0 : i32
    %sign3A_221 = arith.cmpi sgt, %jit3A_211, %sign3A_220 : i32
    %sign3A_222 = arith.extui %sign3A_221 : i1 to i32
    %sign3A_223 = arith.constant 0 : i32
    %sign3A_224 = arith.cmpi slt, %jit3A_211, %sign3A_223 : i32
    %sign3A_225 = arith.extui %sign3A_224 : i1 to i32
    %sign3A_226 = arith.subi %sign3A_222, %sign3A_225 : i32
    %ne3A_227 = arith.cmpi ne, %sign3A_219, %sign3A_226 : i32
    %rem3A_228 = arith.remsi %select_n3A_210, %jit3A_211 : i32
    %ne3A_229 = arith.constant 0 : i32
    %ne3A_230 = arith.cmpi ne, %rem3A_228, %ne3A_229 : i32
    %and3A_231 = arith.andi %ne3A_227, %ne3A_230 : i1
    %sub3A_232 = arith.constant 1 : i32
    %sub3A_233 = arith.subi %div3A_212, %sub3A_232 : i32
    %select_n3A_234 = arith.select %and3A_231, %sub3A_233, %div3A_212 : i32
    %jit3A_235 = arith.constant 32 : i32
    %eq3A_236 = arith.constant 0 : i32
    %eq3A_237 = arith.cmpi eq, %jit3A_235, %eq3A_236 : i32
    %jit3A_238 = arith.constant 1 : i32
    %select_n3A_239 = arith.select %eq3A_237, %jit3A_238, %jit3A_235 : i32
    %rem3A_240 = arith.remsi %select_n3A_210, %select_n3A_239 : i32
    %ne3A_241 = arith.constant 0 : i32
    %ne3A_242 = arith.cmpi ne, %rem3A_240, %ne3A_241 : i32
    %lt3A_243 = arith.constant 0 : i32
    %lt3A_244 = arith.cmpi slt, %rem3A_240, %lt3A_243 : i32
    %lt3A_245 = arith.constant 0 : i32
    %lt3A_246 = arith.cmpi slt, %select_n3A_239, %lt3A_245 : i32
    %ne3A_247 = arith.xori %lt3A_244, %lt3A_246 : i1
    %and3A_248 = arith.andi %ne3A_247, %ne3A_242 : i1
    %add3A_249 = arith.addi %rem3A_240, %select_n3A_239 : i32
    %select_n3A_250 = arith.select %and3A_248, %add3A_249, %rem3A_240 : i32
    %mul3A_251 = arith.constant 128 : i32
    %mul3A_252 = arith.muli %select_n3A_250, %mul3A_251 : i32
    %run_scoped3A_253 = arith.constant 2 : i32
    "tpu.region"() ({
      %run_scoped3A_2557 = tpu.sem_alloc : memref<!tpu.dma_semaphore, #tpu.memory_space<semaphore_mem>>
      %dma_start3A_2558 = arith.constant 0 : i32
      %dma_start3A_2559 = tpu.memref_slice %arg6[%run_scoped3A_253, %dma_start3A_2558] : memref<12x128xf32, #tpu.memory_space<vmem>> -> memref<1x128xf32, #tpu.memory_space<vmem>>
      %dma_start3A_2560 = tpu.memref_squeeze %dma_start3A_2559 : memref<1x128xf32, #tpu.memory_space<vmem>> -> memref<128xf32, #tpu.memory_space<vmem>>
      %dma_start3A_2561 = tpu.memref_slice %arg2[%select_n3A_234, %select_n3A_194, %mul3A_252] : memref<4x8x4096xf32, #tpu.memory_space<hbm>> -> memref<1x1x128xf32, #tpu.memory_space<hbm>>
      %dma_start3A_2562 = tpu.memref_squeeze %dma_start3A_2561 : memref<1x1x128xf32, #tpu.memory_space<hbm>> -> memref<128xf32, #tpu.memory_space<hbm>>
      %dma_start3A_2563 = arith.constant 0 : i32
      %dma_start3A_2564 = tpu.memref_slice %arg6[%run_scoped3A_253, %dma_start3A_2563] : memref<12x128xf32, #tpu.memory_space<vmem>> -> memref<1x128xf32, #tpu.memory_space<vmem>>
      %dma_start3A_2565 = tpu.memref_squeeze %dma_start3A_2564 : memref<1x128xf32, #tpu.memory_space<vmem>> -> memref<128xf32, #tpu.memory_space<vmem>>
      %dma_start3A_2566 = tpu.memref_slice %arg2[%select_n3A_234, %select_n3A_194, %mul3A_252] : memref<4x8x4096xf32, #tpu.memory_space<hbm>> -> memref<1x1x128xf32, #tpu.memory_space<hbm>>
      %dma_start3A_2567 = tpu.memref_squeeze %dma_start3A_2566 : memref<1x1x128xf32, #tpu.memory_space<hbm>> -> memref<128xf32, #tpu.memory_space<hbm>>
      tpu.enqueue_dma source(%dma_start3A_2567 : memref<128xf32, #tpu.memory_space<hbm>>) target(%dma_start3A_2565 : memref<128xf32, #tpu.memory_space<vmem>>) target_semaphore(%run_scoped3A_2557 : memref<!tpu.dma_semaphore, #tpu.memory_space<semaphore_mem>>)
      %dma_wait3A_2568 = arith.constant 0 : i32
      %dma_wait3A_2569 = tpu.memref_slice %arg6[%run_scoped3A_253, %dma_wait3A_2568] : memref<12x128xf32, #tpu.memory_space<vmem>> -> memref<1x128xf32, #tpu.memory_space<vmem>>
      %dma_wait3A_2570 = tpu.memref_squeeze %dma_wait3A_2569 : memref<1x128xf32, #tpu.memory_space<vmem>> -> memref<128xf32, #tpu.memory_space<vmem>>
      %dma_wait3A_2571 = tpu.memref_slice %arg2[%select_n3A_234, %select_n3A_194, %mul3A_252] : memref<4x8x4096xf32, #tpu.memory_space<hbm>> -> memref<1x1x128xf32, #tpu.memory_space<hbm>>
      %dma_wait3A_2572 = tpu.memref_squeeze %dma_wait3A_2571 : memref<1x1x128xf32, #tpu.memory_space<hbm>> -> memref<128xf32, #tpu.memory_space<hbm>>
      %dma_wait3A_2573 = arith.constant 0 : i32
      %dma_wait3A_2574 = tpu.memref_slice %arg6[%run_scoped3A_253, %dma_wait3A_2573] : memref<12x128xf32, #tpu.memory_space<vmem>> -> memref<1x128xf32, #tpu.memory_space<vmem>>
      %dma_wait3A_2575 = tpu.memref_squeeze %dma_wait3A_2574 : memref<1x128xf32, #tpu.memory_space<vmem>> -> memref<128xf32, #tpu.memory_space<vmem>>
      %dma_wait3A_2576 = tpu.memref_slice %arg2[%select_n3A_234, %select_n3A_194, %mul3A_252] : memref<4x8x4096xf32, #tpu.memory_space<hbm>> -> memref<1x1x128xf32, #tpu.memory_space<hbm>>
      %dma_wait3A_2577 = tpu.memref_squeeze %dma_wait3A_2576 : memref<1x1x128xf32, #tpu.memory_space<hbm>> -> memref<128xf32, #tpu.memory_space<hbm>>
      tpu.wait_dma2 semaphore(%run_scoped3A_2557 : memref<!tpu.dma_semaphore, #tpu.memory_space<semaphore_mem>>) src(%dma_wait3A_2577 : memref<128xf32, #tpu.memory_space<hbm>>) dst(%dma_wait3A_2575 : memref<128xf32, #tpu.memory_space<vmem>>)
      tpu.yield
    }) : () -> ()
    %mul3A_254 = arith.constant 12 : i32
    %mul3A_255 = arith.muli %add3A, %mul3A_254 : i32
    %add3A_256 = arith.constant 3 : i32
    %add3A_257 = arith.addi %mul3A_255, %add3A_256 : i32
    %jit3A_258 = arith.constant 128 : i32
    %div3A_259 = arith.divsi %add3A_257, %jit3A_258 : i32
    %sign3A_260 = arith.constant 0 : i32
    %sign3A_261 = arith.cmpi sgt, %add3A_257, %sign3A_260 : i32
    %sign3A_262 = arith.extui %sign3A_261 : i1 to i32
    %sign3A_263 = arith.constant 0 : i32
    %sign3A_264 = arith.cmpi slt, %add3A_257, %sign3A_263 : i32
    %sign3A_265 = arith.extui %sign3A_264 : i1 to i32
    %sign3A_266 = arith.subi %sign3A_262, %sign3A_265 : i32
    %sign3A_267 = arith.constant 0 : i32
    %sign3A_268 = arith.cmpi sgt, %jit3A_258, %sign3A_267 : i32
    %sign3A_269 = arith.extui %sign3A_268 : i1 to i32
    %sign3A_270 = arith.constant 0 : i32
    %sign3A_271 = arith.cmpi slt, %jit3A_258, %sign3A_270 : i32
    %sign3A_272 = arith.extui %sign3A_271 : i1 to i32
    %sign3A_273 = arith.subi %sign3A_269, %sign3A_272 : i32
    %ne3A_274 = arith.cmpi ne, %sign3A_266, %sign3A_273 : i32
    %rem3A_275 = arith.remsi %add3A_257, %jit3A_258 : i32
    %ne3A_276 = arith.constant 0 : i32
    %ne3A_277 = arith.cmpi ne, %rem3A_275, %ne3A_276 : i32
    %and3A_278 = arith.andi %ne3A_274, %ne3A_277 : i1
    %sub3A_279 = arith.constant 1 : i32
    %sub3A_280 = arith.subi %div3A_259, %sub3A_279 : i32
    %select_n3A_281 = arith.select %and3A_278, %sub3A_280, %div3A_259 : i32
    %jit3A_282 = arith.constant 128 : i32
    %eq3A_283 = arith.constant 0 : i32
    %eq3A_284 = arith.cmpi eq, %jit3A_282, %eq3A_283 : i32
    %jit3A_285 = arith.constant 1 : i32
    %select_n3A_286 = arith.select %eq3A_284, %jit3A_285, %jit3A_282 : i32
    %rem3A_287 = arith.remsi %add3A_257, %select_n3A_286 : i32
    %ne3A_288 = arith.constant 0 : i32
    %ne3A_289 = arith.cmpi ne, %rem3A_287, %ne3A_288 : i32
    %lt3A_290 = arith.constant 0 : i32
    %lt3A_291 = arith.cmpi slt, %rem3A_287, %lt3A_290 : i32
    %lt3A_292 = arith.constant 0 : i32
    %lt3A_293 = arith.cmpi slt, %select_n3A_286, %lt3A_292 : i32
    %ne3A_294 = arith.xori %lt3A_291, %lt3A_293 : i1
    %and3A_295 = arith.andi %ne3A_294, %ne3A_289 : i1
    %add3A_296 = arith.addi %rem3A_287, %select_n3A_286 : i32
    %select_n3A_297 = arith.select %and3A_295, %add3A_296, %rem3A_287 : i32
    %jit3A_298 = arith.constant 32 : i32
    %div3A_299 = arith.divsi %select_n3A_297, %jit3A_298 : i32
    %sign3A_300 = arith.constant 0 : i32
    %sign3A_301 = arith.cmpi sgt, %select_n3A_297, %sign3A_300 : i32
    %sign3A_302 = arith.extui %sign3A_301 : i1 to i32
    %sign3A_303 = arith.constant 0 : i32
    %sign3A_304 = arith.cmpi slt, %select_n3A_297, %sign3A_303 : i32
    %sign3A_305 = arith.extui %sign3A_304 : i1 to i32
    %sign3A_306 = arith.subi %sign3A_302, %sign3A_305 : i32
    %sign3A_307 = arith.constant 0 : i32
    %sign3A_308 = arith.cmpi sgt, %jit3A_298, %sign3A_307 : i32
    %sign3A_309 = arith.extui %sign3A_308 : i1 to i32
    %sign3A_310 = arith.constant 0 : i32
    %sign3A_311 = arith.cmpi slt, %jit3A_298, %sign3A_310 : i32
    %sign3A_312 = arith.extui %sign3A_311 : i1 to i32
    %sign3A_313 = arith.subi %sign3A_309, %sign3A_312 : i32
    %ne3A_314 = arith.cmpi ne, %sign3A_306, %sign3A_313 : i32
    %rem3A_315 = arith.remsi %select_n3A_297, %jit3A_298 : i32
    %ne3A_316 = arith.constant 0 : i32
    %ne3A_317 = arith.cmpi ne, %rem3A_315, %ne3A_316 : i32
    %and3A_318 = arith.andi %ne3A_314, %ne3A_317 : i1
    %sub3A_319 = arith.constant 1 : i32
    %sub3A_320 = arith.subi %div3A_299, %sub3A_319 : i32
    %select_n3A_321 = arith.select %and3A_318, %sub3A_320, %div3A_299 : i32
    %jit3A_322 = arith.constant 32 : i32
    %eq3A_323 = arith.constant 0 : i32
    %eq3A_324 = arith.cmpi eq, %jit3A_322, %eq3A_323 : i32
    %jit3A_325 = arith.constant 1 : i32
    %select_n3A_326 = arith.select %eq3A_324, %jit3A_325, %jit3A_322 : i32
    %rem3A_327 = arith.remsi %select_n3A_297, %select_n3A_326 : i32
    %ne3A_328 = arith.constant 0 : i32
    %ne3A_329 = arith.cmpi ne, %rem3A_327, %ne3A_328 : i32
    %lt3A_330 = arith.constant 0 : i32
    %lt3A_331 = arith.cmpi slt, %rem3A_327, %lt3A_330 : i32
    %lt3A_332 = arith.constant 0 : i32
    %lt3A_333 = arith.cmpi slt, %select_n3A_326, %lt3A_332 : i32
    %ne3A_334 = arith.xori %lt3A_331, %lt3A_333 : i1
    %and3A_335 = arith.andi %ne3A_334, %ne3A_329 : i1
    %add3A_336 = arith.addi %rem3A_327, %select_n3A_326 : i32
    %select_n3A_337 = arith.select %and3A_335, %add3A_336, %rem3A_327 : i32
    %mul3A_338 = arith.constant 128 : i32
    %mul3A_339 = arith.muli %select_n3A_337, %mul3A_338 : i32
    %run_scoped3A_340 = arith.constant 3 : i32
    "tpu.region"() ({
      %run_scoped3A_2557 = tpu.sem_alloc : memref<!tpu.dma_semaphore, #tpu.memory_space<semaphore_mem>>
      %dma_start3A_2558 = arith.constant 0 : i32
      %dma_start3A_2559 = tpu.memref_slice %arg6[%run_scoped3A_340, %dma_start3A_2558] : memref<12x128xf32, #tpu.memory_space<vmem>> -> memref<1x128xf32, #tpu.memory_space<vmem>>
      %dma_start3A_2560 = tpu.memref_squeeze %dma_start3A_2559 : memref<1x128xf32, #tpu.memory_space<vmem>> -> memref<128xf32, #tpu.memory_space<vmem>>
      %dma_start3A_2561 = tpu.memref_slice %arg2[%select_n3A_321, %select_n3A_281, %mul3A_339] : memref<4x8x4096xf32, #tpu.memory_space<hbm>> -> memref<1x1x128xf32, #tpu.memory_space<hbm>>
      %dma_start3A_2562 = tpu.memref_squeeze %dma_start3A_2561 : memref<1x1x128xf32, #tpu.memory_space<hbm>> -> memref<128xf32, #tpu.memory_space<hbm>>
      %dma_start3A_2563 = arith.constant 0 : i32
      %dma_start3A_2564 = tpu.memref_slice %arg6[%run_scoped3A_340, %dma_start3A_2563] : memref<12x128xf32, #tpu.memory_space<vmem>> -> memref<1x128xf32, #tpu.memory_space<vmem>>
      %dma_start3A_2565 = tpu.memref_squeeze %dma_start3A_2564 : memref<1x128xf32, #tpu.memory_space<vmem>> -> memref<128xf32, #tpu.memory_space<vmem>>
      %dma_start3A_2566 = tpu.memref_slice %arg2[%select_n3A_321, %select_n3A_281, %mul3A_339] : memref<4x8x4096xf32, #tpu.memory_space<hbm>> -> memref<1x1x128xf32, #tpu.memory_space<hbm>>
      %dma_start3A_2567 = tpu.memref_squeeze %dma_start3A_2566 : memref<1x1x128xf32, #tpu.memory_space<hbm>> -> memref<128xf32, #tpu.memory_space<hbm>>
      tpu.enqueue_dma source(%dma_start3A_2567 : memref<128xf32, #tpu.memory_space<hbm>>) target(%dma_start3A_2565 : memref<128xf32, #tpu.memory_space<vmem>>) target_semaphore(%run_scoped3A_2557 : memref<!tpu.dma_semaphore, #tpu.memory_space<semaphore_mem>>)
      %dma_wait3A_2568 = arith.constant 0 : i32
      %dma_wait3A_2569 = tpu.memref_slice %arg6[%run_scoped3A_340, %dma_wait3A_2568] : memref<12x128xf32, #tpu.memory_space<vmem>> -> memref<1x128xf32, #tpu.memory_space<vmem>>
      %dma_wait3A_2570 = tpu.memref_squeeze %dma_wait3A_2569 : memref<1x128xf32, #tpu.memory_space<vmem>> -> memref<128xf32, #tpu.memory_space<vmem>>
      %dma_wait3A_2571 = tpu.memref_slice %arg2[%select_n3A_321, %select_n3A_281, %mul3A_339] : memref<4x8x4096xf32, #tpu.memory_space<hbm>> -> memref<1x1x128xf32, #tpu.memory_space<hbm>>
      %dma_wait3A_2572 = tpu.memref_squeeze %dma_wait3A_2571 : memref<1x1x128xf32, #tpu.memory_space<hbm>> -> memref<128xf32, #tpu.memory_space<hbm>>
      %dma_wait3A_2573 = arith.constant 0 : i32
      %dma_wait3A_2574 = tpu.memref_slice %arg6[%run_scoped3A_340, %dma_wait3A_2573] : memref<12x128xf32, #tpu.memory_space<vmem>> -> memref<1x128xf32, #tpu.memory_space<vmem>>
      %dma_wait3A_2575 = tpu.memref_squeeze %dma_wait3A_2574 : memref<1x128xf32, #tpu.memory_space<vmem>> -> memref<128xf32, #tpu.memory_space<vmem>>
      %dma_wait3A_2576 = tpu.memref_slice %arg2[%select_n3A_321, %select_n3A_281, %mul3A_339] : memref<4x8x4096xf32, #tpu.memory_space<hbm>> -> memref<1x1x128xf32, #tpu.memory_space<hbm>>
      %dma_wait3A_2577 = tpu.memref_squeeze %dma_wait3A_2576 : memref<1x1x128xf32, #tpu.memory_space<hbm>> -> memref<128xf32, #tpu.memory_space<hbm>>
      tpu.wait_dma2 semaphore(%run_scoped3A_2557 : memref<!tpu.dma_semaphore, #tpu.memory_space<semaphore_mem>>) src(%dma_wait3A_2577 : memref<128xf32, #tpu.memory_space<hbm>>) dst(%dma_wait3A_2575 : memref<128xf32, #tpu.memory_space<vmem>>)
      tpu.yield
    }) : () -> ()
    %mul3A_341 = arith.constant 12 : i32
    %mul3A_342 = arith.muli %add3A, %mul3A_341 : i32
    %add3A_343 = arith.constant 4 : i32
    %add3A_344 = arith.addi %mul3A_342, %add3A_343 : i32
    %jit3A_345 = arith.constant 128 : i32
    %div3A_346 = arith.divsi %add3A_344, %jit3A_345 : i32
    %sign3A_347 = arith.constant 0 : i32
    %sign3A_348 = arith.cmpi sgt, %add3A_344, %sign3A_347 : i32
    %sign3A_349 = arith.extui %sign3A_348 : i1 to i32
    %sign3A_350 = arith.constant 0 : i32
    %sign3A_351 = arith.cmpi slt, %add3A_344, %sign3A_350 : i32
    %sign3A_352 = arith.extui %sign3A_351 : i1 to i32
    %sign3A_353 = arith.subi %sign3A_349, %sign3A_352 : i32
    %sign3A_354 = arith.constant 0 : i32
    %sign3A_355 = arith.cmpi sgt, %jit3A_345, %sign3A_354 : i32
    %sign3A_356 = arith.extui %sign3A_355 : i1 to i32
    %sign3A_357 = arith.constant 0 : i32
    %sign3A_358 = arith.cmpi slt, %jit3A_345, %sign3A_357 : i32
    %sign3A_359 = arith.extui %sign3A_358 : i1 to i32
    %sign3A_360 = arith.subi %sign3A_356, %sign3A_359 : i32
    %ne3A_361 = arith.cmpi ne, %sign3A_353, %sign3A_360 : i32
    %rem3A_362 = arith.remsi %add3A_344, %jit3A_345 : i32
    %ne3A_363 = arith.constant 0 : i32
    %ne3A_364 = arith.cmpi ne, %rem3A_362, %ne3A_363 : i32
    %and3A_365 = arith.andi %ne3A_361, %ne3A_364 : i1
    %sub3A_366 = arith.constant 1 : i32
    %sub3A_367 = arith.subi %div3A_346, %sub3A_366 : i32
    %select_n3A_368 = arith.select %and3A_365, %sub3A_367, %div3A_346 : i32
    %jit3A_369 = arith.constant 128 : i32
    %eq3A_370 = arith.constant 0 : i32
    %eq3A_371 = arith.cmpi eq, %jit3A_369, %eq3A_370 : i32
    %jit3A_372 = arith.constant 1 : i32
    %select_n3A_373 = arith.select %eq3A_371, %jit3A_372, %jit3A_369 : i32
    %rem3A_374 = arith.remsi %add3A_344, %select_n3A_373 : i32
    %ne3A_375 = arith.constant 0 : i32
    %ne3A_376 = arith.cmpi ne, %rem3A_374, %ne3A_375 : i32
    %lt3A_377 = arith.constant 0 : i32
    %lt3A_378 = arith.cmpi slt, %rem3A_374, %lt3A_377 : i32
    %lt3A_379 = arith.constant 0 : i32
    %lt3A_380 = arith.cmpi slt, %select_n3A_373, %lt3A_379 : i32
    %ne3A_381 = arith.xori %lt3A_378, %lt3A_380 : i1
    %and3A_382 = arith.andi %ne3A_381, %ne3A_376 : i1
    %add3A_383 = arith.addi %rem3A_374, %select_n3A_373 : i32
    %select_n3A_384 = arith.select %and3A_382, %add3A_383, %rem3A_374 : i32
    %jit3A_385 = arith.constant 32 : i32
    %div3A_386 = arith.divsi %select_n3A_384, %jit3A_385 : i32
    %sign3A_387 = arith.constant 0 : i32
    %sign3A_388 = arith.cmpi sgt, %select_n3A_384, %sign3A_387 : i32
    %sign3A_389 = arith.extui %sign3A_388 : i1 to i32
    %sign3A_390 = arith.constant 0 : i32
    %sign3A_391 = arith.cmpi slt, %select_n3A_384, %sign3A_390 : i32
    %sign3A_392 = arith.extui %sign3A_391 : i1 to i32
    %sign3A_393 = arith.subi %sign3A_389, %sign3A_392 : i32
    %sign3A_394 = arith.constant 0 : i32
    %sign3A_395 = arith.cmpi sgt, %jit3A_385, %sign3A_394 : i32
    %sign3A_396 = arith.extui %sign3A_395 : i1 to i32
    %sign3A_397 = arith.constant 0 : i32
    %sign3A_398 = arith.cmpi slt, %jit3A_385, %sign3A_397 : i32
    %sign3A_399 = arith.extui %sign3A_398 : i1 to i32
    %sign3A_400 = arith.subi %sign3A_396, %sign3A_399 : i32
    %ne3A_401 = arith.cmpi ne, %sign3A_393, %sign3A_400 : i32
    %rem3A_402 = arith.remsi %select_n3A_384, %jit3A_385 : i32
    %ne3A_403 = arith.constant 0 : i32
    %ne3A_404 = arith.cmpi ne, %rem3A_402, %ne3A_403 : i32
    %and3A_405 = arith.andi %ne3A_401, %ne3A_404 : i1
    %sub3A_406 = arith.constant 1 : i32
    %sub3A_407 = arith.subi %div3A_386, %sub3A_406 : i32
    %select_n3A_408 = arith.select %and3A_405, %sub3A_407, %div3A_386 : i32
    %jit3A_409 = arith.constant 32 : i32
    %eq3A_410 = arith.constant 0 : i32
    %eq3A_411 = arith.cmpi eq, %jit3A_409, %eq3A_410 : i32
    %jit3A_412 = arith.constant 1 : i32
    %select_n3A_413 = arith.select %eq3A_411, %jit3A_412, %jit3A_409 : i32
    %rem3A_414 = arith.remsi %select_n3A_384, %select_n3A_413 : i32
    %ne3A_415 = arith.constant 0 : i32
    %ne3A_416 = arith.cmpi ne, %rem3A_414, %ne3A_415 : i32
    %lt3A_417 = arith.constant 0 : i32
    %lt3A_418 = arith.cmpi slt, %rem3A_414, %lt3A_417 : i32
    %lt3A_419 = arith.constant 0 : i32
    %lt3A_420 = arith.cmpi slt, %select_n3A_413, %lt3A_419 : i32
    %ne3A_421 = arith.xori %lt3A_418, %lt3A_420 : i1
    %and3A_422 = arith.andi %ne3A_421, %ne3A_416 : i1
    %add3A_423 = arith.addi %rem3A_414, %select_n3A_413 : i32
    %select_n3A_424 = arith.select %and3A_422, %add3A_423, %rem3A_414 : i32
    %mul3A_425 = arith.constant 128 : i32
    %mul3A_426 = arith.muli %select_n3A_424, %mul3A_425 : i32
    %run_scoped3A_427 = arith.constant 4 : i32
    "tpu.region"() ({
      %run_scoped3A_2557 = tpu.sem_alloc : memref<!tpu.dma_semaphore, #tpu.memory_space<semaphore_mem>>
      %dma_start3A_2558 = arith.constant 0 : i32
      %dma_start3A_2559 = tpu.memref_slice %arg6[%run_scoped3A_427, %dma_start3A_2558] : memref<12x128xf32, #tpu.memory_space<vmem>> -> memref<1x128xf32, #tpu.memory_space<vmem>>
      %dma_start3A_2560 = tpu.memref_squeeze %dma_start3A_2559 : memref<1x128xf32, #tpu.memory_space<vmem>> -> memref<128xf32, #tpu.memory_space<vmem>>
      %dma_start3A_2561 = tpu.memref_slice %arg2[%select_n3A_408, %select_n3A_368, %mul3A_426] : memref<4x8x4096xf32, #tpu.memory_space<hbm>> -> memref<1x1x128xf32, #tpu.memory_space<hbm>>
      %dma_start3A_2562 = tpu.memref_squeeze %dma_start3A_2561 : memref<1x1x128xf32, #tpu.memory_space<hbm>> -> memref<128xf32, #tpu.memory_space<hbm>>
      %dma_start3A_2563 = arith.constant 0 : i32
      %dma_start3A_2564 = tpu.memref_slice %arg6[%run_scoped3A_427, %dma_start3A_2563] : memref<12x128xf32, #tpu.memory_space<vmem>> -> memref<1x128xf32, #tpu.memory_space<vmem>>
      %dma_start3A_2565 = tpu.memref_squeeze %dma_start3A_2564 : memref<1x128xf32, #tpu.memory_space<vmem>> -> memref<128xf32, #tpu.memory_space<vmem>>
      %dma_start3A_2566 = tpu.memref_slice %arg2[%select_n3A_408, %select_n3A_368, %mul3A_426] : memref<4x8x4096xf32, #tpu.memory_space<hbm>> -> memref<1x1x128xf32, #tpu.memory_space<hbm>>
      %dma_start3A_2567 = tpu.memref_squeeze %dma_start3A_2566 : memref<1x1x128xf32, #tpu.memory_space<hbm>> -> memref<128xf32, #tpu.memory_space<hbm>>
      tpu.enqueue_dma source(%dma_start3A_2567 : memref<128xf32, #tpu.memory_space<hbm>>) target(%dma_start3A_2565 : memref<128xf32, #tpu.memory_space<vmem>>) target_semaphore(%run_scoped3A_2557 : memref<!tpu.dma_semaphore, #tpu.memory_space<semaphore_mem>>)
      %dma_wait3A_2568 = arith.constant 0 : i32
      %dma_wait3A_2569 = tpu.memref_slice %arg6[%run_scoped3A_427, %dma_wait3A_2568] : memref<12x128xf32, #tpu.memory_space<vmem>> -> memref<1x128xf32, #tpu.memory_space<vmem>>
      %dma_wait3A_2570 = tpu.memref_squeeze %dma_wait3A_2569 : memref<1x128xf32, #tpu.memory_space<vmem>> -> memref<128xf32, #tpu.memory_space<vmem>>
      %dma_wait3A_2571 = tpu.memref_slice %arg2[%select_n3A_408, %select_n3A_368, %mul3A_426] : memref<4x8x4096xf32, #tpu.memory_space<hbm>> -> memref<1x1x128xf32, #tpu.memory_space<hbm>>
      %dma_wait3A_2572 = tpu.memref_squeeze %dma_wait3A_2571 : memref<1x1x128xf32, #tpu.memory_space<hbm>> -> memref<128xf32, #tpu.memory_space<hbm>>
      %dma_wait3A_2573 = arith.constant 0 : i32
      %dma_wait3A_2574 = tpu.memref_slice %arg6[%run_scoped3A_427, %dma_wait3A_2573] : memref<12x128xf32, #tpu.memory_space<vmem>> -> memref<1x128xf32, #tpu.memory_space<vmem>>
      %dma_wait3A_2575 = tpu.memref_squeeze %dma_wait3A_2574 : memref<1x128xf32, #tpu.memory_space<vmem>> -> memref<128xf32, #tpu.memory_space<vmem>>
      %dma_wait3A_2576 = tpu.memref_slice %arg2[%select_n3A_408, %select_n3A_368, %mul3A_426] : memref<4x8x4096xf32, #tpu.memory_space<hbm>> -> memref<1x1x128xf32, #tpu.memory_space<hbm>>
      %dma_wait3A_2577 = tpu.memref_squeeze %dma_wait3A_2576 : memref<1x1x128xf32, #tpu.memory_space<hbm>> -> memref<128xf32, #tpu.memory_space<hbm>>
      tpu.wait_dma2 semaphore(%run_scoped3A_2557 : memref<!tpu.dma_semaphore, #tpu.memory_space<semaphore_mem>>) src(%dma_wait3A_2577 : memref<128xf32, #tpu.memory_space<hbm>>) dst(%dma_wait3A_2575 : memref<128xf32, #tpu.memory_space<vmem>>)
      tpu.yield
    }) : () -> ()
    %mul3A_428 = arith.constant 12 : i32
    %mul3A_429 = arith.muli %add3A, %mul3A_428 : i32
    %add3A_430 = arith.constant 5 : i32
    %add3A_431 = arith.addi %mul3A_429, %add3A_430 : i32
    %jit3A_432 = arith.constant 128 : i32
    %div3A_433 = arith.divsi %add3A_431, %jit3A_432 : i32
    %sign3A_434 = arith.constant 0 : i32
    %sign3A_435 = arith.cmpi sgt, %add3A_431, %sign3A_434 : i32
    %sign3A_436 = arith.extui %sign3A_435 : i1 to i32
    %sign3A_437 = arith.constant 0 : i32
    %sign3A_438 = arith.cmpi slt, %add3A_431, %sign3A_437 : i32
    %sign3A_439 = arith.extui %sign3A_438 : i1 to i32
    %sign3A_440 = arith.subi %sign3A_436, %sign3A_439 : i32
    %sign3A_441 = arith.constant 0 : i32
    %sign3A_442 = arith.cmpi sgt, %jit3A_432, %sign3A_441 : i32
    %sign3A_443 = arith.extui %sign3A_442 : i1 to i32
    %sign3A_444 = arith.constant 0 : i32
    %sign3A_445 = arith.cmpi slt, %jit3A_432, %sign3A_444 : i32
    %sign3A_446 = arith.extui %sign3A_445 : i1 to i32
    %sign3A_447 = arith.subi %sign3A_443, %sign3A_446 : i32
    %ne3A_448 = arith.cmpi ne, %sign3A_440, %sign3A_447 : i32
    %rem3A_449 = arith.remsi %add3A_431, %jit3A_432 : i32
    %ne3A_450 = arith.constant 0 : i32
    %ne3A_451 = arith.cmpi ne, %rem3A_449, %ne3A_450 : i32
    %and3A_452 = arith.andi %ne3A_448, %ne3A_451 : i1
    %sub3A_453 = arith.constant 1 : i32
    %sub3A_454 = arith.subi %div3A_433, %sub3A_453 : i32
    %select_n3A_455 = arith.select %and3A_452, %sub3A_454, %div3A_433 : i32
    %jit3A_456 = arith.constant 128 : i32
    %eq3A_457 = arith.constant 0 : i32
    %eq3A_458 = arith.cmpi eq, %jit3A_456, %eq3A_457 : i32
    %jit3A_459 = arith.constant 1 : i32
    %select_n3A_460 = arith.select %eq3A_458, %jit3A_459, %jit3A_456 : i32
    %rem3A_461 = arith.remsi %add3A_431, %select_n3A_460 : i32
    %ne3A_462 = arith.constant 0 : i32
    %ne3A_463 = arith.cmpi ne, %rem3A_461, %ne3A_462 : i32
    %lt3A_464 = arith.constant 0 : i32
    %lt3A_465 = arith.cmpi slt, %rem3A_461, %lt3A_464 : i32
    %lt3A_466 = arith.constant 0 : i32
    %lt3A_467 = arith.cmpi slt, %select_n3A_460, %lt3A_466 : i32
    %ne3A_468 = arith.xori %lt3A_465, %lt3A_467 : i1
    %and3A_469 = arith.andi %ne3A_468, %ne3A_463 : i1
    %add3A_470 = arith.addi %rem3A_461, %select_n3A_460 : i32
    %select_n3A_471 = arith.select %and3A_469, %add3A_470, %rem3A_461 : i32
    %jit3A_472 = arith.constant 32 : i32
    %div3A_473 = arith.divsi %select_n3A_471, %jit3A_472 : i32
    %sign3A_474 = arith.constant 0 : i32
    %sign3A_475 = arith.cmpi sgt, %select_n3A_471, %sign3A_474 : i32
    %sign3A_476 = arith.extui %sign3A_475 : i1 to i32
    %sign3A_477 = arith.constant 0 : i32
    %sign3A_478 = arith.cmpi slt, %select_n3A_471, %sign3A_477 : i32
    %sign3A_479 = arith.extui %sign3A_478 : i1 to i32
    %sign3A_480 = arith.subi %sign3A_476, %sign3A_479 : i32
    %sign3A_481 = arith.constant 0 : i32
    %sign3A_482 = arith.cmpi sgt, %jit3A_472, %sign3A_481 : i32
    %sign3A_483 = arith.extui %sign3A_482 : i1 to i32
    %sign3A_484 = arith.constant 0 : i32
    %sign3A_485 = arith.cmpi slt, %jit3A_472, %sign3A_484 : i32
    %sign3A_486 = arith.extui %sign3A_485 : i1 to i32
    %sign3A_487 = arith.subi %sign3A_483, %sign3A_486 : i32
    %ne3A_488 = arith.cmpi ne, %sign3A_480, %sign3A_487 : i32
    %rem3A_489 = arith.remsi %select_n3A_471, %jit3A_472 : i32
    %ne3A_490 = arith.constant 0 : i32
    %ne3A_491 = arith.cmpi ne, %rem3A_489, %ne3A_490 : i32
    %and3A_492 = arith.andi %ne3A_488, %ne3A_491 : i1
    %sub3A_493 = arith.constant 1 : i32
    %sub3A_494 = arith.subi %div3A_473, %sub3A_493 : i32
    %select_n3A_495 = arith.select %and3A_492, %sub3A_494, %div3A_473 : i32
    %jit3A_496 = arith.constant 32 : i32
    %eq3A_497 = arith.constant 0 : i32
    %eq3A_498 = arith.cmpi eq, %jit3A_496, %eq3A_497 : i32
    %jit3A_499 = arith.constant 1 : i32
    %select_n3A_500 = arith.select %eq3A_498, %jit3A_499, %jit3A_496 : i32
    %rem3A_501 = arith.remsi %select_n3A_471, %select_n3A_500 : i32
    %ne3A_502 = arith.constant 0 : i32
    %ne3A_503 = arith.cmpi ne, %rem3A_501, %ne3A_502 : i32
    %lt3A_504 = arith.constant 0 : i32
    %lt3A_505 = arith.cmpi slt, %rem3A_501, %lt3A_504 : i32
    %lt3A_506 = arith.constant 0 : i32
    %lt3A_507 = arith.cmpi slt, %select_n3A_500, %lt3A_506 : i32
    %ne3A_508 = arith.xori %lt3A_505, %lt3A_507 : i1
    %and3A_509 = arith.andi %ne3A_508, %ne3A_503 : i1
    %add3A_510 = arith.addi %rem3A_501, %select_n3A_500 : i32
    %select_n3A_511 = arith.select %and3A_509, %add3A_510, %rem3A_501 : i32
    %mul3A_512 = arith.constant 128 : i32
    %mul3A_513 = arith.muli %select_n3A_511, %mul3A_512 : i32
    %run_scoped3A_514 = arith.constant 5 : i32
    "tpu.region"() ({
      %run_scoped3A_2557 = tpu.sem_alloc : memref<!tpu.dma_semaphore, #tpu.memory_space<semaphore_mem>>
      %dma_start3A_2558 = arith.constant 0 : i32
      %dma_start3A_2559 = tpu.memref_slice %arg6[%run_scoped3A_514, %dma_start3A_2558] : memref<12x128xf32, #tpu.memory_space<vmem>> -> memref<1x128xf32, #tpu.memory_space<vmem>>
      %dma_start3A_2560 = tpu.memref_squeeze %dma_start3A_2559 : memref<1x128xf32, #tpu.memory_space<vmem>> -> memref<128xf32, #tpu.memory_space<vmem>>
      %dma_start3A_2561 = tpu.memref_slice %arg2[%select_n3A_495, %select_n3A_455, %mul3A_513] : memref<4x8x4096xf32, #tpu.memory_space<hbm>> -> memref<1x1x128xf32, #tpu.memory_space<hbm>>
      %dma_start3A_2562 = tpu.memref_squeeze %dma_start3A_2561 : memref<1x1x128xf32, #tpu.memory_space<hbm>> -> memref<128xf32, #tpu.memory_space<hbm>>
      %dma_start3A_2563 = arith.constant 0 : i32
      %dma_start3A_2564 = tpu.memref_slice %arg6[%run_scoped3A_514, %dma_start3A_2563] : memref<12x128xf32, #tpu.memory_space<vmem>> -> memref<1x128xf32, #tpu.memory_space<vmem>>
      %dma_start3A_2565 = tpu.memref_squeeze %dma_start3A_2564 : memref<1x128xf32, #tpu.memory_space<vmem>> -> memref<128xf32, #tpu.memory_space<vmem>>
      %dma_start3A_2566 = tpu.memref_slice %arg2[%select_n3A_495, %select_n3A_455, %mul3A_513] : memref<4x8x4096xf32, #tpu.memory_space<hbm>> -> memref<1x1x128xf32, #tpu.memory_space<hbm>>
      %dma_start3A_2567 = tpu.memref_squeeze %dma_start3A_2566 : memref<1x1x128xf32, #tpu.memory_space<hbm>> -> memref<128xf32, #tpu.memory_space<hbm>>
      tpu.enqueue_dma source(%dma_start3A_2567 : memref<128xf32, #tpu.memory_space<hbm>>) target(%dma_start3A_2565 : memref<128xf32, #tpu.memory_space<vmem>>) target_semaphore(%run_scoped3A_2557 : memref<!tpu.dma_semaphore, #tpu.memory_space<semaphore_mem>>)
      %dma_wait3A_2568 = arith.constant 0 : i32
      %dma_wait3A_2569 = tpu.memref_slice %arg6[%run_scoped3A_514, %dma_wait3A_2568] : memref<12x128xf32, #tpu.memory_space<vmem>> -> memref<1x128xf32, #tpu.memory_space<vmem>>
      %dma_wait3A_2570 = tpu.memref_squeeze %dma_wait3A_2569 : memref<1x128xf32, #tpu.memory_space<vmem>> -> memref<128xf32, #tpu.memory_space<vmem>>
      %dma_wait3A_2571 = tpu.memref_slice %arg2[%select_n3A_495, %select_n3A_455, %mul3A_513] : memref<4x8x4096xf32, #tpu.memory_space<hbm>> -> memref<1x1x128xf32, #tpu.memory_space<hbm>>
      %dma_wait3A_2572 = tpu.memref_squeeze %dma_wait3A_2571 : memref<1x1x128xf32, #tpu.memory_space<hbm>> -> memref<128xf32, #tpu.memory_space<hbm>>
      %dma_wait3A_2573 = arith.constant 0 : i32
      %dma_wait3A_2574 = tpu.memref_slice %arg6[%run_scoped3A_514, %dma_wait3A_2573] : memref<12x128xf32, #tpu.memory_space<vmem>> -> memref<1x128xf32, #tpu.memory_space<vmem>>
      %dma_wait3A_2575 = tpu.memref_squeeze %dma_wait3A_2574 : memref<1x128xf32, #tpu.memory_space<vmem>> -> memref<128xf32, #tpu.memory_space<vmem>>
      %dma_wait3A_2576 = tpu.memref_slice %arg2[%select_n3A_495, %select_n3A_455, %mul3A_513] : memref<4x8x4096xf32, #tpu.memory_space<hbm>> -> memref<1x1x128xf32, #tpu.memory_space<hbm>>
      %dma_wait3A_2577 = tpu.memref_squeeze %dma_wait3A_2576 : memref<1x1x128xf32, #tpu.memory_space<hbm>> -> memref<128xf32, #tpu.memory_space<hbm>>
      tpu.wait_dma2 semaphore(%run_scoped3A_2557 : memref<!tpu.dma_semaphore, #tpu.memory_space<semaphore_mem>>) src(%dma_wait3A_2577 : memref<128xf32, #tpu.memory_space<hbm>>) dst(%dma_wait3A_2575 : memref<128xf32, #tpu.memory_space<vmem>>)
      tpu.yield
    }) : () -> ()
    %mul3A_515 = arith.constant 12 : i32
    %mul3A_516 = arith.muli %add3A, %mul3A_515 : i32
    %add3A_517 = arith.constant 6 : i32
    %add3A_518 = arith.addi %mul3A_516, %add3A_517 : i32
    %jit3A_519 = arith.constant 128 : i32
    %div3A_520 = arith.divsi %add3A_518, %jit3A_519 : i32
    %sign3A_521 = arith.constant 0 : i32
    %sign3A_522 = arith.cmpi sgt, %add3A_518, %sign3A_521 : i32
    %sign3A_523 = arith.extui %sign3A_522 : i1 to i32
    %sign3A_524 = arith.constant 0 : i32
    %sign3A_525 = arith.cmpi slt, %add3A_518, %sign3A_524 : i32
    %sign3A_526 = arith.extui %sign3A_525 : i1 to i32
    %sign3A_527 = arith.subi %sign3A_523, %sign3A_526 : i32
    %sign3A_528 = arith.constant 0 : i32
    %sign3A_529 = arith.cmpi sgt, %jit3A_519, %sign3A_528 : i32
    %sign3A_530 = arith.extui %sign3A_529 : i1 to i32
    %sign3A_531 = arith.constant 0 : i32
    %sign3A_532 = arith.cmpi slt, %jit3A_519, %sign3A_531 : i32
    %sign3A_533 = arith.extui %sign3A_532 : i1 to i32
    %sign3A_534 = arith.subi %sign3A_530, %sign3A_533 : i32
    %ne3A_535 = arith.cmpi ne, %sign3A_527, %sign3A_534 : i32
    %rem3A_536 = arith.remsi %add3A_518, %jit3A_519 : i32
    %ne3A_537 = arith.constant 0 : i32
    %ne3A_538 = arith.cmpi ne, %rem3A_536, %ne3A_537 : i32
    %and3A_539 = arith.andi %ne3A_535, %ne3A_538 : i1
    %sub3A_540 = arith.constant 1 : i32
    %sub3A_541 = arith.subi %div3A_520, %sub3A_540 : i32
    %select_n3A_542 = arith.select %and3A_539, %sub3A_541, %div3A_520 : i32
    %jit3A_543 = arith.constant 128 : i32
    %eq3A_544 = arith.constant 0 : i32
    %eq3A_545 = arith.cmpi eq, %jit3A_543, %eq3A_544 : i32
    %jit3A_546 = arith.constant 1 : i32
    %select_n3A_547 = arith.select %eq3A_545, %jit3A_546, %jit3A_543 : i32
    %rem3A_548 = arith.remsi %add3A_518, %select_n3A_547 : i32
    %ne3A_549 = arith.constant 0 : i32
    %ne3A_550 = arith.cmpi ne, %rem3A_548, %ne3A_549 : i32
    %lt3A_551 = arith.constant 0 : i32
    %lt3A_552 = arith.cmpi slt, %rem3A_548, %lt3A_551 : i32
    %lt3A_553 = arith.constant 0 : i32
    %lt3A_554 = arith.cmpi slt, %select_n3A_547, %lt3A_553 : i32
    %ne3A_555 = arith.xori %lt3A_552, %lt3A_554 : i1
    %and3A_556 = arith.andi %ne3A_555, %ne3A_550 : i1
    %add3A_557 = arith.addi %rem3A_548, %select_n3A_547 : i32
    %select_n3A_558 = arith.select %and3A_556, %add3A_557, %rem3A_548 : i32
    %jit3A_559 = arith.constant 32 : i32
    %div3A_560 = arith.divsi %select_n3A_558, %jit3A_559 : i32
    %sign3A_561 = arith.constant 0 : i32
    %sign3A_562 = arith.cmpi sgt, %select_n3A_558, %sign3A_561 : i32
    %sign3A_563 = arith.extui %sign3A_562 : i1 to i32
    %sign3A_564 = arith.constant 0 : i32
    %sign3A_565 = arith.cmpi slt, %select_n3A_558, %sign3A_564 : i32
    %sign3A_566 = arith.extui %sign3A_565 : i1 to i32
    %sign3A_567 = arith.subi %sign3A_563, %sign3A_566 : i32
    %sign3A_568 = arith.constant 0 : i32
    %sign3A_569 = arith.cmpi sgt, %jit3A_559, %sign3A_568 : i32
    %sign3A_570 = arith.extui %sign3A_569 : i1 to i32
    %sign3A_571 = arith.constant 0 : i32
    %sign3A_572 = arith.cmpi slt, %jit3A_559, %sign3A_571 : i32
    %sign3A_573 = arith.extui %sign3A_572 : i1 to i32
    %sign3A_574 = arith.subi %sign3A_570, %sign3A_573 : i32
    %ne3A_575 = arith.cmpi ne, %sign3A_567, %sign3A_574 : i32
    %rem3A_576 = arith.remsi %select_n3A_558, %jit3A_559 : i32
    %ne3A_577 = arith.constant 0 : i32
    %ne3A_578 = arith.cmpi ne, %rem3A_576, %ne3A_577 : i32
    %and3A_579 = arith.andi %ne3A_575, %ne3A_578 : i1
    %sub3A_580 = arith.constant 1 : i32
    %sub3A_581 = arith.subi %div3A_560, %sub3A_580 : i32
    %select_n3A_582 = arith.select %and3A_579, %sub3A_581, %div3A_560 : i32
    %jit3A_583 = arith.constant 32 : i32
    %eq3A_584 = arith.constant 0 : i32
    %eq3A_585 = arith.cmpi eq, %jit3A_583, %eq3A_584 : i32
    %jit3A_586 = arith.constant 1 : i32
    %select_n3A_587 = arith.select %eq3A_585, %jit3A_586, %jit3A_583 : i32
    %rem3A_588 = arith.remsi %select_n3A_558, %select_n3A_587 : i32
    %ne3A_589 = arith.constant 0 : i32
    %ne3A_590 = arith.cmpi ne, %rem3A_588, %ne3A_589 : i32
    %lt3A_591 = arith.constant 0 : i32
    %lt3A_592 = arith.cmpi slt, %rem3A_588, %lt3A_591 : i32
    %lt3A_593 = arith.constant 0 : i32
    %lt3A_594 = arith.cmpi slt, %select_n3A_587, %lt3A_593 : i32
    %ne3A_595 = arith.xori %lt3A_592, %lt3A_594 : i1
    %and3A_596 = arith.andi %ne3A_595, %ne3A_590 : i1
    %add3A_597 = arith.addi %rem3A_588, %select_n3A_587 : i32
    %select_n3A_598 = arith.select %and3A_596, %add3A_597, %rem3A_588 : i32
    %mul3A_599 = arith.constant 128 : i32
    %mul3A_600 = arith.muli %select_n3A_598, %mul3A_599 : i32
    %run_scoped3A_601 = arith.constant 6 : i32
    "tpu.region"() ({
      %run_scoped3A_2557 = tpu.sem_alloc : memref<!tpu.dma_semaphore, #tpu.memory_space<semaphore_mem>>
      %dma_start3A_2558 = arith.constant 0 : i32
      %dma_start3A_2559 = tpu.memref_slice %arg6[%run_scoped3A_601, %dma_start3A_2558] : memref<12x128xf32, #tpu.memory_space<vmem>> -> memref<1x128xf32, #tpu.memory_space<vmem>>
      %dma_start3A_2560 = tpu.memref_squeeze %dma_start3A_2559 : memref<1x128xf32, #tpu.memory_space<vmem>> -> memref<128xf32, #tpu.memory_space<vmem>>
      %dma_start3A_2561 = tpu.memref_slice %arg2[%select_n3A_582, %select_n3A_542, %mul3A_600] : memref<4x8x4096xf32, #tpu.memory_space<hbm>> -> memref<1x1x128xf32, #tpu.memory_space<hbm>>
      %dma_start3A_2562 = tpu.memref_squeeze %dma_start3A_2561 : memref<1x1x128xf32, #tpu.memory_space<hbm>> -> memref<128xf32, #tpu.memory_space<hbm>>
      %dma_start3A_2563 = arith.constant 0 : i32
      %dma_start3A_2564 = tpu.memref_slice %arg6[%run_scoped3A_601, %dma_start3A_2563] : memref<12x128xf32, #tpu.memory_space<vmem>> -> memref<1x128xf32, #tpu.memory_space<vmem>>
      %dma_start3A_2565 = tpu.memref_squeeze %dma_start3A_2564 : memref<1x128xf32, #tpu.memory_space<vmem>> -> memref<128xf32, #tpu.memory_space<vmem>>
      %dma_start3A_2566 = tpu.memref_slice %arg2[%select_n3A_582, %select_n3A_542, %mul3A_600] : memref<4x8x4096xf32, #tpu.memory_space<hbm>> -> memref<1x1x128xf32, #tpu.memory_space<hbm>>
      %dma_start3A_2567 = tpu.memref_squeeze %dma_start3A_2566 : memref<1x1x128xf32, #tpu.memory_space<hbm>> -> memref<128xf32, #tpu.memory_space<hbm>>
      tpu.enqueue_dma source(%dma_start3A_2567 : memref<128xf32, #tpu.memory_space<hbm>>) target(%dma_start3A_2565 : memref<128xf32, #tpu.memory_space<vmem>>) target_semaphore(%run_scoped3A_2557 : memref<!tpu.dma_semaphore, #tpu.memory_space<semaphore_mem>>)
      %dma_wait3A_2568 = arith.constant 0 : i32
      %dma_wait3A_2569 = tpu.memref_slice %arg6[%run_scoped3A_601, %dma_wait3A_2568] : memref<12x128xf32, #tpu.memory_space<vmem>> -> memref<1x128xf32, #tpu.memory_space<vmem>>
      %dma_wait3A_2570 = tpu.memref_squeeze %dma_wait3A_2569 : memref<1x128xf32, #tpu.memory_space<vmem>> -> memref<128xf32, #tpu.memory_space<vmem>>
      %dma_wait3A_2571 = tpu.memref_slice %arg2[%select_n3A_582, %select_n3A_542, %mul3A_600] : memref<4x8x4096xf32, #tpu.memory_space<hbm>> -> memref<1x1x128xf32, #tpu.memory_space<hbm>>
      %dma_wait3A_2572 = tpu.memref_squeeze %dma_wait3A_2571 : memref<1x1x128xf32, #tpu.memory_space<hbm>> -> memref<128xf32, #tpu.memory_space<hbm>>
      %dma_wait3A_2573 = arith.constant 0 : i32
      %dma_wait3A_2574 = tpu.memref_slice %arg6[%run_scoped3A_601, %dma_wait3A_2573] : memref<12x128xf32, #tpu.memory_space<vmem>> -> memref<1x128xf32, #tpu.memory_space<vmem>>
      %dma_wait3A_2575 = tpu.memref_squeeze %dma_wait3A_2574 : memref<1x128xf32, #tpu.memory_space<vmem>> -> memref<128xf32, #tpu.memory_space<vmem>>
      %dma_wait3A_2576 = tpu.memref_slice %arg2[%select_n3A_582, %select_n3A_542, %mul3A_600] : memref<4x8x4096xf32, #tpu.memory_space<hbm>> -> memref<1x1x128xf32, #tpu.memory_space<hbm>>
      %dma_wait3A_2577 = tpu.memref_squeeze %dma_wait3A_2576 : memref<1x1x128xf32, #tpu.memory_space<hbm>> -> memref<128xf32, #tpu.memory_space<hbm>>
      tpu.wait_dma2 semaphore(%run_scoped3A_2557 : memref<!tpu.dma_semaphore, #tpu.memory_space<semaphore_mem>>) src(%dma_wait3A_2577 : memref<128xf32, #tpu.memory_space<hbm>>) dst(%dma_wait3A_2575 : memref<128xf32, #tpu.memory_space<vmem>>)
      tpu.yield
    }) : () -> ()
    %mul3A_602 = arith.constant 12 : i32
    %mul3A_603 = arith.muli %add3A, %mul3A_602 : i32
    %add3A_604 = arith.constant 7 : i32
    %add3A_605 = arith.addi %mul3A_603, %add3A_604 : i32
    %jit3A_606 = arith.constant 128 : i32
    %div3A_607 = arith.divsi %add3A_605, %jit3A_606 : i32
    %sign3A_608 = arith.constant 0 : i32
    %sign3A_609 = arith.cmpi sgt, %add3A_605, %sign3A_608 : i32
    %sign3A_610 = arith.extui %sign3A_609 : i1 to i32
    %sign3A_611 = arith.constant 0 : i32
    %sign3A_612 = arith.cmpi slt, %add3A_605, %sign3A_611 : i32
    %sign3A_613 = arith.extui %sign3A_612 : i1 to i32
    %sign3A_614 = arith.subi %sign3A_610, %sign3A_613 : i32
    %sign3A_615 = arith.constant 0 : i32
    %sign3A_616 = arith.cmpi sgt, %jit3A_606, %sign3A_615 : i32
    %sign3A_617 = arith.extui %sign3A_616 : i1 to i32
    %sign3A_618 = arith.constant 0 : i32
    %sign3A_619 = arith.cmpi slt, %jit3A_606, %sign3A_618 : i32
    %sign3A_620 = arith.extui %sign3A_619 : i1 to i32
    %sign3A_621 = arith.subi %sign3A_617, %sign3A_620 : i32
    %ne3A_622 = arith.cmpi ne, %sign3A_614, %sign3A_621 : i32
    %rem3A_623 = arith.remsi %add3A_605, %jit3A_606 : i32
    %ne3A_624 = arith.constant 0 : i32
    %ne3A_625 = arith.cmpi ne, %rem3A_623, %ne3A_624 : i32
    %and3A_626 = arith.andi %ne3A_622, %ne3A_625 : i1
    %sub3A_627 = arith.constant 1 : i32
    %sub3A_628 = arith.subi %div3A_607, %sub3A_627 : i32
    %select_n3A_629 = arith.select %and3A_626, %sub3A_628, %div3A_607 : i32
    %jit3A_630 = arith.constant 128 : i32
    %eq3A_631 = arith.constant 0 : i32
    %eq3A_632 = arith.cmpi eq, %jit3A_630, %eq3A_631 : i32
    %jit3A_633 = arith.constant 1 : i32
    %select_n3A_634 = arith.select %eq3A_632, %jit3A_633, %jit3A_630 : i32
    %rem3A_635 = arith.remsi %add3A_605, %select_n3A_634 : i32
    %ne3A_636 = arith.constant 0 : i32
    %ne3A_637 = arith.cmpi ne, %rem3A_635, %ne3A_636 : i32
    %lt3A_638 = arith.constant 0 : i32
    %lt3A_639 = arith.cmpi slt, %rem3A_635, %lt3A_638 : i32
    %lt3A_640 = arith.constant 0 : i32
    %lt3A_641 = arith.cmpi slt, %select_n3A_634, %lt3A_640 : i32
    %ne3A_642 = arith.xori %lt3A_639, %lt3A_641 : i1
    %and3A_643 = arith.andi %ne3A_642, %ne3A_637 : i1
    %add3A_644 = arith.addi %rem3A_635, %select_n3A_634 : i32
    %select_n3A_645 = arith.select %and3A_643, %add3A_644, %rem3A_635 : i32
    %jit3A_646 = arith.constant 32 : i32
    %div3A_647 = arith.divsi %select_n3A_645, %jit3A_646 : i32
    %sign3A_648 = arith.constant 0 : i32
    %sign3A_649 = arith.cmpi sgt, %select_n3A_645, %sign3A_648 : i32
    %sign3A_650 = arith.extui %sign3A_649 : i1 to i32
    %sign3A_651 = arith.constant 0 : i32
    %sign3A_652 = arith.cmpi slt, %select_n3A_645, %sign3A_651 : i32
    %sign3A_653 = arith.extui %sign3A_652 : i1 to i32
    %sign3A_654 = arith.subi %sign3A_650, %sign3A_653 : i32
    %sign3A_655 = arith.constant 0 : i32
    %sign3A_656 = arith.cmpi sgt, %jit3A_646, %sign3A_655 : i32
    %sign3A_657 = arith.extui %sign3A_656 : i1 to i32
    %sign3A_658 = arith.constant 0 : i32
    %sign3A_659 = arith.cmpi slt, %jit3A_646, %sign3A_658 : i32
    %sign3A_660 = arith.extui %sign3A_659 : i1 to i32
    %sign3A_661 = arith.subi %sign3A_657, %sign3A_660 : i32
    %ne3A_662 = arith.cmpi ne, %sign3A_654, %sign3A_661 : i32
    %rem3A_663 = arith.remsi %select_n3A_645, %jit3A_646 : i32
    %ne3A_664 = arith.constant 0 : i32
    %ne3A_665 = arith.cmpi ne, %rem3A_663, %ne3A_664 : i32
    %and3A_666 = arith.andi %ne3A_662, %ne3A_665 : i1
    %sub3A_667 = arith.constant 1 : i32
    %sub3A_668 = arith.subi %div3A_647, %sub3A_667 : i32
    %select_n3A_669 = arith.select %and3A_666, %sub3A_668, %div3A_647 : i32
    %jit3A_670 = arith.constant 32 : i32
    %eq3A_671 = arith.constant 0 : i32
    %eq3A_672 = arith.cmpi eq, %jit3A_670, %eq3A_671 : i32
    %jit3A_673 = arith.constant 1 : i32
    %select_n3A_674 = arith.select %eq3A_672, %jit3A_673, %jit3A_670 : i32
    %rem3A_675 = arith.remsi %select_n3A_645, %select_n3A_674 : i32
    %ne3A_676 = arith.constant 0 : i32
    %ne3A_677 = arith.cmpi ne, %rem3A_675, %ne3A_676 : i32
    %lt3A_678 = arith.constant 0 : i32
    %lt3A_679 = arith.cmpi slt, %rem3A_675, %lt3A_678 : i32
    %lt3A_680 = arith.constant 0 : i32
    %lt3A_681 = arith.cmpi slt, %select_n3A_674, %lt3A_680 : i32
    %ne3A_682 = arith.xori %lt3A_679, %lt3A_681 : i1
    %and3A_683 = arith.andi %ne3A_682, %ne3A_677 : i1
    %add3A_684 = arith.addi %rem3A_675, %select_n3A_674 : i32
    %select_n3A_685 = arith.select %and3A_683, %add3A_684, %rem3A_675 : i32
    %mul3A_686 = arith.constant 128 : i32
    %mul3A_687 = arith.muli %select_n3A_685, %mul3A_686 : i32
    %run_scoped3A_688 = arith.constant 7 : i32
    "tpu.region"() ({
      %run_scoped3A_2557 = tpu.sem_alloc : memref<!tpu.dma_semaphore, #tpu.memory_space<semaphore_mem>>
      %dma_start3A_2558 = arith.constant 0 : i32
      %dma_start3A_2559 = tpu.memref_slice %arg6[%run_scoped3A_688, %dma_start3A_2558] : memref<12x128xf32, #tpu.memory_space<vmem>> -> memref<1x128xf32, #tpu.memory_space<vmem>>
      %dma_start3A_2560 = tpu.memref_squeeze %dma_start3A_2559 : memref<1x128xf32, #tpu.memory_space<vmem>> -> memref<128xf32, #tpu.memory_space<vmem>>
      %dma_start3A_2561 = tpu.memref_slice %arg2[%select_n3A_669, %select_n3A_629, %mul3A_687] : memref<4x8x4096xf32, #tpu.memory_space<hbm>> -> memref<1x1x128xf32, #tpu.memory_space<hbm>>
      %dma_start3A_2562 = tpu.memref_squeeze %dma_start3A_2561 : memref<1x1x128xf32, #tpu.memory_space<hbm>> -> memref<128xf32, #tpu.memory_space<hbm>>
      %dma_start3A_2563 = arith.constant 0 : i32
      %dma_start3A_2564 = tpu.memref_slice %arg6[%run_scoped3A_688, %dma_start3A_2563] : memref<12x128xf32, #tpu.memory_space<vmem>> -> memref<1x128xf32, #tpu.memory_space<vmem>>
      %dma_start3A_2565 = tpu.memref_squeeze %dma_start3A_2564 : memref<1x128xf32, #tpu.memory_space<vmem>> -> memref<128xf32, #tpu.memory_space<vmem>>
      %dma_start3A_2566 = tpu.memref_slice %arg2[%select_n3A_669, %select_n3A_629, %mul3A_687] : memref<4x8x4096xf32, #tpu.memory_space<hbm>> -> memref<1x1x128xf32, #tpu.memory_space<hbm>>
      %dma_start3A_2567 = tpu.memref_squeeze %dma_start3A_2566 : memref<1x1x128xf32, #tpu.memory_space<hbm>> -> memref<128xf32, #tpu.memory_space<hbm>>
      tpu.enqueue_dma source(%dma_start3A_2567 : memref<128xf32, #tpu.memory_space<hbm>>) target(%dma_start3A_2565 : memref<128xf32, #tpu.memory_space<vmem>>) target_semaphore(%run_scoped3A_2557 : memref<!tpu.dma_semaphore, #tpu.memory_space<semaphore_mem>>)
      %dma_wait3A_2568 = arith.constant 0 : i32
      %dma_wait3A_2569 = tpu.memref_slice %arg6[%run_scoped3A_688, %dma_wait3A_2568] : memref<12x128xf32, #tpu.memory_space<vmem>> -> memref<1x128xf32, #tpu.memory_space<vmem>>
      %dma_wait3A_2570 = tpu.memref_squeeze %dma_wait3A_2569 : memref<1x128xf32, #tpu.memory_space<vmem>> -> memref<128xf32, #tpu.memory_space<vmem>>
      %dma_wait3A_2571 = tpu.memref_slice %arg2[%select_n3A_669, %select_n3A_629, %mul3A_687] : memref<4x8x4096xf32, #tpu.memory_space<hbm>> -> memref<1x1x128xf32, #tpu.memory_space<hbm>>
      %dma_wait3A_2572 = tpu.memref_squeeze %dma_wait3A_2571 : memref<1x1x128xf32, #tpu.memory_space<hbm>> -> memref<128xf32, #tpu.memory_space<hbm>>
      %dma_wait3A_2573 = arith.constant 0 : i32
      %dma_wait3A_2574 = tpu.memref_slice %arg6[%run_scoped3A_688, %dma_wait3A_2573] : memref<12x128xf32, #tpu.memory_space<vmem>> -> memref<1x128xf32, #tpu.memory_space<vmem>>
      %dma_wait3A_2575 = tpu.memref_squeeze %dma_wait3A_2574 : memref<1x128xf32, #tpu.memory_space<vmem>> -> memref<128xf32, #tpu.memory_space<vmem>>
      %dma_wait3A_2576 = tpu.memref_slice %arg2[%select_n3A_669, %select_n3A_629, %mul3A_687] : memref<4x8x4096xf32, #tpu.memory_space<hbm>> -> memref<1x1x128xf32, #tpu.memory_space<hbm>>
      %dma_wait3A_2577 = tpu.memref_squeeze %dma_wait3A_2576 : memref<1x1x128xf32, #tpu.memory_space<hbm>> -> memref<128xf32, #tpu.memory_space<hbm>>
      tpu.wait_dma2 semaphore(%run_scoped3A_2557 : memref<!tpu.dma_semaphore, #tpu.memory_space<semaphore_mem>>) src(%dma_wait3A_2577 : memref<128xf32, #tpu.memory_space<hbm>>) dst(%dma_wait3A_2575 : memref<128xf32, #tpu.memory_space<vmem>>)
      tpu.yield
    }) : () -> ()
    %mul3A_689 = arith.constant 12 : i32
    %mul3A_690 = arith.muli %add3A, %mul3A_689 : i32
    %add3A_691 = arith.constant 8 : i32
    %add3A_692 = arith.addi %mul3A_690, %add3A_691 : i32
    %jit3A_693 = arith.constant 128 : i32
    %div3A_694 = arith.divsi %add3A_692, %jit3A_693 : i32
    %sign3A_695 = arith.constant 0 : i32
    %sign3A_696 = arith.cmpi sgt, %add3A_692, %sign3A_695 : i32
    %sign3A_697 = arith.extui %sign3A_696 : i1 to i32
    %sign3A_698 = arith.constant 0 : i32
    %sign3A_699 = arith.cmpi slt, %add3A_692, %sign3A_698 : i32
    %sign3A_700 = arith.extui %sign3A_699 : i1 to i32
    %sign3A_701 = arith.subi %sign3A_697, %sign3A_700 : i32
    %sign3A_702 = arith.constant 0 : i32
    %sign3A_703 = arith.cmpi sgt, %jit3A_693, %sign3A_702 : i32
    %sign3A_704 = arith.extui %sign3A_703 : i1 to i32
    %sign3A_705 = arith.constant 0 : i32
    %sign3A_706 = arith.cmpi slt, %jit3A_693, %sign3A_705 : i32
    %sign3A_707 = arith.extui %sign3A_706 : i1 to i32
    %sign3A_708 = arith.subi %sign3A_704, %sign3A_707 : i32
    %ne3A_709 = arith.cmpi ne, %sign3A_701, %sign3A_708 : i32
    %rem3A_710 = arith.remsi %add3A_692, %jit3A_693 : i32
    %ne3A_711 = arith.constant 0 : i32
    %ne3A_712 = arith.cmpi ne, %rem3A_710, %ne3A_711 : i32
    %and3A_713 = arith.andi %ne3A_709, %ne3A_712 : i1
    %sub3A_714 = arith.constant 1 : i32
    %sub3A_715 = arith.subi %div3A_694, %sub3A_714 : i32
    %select_n3A_716 = arith.select %and3A_713, %sub3A_715, %div3A_694 : i32
    %jit3A_717 = arith.constant 128 : i32
    %eq3A_718 = arith.constant 0 : i32
    %eq3A_719 = arith.cmpi eq, %jit3A_717, %eq3A_718 : i32
    %jit3A_720 = arith.constant 1 : i32
    %select_n3A_721 = arith.select %eq3A_719, %jit3A_720, %jit3A_717 : i32
    %rem3A_722 = arith.remsi %add3A_692, %select_n3A_721 : i32
    %ne3A_723 = arith.constant 0 : i32
    %ne3A_724 = arith.cmpi ne, %rem3A_722, %ne3A_723 : i32
    %lt3A_725 = arith.constant 0 : i32
    %lt3A_726 = arith.cmpi slt, %rem3A_722, %lt3A_725 : i32
    %lt3A_727 = arith.constant 0 : i32
    %lt3A_728 = arith.cmpi slt, %select_n3A_721, %lt3A_727 : i32
    %ne3A_729 = arith.xori %lt3A_726, %lt3A_728 : i1
    %and3A_730 = arith.andi %ne3A_729, %ne3A_724 : i1
    %add3A_731 = arith.addi %rem3A_722, %select_n3A_721 : i32
    %select_n3A_732 = arith.select %and3A_730, %add3A_731, %rem3A_722 : i32
    %jit3A_733 = arith.constant 32 : i32
    %div3A_734 = arith.divsi %select_n3A_732, %jit3A_733 : i32
    %sign3A_735 = arith.constant 0 : i32
    %sign3A_736 = arith.cmpi sgt, %select_n3A_732, %sign3A_735 : i32
    %sign3A_737 = arith.extui %sign3A_736 : i1 to i32
    %sign3A_738 = arith.constant 0 : i32
    %sign3A_739 = arith.cmpi slt, %select_n3A_732, %sign3A_738 : i32
    %sign3A_740 = arith.extui %sign3A_739 : i1 to i32
    %sign3A_741 = arith.subi %sign3A_737, %sign3A_740 : i32
    %sign3A_742 = arith.constant 0 : i32
    %sign3A_743 = arith.cmpi sgt, %jit3A_733, %sign3A_742 : i32
    %sign3A_744 = arith.extui %sign3A_743 : i1 to i32
    %sign3A_745 = arith.constant 0 : i32
    %sign3A_746 = arith.cmpi slt, %jit3A_733, %sign3A_745 : i32
    %sign3A_747 = arith.extui %sign3A_746 : i1 to i32
    %sign3A_748 = arith.subi %sign3A_744, %sign3A_747 : i32
    %ne3A_749 = arith.cmpi ne, %sign3A_741, %sign3A_748 : i32
    %rem3A_750 = arith.remsi %select_n3A_732, %jit3A_733 : i32
    %ne3A_751 = arith.constant 0 : i32
    %ne3A_752 = arith.cmpi ne, %rem3A_750, %ne3A_751 : i32
    %and3A_753 = arith.andi %ne3A_749, %ne3A_752 : i1
    %sub3A_754 = arith.constant 1 : i32
    %sub3A_755 = arith.subi %div3A_734, %sub3A_754 : i32
    %select_n3A_756 = arith.select %and3A_753, %sub3A_755, %div3A_734 : i32
    %jit3A_757 = arith.constant 32 : i32
    %eq3A_758 = arith.constant 0 : i32
    %eq3A_759 = arith.cmpi eq, %jit3A_757, %eq3A_758 : i32
    %jit3A_760 = arith.constant 1 : i32
    %select_n3A_761 = arith.select %eq3A_759, %jit3A_760, %jit3A_757 : i32
    %rem3A_762 = arith.remsi %select_n3A_732, %select_n3A_761 : i32
    %ne3A_763 = arith.constant 0 : i32
    %ne3A_764 = arith.cmpi ne, %rem3A_762, %ne3A_763 : i32
    %lt3A_765 = arith.constant 0 : i32
    %lt3A_766 = arith.cmpi slt, %rem3A_762, %lt3A_765 : i32
    %lt3A_767 = arith.constant 0 : i32
    %lt3A_768 = arith.cmpi slt, %select_n3A_761, %lt3A_767 : i32
    %ne3A_769 = arith.xori %lt3A_766, %lt3A_768 : i1
    %and3A_770 = arith.andi %ne3A_769, %ne3A_764 : i1
    %add3A_771 = arith.addi %rem3A_762, %select_n3A_761 : i32
    %select_n3A_772 = arith.select %and3A_770, %add3A_771, %rem3A_762 : i32
    %mul3A_773 = arith.constant 128 : i32
    %mul3A_774 = arith.muli %select_n3A_772, %mul3A_773 : i32
    %run_scoped3A_775 = arith.constant 8 : i32
    "tpu.region"() ({
      %run_scoped3A_2557 = tpu.sem_alloc : memref<!tpu.dma_semaphore, #tpu.memory_space<semaphore_mem>>
      %dma_start3A_2558 = arith.constant 0 : i32
      %dma_start3A_2559 = tpu.memref_slice %arg6[%run_scoped3A_775, %dma_start3A_2558] : memref<12x128xf32, #tpu.memory_space<vmem>> -> memref<1x128xf32, #tpu.memory_space<vmem>>
      %dma_start3A_2560 = tpu.memref_squeeze %dma_start3A_2559 : memref<1x128xf32, #tpu.memory_space<vmem>> -> memref<128xf32, #tpu.memory_space<vmem>>
      %dma_start3A_2561 = tpu.memref_slice %arg2[%select_n3A_756, %select_n3A_716, %mul3A_774] : memref<4x8x4096xf32, #tpu.memory_space<hbm>> -> memref<1x1x128xf32, #tpu.memory_space<hbm>>
      %dma_start3A_2562 = tpu.memref_squeeze %dma_start3A_2561 : memref<1x1x128xf32, #tpu.memory_space<hbm>> -> memref<128xf32, #tpu.memory_space<hbm>>
      %dma_start3A_2563 = arith.constant 0 : i32
      %dma_start3A_2564 = tpu.memref_slice %arg6[%run_scoped3A_775, %dma_start3A_2563] : memref<12x128xf32, #tpu.memory_space<vmem>> -> memref<1x128xf32, #tpu.memory_space<vmem>>
      %dma_start3A_2565 = tpu.memref_squeeze %dma_start3A_2564 : memref<1x128xf32, #tpu.memory_space<vmem>> -> memref<128xf32, #tpu.memory_space<vmem>>
      %dma_start3A_2566 = tpu.memref_slice %arg2[%select_n3A_756, %select_n3A_716, %mul3A_774] : memref<4x8x4096xf32, #tpu.memory_space<hbm>> -> memref<1x1x128xf32, #tpu.memory_space<hbm>>
      %dma_start3A_2567 = tpu.memref_squeeze %dma_start3A_2566 : memref<1x1x128xf32, #tpu.memory_space<hbm>> -> memref<128xf32, #tpu.memory_space<hbm>>
      tpu.enqueue_dma source(%dma_start3A_2567 : memref<128xf32, #tpu.memory_space<hbm>>) target(%dma_start3A_2565 : memref<128xf32, #tpu.memory_space<vmem>>) target_semaphore(%run_scoped3A_2557 : memref<!tpu.dma_semaphore, #tpu.memory_space<semaphore_mem>>)
      %dma_wait3A_2568 = arith.constant 0 : i32
      %dma_wait3A_2569 = tpu.memref_slice %arg6[%run_scoped3A_775, %dma_wait3A_2568] : memref<12x128xf32, #tpu.memory_space<vmem>> -> memref<1x128xf32, #tpu.memory_space<vmem>>
      %dma_wait3A_2570 = tpu.memref_squeeze %dma_wait3A_2569 : memref<1x128xf32, #tpu.memory_space<vmem>> -> memref<128xf32, #tpu.memory_space<vmem>>
      %dma_wait3A_2571 = tpu.memref_slice %arg2[%select_n3A_756, %select_n3A_716, %mul3A_774] : memref<4x8x4096xf32, #tpu.memory_space<hbm>> -> memref<1x1x128xf32, #tpu.memory_space<hbm>>
      %dma_wait3A_2572 = tpu.memref_squeeze %dma_wait3A_2571 : memref<1x1x128xf32, #tpu.memory_space<hbm>> -> memref<128xf32, #tpu.memory_space<hbm>>
      %dma_wait3A_2573 = arith.constant 0 : i32
      %dma_wait3A_2574 = tpu.memref_slice %arg6[%run_scoped3A_775, %dma_wait3A_2573] : memref<12x128xf32, #tpu.memory_space<vmem>> -> memref<1x128xf32, #tpu.memory_space<vmem>>
      %dma_wait3A_2575 = tpu.memref_squeeze %dma_wait3A_2574 : memref<1x128xf32, #tpu.memory_space<vmem>> -> memref<128xf32, #tpu.memory_space<vmem>>
      %dma_wait3A_2576 = tpu.memref_slice %arg2[%select_n3A_756, %select_n3A_716, %mul3A_774] : memref<4x8x4096xf32, #tpu.memory_space<hbm>> -> memref<1x1x128xf32, #tpu.memory_space<hbm>>
      %dma_wait3A_2577 = tpu.memref_squeeze %dma_wait3A_2576 : memref<1x1x128xf32, #tpu.memory_space<hbm>> -> memref<128xf32, #tpu.memory_space<hbm>>
      tpu.wait_dma2 semaphore(%run_scoped3A_2557 : memref<!tpu.dma_semaphore, #tpu.memory_space<semaphore_mem>>) src(%dma_wait3A_2577 : memref<128xf32, #tpu.memory_space<hbm>>) dst(%dma_wait3A_2575 : memref<128xf32, #tpu.memory_space<vmem>>)
      tpu.yield
    }) : () -> ()
    %mul3A_776 = arith.constant 12 : i32
    %mul3A_777 = arith.muli %add3A, %mul3A_776 : i32
    %add3A_778 = arith.constant 9 : i32
    %add3A_779 = arith.addi %mul3A_777, %add3A_778 : i32
    %jit3A_780 = arith.constant 128 : i32
    %div3A_781 = arith.divsi %add3A_779, %jit3A_780 : i32
    %sign3A_782 = arith.constant 0 : i32
    %sign3A_783 = arith.cmpi sgt, %add3A_779, %sign3A_782 : i32
    %sign3A_784 = arith.extui %sign3A_783 : i1 to i32
    %sign3A_785 = arith.constant 0 : i32
    %sign3A_786 = arith.cmpi slt, %add3A_779, %sign3A_785 : i32
    %sign3A_787 = arith.extui %sign3A_786 : i1 to i32
    %sign3A_788 = arith.subi %sign3A_784, %sign3A_787 : i32
    %sign3A_789 = arith.constant 0 : i32
    %sign3A_790 = arith.cmpi sgt, %jit3A_780, %sign3A_789 : i32
    %sign3A_791 = arith.extui %sign3A_790 : i1 to i32
    %sign3A_792 = arith.constant 0 : i32
    %sign3A_793 = arith.cmpi slt, %jit3A_780, %sign3A_792 : i32
    %sign3A_794 = arith.extui %sign3A_793 : i1 to i32
    %sign3A_795 = arith.subi %sign3A_791, %sign3A_794 : i32
    %ne3A_796 = arith.cmpi ne, %sign3A_788, %sign3A_795 : i32
    %rem3A_797 = arith.remsi %add3A_779, %jit3A_780 : i32
    %ne3A_798 = arith.constant 0 : i32
    %ne3A_799 = arith.cmpi ne, %rem3A_797, %ne3A_798 : i32
    %and3A_800 = arith.andi %ne3A_796, %ne3A_799 : i1
    %sub3A_801 = arith.constant 1 : i32
    %sub3A_802 = arith.subi %div3A_781, %sub3A_801 : i32
    %select_n3A_803 = arith.select %and3A_800, %sub3A_802, %div3A_781 : i32
    %jit3A_804 = arith.constant 128 : i32
    %eq3A_805 = arith.constant 0 : i32
    %eq3A_806 = arith.cmpi eq, %jit3A_804, %eq3A_805 : i32
    %jit3A_807 = arith.constant 1 : i32
    %select_n3A_808 = arith.select %eq3A_806, %jit3A_807, %jit3A_804 : i32
    %rem3A_809 = arith.remsi %add3A_779, %select_n3A_808 : i32
    %ne3A_810 = arith.constant 0 : i32
    %ne3A_811 = arith.cmpi ne, %rem3A_809, %ne3A_810 : i32
    %lt3A_812 = arith.constant 0 : i32
    %lt3A_813 = arith.cmpi slt, %rem3A_809, %lt3A_812 : i32
    %lt3A_814 = arith.constant 0 : i32
    %lt3A_815 = arith.cmpi slt, %select_n3A_808, %lt3A_814 : i32
    %ne3A_816 = arith.xori %lt3A_813, %lt3A_815 : i1
    %and3A_817 = arith.andi %ne3A_816, %ne3A_811 : i1
    %add3A_818 = arith.addi %rem3A_809, %select_n3A_808 : i32
    %select_n3A_819 = arith.select %and3A_817, %add3A_818, %rem3A_809 : i32
    %jit3A_820 = arith.constant 32 : i32
    %div3A_821 = arith.divsi %select_n3A_819, %jit3A_820 : i32
    %sign3A_822 = arith.constant 0 : i32
    %sign3A_823 = arith.cmpi sgt, %select_n3A_819, %sign3A_822 : i32
    %sign3A_824 = arith.extui %sign3A_823 : i1 to i32
    %sign3A_825 = arith.constant 0 : i32
    %sign3A_826 = arith.cmpi slt, %select_n3A_819, %sign3A_825 : i32
    %sign3A_827 = arith.extui %sign3A_826 : i1 to i32
    %sign3A_828 = arith.subi %sign3A_824, %sign3A_827 : i32
    %sign3A_829 = arith.constant 0 : i32
    %sign3A_830 = arith.cmpi sgt, %jit3A_820, %sign3A_829 : i32
    %sign3A_831 = arith.extui %sign3A_830 : i1 to i32
    %sign3A_832 = arith.constant 0 : i32
    %sign3A_833 = arith.cmpi slt, %jit3A_820, %sign3A_832 : i32
    %sign3A_834 = arith.extui %sign3A_833 : i1 to i32
    %sign3A_835 = arith.subi %sign3A_831, %sign3A_834 : i32
    %ne3A_836 = arith.cmpi ne, %sign3A_828, %sign3A_835 : i32
    %rem3A_837 = arith.remsi %select_n3A_819, %jit3A_820 : i32
    %ne3A_838 = arith.constant 0 : i32
    %ne3A_839 = arith.cmpi ne, %rem3A_837, %ne3A_838 : i32
    %and3A_840 = arith.andi %ne3A_836, %ne3A_839 : i1
    %sub3A_841 = arith.constant 1 : i32
    %sub3A_842 = arith.subi %div3A_821, %sub3A_841 : i32
    %select_n3A_843 = arith.select %and3A_840, %sub3A_842, %div3A_821 : i32
    %jit3A_844 = arith.constant 32 : i32
    %eq3A_845 = arith.constant 0 : i32
    %eq3A_846 = arith.cmpi eq, %jit3A_844, %eq3A_845 : i32
    %jit3A_847 = arith.constant 1 : i32
    %select_n3A_848 = arith.select %eq3A_846, %jit3A_847, %jit3A_844 : i32
    %rem3A_849 = arith.remsi %select_n3A_819, %select_n3A_848 : i32
    %ne3A_850 = arith.constant 0 : i32
    %ne3A_851 = arith.cmpi ne, %rem3A_849, %ne3A_850 : i32
    %lt3A_852 = arith.constant 0 : i32
    %lt3A_853 = arith.cmpi slt, %rem3A_849, %lt3A_852 : i32
    %lt3A_854 = arith.constant 0 : i32
    %lt3A_855 = arith.cmpi slt, %select_n3A_848, %lt3A_854 : i32
    %ne3A_856 = arith.xori %lt3A_853, %lt3A_855 : i1
    %and3A_857 = arith.andi %ne3A_856, %ne3A_851 : i1
    %add3A_858 = arith.addi %rem3A_849, %select_n3A_848 : i32
    %select_n3A_859 = arith.select %and3A_857, %add3A_858, %rem3A_849 : i32
    %mul3A_860 = arith.constant 128 : i32
    %mul3A_861 = arith.muli %select_n3A_859, %mul3A_860 : i32
    %run_scoped3A_862 = arith.constant 9 : i32
    "tpu.region"() ({
      %run_scoped3A_2557 = tpu.sem_alloc : memref<!tpu.dma_semaphore, #tpu.memory_space<semaphore_mem>>
      %dma_start3A_2558 = arith.constant 0 : i32
      %dma_start3A_2559 = tpu.memref_slice %arg6[%run_scoped3A_862, %dma_start3A_2558] : memref<12x128xf32, #tpu.memory_space<vmem>> -> memref<1x128xf32, #tpu.memory_space<vmem>>
      %dma_start3A_2560 = tpu.memref_squeeze %dma_start3A_2559 : memref<1x128xf32, #tpu.memory_space<vmem>> -> memref<128xf32, #tpu.memory_space<vmem>>
      %dma_start3A_2561 = tpu.memref_slice %arg2[%select_n3A_843, %select_n3A_803, %mul3A_861] : memref<4x8x4096xf32, #tpu.memory_space<hbm>> -> memref<1x1x128xf32, #tpu.memory_space<hbm>>
      %dma_start3A_2562 = tpu.memref_squeeze %dma_start3A_2561 : memref<1x1x128xf32, #tpu.memory_space<hbm>> -> memref<128xf32, #tpu.memory_space<hbm>>
      %dma_start3A_2563 = arith.constant 0 : i32
      %dma_start3A_2564 = tpu.memref_slice %arg6[%run_scoped3A_862, %dma_start3A_2563] : memref<12x128xf32, #tpu.memory_space<vmem>> -> memref<1x128xf32, #tpu.memory_space<vmem>>
      %dma_start3A_2565 = tpu.memref_squeeze %dma_start3A_2564 : memref<1x128xf32, #tpu.memory_space<vmem>> -> memref<128xf32, #tpu.memory_space<vmem>>
      %dma_start3A_2566 = tpu.memref_slice %arg2[%select_n3A_843, %select_n3A_803, %mul3A_861] : memref<4x8x4096xf32, #tpu.memory_space<hbm>> -> memref<1x1x128xf32, #tpu.memory_space<hbm>>
      %dma_start3A_2567 = tpu.memref_squeeze %dma_start3A_2566 : memref<1x1x128xf32, #tpu.memory_space<hbm>> -> memref<128xf32, #tpu.memory_space<hbm>>
      tpu.enqueue_dma source(%dma_start3A_2567 : memref<128xf32, #tpu.memory_space<hbm>>) target(%dma_start3A_2565 : memref<128xf32, #tpu.memory_space<vmem>>) target_semaphore(%run_scoped3A_2557 : memref<!tpu.dma_semaphore, #tpu.memory_space<semaphore_mem>>)
      %dma_wait3A_2568 = arith.constant 0 : i32
      %dma_wait3A_2569 = tpu.memref_slice %arg6[%run_scoped3A_862, %dma_wait3A_2568] : memref<12x128xf32, #tpu.memory_space<vmem>> -> memref<1x128xf32, #tpu.memory_space<vmem>>
      %dma_wait3A_2570 = tpu.memref_squeeze %dma_wait3A_2569 : memref<1x128xf32, #tpu.memory_space<vmem>> -> memref<128xf32, #tpu.memory_space<vmem>>
      %dma_wait3A_2571 = tpu.memref_slice %arg2[%select_n3A_843, %select_n3A_803, %mul3A_861] : memref<4x8x4096xf32, #tpu.memory_space<hbm>> -> memref<1x1x128xf32, #tpu.memory_space<hbm>>
      %dma_wait3A_2572 = tpu.memref_squeeze %dma_wait3A_2571 : memref<1x1x128xf32, #tpu.memory_space<hbm>> -> memref<128xf32, #tpu.memory_space<hbm>>
      %dma_wait3A_2573 = arith.constant 0 : i32
      %dma_wait3A_2574 = tpu.memref_slice %arg6[%run_scoped3A_862, %dma_wait3A_2573] : memref<12x128xf32, #tpu.memory_space<vmem>> -> memref<1x128xf32, #tpu.memory_space<vmem>>
      %dma_wait3A_2575 = tpu.memref_squeeze %dma_wait3A_2574 : memref<1x128xf32, #tpu.memory_space<vmem>> -> memref<128xf32, #tpu.memory_space<vmem>>
      %dma_wait3A_2576 = tpu.memref_slice %arg2[%select_n3A_843, %select_n3A_803, %mul3A_861] : memref<4x8x4096xf32, #tpu.memory_space<hbm>> -> memref<1x1x128xf32, #tpu.memory_space<hbm>>
      %dma_wait3A_2577 = tpu.memref_squeeze %dma_wait3A_2576 : memref<1x1x128xf32, #tpu.memory_space<hbm>> -> memref<128xf32, #tpu.memory_space<hbm>>
      tpu.wait_dma2 semaphore(%run_scoped3A_2557 : memref<!tpu.dma_semaphore, #tpu.memory_space<semaphore_mem>>) src(%dma_wait3A_2577 : memref<128xf32, #tpu.memory_space<hbm>>) dst(%dma_wait3A_2575 : memref<128xf32, #tpu.memory_space<vmem>>)
      tpu.yield
    }) : () -> ()
    %mul3A_863 = arith.constant 12 : i32
    %mul3A_864 = arith.muli %add3A, %mul3A_863 : i32
    %add3A_865 = arith.constant 10 : i32
    %add3A_866 = arith.addi %mul3A_864, %add3A_865 : i32
    %jit3A_867 = arith.constant 128 : i32
    %div3A_868 = arith.divsi %add3A_866, %jit3A_867 : i32
    %sign3A_869 = arith.constant 0 : i32
    %sign3A_870 = arith.cmpi sgt, %add3A_866, %sign3A_869 : i32
    %sign3A_871 = arith.extui %sign3A_870 : i1 to i32
    %sign3A_872 = arith.constant 0 : i32
    %sign3A_873 = arith.cmpi slt, %add3A_866, %sign3A_872 : i32
    %sign3A_874 = arith.extui %sign3A_873 : i1 to i32
    %sign3A_875 = arith.subi %sign3A_871, %sign3A_874 : i32
    %sign3A_876 = arith.constant 0 : i32
    %sign3A_877 = arith.cmpi sgt, %jit3A_867, %sign3A_876 : i32
    %sign3A_878 = arith.extui %sign3A_877 : i1 to i32
    %sign3A_879 = arith.constant 0 : i32
    %sign3A_880 = arith.cmpi slt, %jit3A_867, %sign3A_879 : i32
    %sign3A_881 = arith.extui %sign3A_880 : i1 to i32
    %sign3A_882 = arith.subi %sign3A_878, %sign3A_881 : i32
    %ne3A_883 = arith.cmpi ne, %sign3A_875, %sign3A_882 : i32
    %rem3A_884 = arith.remsi %add3A_866, %jit3A_867 : i32
    %ne3A_885 = arith.constant 0 : i32
    %ne3A_886 = arith.cmpi ne, %rem3A_884, %ne3A_885 : i32
    %and3A_887 = arith.andi %ne3A_883, %ne3A_886 : i1
    %sub3A_888 = arith.constant 1 : i32
    %sub3A_889 = arith.subi %div3A_868, %sub3A_888 : i32
    %select_n3A_890 = arith.select %and3A_887, %sub3A_889, %div3A_868 : i32
    %jit3A_891 = arith.constant 128 : i32
    %eq3A_892 = arith.constant 0 : i32
    %eq3A_893 = arith.cmpi eq, %jit3A_891, %eq3A_892 : i32
    %jit3A_894 = arith.constant 1 : i32
    %select_n3A_895 = arith.select %eq3A_893, %jit3A_894, %jit3A_891 : i32
    %rem3A_896 = arith.remsi %add3A_866, %select_n3A_895 : i32
    %ne3A_897 = arith.constant 0 : i32
    %ne3A_898 = arith.cmpi ne, %rem3A_896, %ne3A_897 : i32
    %lt3A_899 = arith.constant 0 : i32
    %lt3A_900 = arith.cmpi slt, %rem3A_896, %lt3A_899 : i32
    %lt3A_901 = arith.constant 0 : i32
    %lt3A_902 = arith.cmpi slt, %select_n3A_895, %lt3A_901 : i32
    %ne3A_903 = arith.xori %lt3A_900, %lt3A_902 : i1
    %and3A_904 = arith.andi %ne3A_903, %ne3A_898 : i1
    %add3A_905 = arith.addi %rem3A_896, %select_n3A_895 : i32
    %select_n3A_906 = arith.select %and3A_904, %add3A_905, %rem3A_896 : i32
    %jit3A_907 = arith.constant 32 : i32
    %div3A_908 = arith.divsi %select_n3A_906, %jit3A_907 : i32
    %sign3A_909 = arith.constant 0 : i32
    %sign3A_910 = arith.cmpi sgt, %select_n3A_906, %sign3A_909 : i32
    %sign3A_911 = arith.extui %sign3A_910 : i1 to i32
    %sign3A_912 = arith.constant 0 : i32
    %sign3A_913 = arith.cmpi slt, %select_n3A_906, %sign3A_912 : i32
    %sign3A_914 = arith.extui %sign3A_913 : i1 to i32
    %sign3A_915 = arith.subi %sign3A_911, %sign3A_914 : i32
    %sign3A_916 = arith.constant 0 : i32
    %sign3A_917 = arith.cmpi sgt, %jit3A_907, %sign3A_916 : i32
    %sign3A_918 = arith.extui %sign3A_917 : i1 to i32
    %sign3A_919 = arith.constant 0 : i32
    %sign3A_920 = arith.cmpi slt, %jit3A_907, %sign3A_919 : i32
    %sign3A_921 = arith.extui %sign3A_920 : i1 to i32
    %sign3A_922 = arith.subi %sign3A_918, %sign3A_921 : i32
    %ne3A_923 = arith.cmpi ne, %sign3A_915, %sign3A_922 : i32
    %rem3A_924 = arith.remsi %select_n3A_906, %jit3A_907 : i32
    %ne3A_925 = arith.constant 0 : i32
    %ne3A_926 = arith.cmpi ne, %rem3A_924, %ne3A_925 : i32
    %and3A_927 = arith.andi %ne3A_923, %ne3A_926 : i1
    %sub3A_928 = arith.constant 1 : i32
    %sub3A_929 = arith.subi %div3A_908, %sub3A_928 : i32
    %select_n3A_930 = arith.select %and3A_927, %sub3A_929, %div3A_908 : i32
    %jit3A_931 = arith.constant 32 : i32
    %eq3A_932 = arith.constant 0 : i32
    %eq3A_933 = arith.cmpi eq, %jit3A_931, %eq3A_932 : i32
    %jit3A_934 = arith.constant 1 : i32
    %select_n3A_935 = arith.select %eq3A_933, %jit3A_934, %jit3A_931 : i32
    %rem3A_936 = arith.remsi %select_n3A_906, %select_n3A_935 : i32
    %ne3A_937 = arith.constant 0 : i32
    %ne3A_938 = arith.cmpi ne, %rem3A_936, %ne3A_937 : i32
    %lt3A_939 = arith.constant 0 : i32
    %lt3A_940 = arith.cmpi slt, %rem3A_936, %lt3A_939 : i32
    %lt3A_941 = arith.constant 0 : i32
    %lt3A_942 = arith.cmpi slt, %select_n3A_935, %lt3A_941 : i32
    %ne3A_943 = arith.xori %lt3A_940, %lt3A_942 : i1
    %and3A_944 = arith.andi %ne3A_943, %ne3A_938 : i1
    %add3A_945 = arith.addi %rem3A_936, %select_n3A_935 : i32
    %select_n3A_946 = arith.select %and3A_944, %add3A_945, %rem3A_936 : i32
    %mul3A_947 = arith.constant 128 : i32
    %mul3A_948 = arith.muli %select_n3A_946, %mul3A_947 : i32
    %run_scoped3A_949 = arith.constant 10 : i32
    "tpu.region"() ({
      %run_scoped3A_2557 = tpu.sem_alloc : memref<!tpu.dma_semaphore, #tpu.memory_space<semaphore_mem>>
      %dma_start3A_2558 = arith.constant 0 : i32
      %dma_start3A_2559 = tpu.memref_slice %arg6[%run_scoped3A_949, %dma_start3A_2558] : memref<12x128xf32, #tpu.memory_space<vmem>> -> memref<1x128xf32, #tpu.memory_space<vmem>>
      %dma_start3A_2560 = tpu.memref_squeeze %dma_start3A_2559 : memref<1x128xf32, #tpu.memory_space<vmem>> -> memref<128xf32, #tpu.memory_space<vmem>>
      %dma_start3A_2561 = tpu.memref_slice %arg2[%select_n3A_930, %select_n3A_890, %mul3A_948] : memref<4x8x4096xf32, #tpu.memory_space<hbm>> -> memref<1x1x128xf32, #tpu.memory_space<hbm>>
      %dma_start3A_2562 = tpu.memref_squeeze %dma_start3A_2561 : memref<1x1x128xf32, #tpu.memory_space<hbm>> -> memref<128xf32, #tpu.memory_space<hbm>>
      %dma_start3A_2563 = arith.constant 0 : i32
      %dma_start3A_2564 = tpu.memref_slice %arg6[%run_scoped3A_949, %dma_start3A_2563] : memref<12x128xf32, #tpu.memory_space<vmem>> -> memref<1x128xf32, #tpu.memory_space<vmem>>
      %dma_start3A_2565 = tpu.memref_squeeze %dma_start3A_2564 : memref<1x128xf32, #tpu.memory_space<vmem>> -> memref<128xf32, #tpu.memory_space<vmem>>
      %dma_start3A_2566 = tpu.memref_slice %arg2[%select_n3A_930, %select_n3A_890, %mul3A_948] : memref<4x8x4096xf32, #tpu.memory_space<hbm>> -> memref<1x1x128xf32, #tpu.memory_space<hbm>>
      %dma_start3A_2567 = tpu.memref_squeeze %dma_start3A_2566 : memref<1x1x128xf32, #tpu.memory_space<hbm>> -> memref<128xf32, #tpu.memory_space<hbm>>
      tpu.enqueue_dma source(%dma_start3A_2567 : memref<128xf32, #tpu.memory_space<hbm>>) target(%dma_start3A_2565 : memref<128xf32, #tpu.memory_space<vmem>>) target_semaphore(%run_scoped3A_2557 : memref<!tpu.dma_semaphore, #tpu.memory_space<semaphore_mem>>)
      %dma_wait3A_2568 = arith.constant 0 : i32
      %dma_wait3A_2569 = tpu.memref_slice %arg6[%run_scoped3A_949, %dma_wait3A_2568] : memref<12x128xf32, #tpu.memory_space<vmem>> -> memref<1x128xf32, #tpu.memory_space<vmem>>
      %dma_wait3A_2570 = tpu.memref_squeeze %dma_wait3A_2569 : memref<1x128xf32, #tpu.memory_space<vmem>> -> memref<128xf32, #tpu.memory_space<vmem>>
      %dma_wait3A_2571 = tpu.memref_slice %arg2[%select_n3A_930, %select_n3A_890, %mul3A_948] : memref<4x8x4096xf32, #tpu.memory_space<hbm>> -> memref<1x1x128xf32, #tpu.memory_space<hbm>>
      %dma_wait3A_2572 = tpu.memref_squeeze %dma_wait3A_2571 : memref<1x1x128xf32, #tpu.memory_space<hbm>> -> memref<128xf32, #tpu.memory_space<hbm>>
      %dma_wait3A_2573 = arith.constant 0 : i32
      %dma_wait3A_2574 = tpu.memref_slice %arg6[%run_scoped3A_949, %dma_wait3A_2573] : memref<12x128xf32, #tpu.memory_space<vmem>> -> memref<1x128xf32, #tpu.memory_space<vmem>>
      %dma_wait3A_2575 = tpu.memref_squeeze %dma_wait3A_2574 : memref<1x128xf32, #tpu.memory_space<vmem>> -> memref<128xf32, #tpu.memory_space<vmem>>
      %dma_wait3A_2576 = tpu.memref_slice %arg2[%select_n3A_930, %select_n3A_890, %mul3A_948] : memref<4x8x4096xf32, #tpu.memory_space<hbm>> -> memref<1x1x128xf32, #tpu.memory_space<hbm>>
      %dma_wait3A_2577 = tpu.memref_squeeze %dma_wait3A_2576 : memref<1x1x128xf32, #tpu.memory_space<hbm>> -> memref<128xf32, #tpu.memory_space<hbm>>
      tpu.wait_dma2 semaphore(%run_scoped3A_2557 : memref<!tpu.dma_semaphore, #tpu.memory_space<semaphore_mem>>) src(%dma_wait3A_2577 : memref<128xf32, #tpu.memory_space<hbm>>) dst(%dma_wait3A_2575 : memref<128xf32, #tpu.memory_space<vmem>>)
      tpu.yield
    }) : () -> ()
    %mul3A_950 = arith.constant 12 : i32
    %mul3A_951 = arith.muli %add3A, %mul3A_950 : i32
    %add3A_952 = arith.constant 11 : i32
    %add3A_953 = arith.addi %mul3A_951, %add3A_952 : i32
    %jit3A_954 = arith.constant 128 : i32
    %div3A_955 = arith.divsi %add3A_953, %jit3A_954 : i32
    %sign3A_956 = arith.constant 0 : i32
    %sign3A_957 = arith.cmpi sgt, %add3A_953, %sign3A_956 : i32
    %sign3A_958 = arith.extui %sign3A_957 : i1 to i32
    %sign3A_959 = arith.constant 0 : i32
    %sign3A_960 = arith.cmpi slt, %add3A_953, %sign3A_959 : i32
    %sign3A_961 = arith.extui %sign3A_960 : i1 to i32
    %sign3A_962 = arith.subi %sign3A_958, %sign3A_961 : i32
    %sign3A_963 = arith.constant 0 : i32
    %sign3A_964 = arith.cmpi sgt, %jit3A_954, %sign3A_963 : i32
    %sign3A_965 = arith.extui %sign3A_964 : i1 to i32
    %sign3A_966 = arith.constant 0 : i32
    %sign3A_967 = arith.cmpi slt, %jit3A_954, %sign3A_966 : i32
    %sign3A_968 = arith.extui %sign3A_967 : i1 to i32
    %sign3A_969 = arith.subi %sign3A_965, %sign3A_968 : i32
    %ne3A_970 = arith.cmpi ne, %sign3A_962, %sign3A_969 : i32
    %rem3A_971 = arith.remsi %add3A_953, %jit3A_954 : i32
    %ne3A_972 = arith.constant 0 : i32
    %ne3A_973 = arith.cmpi ne, %rem3A_971, %ne3A_972 : i32
    %and3A_974 = arith.andi %ne3A_970, %ne3A_973 : i1
    %sub3A_975 = arith.constant 1 : i32
    %sub3A_976 = arith.subi %div3A_955, %sub3A_975 : i32
    %select_n3A_977 = arith.select %and3A_974, %sub3A_976, %div3A_955 : i32
    %jit3A_978 = arith.constant 128 : i32
    %eq3A_979 = arith.constant 0 : i32
    %eq3A_980 = arith.cmpi eq, %jit3A_978, %eq3A_979 : i32
    %jit3A_981 = arith.constant 1 : i32
    %select_n3A_982 = arith.select %eq3A_980, %jit3A_981, %jit3A_978 : i32
    %rem3A_983 = arith.remsi %add3A_953, %select_n3A_982 : i32
    %ne3A_984 = arith.constant 0 : i32
    %ne3A_985 = arith.cmpi ne, %rem3A_983, %ne3A_984 : i32
    %lt3A_986 = arith.constant 0 : i32
    %lt3A_987 = arith.cmpi slt, %rem3A_983, %lt3A_986 : i32
    %lt3A_988 = arith.constant 0 : i32
    %lt3A_989 = arith.cmpi slt, %select_n3A_982, %lt3A_988 : i32
    %ne3A_990 = arith.xori %lt3A_987, %lt3A_989 : i1
    %and3A_991 = arith.andi %ne3A_990, %ne3A_985 : i1
    %add3A_992 = arith.addi %rem3A_983, %select_n3A_982 : i32
    %select_n3A_993 = arith.select %and3A_991, %add3A_992, %rem3A_983 : i32
    %jit3A_994 = arith.constant 32 : i32
    %div3A_995 = arith.divsi %select_n3A_993, %jit3A_994 : i32
    %sign3A_996 = arith.constant 0 : i32
    %sign3A_997 = arith.cmpi sgt, %select_n3A_993, %sign3A_996 : i32
    %sign3A_998 = arith.extui %sign3A_997 : i1 to i32
    %sign3A_999 = arith.constant 0 : i32
    %sign3A_1000 = arith.cmpi slt, %select_n3A_993, %sign3A_999 : i32
    %sign3A_1001 = arith.extui %sign3A_1000 : i1 to i32
    %sign3A_1002 = arith.subi %sign3A_998, %sign3A_1001 : i32
    %sign3A_1003 = arith.constant 0 : i32
    %sign3A_1004 = arith.cmpi sgt, %jit3A_994, %sign3A_1003 : i32
    %sign3A_1005 = arith.extui %sign3A_1004 : i1 to i32
    %sign3A_1006 = arith.constant 0 : i32
    %sign3A_1007 = arith.cmpi slt, %jit3A_994, %sign3A_1006 : i32
    %sign3A_1008 = arith.extui %sign3A_1007 : i1 to i32
    %sign3A_1009 = arith.subi %sign3A_1005, %sign3A_1008 : i32
    %ne3A_1010 = arith.cmpi ne, %sign3A_1002, %sign3A_1009 : i32
    %rem3A_1011 = arith.remsi %select_n3A_993, %jit3A_994 : i32
    %ne3A_1012 = arith.constant 0 : i32
    %ne3A_1013 = arith.cmpi ne, %rem3A_1011, %ne3A_1012 : i32
    %and3A_1014 = arith.andi %ne3A_1010, %ne3A_1013 : i1
    %sub3A_1015 = arith.constant 1 : i32
    %sub3A_1016 = arith.subi %div3A_995, %sub3A_1015 : i32
    %select_n3A_1017 = arith.select %and3A_1014, %sub3A_1016, %div3A_995 : i32
    %jit3A_1018 = arith.constant 32 : i32
    %eq3A_1019 = arith.constant 0 : i32
    %eq3A_1020 = arith.cmpi eq, %jit3A_1018, %eq3A_1019 : i32
    %jit3A_1021 = arith.constant 1 : i32
    %select_n3A_1022 = arith.select %eq3A_1020, %jit3A_1021, %jit3A_1018 : i32
    %rem3A_1023 = arith.remsi %select_n3A_993, %select_n3A_1022 : i32
    %ne3A_1024 = arith.constant 0 : i32
    %ne3A_1025 = arith.cmpi ne, %rem3A_1023, %ne3A_1024 : i32
    %lt3A_1026 = arith.constant 0 : i32
    %lt3A_1027 = arith.cmpi slt, %rem3A_1023, %lt3A_1026 : i32
    %lt3A_1028 = arith.constant 0 : i32
    %lt3A_1029 = arith.cmpi slt, %select_n3A_1022, %lt3A_1028 : i32
    %ne3A_1030 = arith.xori %lt3A_1027, %lt3A_1029 : i1
    %and3A_1031 = arith.andi %ne3A_1030, %ne3A_1025 : i1
    %add3A_1032 = arith.addi %rem3A_1023, %select_n3A_1022 : i32
    %select_n3A_1033 = arith.select %and3A_1031, %add3A_1032, %rem3A_1023 : i32
    %mul3A_1034 = arith.constant 128 : i32
    %mul3A_1035 = arith.muli %select_n3A_1033, %mul3A_1034 : i32
    %run_scoped3A_1036 = arith.constant 11 : i32
    "tpu.region"() ({
      %run_scoped3A_2557 = tpu.sem_alloc : memref<!tpu.dma_semaphore, #tpu.memory_space<semaphore_mem>>
      %dma_start3A_2558 = arith.constant 0 : i32
      %dma_start3A_2559 = tpu.memref_slice %arg6[%run_scoped3A_1036, %dma_start3A_2558] : memref<12x128xf32, #tpu.memory_space<vmem>> -> memref<1x128xf32, #tpu.memory_space<vmem>>
      %dma_start3A_2560 = tpu.memref_squeeze %dma_start3A_2559 : memref<1x128xf32, #tpu.memory_space<vmem>> -> memref<128xf32, #tpu.memory_space<vmem>>
      %dma_start3A_2561 = tpu.memref_slice %arg2[%select_n3A_1017, %select_n3A_977, %mul3A_1035] : memref<4x8x4096xf32, #tpu.memory_space<hbm>> -> memref<1x1x128xf32, #tpu.memory_space<hbm>>
      %dma_start3A_2562 = tpu.memref_squeeze %dma_start3A_2561 : memref<1x1x128xf32, #tpu.memory_space<hbm>> -> memref<128xf32, #tpu.memory_space<hbm>>
      %dma_start3A_2563 = arith.constant 0 : i32
      %dma_start3A_2564 = tpu.memref_slice %arg6[%run_scoped3A_1036, %dma_start3A_2563] : memref<12x128xf32, #tpu.memory_space<vmem>> -> memref<1x128xf32, #tpu.memory_space<vmem>>
      %dma_start3A_2565 = tpu.memref_squeeze %dma_start3A_2564 : memref<1x128xf32, #tpu.memory_space<vmem>> -> memref<128xf32, #tpu.memory_space<vmem>>
      %dma_start3A_2566 = tpu.memref_slice %arg2[%select_n3A_1017, %select_n3A_977, %mul3A_1035] : memref<4x8x4096xf32, #tpu.memory_space<hbm>> -> memref<1x1x128xf32, #tpu.memory_space<hbm>>
      %dma_start3A_2567 = tpu.memref_squeeze %dma_start3A_2566 : memref<1x1x128xf32, #tpu.memory_space<hbm>> -> memref<128xf32, #tpu.memory_space<hbm>>
      tpu.enqueue_dma source(%dma_start3A_2567 : memref<128xf32, #tpu.memory_space<hbm>>) target(%dma_start3A_2565 : memref<128xf32, #tpu.memory_space<vmem>>) target_semaphore(%run_scoped3A_2557 : memref<!tpu.dma_semaphore, #tpu.memory_space<semaphore_mem>>)
      %dma_wait3A_2568 = arith.constant 0 : i32
      %dma_wait3A_2569 = tpu.memref_slice %arg6[%run_scoped3A_1036, %dma_wait3A_2568] : memref<12x128xf32, #tpu.memory_space<vmem>> -> memref<1x128xf32, #tpu.memory_space<vmem>>
      %dma_wait3A_2570 = tpu.memref_squeeze %dma_wait3A_2569 : memref<1x128xf32, #tpu.memory_space<vmem>> -> memref<128xf32, #tpu.memory_space<vmem>>
      %dma_wait3A_2571 = tpu.memref_slice %arg2[%select_n3A_1017, %select_n3A_977, %mul3A_1035] : memref<4x8x4096xf32, #tpu.memory_space<hbm>> -> memref<1x1x128xf32, #tpu.memory_space<hbm>>
      %dma_wait3A_2572 = tpu.memref_squeeze %dma_wait3A_2571 : memref<1x1x128xf32, #tpu.memory_space<hbm>> -> memref<128xf32, #tpu.memory_space<hbm>>
      %dma_wait3A_2573 = arith.constant 0 : i32
      %dma_wait3A_2574 = tpu.memref_slice %arg6[%run_scoped3A_1036, %dma_wait3A_2573] : memref<12x128xf32, #tpu.memory_space<vmem>> -> memref<1x128xf32, #tpu.memory_space<vmem>>
      %dma_wait3A_2575 = tpu.memref_squeeze %dma_wait3A_2574 : memref<1x128xf32, #tpu.memory_space<vmem>> -> memref<128xf32, #tpu.memory_space<vmem>>
      %dma_wait3A_2576 = tpu.memref_slice %arg2[%select_n3A_1017, %select_n3A_977, %mul3A_1035] : memref<4x8x4096xf32, #tpu.memory_space<hbm>> -> memref<1x1x128xf32, #tpu.memory_space<hbm>>
      %dma_wait3A_2577 = tpu.memref_squeeze %dma_wait3A_2576 : memref<1x1x128xf32, #tpu.memory_space<hbm>> -> memref<128xf32, #tpu.memory_space<hbm>>
      tpu.wait_dma2 semaphore(%run_scoped3A_2557 : memref<!tpu.dma_semaphore, #tpu.memory_space<semaphore_mem>>) src(%dma_wait3A_2577 : memref<128xf32, #tpu.memory_space<hbm>>) dst(%dma_wait3A_2575 : memref<128xf32, #tpu.memory_space<vmem>>)
      tpu.yield
    }) : () -> ()
    %get3A = arith.constant 0 : i32
    %get3A_1037 = arith.index_cast %get3A : i32 to index
    %get3A_1038 = arith.constant 0 : index
    %get3A_1039 = tpu.vector_load %arg6[%get3A_1037, %get3A_1038] {strides = array<i32>} : memref<12x128xf32, #tpu.memory_space<vmem>>, vector<1x16xf32>,
    %get3A_1040 = vector.shape_cast %get3A_1039 : vector<1x16xf32> to vector<16xf32>
    %convert_element_type3A_1041 = arith.fptosi %get3A_1040 : vector<16xf32> to vector<16xi32>
    %swap3A = arith.constant 0 : i32
    %swap3A_1042 = arith.index_cast %swap3A : i32 to index
    %swap3A_1043 = arith.constant 0 : index
    %swap3A_1044 = tpu.vector_load %arg7[%swap3A_1042, %swap3A_1043] {strides = array<i32>} : memref<12x128xi32, #tpu.memory_space<vmem>>, vector<1x16xi32>,
    %swap3A_1045 = vector.shape_cast %swap3A_1044 : vector<1x16xi32> to vector<16xi32>
    %swap3A_1046 = vector.shape_cast %convert_element_type3A_1041 : vector<16xi32> to vector<1x16xi32>
    tpu.vector_store %arg7[%swap3A_1042, %swap3A_1043], %swap3A_1046 {strides = array<i32>} : memref<12x128xi32, #tpu.memory_space<vmem>>, vector<1x16xi32>,
    %get3A_1047 = arith.constant 0 : i32
    %get3A_1048 = arith.index_cast %get3A_1047 : i32 to index
    %get3A_1049 = arith.constant 16 : index
    %get3A_1050 = tpu.vector_load %arg6[%get3A_1048, %get3A_1049] {strides = array<i32>} : memref<12x128xf32, #tpu.memory_space<vmem>>, vector<1x16xf32>,
    %get3A_1051 = vector.shape_cast %get3A_1050 : vector<1x16xf32> to vector<16xf32>
    %convert_element_type3A_1052 = arith.fptosi %get3A_1051 : vector<16xf32> to vector<16xi32>
    %swap3A_1053 = arith.constant 0 : i32
    %swap3A_1054 = arith.index_cast %swap3A_1053 : i32 to index
    %swap3A_1055 = arith.constant 16 : index
    %swap3A_1056 = tpu.vector_load %arg7[%swap3A_1054, %swap3A_1055] {strides = array<i32>} : memref<12x128xi32, #tpu.memory_space<vmem>>, vector<1x16xi32>,
    %swap3A_1057 = vector.shape_cast %swap3A_1056 : vector<1x16xi32> to vector<16xi32>
    %swap3A_1058 = vector.shape_cast %convert_element_type3A_1052 : vector<16xi32> to vector<1x16xi32>
    tpu.vector_store %arg7[%swap3A_1054, %swap3A_1055], %swap3A_1058 {strides = array<i32>} : memref<12x128xi32, #tpu.memory_space<vmem>>, vector<1x16xi32>,
    %get3A_1059 = arith.constant 0 : i32
    %get3A_1060 = arith.index_cast %get3A_1059 : i32 to index
    %get3A_1061 = arith.constant 32 : index
    %get3A_1062 = tpu.vector_load %arg6[%get3A_1060, %get3A_1061] {strides = array<i32>} : memref<12x128xf32, #tpu.memory_space<vmem>>, vector<1x16xf32>,
    %get3A_1063 = vector.shape_cast %get3A_1062 : vector<1x16xf32> to vector<16xf32>
    %convert_element_type3A_1064 = arith.fptosi %get3A_1063 : vector<16xf32> to vector<16xi32>
    %swap3A_1065 = arith.constant 0 : i32
    %swap3A_1066 = arith.index_cast %swap3A_1065 : i32 to index
    %swap3A_1067 = arith.constant 32 : index
    %swap3A_1068 = tpu.vector_load %arg7[%swap3A_1066, %swap3A_1067] {strides = array<i32>} : memref<12x128xi32, #tpu.memory_space<vmem>>, vector<1x16xi32>,
    %swap3A_1069 = vector.shape_cast %swap3A_1068 : vector<1x16xi32> to vector<16xi32>
    %swap3A_1070 = vector.shape_cast %convert_element_type3A_1064 : vector<16xi32> to vector<1x16xi32>
    tpu.vector_store %arg7[%swap3A_1066, %swap3A_1067], %swap3A_1070 {strides = array<i32>} : memref<12x128xi32, #tpu.memory_space<vmem>>, vector<1x16xi32>,
    %get3A_1071 = arith.constant 0 : i32
    %get3A_1072 = arith.index_cast %get3A_1071 : i32 to index
    %get3A_1073 = arith.constant 48 : index
    %get3A_1074 = tpu.vector_load %arg6[%get3A_1072, %get3A_1073] {strides = array<i32>} : memref<12x128xf32, #tpu.memory_space<vmem>>, vector<1x16xf32>,
    %get3A_1075 = vector.shape_cast %get3A_1074 : vector<1x16xf32> to vector<16xf32>
    %convert_element_type3A_1076 = arith.fptosi %get3A_1075 : vector<16xf32> to vector<16xi32>
    %swap3A_1077 = arith.constant 0 : i32
    %swap3A_1078 = arith.index_cast %swap3A_1077 : i32 to index
    %swap3A_1079 = arith.constant 48 : index
    %swap3A_1080 = tpu.vector_load %arg7[%swap3A_1078, %swap3A_1079] {strides = array<i32>} : memref<12x128xi32, #tpu.memory_space<vmem>>, vector<1x16xi32>,
    %swap3A_1081 = vector.shape_cast %swap3A_1080 : vector<1x16xi32> to vector<16xi32>
    %swap3A_1082 = vector.shape_cast %convert_element_type3A_1076 : vector<16xi32> to vector<1x16xi32>
    tpu.vector_store %arg7[%swap3A_1078, %swap3A_1079], %swap3A_1082 {strides = array<i32>} : memref<12x128xi32, #tpu.memory_space<vmem>>, vector<1x16xi32>,
    %get3A_1083 = arith.constant 0 : i32
    %get3A_1084 = arith.index_cast %get3A_1083 : i32 to index
    %get3A_1085 = arith.constant 64 : index
    %get3A_1086 = tpu.vector_load %arg6[%get3A_1084, %get3A_1085] {strides = array<i32>} : memref<12x128xf32, #tpu.memory_space<vmem>>, vector<1x16xf32>,
    %get3A_1087 = vector.shape_cast %get3A_1086 : vector<1x16xf32> to vector<16xf32>
    %convert_element_type3A_1088 = arith.fptosi %get3A_1087 : vector<16xf32> to vector<16xi32>
    %swap3A_1089 = arith.constant 0 : i32
    %swap3A_1090 = arith.index_cast %swap3A_1089 : i32 to index
    %swap3A_1091 = arith.constant 64 : index
    %swap3A_1092 = tpu.vector_load %arg7[%swap3A_1090, %swap3A_1091] {strides = array<i32>} : memref<12x128xi32, #tpu.memory_space<vmem>>, vector<1x16xi32>,
    %swap3A_1093 = vector.shape_cast %swap3A_1092 : vector<1x16xi32> to vector<16xi32>
    %swap3A_1094 = vector.shape_cast %convert_element_type3A_1088 : vector<16xi32> to vector<1x16xi32>
    tpu.vector_store %arg7[%swap3A_1090, %swap3A_1091], %swap3A_1094 {strides = array<i32>} : memref<12x128xi32, #tpu.memory_space<vmem>>, vector<1x16xi32>,
    %get3A_1095 = arith.constant 0 : i32
    %get3A_1096 = arith.index_cast %get3A_1095 : i32 to index
    %get3A_1097 = arith.constant 80 : index
    %get3A_1098 = tpu.vector_load %arg6[%get3A_1096, %get3A_1097] {strides = array<i32>} : memref<12x128xf32, #tpu.memory_space<vmem>>, vector<1x16xf32>,
    %get3A_1099 = vector.shape_cast %get3A_1098 : vector<1x16xf32> to vector<16xf32>
    %convert_element_type3A_1100 = arith.fptosi %get3A_1099 : vector<16xf32> to vector<16xi32>
    %swap3A_1101 = arith.constant 0 : i32
    %swap3A_1102 = arith.index_cast %swap3A_1101 : i32 to index
    %swap3A_1103 = arith.constant 80 : index
    %swap3A_1104 = tpu.vector_load %arg7[%swap3A_1102, %swap3A_1103] {strides = array<i32>} : memref<12x128xi32, #tpu.memory_space<vmem>>, vector<1x16xi32>,
    %swap3A_1105 = vector.shape_cast %swap3A_1104 : vector<1x16xi32> to vector<16xi32>
    %swap3A_1106 = vector.shape_cast %convert_element_type3A_1100 : vector<16xi32> to vector<1x16xi32>
    tpu.vector_store %arg7[%swap3A_1102, %swap3A_1103], %swap3A_1106 {strides = array<i32>} : memref<12x128xi32, #tpu.memory_space<vmem>>, vector<1x16xi32>,
    %get3A_1107 = arith.constant 0 : i32
    %get3A_1108 = arith.index_cast %get3A_1107 : i32 to index
    %get3A_1109 = arith.constant 96 : index
    %get3A_1110 = tpu.vector_load %arg6[%get3A_1108, %get3A_1109] {strides = array<i32>} : memref<12x128xf32, #tpu.memory_space<vmem>>, vector<1x16xf32>,
    %get3A_1111 = vector.shape_cast %get3A_1110 : vector<1x16xf32> to vector<16xf32>
    %convert_element_type3A_1112 = arith.fptosi %get3A_1111 : vector<16xf32> to vector<16xi32>
    %swap3A_1113 = arith.constant 0 : i32
    %swap3A_1114 = arith.index_cast %swap3A_1113 : i32 to index
    %swap3A_1115 = arith.constant 96 : index
    %swap3A_1116 = tpu.vector_load %arg7[%swap3A_1114, %swap3A_1115] {strides = array<i32>} : memref<12x128xi32, #tpu.memory_space<vmem>>, vector<1x16xi32>,
    %swap3A_1117 = vector.shape_cast %swap3A_1116 : vector<1x16xi32> to vector<16xi32>
    %swap3A_1118 = vector.shape_cast %convert_element_type3A_1112 : vector<16xi32> to vector<1x16xi32>
    tpu.vector_store %arg7[%swap3A_1114, %swap3A_1115], %swap3A_1118 {strides = array<i32>} : memref<12x128xi32, #tpu.memory_space<vmem>>, vector<1x16xi32>,
    %get3A_1119 = arith.constant 0 : i32
    %get3A_1120 = arith.index_cast %get3A_1119 : i32 to index
    %get3A_1121 = arith.constant 112 : index
    %get3A_1122 = tpu.vector_load %arg6[%get3A_1120, %get3A_1121] {strides = array<i32>} : memref<12x128xf32, #tpu.memory_space<vmem>>, vector<1x16xf32>,
    %get3A_1123 = vector.shape_cast %get3A_1122 : vector<1x16xf32> to vector<16xf32>
    %convert_element_type3A_1124 = arith.fptosi %get3A_1123 : vector<16xf32> to vector<16xi32>
    %swap3A_1125 = arith.constant 0 : i32
    %swap3A_1126 = arith.index_cast %swap3A_1125 : i32 to index
    %swap3A_1127 = arith.constant 112 : index
    %swap3A_1128 = tpu.vector_load %arg7[%swap3A_1126, %swap3A_1127] {strides = array<i32>} : memref<12x128xi32, #tpu.memory_space<vmem>>, vector<1x16xi32>,
    %swap3A_1129 = vector.shape_cast %swap3A_1128 : vector<1x16xi32> to vector<16xi32>
    %swap3A_1130 = vector.shape_cast %convert_element_type3A_1124 : vector<16xi32> to vector<1x16xi32>
    tpu.vector_store %arg7[%swap3A_1126, %swap3A_1127], %swap3A_1130 {strides = array<i32>} : memref<12x128xi32, #tpu.memory_space<vmem>>, vector<1x16xi32>,
    %get3A_1131 = arith.constant 1 : i32
    %get3A_1132 = arith.index_cast %get3A_1131 : i32 to index
    %get3A_1133 = arith.constant 0 : index
    %get3A_1134 = tpu.vector_load %arg6[%get3A_1132, %get3A_1133] {strides = array<i32>} : memref<12x128xf32, #tpu.memory_space<vmem>>, vector<1x16xf32>,
    %get3A_1135 = vector.shape_cast %get3A_1134 : vector<1x16xf32> to vector<16xf32>
    %convert_element_type3A_1136 = arith.fptosi %get3A_1135 : vector<16xf32> to vector<16xi32>
    %swap3A_1137 = arith.constant 1 : i32
    %swap3A_1138 = arith.index_cast %swap3A_1137 : i32 to index
    %swap3A_1139 = arith.constant 0 : index
    %swap3A_1140 = tpu.vector_load %arg7[%swap3A_1138, %swap3A_1139] {strides = array<i32>} : memref<12x128xi32, #tpu.memory_space<vmem>>, vector<1x16xi32>,
    %swap3A_1141 = vector.shape_cast %swap3A_1140 : vector<1x16xi32> to vector<16xi32>
    %swap3A_1142 = vector.shape_cast %convert_element_type3A_1136 : vector<16xi32> to vector<1x16xi32>
    tpu.vector_store %arg7[%swap3A_1138, %swap3A_1139], %swap3A_1142 {strides = array<i32>} : memref<12x128xi32, #tpu.memory_space<vmem>>, vector<1x16xi32>,
    %get3A_1143 = arith.constant 1 : i32
    %get3A_1144 = arith.index_cast %get3A_1143 : i32 to index
    %get3A_1145 = arith.constant 16 : index
    %get3A_1146 = tpu.vector_load %arg6[%get3A_1144, %get3A_1145] {strides = array<i32>} : memref<12x128xf32, #tpu.memory_space<vmem>>, vector<1x16xf32>,
    %get3A_1147 = vector.shape_cast %get3A_1146 : vector<1x16xf32> to vector<16xf32>
    %convert_element_type3A_1148 = arith.fptosi %get3A_1147 : vector<16xf32> to vector<16xi32>
    %swap3A_1149 = arith.constant 1 : i32
    %swap3A_1150 = arith.index_cast %swap3A_1149 : i32 to index
    %swap3A_1151 = arith.constant 16 : index
    %swap3A_1152 = tpu.vector_load %arg7[%swap3A_1150, %swap3A_1151] {strides = array<i32>} : memref<12x128xi32, #tpu.memory_space<vmem>>, vector<1x16xi32>,
    %swap3A_1153 = vector.shape_cast %swap3A_1152 : vector<1x16xi32> to vector<16xi32>
    %swap3A_1154 = vector.shape_cast %convert_element_type3A_1148 : vector<16xi32> to vector<1x16xi32>
    tpu.vector_store %arg7[%swap3A_1150, %swap3A_1151], %swap3A_1154 {strides = array<i32>} : memref<12x128xi32, #tpu.memory_space<vmem>>, vector<1x16xi32>,
    %get3A_1155 = arith.constant 1 : i32
    %get3A_1156 = arith.index_cast %get3A_1155 : i32 to index
    %get3A_1157 = arith.constant 32 : index
    %get3A_1158 = tpu.vector_load %arg6[%get3A_1156, %get3A_1157] {strides = array<i32>} : memref<12x128xf32, #tpu.memory_space<vmem>>, vector<1x16xf32>,
    %get3A_1159 = vector.shape_cast %get3A_1158 : vector<1x16xf32> to vector<16xf32>
    %convert_element_type3A_1160 = arith.fptosi %get3A_1159 : vector<16xf32> to vector<16xi32>
    %swap3A_1161 = arith.constant 1 : i32
    %swap3A_1162 = arith.index_cast %swap3A_1161 : i32 to index
    %swap3A_1163 = arith.constant 32 : index
    %swap3A_1164 = tpu.vector_load %arg7[%swap3A_1162, %swap3A_1163] {strides = array<i32>} : memref<12x128xi32, #tpu.memory_space<vmem>>, vector<1x16xi32>,
    %swap3A_1165 = vector.shape_cast %swap3A_1164 : vector<1x16xi32> to vector<16xi32>
    %swap3A_1166 = vector.shape_cast %convert_element_type3A_1160 : vector<16xi32> to vector<1x16xi32>
    tpu.vector_store %arg7[%swap3A_1162, %swap3A_1163], %swap3A_1166 {strides = array<i32>} : memref<12x128xi32, #tpu.memory_space<vmem>>, vector<1x16xi32>,
    %get3A_1167 = arith.constant 1 : i32
    %get3A_1168 = arith.index_cast %get3A_1167 : i32 to index
    %get3A_1169 = arith.constant 48 : index
    %get3A_1170 = tpu.vector_load %arg6[%get3A_1168, %get3A_1169] {strides = array<i32>} : memref<12x128xf32, #tpu.memory_space<vmem>>, vector<1x16xf32>,
    %get3A_1171 = vector.shape_cast %get3A_1170 : vector<1x16xf32> to vector<16xf32>
    %convert_element_type3A_1172 = arith.fptosi %get3A_1171 : vector<16xf32> to vector<16xi32>
    %swap3A_1173 = arith.constant 1 : i32
    %swap3A_1174 = arith.index_cast %swap3A_1173 : i32 to index
    %swap3A_1175 = arith.constant 48 : index
    %swap3A_1176 = tpu.vector_load %arg7[%swap3A_1174, %swap3A_1175] {strides = array<i32>} : memref<12x128xi32, #tpu.memory_space<vmem>>, vector<1x16xi32>,
    %swap3A_1177 = vector.shape_cast %swap3A_1176 : vector<1x16xi32> to vector<16xi32>
    %swap3A_1178 = vector.shape_cast %convert_element_type3A_1172 : vector<16xi32> to vector<1x16xi32>
    tpu.vector_store %arg7[%swap3A_1174, %swap3A_1175], %swap3A_1178 {strides = array<i32>} : memref<12x128xi32, #tpu.memory_space<vmem>>, vector<1x16xi32>,
    %get3A_1179 = arith.constant 1 : i32
    %get3A_1180 = arith.index_cast %get3A_1179 : i32 to index
    %get3A_1181 = arith.constant 64 : index
    %get3A_1182 = tpu.vector_load %arg6[%get3A_1180, %get3A_1181] {strides = array<i32>} : memref<12x128xf32, #tpu.memory_space<vmem>>, vector<1x16xf32>,
    %get3A_1183 = vector.shape_cast %get3A_1182 : vector<1x16xf32> to vector<16xf32>
    %convert_element_type3A_1184 = arith.fptosi %get3A_1183 : vector<16xf32> to vector<16xi32>
    %swap3A_1185 = arith.constant 1 : i32
    %swap3A_1186 = arith.index_cast %swap3A_1185 : i32 to index
    %swap3A_1187 = arith.constant 64 : index
    %swap3A_1188 = tpu.vector_load %arg7[%swap3A_1186, %swap3A_1187] {strides = array<i32>} : memref<12x128xi32, #tpu.memory_space<vmem>>, vector<1x16xi32>,
    %swap3A_1189 = vector.shape_cast %swap3A_1188 : vector<1x16xi32> to vector<16xi32>
    %swap3A_1190 = vector.shape_cast %convert_element_type3A_1184 : vector<16xi32> to vector<1x16xi32>
    tpu.vector_store %arg7[%swap3A_1186, %swap3A_1187], %swap3A_1190 {strides = array<i32>} : memref<12x128xi32, #tpu.memory_space<vmem>>, vector<1x16xi32>,
    %get3A_1191 = arith.constant 1 : i32
    %get3A_1192 = arith.index_cast %get3A_1191 : i32 to index
    %get3A_1193 = arith.constant 80 : index
    %get3A_1194 = tpu.vector_load %arg6[%get3A_1192, %get3A_1193] {strides = array<i32>} : memref<12x128xf32, #tpu.memory_space<vmem>>, vector<1x16xf32>,
    %get3A_1195 = vector.shape_cast %get3A_1194 : vector<1x16xf32> to vector<16xf32>
    %convert_element_type3A_1196 = arith.fptosi %get3A_1195 : vector<16xf32> to vector<16xi32>
    %swap3A_1197 = arith.constant 1 : i32
    %swap3A_1198 = arith.index_cast %swap3A_1197 : i32 to index
    %swap3A_1199 = arith.constant 80 : index
    %swap3A_1200 = tpu.vector_load %arg7[%swap3A_1198, %swap3A_1199] {strides = array<i32>} : memref<12x128xi32, #tpu.memory_space<vmem>>, vector<1x16xi32>,
    %swap3A_1201 = vector.shape_cast %swap3A_1200 : vector<1x16xi32> to vector<16xi32>
    %swap3A_1202 = vector.shape_cast %convert_element_type3A_1196 : vector<16xi32> to vector<1x16xi32>
    tpu.vector_store %arg7[%swap3A_1198, %swap3A_1199], %swap3A_1202 {strides = array<i32>} : memref<12x128xi32, #tpu.memory_space<vmem>>, vector<1x16xi32>,
    %get3A_1203 = arith.constant 1 : i32
    %get3A_1204 = arith.index_cast %get3A_1203 : i32 to index
    %get3A_1205 = arith.constant 96 : index
    %get3A_1206 = tpu.vector_load %arg6[%get3A_1204, %get3A_1205] {strides = array<i32>} : memref<12x128xf32, #tpu.memory_space<vmem>>, vector<1x16xf32>,
    %get3A_1207 = vector.shape_cast %get3A_1206 : vector<1x16xf32> to vector<16xf32>
    %convert_element_type3A_1208 = arith.fptosi %get3A_1207 : vector<16xf32> to vector<16xi32>
    %swap3A_1209 = arith.constant 1 : i32
    %swap3A_1210 = arith.index_cast %swap3A_1209 : i32 to index
    %swap3A_1211 = arith.constant 96 : index
    %swap3A_1212 = tpu.vector_load %arg7[%swap3A_1210, %swap3A_1211] {strides = array<i32>} : memref<12x128xi32, #tpu.memory_space<vmem>>, vector<1x16xi32>,
    %swap3A_1213 = vector.shape_cast %swap3A_1212 : vector<1x16xi32> to vector<16xi32>
    %swap3A_1214 = vector.shape_cast %convert_element_type3A_1208 : vector<16xi32> to vector<1x16xi32>
    tpu.vector_store %arg7[%swap3A_1210, %swap3A_1211], %swap3A_1214 {strides = array<i32>} : memref<12x128xi32, #tpu.memory_space<vmem>>, vector<1x16xi32>,
    %get3A_1215 = arith.constant 1 : i32
    %get3A_1216 = arith.index_cast %get3A_1215 : i32 to index
    %get3A_1217 = arith.constant 112 : index
    %get3A_1218 = tpu.vector_load %arg6[%get3A_1216, %get3A_1217] {strides = array<i32>} : memref<12x128xf32, #tpu.memory_space<vmem>>, vector<1x16xf32>,
    %get3A_1219 = vector.shape_cast %get3A_1218 : vector<1x16xf32> to vector<16xf32>
    %convert_element_type3A_1220 = arith.fptosi %get3A_1219 : vector<16xf32> to vector<16xi32>
    %swap3A_1221 = arith.constant 1 : i32
    %swap3A_1222 = arith.index_cast %swap3A_1221 : i32 to index
    %swap3A_1223 = arith.constant 112 : index
    %swap3A_1224 = tpu.vector_load %arg7[%swap3A_1222, %swap3A_1223] {strides = array<i32>} : memref<12x128xi32, #tpu.memory_space<vmem>>, vector<1x16xi32>,
    %swap3A_1225 = vector.shape_cast %swap3A_1224 : vector<1x16xi32> to vector<16xi32>
    %swap3A_1226 = vector.shape_cast %convert_element_type3A_1220 : vector<16xi32> to vector<1x16xi32>
    tpu.vector_store %arg7[%swap3A_1222, %swap3A_1223], %swap3A_1226 {strides = array<i32>} : memref<12x128xi32, #tpu.memory_space<vmem>>, vector<1x16xi32>,
    %get3A_1227 = arith.constant 2 : i32
    %get3A_1228 = arith.index_cast %get3A_1227 : i32 to index
    %get3A_1229 = arith.constant 0 : index
    %get3A_1230 = tpu.vector_load %arg6[%get3A_1228, %get3A_1229] {strides = array<i32>} : memref<12x128xf32, #tpu.memory_space<vmem>>, vector<1x16xf32>,
    %get3A_1231 = vector.shape_cast %get3A_1230 : vector<1x16xf32> to vector<16xf32>
    %convert_element_type3A_1232 = arith.fptosi %get3A_1231 : vector<16xf32> to vector<16xi32>
    %swap3A_1233 = arith.constant 2 : i32
    %swap3A_1234 = arith.index_cast %swap3A_1233 : i32 to index
    %swap3A_1235 = arith.constant 0 : index
    %swap3A_1236 = tpu.vector_load %arg7[%swap3A_1234, %swap3A_1235] {strides = array<i32>} : memref<12x128xi32, #tpu.memory_space<vmem>>, vector<1x16xi32>,
    %swap3A_1237 = vector.shape_cast %swap3A_1236 : vector<1x16xi32> to vector<16xi32>
    %swap3A_1238 = vector.shape_cast %convert_element_type3A_1232 : vector<16xi32> to vector<1x16xi32>
    tpu.vector_store %arg7[%swap3A_1234, %swap3A_1235], %swap3A_1238 {strides = array<i32>} : memref<12x128xi32, #tpu.memory_space<vmem>>, vector<1x16xi32>,
    %get3A_1239 = arith.constant 2 : i32
    %get3A_1240 = arith.index_cast %get3A_1239 : i32 to index
    %get3A_1241 = arith.constant 16 : index
    %get3A_1242 = tpu.vector_load %arg6[%get3A_1240, %get3A_1241] {strides = array<i32>} : memref<12x128xf32, #tpu.memory_space<vmem>>, vector<1x16xf32>,
    %get3A_1243 = vector.shape_cast %get3A_1242 : vector<1x16xf32> to vector<16xf32>
    %convert_element_type3A_1244 = arith.fptosi %get3A_1243 : vector<16xf32> to vector<16xi32>
    %swap3A_1245 = arith.constant 2 : i32
    %swap3A_1246 = arith.index_cast %swap3A_1245 : i32 to index
    %swap3A_1247 = arith.constant 16 : index
    %swap3A_1248 = tpu.vector_load %arg7[%swap3A_1246, %swap3A_1247] {strides = array<i32>} : memref<12x128xi32, #tpu.memory_space<vmem>>, vector<1x16xi32>,
    %swap3A_1249 = vector.shape_cast %swap3A_1248 : vector<1x16xi32> to vector<16xi32>
    %swap3A_1250 = vector.shape_cast %convert_element_type3A_1244 : vector<16xi32> to vector<1x16xi32>
    tpu.vector_store %arg7[%swap3A_1246, %swap3A_1247], %swap3A_1250 {strides = array<i32>} : memref<12x128xi32, #tpu.memory_space<vmem>>, vector<1x16xi32>,
    %get3A_1251 = arith.constant 2 : i32
    %get3A_1252 = arith.index_cast %get3A_1251 : i32 to index
    %get3A_1253 = arith.constant 32 : index
    %get3A_1254 = tpu.vector_load %arg6[%get3A_1252, %get3A_1253] {strides = array<i32>} : memref<12x128xf32, #tpu.memory_space<vmem>>, vector<1x16xf32>,
    %get3A_1255 = vector.shape_cast %get3A_1254 : vector<1x16xf32> to vector<16xf32>
    %convert_element_type3A_1256 = arith.fptosi %get3A_1255 : vector<16xf32> to vector<16xi32>
    %swap3A_1257 = arith.constant 2 : i32
    %swap3A_1258 = arith.index_cast %swap3A_1257 : i32 to index
    %swap3A_1259 = arith.constant 32 : index
    %swap3A_1260 = tpu.vector_load %arg7[%swap3A_1258, %swap3A_1259] {strides = array<i32>} : memref<12x128xi32, #tpu.memory_space<vmem>>, vector<1x16xi32>,
    %swap3A_1261 = vector.shape_cast %swap3A_1260 : vector<1x16xi32> to vector<16xi32>
    %swap3A_1262 = vector.shape_cast %convert_element_type3A_1256 : vector<16xi32> to vector<1x16xi32>
    tpu.vector_store %arg7[%swap3A_1258, %swap3A_1259], %swap3A_1262 {strides = array<i32>} : memref<12x128xi32, #tpu.memory_space<vmem>>, vector<1x16xi32>,
    %get3A_1263 = arith.constant 2 : i32
    %get3A_1264 = arith.index_cast %get3A_1263 : i32 to index
    %get3A_1265 = arith.constant 48 : index
    %get3A_1266 = tpu.vector_load %arg6[%get3A_1264, %get3A_1265] {strides = array<i32>} : memref<12x128xf32, #tpu.memory_space<vmem>>, vector<1x16xf32>,
    %get3A_1267 = vector.shape_cast %get3A_1266 : vector<1x16xf32> to vector<16xf32>
    %convert_element_type3A_1268 = arith.fptosi %get3A_1267 : vector<16xf32> to vector<16xi32>
    %swap3A_1269 = arith.constant 2 : i32
    %swap3A_1270 = arith.index_cast %swap3A_1269 : i32 to index
    %swap3A_1271 = arith.constant 48 : index
    %swap3A_1272 = tpu.vector_load %arg7[%swap3A_1270, %swap3A_1271] {strides = array<i32>} : memref<12x128xi32, #tpu.memory_space<vmem>>, vector<1x16xi32>,
    %swap3A_1273 = vector.shape_cast %swap3A_1272 : vector<1x16xi32> to vector<16xi32>
    %swap3A_1274 = vector.shape_cast %convert_element_type3A_1268 : vector<16xi32> to vector<1x16xi32>
    tpu.vector_store %arg7[%swap3A_1270, %swap3A_1271], %swap3A_1274 {strides = array<i32>} : memref<12x128xi32, #tpu.memory_space<vmem>>, vector<1x16xi32>,
    %get3A_1275 = arith.constant 2 : i32
    %get3A_1276 = arith.index_cast %get3A_1275 : i32 to index
    %get3A_1277 = arith.constant 64 : index
    %get3A_1278 = tpu.vector_load %arg6[%get3A_1276, %get3A_1277] {strides = array<i32>} : memref<12x128xf32, #tpu.memory_space<vmem>>, vector<1x16xf32>,
    %get3A_1279 = vector.shape_cast %get3A_1278 : vector<1x16xf32> to vector<16xf32>
    %convert_element_type3A_1280 = arith.fptosi %get3A_1279 : vector<16xf32> to vector<16xi32>
    %swap3A_1281 = arith.constant 2 : i32
    %swap3A_1282 = arith.index_cast %swap3A_1281 : i32 to index
    %swap3A_1283 = arith.constant 64 : index
    %swap3A_1284 = tpu.vector_load %arg7[%swap3A_1282, %swap3A_1283] {strides = array<i32>} : memref<12x128xi32, #tpu.memory_space<vmem>>, vector<1x16xi32>,
    %swap3A_1285 = vector.shape_cast %swap3A_1284 : vector<1x16xi32> to vector<16xi32>
    %swap3A_1286 = vector.shape_cast %convert_element_type3A_1280 : vector<16xi32> to vector<1x16xi32>
    tpu.vector_store %arg7[%swap3A_1282, %swap3A_1283], %swap3A_1286 {strides = array<i32>} : memref<12x128xi32, #tpu.memory_space<vmem>>, vector<1x16xi32>,
    %get3A_1287 = arith.constant 2 : i32
    %get3A_1288 = arith.index_cast %get3A_1287 : i32 to index
    %get3A_1289 = arith.constant 80 : index
    %get3A_1290 = tpu.vector_load %arg6[%get3A_1288, %get3A_1289] {strides = array<i32>} : memref<12x128xf32, #tpu.memory_space<vmem>>, vector<1x16xf32>,
    %get3A_1291 = vector.shape_cast %get3A_1290 : vector<1x16xf32> to vector<16xf32>
    %convert_element_type3A_1292 = arith.fptosi %get3A_1291 : vector<16xf32> to vector<16xi32>
    %swap3A_1293 = arith.constant 2 : i32
    %swap3A_1294 = arith.index_cast %swap3A_1293 : i32 to index
    %swap3A_1295 = arith.constant 80 : index
    %swap3A_1296 = tpu.vector_load %arg7[%swap3A_1294, %swap3A_1295] {strides = array<i32>} : memref<12x128xi32, #tpu.memory_space<vmem>>, vector<1x16xi32>,
    %swap3A_1297 = vector.shape_cast %swap3A_1296 : vector<1x16xi32> to vector<16xi32>
    %swap3A_1298 = vector.shape_cast %convert_element_type3A_1292 : vector<16xi32> to vector<1x16xi32>
    tpu.vector_store %arg7[%swap3A_1294, %swap3A_1295], %swap3A_1298 {strides = array<i32>} : memref<12x128xi32, #tpu.memory_space<vmem>>, vector<1x16xi32>,
    %get3A_1299 = arith.constant 2 : i32
    %get3A_1300 = arith.index_cast %get3A_1299 : i32 to index
    %get3A_1301 = arith.constant 96 : index
    %get3A_1302 = tpu.vector_load %arg6[%get3A_1300, %get3A_1301] {strides = array<i32>} : memref<12x128xf32, #tpu.memory_space<vmem>>, vector<1x16xf32>,
    %get3A_1303 = vector.shape_cast %get3A_1302 : vector<1x16xf32> to vector<16xf32>
    %convert_element_type3A_1304 = arith.fptosi %get3A_1303 : vector<16xf32> to vector<16xi32>
    %swap3A_1305 = arith.constant 2 : i32
    %swap3A_1306 = arith.index_cast %swap3A_1305 : i32 to index
    %swap3A_1307 = arith.constant 96 : index
    %swap3A_1308 = tpu.vector_load %arg7[%swap3A_1306, %swap3A_1307] {strides = array<i32>} : memref<12x128xi32, #tpu.memory_space<vmem>>, vector<1x16xi32>,
    %swap3A_1309 = vector.shape_cast %swap3A_1308 : vector<1x16xi32> to vector<16xi32>
    %swap3A_1310 = vector.shape_cast %convert_element_type3A_1304 : vector<16xi32> to vector<1x16xi32>
    tpu.vector_store %arg7[%swap3A_1306, %swap3A_1307], %swap3A_1310 {strides = array<i32>} : memref<12x128xi32, #tpu.memory_space<vmem>>, vector<1x16xi32>,
    %get3A_1311 = arith.constant 2 : i32
    %get3A_1312 = arith.index_cast %get3A_1311 : i32 to index
    %get3A_1313 = arith.constant 112 : index
    %get3A_1314 = tpu.vector_load %arg6[%get3A_1312, %get3A_1313] {strides = array<i32>} : memref<12x128xf32, #tpu.memory_space<vmem>>, vector<1x16xf32>,
    %get3A_1315 = vector.shape_cast %get3A_1314 : vector<1x16xf32> to vector<16xf32>
    %convert_element_type3A_1316 = arith.fptosi %get3A_1315 : vector<16xf32> to vector<16xi32>
    %swap3A_1317 = arith.constant 2 : i32
    %swap3A_1318 = arith.index_cast %swap3A_1317 : i32 to index
    %swap3A_1319 = arith.constant 112 : index
    %swap3A_1320 = tpu.vector_load %arg7[%swap3A_1318, %swap3A_1319] {strides = array<i32>} : memref<12x128xi32, #tpu.memory_space<vmem>>, vector<1x16xi32>,
    %swap3A_1321 = vector.shape_cast %swap3A_1320 : vector<1x16xi32> to vector<16xi32>
    %swap3A_1322 = vector.shape_cast %convert_element_type3A_1316 : vector<16xi32> to vector<1x16xi32>
    tpu.vector_store %arg7[%swap3A_1318, %swap3A_1319], %swap3A_1322 {strides = array<i32>} : memref<12x128xi32, #tpu.memory_space<vmem>>, vector<1x16xi32>,
    %get3A_1323 = arith.constant 3 : i32
    %get3A_1324 = arith.index_cast %get3A_1323 : i32 to index
    %get3A_1325 = arith.constant 0 : index
    %get3A_1326 = tpu.vector_load %arg6[%get3A_1324, %get3A_1325] {strides = array<i32>} : memref<12x128xf32, #tpu.memory_space<vmem>>, vector<1x16xf32>,
    %get3A_1327 = vector.shape_cast %get3A_1326 : vector<1x16xf32> to vector<16xf32>
    %convert_element_type3A_1328 = arith.fptosi %get3A_1327 : vector<16xf32> to vector<16xi32>
    %swap3A_1329 = arith.constant 3 : i32
    %swap3A_1330 = arith.index_cast %swap3A_1329 : i32 to index
    %swap3A_1331 = arith.constant 0 : index
    %swap3A_1332 = tpu.vector_load %arg7[%swap3A_1330, %swap3A_1331] {strides = array<i32>} : memref<12x128xi32, #tpu.memory_space<vmem>>, vector<1x16xi32>,
    %swap3A_1333 = vector.shape_cast %swap3A_1332 : vector<1x16xi32> to vector<16xi32>
    %swap3A_1334 = vector.shape_cast %convert_element_type3A_1328 : vector<16xi32> to vector<1x16xi32>
    tpu.vector_store %arg7[%swap3A_1330, %swap3A_1331], %swap3A_1334 {strides = array<i32>} : memref<12x128xi32, #tpu.memory_space<vmem>>, vector<1x16xi32>,
    %get3A_1335 = arith.constant 3 : i32
    %get3A_1336 = arith.index_cast %get3A_1335 : i32 to index
    %get3A_1337 = arith.constant 16 : index
    %get3A_1338 = tpu.vector_load %arg6[%get3A_1336, %get3A_1337] {strides = array<i32>} : memref<12x128xf32, #tpu.memory_space<vmem>>, vector<1x16xf32>,
    %get3A_1339 = vector.shape_cast %get3A_1338 : vector<1x16xf32> to vector<16xf32>
    %convert_element_type3A_1340 = arith.fptosi %get3A_1339 : vector<16xf32> to vector<16xi32>
    %swap3A_1341 = arith.constant 3 : i32
    %swap3A_1342 = arith.index_cast %swap3A_1341 : i32 to index
    %swap3A_1343 = arith.constant 16 : index
    %swap3A_1344 = tpu.vector_load %arg7[%swap3A_1342, %swap3A_1343] {strides = array<i32>} : memref<12x128xi32, #tpu.memory_space<vmem>>, vector<1x16xi32>,
    %swap3A_1345 = vector.shape_cast %swap3A_1344 : vector<1x16xi32> to vector<16xi32>
    %swap3A_1346 = vector.shape_cast %convert_element_type3A_1340 : vector<16xi32> to vector<1x16xi32>
    tpu.vector_store %arg7[%swap3A_1342, %swap3A_1343], %swap3A_1346 {strides = array<i32>} : memref<12x128xi32, #tpu.memory_space<vmem>>, vector<1x16xi32>,
    %get3A_1347 = arith.constant 3 : i32
    %get3A_1348 = arith.index_cast %get3A_1347 : i32 to index
    %get3A_1349 = arith.constant 32 : index
    %get3A_1350 = tpu.vector_load %arg6[%get3A_1348, %get3A_1349] {strides = array<i32>} : memref<12x128xf32, #tpu.memory_space<vmem>>, vector<1x16xf32>,
    %get3A_1351 = vector.shape_cast %get3A_1350 : vector<1x16xf32> to vector<16xf32>
    %convert_element_type3A_1352 = arith.fptosi %get3A_1351 : vector<16xf32> to vector<16xi32>
    %swap3A_1353 = arith.constant 3 : i32
    %swap3A_1354 = arith.index_cast %swap3A_1353 : i32 to index
    %swap3A_1355 = arith.constant 32 : index
    %swap3A_1356 = tpu.vector_load %arg7[%swap3A_1354, %swap3A_1355] {strides = array<i32>} : memref<12x128xi32, #tpu.memory_space<vmem>>, vector<1x16xi32>,
    %swap3A_1357 = vector.shape_cast %swap3A_1356 : vector<1x16xi32> to vector<16xi32>
    %swap3A_1358 = vector.shape_cast %convert_element_type3A_1352 : vector<16xi32> to vector<1x16xi32>
    tpu.vector_store %arg7[%swap3A_1354, %swap3A_1355], %swap3A_1358 {strides = array<i32>} : memref<12x128xi32, #tpu.memory_space<vmem>>, vector<1x16xi32>,
    %get3A_1359 = arith.constant 3 : i32
    %get3A_1360 = arith.index_cast %get3A_1359 : i32 to index
    %get3A_1361 = arith.constant 48 : index
    %get3A_1362 = tpu.vector_load %arg6[%get3A_1360, %get3A_1361] {strides = array<i32>} : memref<12x128xf32, #tpu.memory_space<vmem>>, vector<1x16xf32>,
    %get3A_1363 = vector.shape_cast %get3A_1362 : vector<1x16xf32> to vector<16xf32>
    %convert_element_type3A_1364 = arith.fptosi %get3A_1363 : vector<16xf32> to vector<16xi32>
    %swap3A_1365 = arith.constant 3 : i32
    %swap3A_1366 = arith.index_cast %swap3A_1365 : i32 to index
    %swap3A_1367 = arith.constant 48 : index
    %swap3A_1368 = tpu.vector_load %arg7[%swap3A_1366, %swap3A_1367] {strides = array<i32>} : memref<12x128xi32, #tpu.memory_space<vmem>>, vector<1x16xi32>,
    %swap3A_1369 = vector.shape_cast %swap3A_1368 : vector<1x16xi32> to vector<16xi32>
    %swap3A_1370 = vector.shape_cast %convert_element_type3A_1364 : vector<16xi32> to vector<1x16xi32>
    tpu.vector_store %arg7[%swap3A_1366, %swap3A_1367], %swap3A_1370 {strides = array<i32>} : memref<12x128xi32, #tpu.memory_space<vmem>>, vector<1x16xi32>,
    %get3A_1371 = arith.constant 3 : i32
    %get3A_1372 = arith.index_cast %get3A_1371 : i32 to index
    %get3A_1373 = arith.constant 64 : index
    %get3A_1374 = tpu.vector_load %arg6[%get3A_1372, %get3A_1373] {strides = array<i32>} : memref<12x128xf32, #tpu.memory_space<vmem>>, vector<1x16xf32>,
    %get3A_1375 = vector.shape_cast %get3A_1374 : vector<1x16xf32> to vector<16xf32>
    %convert_element_type3A_1376 = arith.fptosi %get3A_1375 : vector<16xf32> to vector<16xi32>
    %swap3A_1377 = arith.constant 3 : i32
    %swap3A_1378 = arith.index_cast %swap3A_1377 : i32 to index
    %swap3A_1379 = arith.constant 64 : index
    %swap3A_1380 = tpu.vector_load %arg7[%swap3A_1378, %swap3A_1379] {strides = array<i32>} : memref<12x128xi32, #tpu.memory_space<vmem>>, vector<1x16xi32>,
    %swap3A_1381 = vector.shape_cast %swap3A_1380 : vector<1x16xi32> to vector<16xi32>
    %swap3A_1382 = vector.shape_cast %convert_element_type3A_1376 : vector<16xi32> to vector<1x16xi32>
    tpu.vector_store %arg7[%swap3A_1378, %swap3A_1379], %swap3A_1382 {strides = array<i32>} : memref<12x128xi32, #tpu.memory_space<vmem>>, vector<1x16xi32>,
    %get3A_1383 = arith.constant 3 : i32
    %get3A_1384 = arith.index_cast %get3A_1383 : i32 to index
    %get3A_1385 = arith.constant 80 : index
    %get3A_1386 = tpu.vector_load %arg6[%get3A_1384, %get3A_1385] {strides = array<i32>} : memref<12x128xf32, #tpu.memory_space<vmem>>, vector<1x16xf32>,
    %get3A_1387 = vector.shape_cast %get3A_1386 : vector<1x16xf32> to vector<16xf32>
    %convert_element_type3A_1388 = arith.fptosi %get3A_1387 : vector<16xf32> to vector<16xi32>
    %swap3A_1389 = arith.constant 3 : i32
    %swap3A_1390 = arith.index_cast %swap3A_1389 : i32 to index
    %swap3A_1391 = arith.constant 80 : index
    %swap3A_1392 = tpu.vector_load %arg7[%swap3A_1390, %swap3A_1391] {strides = array<i32>} : memref<12x128xi32, #tpu.memory_space<vmem>>, vector<1x16xi32>,
    %swap3A_1393 = vector.shape_cast %swap3A_1392 : vector<1x16xi32> to vector<16xi32>
    %swap3A_1394 = vector.shape_cast %convert_element_type3A_1388 : vector<16xi32> to vector<1x16xi32>
    tpu.vector_store %arg7[%swap3A_1390, %swap3A_1391], %swap3A_1394 {strides = array<i32>} : memref<12x128xi32, #tpu.memory_space<vmem>>, vector<1x16xi32>,
    %get3A_1395 = arith.constant 3 : i32
    %get3A_1396 = arith.index_cast %get3A_1395 : i32 to index
    %get3A_1397 = arith.constant 96 : index
    %get3A_1398 = tpu.vector_load %arg6[%get3A_1396, %get3A_1397] {strides = array<i32>} : memref<12x128xf32, #tpu.memory_space<vmem>>, vector<1x16xf32>,
    %get3A_1399 = vector.shape_cast %get3A_1398 : vector<1x16xf32> to vector<16xf32>
    %convert_element_type3A_1400 = arith.fptosi %get3A_1399 : vector<16xf32> to vector<16xi32>
    %swap3A_1401 = arith.constant 3 : i32
    %swap3A_1402 = arith.index_cast %swap3A_1401 : i32 to index
    %swap3A_1403 = arith.constant 96 : index
    %swap3A_1404 = tpu.vector_load %arg7[%swap3A_1402, %swap3A_1403] {strides = array<i32>} : memref<12x128xi32, #tpu.memory_space<vmem>>, vector<1x16xi32>,
    %swap3A_1405 = vector.shape_cast %swap3A_1404 : vector<1x16xi32> to vector<16xi32>
    %swap3A_1406 = vector.shape_cast %convert_element_type3A_1400 : vector<16xi32> to vector<1x16xi32>
    tpu.vector_store %arg7[%swap3A_1402, %swap3A_1403], %swap3A_1406 {strides = array<i32>} : memref<12x128xi32, #tpu.memory_space<vmem>>, vector<1x16xi32>,
    %get3A_1407 = arith.constant 3 : i32
    %get3A_1408 = arith.index_cast %get3A_1407 : i32 to index
    %get3A_1409 = arith.constant 112 : index
    %get3A_1410 = tpu.vector_load %arg6[%get3A_1408, %get3A_1409] {strides = array<i32>} : memref<12x128xf32, #tpu.memory_space<vmem>>, vector<1x16xf32>,
    %get3A_1411 = vector.shape_cast %get3A_1410 : vector<1x16xf32> to vector<16xf32>
    %convert_element_type3A_1412 = arith.fptosi %get3A_1411 : vector<16xf32> to vector<16xi32>
    %swap3A_1413 = arith.constant 3 : i32
    %swap3A_1414 = arith.index_cast %swap3A_1413 : i32 to index
    %swap3A_1415 = arith.constant 112 : index
    %swap3A_1416 = tpu.vector_load %arg7[%swap3A_1414, %swap3A_1415] {strides = array<i32>} : memref<12x128xi32, #tpu.memory_space<vmem>>, vector<1x16xi32>,
    %swap3A_1417 = vector.shape_cast %swap3A_1416 : vector<1x16xi32> to vector<16xi32>
    %swap3A_1418 = vector.shape_cast %convert_element_type3A_1412 : vector<16xi32> to vector<1x16xi32>
    tpu.vector_store %arg7[%swap3A_1414, %swap3A_1415], %swap3A_1418 {strides = array<i32>} : memref<12x128xi32, #tpu.memory_space<vmem>>, vector<1x16xi32>,
    %get3A_1419 = arith.constant 4 : i32
    %get3A_1420 = arith.index_cast %get3A_1419 : i32 to index
    %get3A_1421 = arith.constant 0 : index
    %get3A_1422 = tpu.vector_load %arg6[%get3A_1420, %get3A_1421] {strides = array<i32>} : memref<12x128xf32, #tpu.memory_space<vmem>>, vector<1x16xf32>,
    %get3A_1423 = vector.shape_cast %get3A_1422 : vector<1x16xf32> to vector<16xf32>
    %convert_element_type3A_1424 = arith.fptosi %get3A_1423 : vector<16xf32> to vector<16xi32>
    %swap3A_1425 = arith.constant 4 : i32
    %swap3A_1426 = arith.index_cast %swap3A_1425 : i32 to index
    %swap3A_1427 = arith.constant 0 : index
    %swap3A_1428 = tpu.vector_load %arg7[%swap3A_1426, %swap3A_1427] {strides = array<i32>} : memref<12x128xi32, #tpu.memory_space<vmem>>, vector<1x16xi32>,
    %swap3A_1429 = vector.shape_cast %swap3A_1428 : vector<1x16xi32> to vector<16xi32>
    %swap3A_1430 = vector.shape_cast %convert_element_type3A_1424 : vector<16xi32> to vector<1x16xi32>
    tpu.vector_store %arg7[%swap3A_1426, %swap3A_1427], %swap3A_1430 {strides = array<i32>} : memref<12x128xi32, #tpu.memory_space<vmem>>, vector<1x16xi32>,
    %get3A_1431 = arith.constant 4 : i32
    %get3A_1432 = arith.index_cast %get3A_1431 : i32 to index
    %get3A_1433 = arith.constant 16 : index
    %get3A_1434 = tpu.vector_load %arg6[%get3A_1432, %get3A_1433] {strides = array<i32>} : memref<12x128xf32, #tpu.memory_space<vmem>>, vector<1x16xf32>,
    %get3A_1435 = vector.shape_cast %get3A_1434 : vector<1x16xf32> to vector<16xf32>
    %convert_element_type3A_1436 = arith.fptosi %get3A_1435 : vector<16xf32> to vector<16xi32>
    %swap3A_1437 = arith.constant 4 : i32
    %swap3A_1438 = arith.index_cast %swap3A_1437 : i32 to index
    %swap3A_1439 = arith.constant 16 : index
    %swap3A_1440 = tpu.vector_load %arg7[%swap3A_1438, %swap3A_1439] {strides = array<i32>} : memref<12x128xi32, #tpu.memory_space<vmem>>, vector<1x16xi32>,
    %swap3A_1441 = vector.shape_cast %swap3A_1440 : vector<1x16xi32> to vector<16xi32>
    %swap3A_1442 = vector.shape_cast %convert_element_type3A_1436 : vector<16xi32> to vector<1x16xi32>
    tpu.vector_store %arg7[%swap3A_1438, %swap3A_1439], %swap3A_1442 {strides = array<i32>} : memref<12x128xi32, #tpu.memory_space<vmem>>, vector<1x16xi32>,
    %get3A_1443 = arith.constant 4 : i32
    %get3A_1444 = arith.index_cast %get3A_1443 : i32 to index
    %get3A_1445 = arith.constant 32 : index
    %get3A_1446 = tpu.vector_load %arg6[%get3A_1444, %get3A_1445] {strides = array<i32>} : memref<12x128xf32, #tpu.memory_space<vmem>>, vector<1x16xf32>,
    %get3A_1447 = vector.shape_cast %get3A_1446 : vector<1x16xf32> to vector<16xf32>
    %convert_element_type3A_1448 = arith.fptosi %get3A_1447 : vector<16xf32> to vector<16xi32>
    %swap3A_1449 = arith.constant 4 : i32
    %swap3A_1450 = arith.index_cast %swap3A_1449 : i32 to index
    %swap3A_1451 = arith.constant 32 : index
    %swap3A_1452 = tpu.vector_load %arg7[%swap3A_1450, %swap3A_1451] {strides = array<i32>} : memref<12x128xi32, #tpu.memory_space<vmem>>, vector<1x16xi32>,
    %swap3A_1453 = vector.shape_cast %swap3A_1452 : vector<1x16xi32> to vector<16xi32>
    %swap3A_1454 = vector.shape_cast %convert_element_type3A_1448 : vector<16xi32> to vector<1x16xi32>
    tpu.vector_store %arg7[%swap3A_1450, %swap3A_1451], %swap3A_1454 {strides = array<i32>} : memref<12x128xi32, #tpu.memory_space<vmem>>, vector<1x16xi32>,
    %get3A_1455 = arith.constant 4 : i32
    %get3A_1456 = arith.index_cast %get3A_1455 : i32 to index
    %get3A_1457 = arith.constant 48 : index
    %get3A_1458 = tpu.vector_load %arg6[%get3A_1456, %get3A_1457] {strides = array<i32>} : memref<12x128xf32, #tpu.memory_space<vmem>>, vector<1x16xf32>,
    %get3A_1459 = vector.shape_cast %get3A_1458 : vector<1x16xf32> to vector<16xf32>
    %convert_element_type3A_1460 = arith.fptosi %get3A_1459 : vector<16xf32> to vector<16xi32>
    %swap3A_1461 = arith.constant 4 : i32
    %swap3A_1462 = arith.index_cast %swap3A_1461 : i32 to index
    %swap3A_1463 = arith.constant 48 : index
    %swap3A_1464 = tpu.vector_load %arg7[%swap3A_1462, %swap3A_1463] {strides = array<i32>} : memref<12x128xi32, #tpu.memory_space<vmem>>, vector<1x16xi32>,
    %swap3A_1465 = vector.shape_cast %swap3A_1464 : vector<1x16xi32> to vector<16xi32>
    %swap3A_1466 = vector.shape_cast %convert_element_type3A_1460 : vector<16xi32> to vector<1x16xi32>
    tpu.vector_store %arg7[%swap3A_1462, %swap3A_1463], %swap3A_1466 {strides = array<i32>} : memref<12x128xi32, #tpu.memory_space<vmem>>, vector<1x16xi32>,
    %get3A_1467 = arith.constant 4 : i32
    %get3A_1468 = arith.index_cast %get3A_1467 : i32 to index
    %get3A_1469 = arith.constant 64 : index
    %get3A_1470 = tpu.vector_load %arg6[%get3A_1468, %get3A_1469] {strides = array<i32>} : memref<12x128xf32, #tpu.memory_space<vmem>>, vector<1x16xf32>,
    %get3A_1471 = vector.shape_cast %get3A_1470 : vector<1x16xf32> to vector<16xf32>
    %convert_element_type3A_1472 = arith.fptosi %get3A_1471 : vector<16xf32> to vector<16xi32>
    %swap3A_1473 = arith.constant 4 : i32
    %swap3A_1474 = arith.index_cast %swap3A_1473 : i32 to index
    %swap3A_1475 = arith.constant 64 : index
    %swap3A_1476 = tpu.vector_load %arg7[%swap3A_1474, %swap3A_1475] {strides = array<i32>} : memref<12x128xi32, #tpu.memory_space<vmem>>, vector<1x16xi32>,
    %swap3A_1477 = vector.shape_cast %swap3A_1476 : vector<1x16xi32> to vector<16xi32>
    %swap3A_1478 = vector.shape_cast %convert_element_type3A_1472 : vector<16xi32> to vector<1x16xi32>
    tpu.vector_store %arg7[%swap3A_1474, %swap3A_1475], %swap3A_1478 {strides = array<i32>} : memref<12x128xi32, #tpu.memory_space<vmem>>, vector<1x16xi32>,
    %get3A_1479 = arith.constant 4 : i32
    %get3A_1480 = arith.index_cast %get3A_1479 : i32 to index
    %get3A_1481 = arith.constant 80 : index
    %get3A_1482 = tpu.vector_load %arg6[%get3A_1480, %get3A_1481] {strides = array<i32>} : memref<12x128xf32, #tpu.memory_space<vmem>>, vector<1x16xf32>,
    %get3A_1483 = vector.shape_cast %get3A_1482 : vector<1x16xf32> to vector<16xf32>
    %convert_element_type3A_1484 = arith.fptosi %get3A_1483 : vector<16xf32> to vector<16xi32>
    %swap3A_1485 = arith.constant 4 : i32
    %swap3A_1486 = arith.index_cast %swap3A_1485 : i32 to index
    %swap3A_1487 = arith.constant 80 : index
    %swap3A_1488 = tpu.vector_load %arg7[%swap3A_1486, %swap3A_1487] {strides = array<i32>} : memref<12x128xi32, #tpu.memory_space<vmem>>, vector<1x16xi32>,
    %swap3A_1489 = vector.shape_cast %swap3A_1488 : vector<1x16xi32> to vector<16xi32>
    %swap3A_1490 = vector.shape_cast %convert_element_type3A_1484 : vector<16xi32> to vector<1x16xi32>
    tpu.vector_store %arg7[%swap3A_1486, %swap3A_1487], %swap3A_1490 {strides = array<i32>} : memref<12x128xi32, #tpu.memory_space<vmem>>, vector<1x16xi32>,
    %get3A_1491 = arith.constant 4 : i32
    %get3A_1492 = arith.index_cast %get3A_1491 : i32 to index
    %get3A_1493 = arith.constant 96 : index
    %get3A_1494 = tpu.vector_load %arg6[%get3A_1492, %get3A_1493] {strides = array<i32>} : memref<12x128xf32, #tpu.memory_space<vmem>>, vector<1x16xf32>,
    %get3A_1495 = vector.shape_cast %get3A_1494 : vector<1x16xf32> to vector<16xf32>
    %convert_element_type3A_1496 = arith.fptosi %get3A_1495 : vector<16xf32> to vector<16xi32>
    %swap3A_1497 = arith.constant 4 : i32
    %swap3A_1498 = arith.index_cast %swap3A_1497 : i32 to index
    %swap3A_1499 = arith.constant 96 : index
    %swap3A_1500 = tpu.vector_load %arg7[%swap3A_1498, %swap3A_1499] {strides = array<i32>} : memref<12x128xi32, #tpu.memory_space<vmem>>, vector<1x16xi32>,
    %swap3A_1501 = vector.shape_cast %swap3A_1500 : vector<1x16xi32> to vector<16xi32>
    %swap3A_1502 = vector.shape_cast %convert_element_type3A_1496 : vector<16xi32> to vector<1x16xi32>
    tpu.vector_store %arg7[%swap3A_1498, %swap3A_1499], %swap3A_1502 {strides = array<i32>} : memref<12x128xi32, #tpu.memory_space<vmem>>, vector<1x16xi32>,
    %get3A_1503 = arith.constant 4 : i32
    %get3A_1504 = arith.index_cast %get3A_1503 : i32 to index
    %get3A_1505 = arith.constant 112 : index
    %get3A_1506 = tpu.vector_load %arg6[%get3A_1504, %get3A_1505] {strides = array<i32>} : memref<12x128xf32, #tpu.memory_space<vmem>>, vector<1x16xf32>,
    %get3A_1507 = vector.shape_cast %get3A_1506 : vector<1x16xf32> to vector<16xf32>
    %convert_element_type3A_1508 = arith.fptosi %get3A_1507 : vector<16xf32> to vector<16xi32>
    %swap3A_1509 = arith.constant 4 : i32
    %swap3A_1510 = arith.index_cast %swap3A_1509 : i32 to index
    %swap3A_1511 = arith.constant 112 : index
    %swap3A_1512 = tpu.vector_load %arg7[%swap3A_1510, %swap3A_1511] {strides = array<i32>} : memref<12x128xi32, #tpu.memory_space<vmem>>, vector<1x16xi32>,
    %swap3A_1513 = vector.shape_cast %swap3A_1512 : vector<1x16xi32> to vector<16xi32>
    %swap3A_1514 = vector.shape_cast %convert_element_type3A_1508 : vector<16xi32> to vector<1x16xi32>
    tpu.vector_store %arg7[%swap3A_1510, %swap3A_1511], %swap3A_1514 {strides = array<i32>} : memref<12x128xi32, #tpu.memory_space<vmem>>, vector<1x16xi32>,
    %get3A_1515 = arith.constant 5 : i32
    %get3A_1516 = arith.index_cast %get3A_1515 : i32 to index
    %get3A_1517 = arith.constant 0 : index
    %get3A_1518 = tpu.vector_load %arg6[%get3A_1516, %get3A_1517] {strides = array<i32>} : memref<12x128xf32, #tpu.memory_space<vmem>>, vector<1x16xf32>,
    %get3A_1519 = vector.shape_cast %get3A_1518 : vector<1x16xf32> to vector<16xf32>
    %convert_element_type3A_1520 = arith.fptosi %get3A_1519 : vector<16xf32> to vector<16xi32>
    %swap3A_1521 = arith.constant 5 : i32
    %swap3A_1522 = arith.index_cast %swap3A_1521 : i32 to index
    %swap3A_1523 = arith.constant 0 : index
    %swap3A_1524 = tpu.vector_load %arg7[%swap3A_1522, %swap3A_1523] {strides = array<i32>} : memref<12x128xi32, #tpu.memory_space<vmem>>, vector<1x16xi32>,
    %swap3A_1525 = vector.shape_cast %swap3A_1524 : vector<1x16xi32> to vector<16xi32>
    %swap3A_1526 = vector.shape_cast %convert_element_type3A_1520 : vector<16xi32> to vector<1x16xi32>
    tpu.vector_store %arg7[%swap3A_1522, %swap3A_1523], %swap3A_1526 {strides = array<i32>} : memref<12x128xi32, #tpu.memory_space<vmem>>, vector<1x16xi32>,
    %get3A_1527 = arith.constant 5 : i32
    %get3A_1528 = arith.index_cast %get3A_1527 : i32 to index
    %get3A_1529 = arith.constant 16 : index
    %get3A_1530 = tpu.vector_load %arg6[%get3A_1528, %get3A_1529] {strides = array<i32>} : memref<12x128xf32, #tpu.memory_space<vmem>>, vector<1x16xf32>,
    %get3A_1531 = vector.shape_cast %get3A_1530 : vector<1x16xf32> to vector<16xf32>
    %convert_element_type3A_1532 = arith.fptosi %get3A_1531 : vector<16xf32> to vector<16xi32>
    %swap3A_1533 = arith.constant 5 : i32
    %swap3A_1534 = arith.index_cast %swap3A_1533 : i32 to index
    %swap3A_1535 = arith.constant 16 : index
    %swap3A_1536 = tpu.vector_load %arg7[%swap3A_1534, %swap3A_1535] {strides = array<i32>} : memref<12x128xi32, #tpu.memory_space<vmem>>, vector<1x16xi32>,
    %swap3A_1537 = vector.shape_cast %swap3A_1536 : vector<1x16xi32> to vector<16xi32>
    %swap3A_1538 = vector.shape_cast %convert_element_type3A_1532 : vector<16xi32> to vector<1x16xi32>
    tpu.vector_store %arg7[%swap3A_1534, %swap3A_1535], %swap3A_1538 {strides = array<i32>} : memref<12x128xi32, #tpu.memory_space<vmem>>, vector<1x16xi32>,
    %get3A_1539 = arith.constant 5 : i32
    %get3A_1540 = arith.index_cast %get3A_1539 : i32 to index
    %get3A_1541 = arith.constant 32 : index
    %get3A_1542 = tpu.vector_load %arg6[%get3A_1540, %get3A_1541] {strides = array<i32>} : memref<12x128xf32, #tpu.memory_space<vmem>>, vector<1x16xf32>,
    %get3A_1543 = vector.shape_cast %get3A_1542 : vector<1x16xf32> to vector<16xf32>
    %convert_element_type3A_1544 = arith.fptosi %get3A_1543 : vector<16xf32> to vector<16xi32>
    %swap3A_1545 = arith.constant 5 : i32
    %swap3A_1546 = arith.index_cast %swap3A_1545 : i32 to index
    %swap3A_1547 = arith.constant 32 : index
    %swap3A_1548 = tpu.vector_load %arg7[%swap3A_1546, %swap3A_1547] {strides = array<i32>} : memref<12x128xi32, #tpu.memory_space<vmem>>, vector<1x16xi32>,
    %swap3A_1549 = vector.shape_cast %swap3A_1548 : vector<1x16xi32> to vector<16xi32>
    %swap3A_1550 = vector.shape_cast %convert_element_type3A_1544 : vector<16xi32> to vector<1x16xi32>
    tpu.vector_store %arg7[%swap3A_1546, %swap3A_1547], %swap3A_1550 {strides = array<i32>} : memref<12x128xi32, #tpu.memory_space<vmem>>, vector<1x16xi32>,
    %get3A_1551 = arith.constant 5 : i32
    %get3A_1552 = arith.index_cast %get3A_1551 : i32 to index
    %get3A_1553 = arith.constant 48 : index
    %get3A_1554 = tpu.vector_load %arg6[%get3A_1552, %get3A_1553] {strides = array<i32>} : memref<12x128xf32, #tpu.memory_space<vmem>>, vector<1x16xf32>,
    %get3A_1555 = vector.shape_cast %get3A_1554 : vector<1x16xf32> to vector<16xf32>
    %convert_element_type3A_1556 = arith.fptosi %get3A_1555 : vector<16xf32> to vector<16xi32>
    %swap3A_1557 = arith.constant 5 : i32
    %swap3A_1558 = arith.index_cast %swap3A_1557 : i32 to index
    %swap3A_1559 = arith.constant 48 : index
    %swap3A_1560 = tpu.vector_load %arg7[%swap3A_1558, %swap3A_1559] {strides = array<i32>} : memref<12x128xi32, #tpu.memory_space<vmem>>, vector<1x16xi32>,
    %swap3A_1561 = vector.shape_cast %swap3A_1560 : vector<1x16xi32> to vector<16xi32>
    %swap3A_1562 = vector.shape_cast %convert_element_type3A_1556 : vector<16xi32> to vector<1x16xi32>
    tpu.vector_store %arg7[%swap3A_1558, %swap3A_1559], %swap3A_1562 {strides = array<i32>} : memref<12x128xi32, #tpu.memory_space<vmem>>, vector<1x16xi32>,
    %get3A_1563 = arith.constant 5 : i32
    %get3A_1564 = arith.index_cast %get3A_1563 : i32 to index
    %get3A_1565 = arith.constant 64 : index
    %get3A_1566 = tpu.vector_load %arg6[%get3A_1564, %get3A_1565] {strides = array<i32>} : memref<12x128xf32, #tpu.memory_space<vmem>>, vector<1x16xf32>,
    %get3A_1567 = vector.shape_cast %get3A_1566 : vector<1x16xf32> to vector<16xf32>
    %convert_element_type3A_1568 = arith.fptosi %get3A_1567 : vector<16xf32> to vector<16xi32>
    %swap3A_1569 = arith.constant 5 : i32
    %swap3A_1570 = arith.index_cast %swap3A_1569 : i32 to index
    %swap3A_1571 = arith.constant 64 : index
    %swap3A_1572 = tpu.vector_load %arg7[%swap3A_1570, %swap3A_1571] {strides = array<i32>} : memref<12x128xi32, #tpu.memory_space<vmem>>, vector<1x16xi32>,
    %swap3A_1573 = vector.shape_cast %swap3A_1572 : vector<1x16xi32> to vector<16xi32>
    %swap3A_1574 = vector.shape_cast %convert_element_type3A_1568 : vector<16xi32> to vector<1x16xi32>
    tpu.vector_store %arg7[%swap3A_1570, %swap3A_1571], %swap3A_1574 {strides = array<i32>} : memref<12x128xi32, #tpu.memory_space<vmem>>, vector<1x16xi32>,
    %get3A_1575 = arith.constant 5 : i32
    %get3A_1576 = arith.index_cast %get3A_1575 : i32 to index
    %get3A_1577 = arith.constant 80 : index
    %get3A_1578 = tpu.vector_load %arg6[%get3A_1576, %get3A_1577] {strides = array<i32>} : memref<12x128xf32, #tpu.memory_space<vmem>>, vector<1x16xf32>,
    %get3A_1579 = vector.shape_cast %get3A_1578 : vector<1x16xf32> to vector<16xf32>
    %convert_element_type3A_1580 = arith.fptosi %get3A_1579 : vector<16xf32> to vector<16xi32>
    %swap3A_1581 = arith.constant 5 : i32
    %swap3A_1582 = arith.index_cast %swap3A_1581 : i32 to index
    %swap3A_1583 = arith.constant 80 : index
    %swap3A_1584 = tpu.vector_load %arg7[%swap3A_1582, %swap3A_1583] {strides = array<i32>} : memref<12x128xi32, #tpu.memory_space<vmem>>, vector<1x16xi32>,
    %swap3A_1585 = vector.shape_cast %swap3A_1584 : vector<1x16xi32> to vector<16xi32>
    %swap3A_1586 = vector.shape_cast %convert_element_type3A_1580 : vector<16xi32> to vector<1x16xi32>
    tpu.vector_store %arg7[%swap3A_1582, %swap3A_1583], %swap3A_1586 {strides = array<i32>} : memref<12x128xi32, #tpu.memory_space<vmem>>, vector<1x16xi32>,
    %get3A_1587 = arith.constant 5 : i32
    %get3A_1588 = arith.index_cast %get3A_1587 : i32 to index
    %get3A_1589 = arith.constant 96 : index
    %get3A_1590 = tpu.vector_load %arg6[%get3A_1588, %get3A_1589] {strides = array<i32>} : memref<12x128xf32, #tpu.memory_space<vmem>>, vector<1x16xf32>,
    %get3A_1591 = vector.shape_cast %get3A_1590 : vector<1x16xf32> to vector<16xf32>
    %convert_element_type3A_1592 = arith.fptosi %get3A_1591 : vector<16xf32> to vector<16xi32>
    %swap3A_1593 = arith.constant 5 : i32
    %swap3A_1594 = arith.index_cast %swap3A_1593 : i32 to index
    %swap3A_1595 = arith.constant 96 : index
    %swap3A_1596 = tpu.vector_load %arg7[%swap3A_1594, %swap3A_1595] {strides = array<i32>} : memref<12x128xi32, #tpu.memory_space<vmem>>, vector<1x16xi32>,
    %swap3A_1597 = vector.shape_cast %swap3A_1596 : vector<1x16xi32> to vector<16xi32>
    %swap3A_1598 = vector.shape_cast %convert_element_type3A_1592 : vector<16xi32> to vector<1x16xi32>
    tpu.vector_store %arg7[%swap3A_1594, %swap3A_1595], %swap3A_1598 {strides = array<i32>} : memref<12x128xi32, #tpu.memory_space<vmem>>, vector<1x16xi32>,
    %get3A_1599 = arith.constant 5 : i32
    %get3A_1600 = arith.index_cast %get3A_1599 : i32 to index
    %get3A_1601 = arith.constant 112 : index
    %get3A_1602 = tpu.vector_load %arg6[%get3A_1600, %get3A_1601] {strides = array<i32>} : memref<12x128xf32, #tpu.memory_space<vmem>>, vector<1x16xf32>,
    %get3A_1603 = vector.shape_cast %get3A_1602 : vector<1x16xf32> to vector<16xf32>
    %convert_element_type3A_1604 = arith.fptosi %get3A_1603 : vector<16xf32> to vector<16xi32>
    %swap3A_1605 = arith.constant 5 : i32
    %swap3A_1606 = arith.index_cast %swap3A_1605 : i32 to index
    %swap3A_1607 = arith.constant 112 : index
    %swap3A_1608 = tpu.vector_load %arg7[%swap3A_1606, %swap3A_1607] {strides = array<i32>} : memref<12x128xi32, #tpu.memory_space<vmem>>, vector<1x16xi32>,
    %swap3A_1609 = vector.shape_cast %swap3A_1608 : vector<1x16xi32> to vector<16xi32>
    %swap3A_1610 = vector.shape_cast %convert_element_type3A_1604 : vector<16xi32> to vector<1x16xi32>
    tpu.vector_store %arg7[%swap3A_1606, %swap3A_1607], %swap3A_1610 {strides = array<i32>} : memref<12x128xi32, #tpu.memory_space<vmem>>, vector<1x16xi32>,
    %get3A_1611 = arith.constant 6 : i32
    %get3A_1612 = arith.index_cast %get3A_1611 : i32 to index
    %get3A_1613 = arith.constant 0 : index
    %get3A_1614 = tpu.vector_load %arg6[%get3A_1612, %get3A_1613] {strides = array<i32>} : memref<12x128xf32, #tpu.memory_space<vmem>>, vector<1x16xf32>,
    %get3A_1615 = vector.shape_cast %get3A_1614 : vector<1x16xf32> to vector<16xf32>
    %convert_element_type3A_1616 = arith.fptosi %get3A_1615 : vector<16xf32> to vector<16xi32>
    %swap3A_1617 = arith.constant 6 : i32
    %swap3A_1618 = arith.index_cast %swap3A_1617 : i32 to index
    %swap3A_1619 = arith.constant 0 : index
    %swap3A_1620 = tpu.vector_load %arg7[%swap3A_1618, %swap3A_1619] {strides = array<i32>} : memref<12x128xi32, #tpu.memory_space<vmem>>, vector<1x16xi32>,
    %swap3A_1621 = vector.shape_cast %swap3A_1620 : vector<1x16xi32> to vector<16xi32>
    %swap3A_1622 = vector.shape_cast %convert_element_type3A_1616 : vector<16xi32> to vector<1x16xi32>
    tpu.vector_store %arg7[%swap3A_1618, %swap3A_1619], %swap3A_1622 {strides = array<i32>} : memref<12x128xi32, #tpu.memory_space<vmem>>, vector<1x16xi32>,
    %get3A_1623 = arith.constant 6 : i32
    %get3A_1624 = arith.index_cast %get3A_1623 : i32 to index
    %get3A_1625 = arith.constant 16 : index
    %get3A_1626 = tpu.vector_load %arg6[%get3A_1624, %get3A_1625] {strides = array<i32>} : memref<12x128xf32, #tpu.memory_space<vmem>>, vector<1x16xf32>,
    %get3A_1627 = vector.shape_cast %get3A_1626 : vector<1x16xf32> to vector<16xf32>
    %convert_element_type3A_1628 = arith.fptosi %get3A_1627 : vector<16xf32> to vector<16xi32>
    %swap3A_1629 = arith.constant 6 : i32
    %swap3A_1630 = arith.index_cast %swap3A_1629 : i32 to index
    %swap3A_1631 = arith.constant 16 : index
    %swap3A_1632 = tpu.vector_load %arg7[%swap3A_1630, %swap3A_1631] {strides = array<i32>} : memref<12x128xi32, #tpu.memory_space<vmem>>, vector<1x16xi32>,
    %swap3A_1633 = vector.shape_cast %swap3A_1632 : vector<1x16xi32> to vector<16xi32>
    %swap3A_1634 = vector.shape_cast %convert_element_type3A_1628 : vector<16xi32> to vector<1x16xi32>
    tpu.vector_store %arg7[%swap3A_1630, %swap3A_1631], %swap3A_1634 {strides = array<i32>} : memref<12x128xi32, #tpu.memory_space<vmem>>, vector<1x16xi32>,
    %get3A_1635 = arith.constant 6 : i32
    %get3A_1636 = arith.index_cast %get3A_1635 : i32 to index
    %get3A_1637 = arith.constant 32 : index
    %get3A_1638 = tpu.vector_load %arg6[%get3A_1636, %get3A_1637] {strides = array<i32>} : memref<12x128xf32, #tpu.memory_space<vmem>>, vector<1x16xf32>,
    %get3A_1639 = vector.shape_cast %get3A_1638 : vector<1x16xf32> to vector<16xf32>
    %convert_element_type3A_1640 = arith.fptosi %get3A_1639 : vector<16xf32> to vector<16xi32>
    %swap3A_1641 = arith.constant 6 : i32
    %swap3A_1642 = arith.index_cast %swap3A_1641 : i32 to index
    %swap3A_1643 = arith.constant 32 : index
    %swap3A_1644 = tpu.vector_load %arg7[%swap3A_1642, %swap3A_1643] {strides = array<i32>} : memref<12x128xi32, #tpu.memory_space<vmem>>, vector<1x16xi32>,
    %swap3A_1645 = vector.shape_cast %swap3A_1644 : vector<1x16xi32> to vector<16xi32>
    %swap3A_1646 = vector.shape_cast %convert_element_type3A_1640 : vector<16xi32> to vector<1x16xi32>
    tpu.vector_store %arg7[%swap3A_1642, %swap3A_1643], %swap3A_1646 {strides = array<i32>} : memref<12x128xi32, #tpu.memory_space<vmem>>, vector<1x16xi32>,
    %get3A_1647 = arith.constant 6 : i32
    %get3A_1648 = arith.index_cast %get3A_1647 : i32 to index
    %get3A_1649 = arith.constant 48 : index
    %get3A_1650 = tpu.vector_load %arg6[%get3A_1648, %get3A_1649] {strides = array<i32>} : memref<12x128xf32, #tpu.memory_space<vmem>>, vector<1x16xf32>,
    %get3A_1651 = vector.shape_cast %get3A_1650 : vector<1x16xf32> to vector<16xf32>
    %convert_element_type3A_1652 = arith.fptosi %get3A_1651 : vector<16xf32> to vector<16xi32>
    %swap3A_1653 = arith.constant 6 : i32
    %swap3A_1654 = arith.index_cast %swap3A_1653 : i32 to index
    %swap3A_1655 = arith.constant 48 : index
    %swap3A_1656 = tpu.vector_load %arg7[%swap3A_1654, %swap3A_1655] {strides = array<i32>} : memref<12x128xi32, #tpu.memory_space<vmem>>, vector<1x16xi32>,
    %swap3A_1657 = vector.shape_cast %swap3A_1656 : vector<1x16xi32> to vector<16xi32>
    %swap3A_1658 = vector.shape_cast %convert_element_type3A_1652 : vector<16xi32> to vector<1x16xi32>
    tpu.vector_store %arg7[%swap3A_1654, %swap3A_1655], %swap3A_1658 {strides = array<i32>} : memref<12x128xi32, #tpu.memory_space<vmem>>, vector<1x16xi32>,
    %get3A_1659 = arith.constant 6 : i32
    %get3A_1660 = arith.index_cast %get3A_1659 : i32 to index
    %get3A_1661 = arith.constant 64 : index
    %get3A_1662 = tpu.vector_load %arg6[%get3A_1660, %get3A_1661] {strides = array<i32>} : memref<12x128xf32, #tpu.memory_space<vmem>>, vector<1x16xf32>,
    %get3A_1663 = vector.shape_cast %get3A_1662 : vector<1x16xf32> to vector<16xf32>
    %convert_element_type3A_1664 = arith.fptosi %get3A_1663 : vector<16xf32> to vector<16xi32>
    %swap3A_1665 = arith.constant 6 : i32
    %swap3A_1666 = arith.index_cast %swap3A_1665 : i32 to index
    %swap3A_1667 = arith.constant 64 : index
    %swap3A_1668 = tpu.vector_load %arg7[%swap3A_1666, %swap3A_1667] {strides = array<i32>} : memref<12x128xi32, #tpu.memory_space<vmem>>, vector<1x16xi32>,
    %swap3A_1669 = vector.shape_cast %swap3A_1668 : vector<1x16xi32> to vector<16xi32>
    %swap3A_1670 = vector.shape_cast %convert_element_type3A_1664 : vector<16xi32> to vector<1x16xi32>
    tpu.vector_store %arg7[%swap3A_1666, %swap3A_1667], %swap3A_1670 {strides = array<i32>} : memref<12x128xi32, #tpu.memory_space<vmem>>, vector<1x16xi32>,
    %get3A_1671 = arith.constant 6 : i32
    %get3A_1672 = arith.index_cast %get3A_1671 : i32 to index
    %get3A_1673 = arith.constant 80 : index
    %get3A_1674 = tpu.vector_load %arg6[%get3A_1672, %get3A_1673] {strides = array<i32>} : memref<12x128xf32, #tpu.memory_space<vmem>>, vector<1x16xf32>,
    %get3A_1675 = vector.shape_cast %get3A_1674 : vector<1x16xf32> to vector<16xf32>
    %convert_element_type3A_1676 = arith.fptosi %get3A_1675 : vector<16xf32> to vector<16xi32>
    %swap3A_1677 = arith.constant 6 : i32
    %swap3A_1678 = arith.index_cast %swap3A_1677 : i32 to index
    %swap3A_1679 = arith.constant 80 : index
    %swap3A_1680 = tpu.vector_load %arg7[%swap3A_1678, %swap3A_1679] {strides = array<i32>} : memref<12x128xi32, #tpu.memory_space<vmem>>, vector<1x16xi32>,
    %swap3A_1681 = vector.shape_cast %swap3A_1680 : vector<1x16xi32> to vector<16xi32>
    %swap3A_1682 = vector.shape_cast %convert_element_type3A_1676 : vector<16xi32> to vector<1x16xi32>
    tpu.vector_store %arg7[%swap3A_1678, %swap3A_1679], %swap3A_1682 {strides = array<i32>} : memref<12x128xi32, #tpu.memory_space<vmem>>, vector<1x16xi32>,
    %get3A_1683 = arith.constant 6 : i32
    %get3A_1684 = arith.index_cast %get3A_1683 : i32 to index
    %get3A_1685 = arith.constant 96 : index
    %get3A_1686 = tpu.vector_load %arg6[%get3A_1684, %get3A_1685] {strides = array<i32>} : memref<12x128xf32, #tpu.memory_space<vmem>>, vector<1x16xf32>,
    %get3A_1687 = vector.shape_cast %get3A_1686 : vector<1x16xf32> to vector<16xf32>
    %convert_element_type3A_1688 = arith.fptosi %get3A_1687 : vector<16xf32> to vector<16xi32>
    %swap3A_1689 = arith.constant 6 : i32
    %swap3A_1690 = arith.index_cast %swap3A_1689 : i32 to index
    %swap3A_1691 = arith.constant 96 : index
    %swap3A_1692 = tpu.vector_load %arg7[%swap3A_1690, %swap3A_1691] {strides = array<i32>} : memref<12x128xi32, #tpu.memory_space<vmem>>, vector<1x16xi32>,
    %swap3A_1693 = vector.shape_cast %swap3A_1692 : vector<1x16xi32> to vector<16xi32>
    %swap3A_1694 = vector.shape_cast %convert_element_type3A_1688 : vector<16xi32> to vector<1x16xi32>
    tpu.vector_store %arg7[%swap3A_1690, %swap3A_1691], %swap3A_1694 {strides = array<i32>} : memref<12x128xi32, #tpu.memory_space<vmem>>, vector<1x16xi32>,
    %get3A_1695 = arith.constant 6 : i32
    %get3A_1696 = arith.index_cast %get3A_1695 : i32 to index
    %get3A_1697 = arith.constant 112 : index
    %get3A_1698 = tpu.vector_load %arg6[%get3A_1696, %get3A_1697] {strides = array<i32>} : memref<12x128xf32, #tpu.memory_space<vmem>>, vector<1x16xf32>,
    %get3A_1699 = vector.shape_cast %get3A_1698 : vector<1x16xf32> to vector<16xf32>
    %convert_element_type3A_1700 = arith.fptosi %get3A_1699 : vector<16xf32> to vector<16xi32>
    %swap3A_1701 = arith.constant 6 : i32
    %swap3A_1702 = arith.index_cast %swap3A_1701 : i32 to index
    %swap3A_1703 = arith.constant 112 : index
    %swap3A_1704 = tpu.vector_load %arg7[%swap3A_1702, %swap3A_1703] {strides = array<i32>} : memref<12x128xi32, #tpu.memory_space<vmem>>, vector<1x16xi32>,
    %swap3A_1705 = vector.shape_cast %swap3A_1704 : vector<1x16xi32> to vector<16xi32>
    %swap3A_1706 = vector.shape_cast %convert_element_type3A_1700 : vector<16xi32> to vector<1x16xi32>
    tpu.vector_store %arg7[%swap3A_1702, %swap3A_1703], %swap3A_1706 {strides = array<i32>} : memref<12x128xi32, #tpu.memory_space<vmem>>, vector<1x16xi32>,
    %get3A_1707 = arith.constant 7 : i32
    %get3A_1708 = arith.index_cast %get3A_1707 : i32 to index
    %get3A_1709 = arith.constant 0 : index
    %get3A_1710 = tpu.vector_load %arg6[%get3A_1708, %get3A_1709] {strides = array<i32>} : memref<12x128xf32, #tpu.memory_space<vmem>>, vector<1x16xf32>,
    %get3A_1711 = vector.shape_cast %get3A_1710 : vector<1x16xf32> to vector<16xf32>
    %convert_element_type3A_1712 = arith.fptosi %get3A_1711 : vector<16xf32> to vector<16xi32>
    %swap3A_1713 = arith.constant 7 : i32
    %swap3A_1714 = arith.index_cast %swap3A_1713 : i32 to index
    %swap3A_1715 = arith.constant 0 : index
    %swap3A_1716 = tpu.vector_load %arg7[%swap3A_1714, %swap3A_1715] {strides = array<i32>} : memref<12x128xi32, #tpu.memory_space<vmem>>, vector<1x16xi32>,
    %swap3A_1717 = vector.shape_cast %swap3A_1716 : vector<1x16xi32> to vector<16xi32>
    %swap3A_1718 = vector.shape_cast %convert_element_type3A_1712 : vector<16xi32> to vector<1x16xi32>
    tpu.vector_store %arg7[%swap3A_1714, %swap3A_1715], %swap3A_1718 {strides = array<i32>} : memref<12x128xi32, #tpu.memory_space<vmem>>, vector<1x16xi32>,
    %get3A_1719 = arith.constant 7 : i32
    %get3A_1720 = arith.index_cast %get3A_1719 : i32 to index
    %get3A_1721 = arith.constant 16 : index
    %get3A_1722 = tpu.vector_load %arg6[%get3A_1720, %get3A_1721] {strides = array<i32>} : memref<12x128xf32, #tpu.memory_space<vmem>>, vector<1x16xf32>,
    %get3A_1723 = vector.shape_cast %get3A_1722 : vector<1x16xf32> to vector<16xf32>
    %convert_element_type3A_1724 = arith.fptosi %get3A_1723 : vector<16xf32> to vector<16xi32>
    %swap3A_1725 = arith.constant 7 : i32
    %swap3A_1726 = arith.index_cast %swap3A_1725 : i32 to index
    %swap3A_1727 = arith.constant 16 : index
    %swap3A_1728 = tpu.vector_load %arg7[%swap3A_1726, %swap3A_1727] {strides = array<i32>} : memref<12x128xi32, #tpu.memory_space<vmem>>, vector<1x16xi32>,
    %swap3A_1729 = vector.shape_cast %swap3A_1728 : vector<1x16xi32> to vector<16xi32>
    %swap3A_1730 = vector.shape_cast %convert_element_type3A_1724 : vector<16xi32> to vector<1x16xi32>
    tpu.vector_store %arg7[%swap3A_1726, %swap3A_1727], %swap3A_1730 {strides = array<i32>} : memref<12x128xi32, #tpu.memory_space<vmem>>, vector<1x16xi32>,
    %get3A_1731 = arith.constant 7 : i32
    %get3A_1732 = arith.index_cast %get3A_1731 : i32 to index
    %get3A_1733 = arith.constant 32 : index
    %get3A_1734 = tpu.vector_load %arg6[%get3A_1732, %get3A_1733] {strides = array<i32>} : memref<12x128xf32, #tpu.memory_space<vmem>>, vector<1x16xf32>,
    %get3A_1735 = vector.shape_cast %get3A_1734 : vector<1x16xf32> to vector<16xf32>
    %convert_element_type3A_1736 = arith.fptosi %get3A_1735 : vector<16xf32> to vector<16xi32>
    %swap3A_1737 = arith.constant 7 : i32
    %swap3A_1738 = arith.index_cast %swap3A_1737 : i32 to index
    %swap3A_1739 = arith.constant 32 : index
    %swap3A_1740 = tpu.vector_load %arg7[%swap3A_1738, %swap3A_1739] {strides = array<i32>} : memref<12x128xi32, #tpu.memory_space<vmem>>, vector<1x16xi32>,
    %swap3A_1741 = vector.shape_cast %swap3A_1740 : vector<1x16xi32> to vector<16xi32>
    %swap3A_1742 = vector.shape_cast %convert_element_type3A_1736 : vector<16xi32> to vector<1x16xi32>
    tpu.vector_store %arg7[%swap3A_1738, %swap3A_1739], %swap3A_1742 {strides = array<i32>} : memref<12x128xi32, #tpu.memory_space<vmem>>, vector<1x16xi32>,
    %get3A_1743 = arith.constant 7 : i32
    %get3A_1744 = arith.index_cast %get3A_1743 : i32 to index
    %get3A_1745 = arith.constant 48 : index
    %get3A_1746 = tpu.vector_load %arg6[%get3A_1744, %get3A_1745] {strides = array<i32>} : memref<12x128xf32, #tpu.memory_space<vmem>>, vector<1x16xf32>,
    %get3A_1747 = vector.shape_cast %get3A_1746 : vector<1x16xf32> to vector<16xf32>
    %convert_element_type3A_1748 = arith.fptosi %get3A_1747 : vector<16xf32> to vector<16xi32>
    %swap3A_1749 = arith.constant 7 : i32
    %swap3A_1750 = arith.index_cast %swap3A_1749 : i32 to index
    %swap3A_1751 = arith.constant 48 : index
    %swap3A_1752 = tpu.vector_load %arg7[%swap3A_1750, %swap3A_1751] {strides = array<i32>} : memref<12x128xi32, #tpu.memory_space<vmem>>, vector<1x16xi32>,
    %swap3A_1753 = vector.shape_cast %swap3A_1752 : vector<1x16xi32> to vector<16xi32>
    %swap3A_1754 = vector.shape_cast %convert_element_type3A_1748 : vector<16xi32> to vector<1x16xi32>
    tpu.vector_store %arg7[%swap3A_1750, %swap3A_1751], %swap3A_1754 {strides = array<i32>} : memref<12x128xi32, #tpu.memory_space<vmem>>, vector<1x16xi32>,
    %get3A_1755 = arith.constant 7 : i32
    %get3A_1756 = arith.index_cast %get3A_1755 : i32 to index
    %get3A_1757 = arith.constant 64 : index
    %get3A_1758 = tpu.vector_load %arg6[%get3A_1756, %get3A_1757] {strides = array<i32>} : memref<12x128xf32, #tpu.memory_space<vmem>>, vector<1x16xf32>,
    %get3A_1759 = vector.shape_cast %get3A_1758 : vector<1x16xf32> to vector<16xf32>
    %convert_element_type3A_1760 = arith.fptosi %get3A_1759 : vector<16xf32> to vector<16xi32>
    %swap3A_1761 = arith.constant 7 : i32
    %swap3A_1762 = arith.index_cast %swap3A_1761 : i32 to index
    %swap3A_1763 = arith.constant 64 : index
    %swap3A_1764 = tpu.vector_load %arg7[%swap3A_1762, %swap3A_1763] {strides = array<i32>} : memref<12x128xi32, #tpu.memory_space<vmem>>, vector<1x16xi32>,
    %swap3A_1765 = vector.shape_cast %swap3A_1764 : vector<1x16xi32> to vector<16xi32>
    %swap3A_1766 = vector.shape_cast %convert_element_type3A_1760 : vector<16xi32> to vector<1x16xi32>
    tpu.vector_store %arg7[%swap3A_1762, %swap3A_1763], %swap3A_1766 {strides = array<i32>} : memref<12x128xi32, #tpu.memory_space<vmem>>, vector<1x16xi32>,
    %get3A_1767 = arith.constant 7 : i32
    %get3A_1768 = arith.index_cast %get3A_1767 : i32 to index
    %get3A_1769 = arith.constant 80 : index
    %get3A_1770 = tpu.vector_load %arg6[%get3A_1768, %get3A_1769] {strides = array<i32>} : memref<12x128xf32, #tpu.memory_space<vmem>>, vector<1x16xf32>,
    %get3A_1771 = vector.shape_cast %get3A_1770 : vector<1x16xf32> to vector<16xf32>
    %convert_element_type3A_1772 = arith.fptosi %get3A_1771 : vector<16xf32> to vector<16xi32>
    %swap3A_1773 = arith.constant 7 : i32
    %swap3A_1774 = arith.index_cast %swap3A_1773 : i32 to index
    %swap3A_1775 = arith.constant 80 : index
    %swap3A_1776 = tpu.vector_load %arg7[%swap3A_1774, %swap3A_1775] {strides = array<i32>} : memref<12x128xi32, #tpu.memory_space<vmem>>, vector<1x16xi32>,
    %swap3A_1777 = vector.shape_cast %swap3A_1776 : vector<1x16xi32> to vector<16xi32>
    %swap3A_1778 = vector.shape_cast %convert_element_type3A_1772 : vector<16xi32> to vector<1x16xi32>
    tpu.vector_store %arg7[%swap3A_1774, %swap3A_1775], %swap3A_1778 {strides = array<i32>} : memref<12x128xi32, #tpu.memory_space<vmem>>, vector<1x16xi32>,
    %get3A_1779 = arith.constant 7 : i32
    %get3A_1780 = arith.index_cast %get3A_1779 : i32 to index
    %get3A_1781 = arith.constant 96 : index
    %get3A_1782 = tpu.vector_load %arg6[%get3A_1780, %get3A_1781] {strides = array<i32>} : memref<12x128xf32, #tpu.memory_space<vmem>>, vector<1x16xf32>,
    %get3A_1783 = vector.shape_cast %get3A_1782 : vector<1x16xf32> to vector<16xf32>
    %convert_element_type3A_1784 = arith.fptosi %get3A_1783 : vector<16xf32> to vector<16xi32>
    %swap3A_1785 = arith.constant 7 : i32
    %swap3A_1786 = arith.index_cast %swap3A_1785 : i32 to index
    %swap3A_1787 = arith.constant 96 : index
    %swap3A_1788 = tpu.vector_load %arg7[%swap3A_1786, %swap3A_1787] {strides = array<i32>} : memref<12x128xi32, #tpu.memory_space<vmem>>, vector<1x16xi32>,
    %swap3A_1789 = vector.shape_cast %swap3A_1788 : vector<1x16xi32> to vector<16xi32>
    %swap3A_1790 = vector.shape_cast %convert_element_type3A_1784 : vector<16xi32> to vector<1x16xi32>
    tpu.vector_store %arg7[%swap3A_1786, %swap3A_1787], %swap3A_1790 {strides = array<i32>} : memref<12x128xi32, #tpu.memory_space<vmem>>, vector<1x16xi32>,
    %get3A_1791 = arith.constant 7 : i32
    %get3A_1792 = arith.index_cast %get3A_1791 : i32 to index
    %get3A_1793 = arith.constant 112 : index
    %get3A_1794 = tpu.vector_load %arg6[%get3A_1792, %get3A_1793] {strides = array<i32>} : memref<12x128xf32, #tpu.memory_space<vmem>>, vector<1x16xf32>,
    %get3A_1795 = vector.shape_cast %get3A_1794 : vector<1x16xf32> to vector<16xf32>
    %convert_element_type3A_1796 = arith.fptosi %get3A_1795 : vector<16xf32> to vector<16xi32>
    %swap3A_1797 = arith.constant 7 : i32
    %swap3A_1798 = arith.index_cast %swap3A_1797 : i32 to index
    %swap3A_1799 = arith.constant 112 : index
    %swap3A_1800 = tpu.vector_load %arg7[%swap3A_1798, %swap3A_1799] {strides = array<i32>} : memref<12x128xi32, #tpu.memory_space<vmem>>, vector<1x16xi32>,
    %swap3A_1801 = vector.shape_cast %swap3A_1800 : vector<1x16xi32> to vector<16xi32>
    %swap3A_1802 = vector.shape_cast %convert_element_type3A_1796 : vector<16xi32> to vector<1x16xi32>
    tpu.vector_store %arg7[%swap3A_1798, %swap3A_1799], %swap3A_1802 {strides = array<i32>} : memref<12x128xi32, #tpu.memory_space<vmem>>, vector<1x16xi32>,
    %get3A_1803 = arith.constant 8 : i32
    %get3A_1804 = arith.index_cast %get3A_1803 : i32 to index
    %get3A_1805 = arith.constant 0 : index
    %get3A_1806 = tpu.vector_load %arg6[%get3A_1804, %get3A_1805] {strides = array<i32>} : memref<12x128xf32, #tpu.memory_space<vmem>>, vector<1x16xf32>,
    %get3A_1807 = vector.shape_cast %get3A_1806 : vector<1x16xf32> to vector<16xf32>
    %convert_element_type3A_1808 = arith.fptosi %get3A_1807 : vector<16xf32> to vector<16xi32>
    %swap3A_1809 = arith.constant 8 : i32
    %swap3A_1810 = arith.index_cast %swap3A_1809 : i32 to index
    %swap3A_1811 = arith.constant 0 : index
    %swap3A_1812 = tpu.vector_load %arg7[%swap3A_1810, %swap3A_1811] {strides = array<i32>} : memref<12x128xi32, #tpu.memory_space<vmem>>, vector<1x16xi32>,
    %swap3A_1813 = vector.shape_cast %swap3A_1812 : vector<1x16xi32> to vector<16xi32>
    %swap3A_1814 = vector.shape_cast %convert_element_type3A_1808 : vector<16xi32> to vector<1x16xi32>
    tpu.vector_store %arg7[%swap3A_1810, %swap3A_1811], %swap3A_1814 {strides = array<i32>} : memref<12x128xi32, #tpu.memory_space<vmem>>, vector<1x16xi32>,
    %get3A_1815 = arith.constant 8 : i32
    %get3A_1816 = arith.index_cast %get3A_1815 : i32 to index
    %get3A_1817 = arith.constant 16 : index
    %get3A_1818 = tpu.vector_load %arg6[%get3A_1816, %get3A_1817] {strides = array<i32>} : memref<12x128xf32, #tpu.memory_space<vmem>>, vector<1x16xf32>,
    %get3A_1819 = vector.shape_cast %get3A_1818 : vector<1x16xf32> to vector<16xf32>
    %convert_element_type3A_1820 = arith.fptosi %get3A_1819 : vector<16xf32> to vector<16xi32>
    %swap3A_1821 = arith.constant 8 : i32
    %swap3A_1822 = arith.index_cast %swap3A_1821 : i32 to index
    %swap3A_1823 = arith.constant 16 : index
    %swap3A_1824 = tpu.vector_load %arg7[%swap3A_1822, %swap3A_1823] {strides = array<i32>} : memref<12x128xi32, #tpu.memory_space<vmem>>, vector<1x16xi32>,
    %swap3A_1825 = vector.shape_cast %swap3A_1824 : vector<1x16xi32> to vector<16xi32>
    %swap3A_1826 = vector.shape_cast %convert_element_type3A_1820 : vector<16xi32> to vector<1x16xi32>
    tpu.vector_store %arg7[%swap3A_1822, %swap3A_1823], %swap3A_1826 {strides = array<i32>} : memref<12x128xi32, #tpu.memory_space<vmem>>, vector<1x16xi32>,
    %get3A_1827 = arith.constant 8 : i32
    %get3A_1828 = arith.index_cast %get3A_1827 : i32 to index
    %get3A_1829 = arith.constant 32 : index
    %get3A_1830 = tpu.vector_load %arg6[%get3A_1828, %get3A_1829] {strides = array<i32>} : memref<12x128xf32, #tpu.memory_space<vmem>>, vector<1x16xf32>,
    %get3A_1831 = vector.shape_cast %get3A_1830 : vector<1x16xf32> to vector<16xf32>
    %convert_element_type3A_1832 = arith.fptosi %get3A_1831 : vector<16xf32> to vector<16xi32>
    %swap3A_1833 = arith.constant 8 : i32
    %swap3A_1834 = arith.index_cast %swap3A_1833 : i32 to index
    %swap3A_1835 = arith.constant 32 : index
    %swap3A_1836 = tpu.vector_load %arg7[%swap3A_1834, %swap3A_1835] {strides = array<i32>} : memref<12x128xi32, #tpu.memory_space<vmem>>, vector<1x16xi32>,
    %swap3A_1837 = vector.shape_cast %swap3A_1836 : vector<1x16xi32> to vector<16xi32>
    %swap3A_1838 = vector.shape_cast %convert_element_type3A_1832 : vector<16xi32> to vector<1x16xi32>
    tpu.vector_store %arg7[%swap3A_1834, %swap3A_1835], %swap3A_1838 {strides = array<i32>} : memref<12x128xi32, #tpu.memory_space<vmem>>, vector<1x16xi32>,
    %get3A_1839 = arith.constant 8 : i32
    %get3A_1840 = arith.index_cast %get3A_1839 : i32 to index
    %get3A_1841 = arith.constant 48 : index
    %get3A_1842 = tpu.vector_load %arg6[%get3A_1840, %get3A_1841] {strides = array<i32>} : memref<12x128xf32, #tpu.memory_space<vmem>>, vector<1x16xf32>,
    %get3A_1843 = vector.shape_cast %get3A_1842 : vector<1x16xf32> to vector<16xf32>
    %convert_element_type3A_1844 = arith.fptosi %get3A_1843 : vector<16xf32> to vector<16xi32>
    %swap3A_1845 = arith.constant 8 : i32
    %swap3A_1846 = arith.index_cast %swap3A_1845 : i32 to index
    %swap3A_1847 = arith.constant 48 : index
    %swap3A_1848 = tpu.vector_load %arg7[%swap3A_1846, %swap3A_1847] {strides = array<i32>} : memref<12x128xi32, #tpu.memory_space<vmem>>, vector<1x16xi32>,
    %swap3A_1849 = vector.shape_cast %swap3A_1848 : vector<1x16xi32> to vector<16xi32>
    %swap3A_1850 = vector.shape_cast %convert_element_type3A_1844 : vector<16xi32> to vector<1x16xi32>
    tpu.vector_store %arg7[%swap3A_1846, %swap3A_1847], %swap3A_1850 {strides = array<i32>} : memref<12x128xi32, #tpu.memory_space<vmem>>, vector<1x16xi32>,
    %get3A_1851 = arith.constant 8 : i32
    %get3A_1852 = arith.index_cast %get3A_1851 : i32 to index
    %get3A_1853 = arith.constant 64 : index
    %get3A_1854 = tpu.vector_load %arg6[%get3A_1852, %get3A_1853] {strides = array<i32>} : memref<12x128xf32, #tpu.memory_space<vmem>>, vector<1x16xf32>,
    %get3A_1855 = vector.shape_cast %get3A_1854 : vector<1x16xf32> to vector<16xf32>
    %convert_element_type3A_1856 = arith.fptosi %get3A_1855 : vector<16xf32> to vector<16xi32>
    %swap3A_1857 = arith.constant 8 : i32
    %swap3A_1858 = arith.index_cast %swap3A_1857 : i32 to index
    %swap3A_1859 = arith.constant 64 : index
    %swap3A_1860 = tpu.vector_load %arg7[%swap3A_1858, %swap3A_1859] {strides = array<i32>} : memref<12x128xi32, #tpu.memory_space<vmem>>, vector<1x16xi32>,
    %swap3A_1861 = vector.shape_cast %swap3A_1860 : vector<1x16xi32> to vector<16xi32>
    %swap3A_1862 = vector.shape_cast %convert_element_type3A_1856 : vector<16xi32> to vector<1x16xi32>
    tpu.vector_store %arg7[%swap3A_1858, %swap3A_1859], %swap3A_1862 {strides = array<i32>} : memref<12x128xi32, #tpu.memory_space<vmem>>, vector<1x16xi32>,
    %get3A_1863 = arith.constant 8 : i32
    %get3A_1864 = arith.index_cast %get3A_1863 : i32 to index
    %get3A_1865 = arith.constant 80 : index
    %get3A_1866 = tpu.vector_load %arg6[%get3A_1864, %get3A_1865] {strides = array<i32>} : memref<12x128xf32, #tpu.memory_space<vmem>>, vector<1x16xf32>,
    %get3A_1867 = vector.shape_cast %get3A_1866 : vector<1x16xf32> to vector<16xf32>
    %convert_element_type3A_1868 = arith.fptosi %get3A_1867 : vector<16xf32> to vector<16xi32>
    %swap3A_1869 = arith.constant 8 : i32
    %swap3A_1870 = arith.index_cast %swap3A_1869 : i32 to index
    %swap3A_1871 = arith.constant 80 : index
    %swap3A_1872 = tpu.vector_load %arg7[%swap3A_1870, %swap3A_1871] {strides = array<i32>} : memref<12x128xi32, #tpu.memory_space<vmem>>, vector<1x16xi32>,
    %swap3A_1873 = vector.shape_cast %swap3A_1872 : vector<1x16xi32> to vector<16xi32>
    %swap3A_1874 = vector.shape_cast %convert_element_type3A_1868 : vector<16xi32> to vector<1x16xi32>
    tpu.vector_store %arg7[%swap3A_1870, %swap3A_1871], %swap3A_1874 {strides = array<i32>} : memref<12x128xi32, #tpu.memory_space<vmem>>, vector<1x16xi32>,
    %get3A_1875 = arith.constant 8 : i32
    %get3A_1876 = arith.index_cast %get3A_1875 : i32 to index
    %get3A_1877 = arith.constant 96 : index
    %get3A_1878 = tpu.vector_load %arg6[%get3A_1876, %get3A_1877] {strides = array<i32>} : memref<12x128xf32, #tpu.memory_space<vmem>>, vector<1x16xf32>,
    %get3A_1879 = vector.shape_cast %get3A_1878 : vector<1x16xf32> to vector<16xf32>
    %convert_element_type3A_1880 = arith.fptosi %get3A_1879 : vector<16xf32> to vector<16xi32>
    %swap3A_1881 = arith.constant 8 : i32
    %swap3A_1882 = arith.index_cast %swap3A_1881 : i32 to index
    %swap3A_1883 = arith.constant 96 : index
    %swap3A_1884 = tpu.vector_load %arg7[%swap3A_1882, %swap3A_1883] {strides = array<i32>} : memref<12x128xi32, #tpu.memory_space<vmem>>, vector<1x16xi32>,
    %swap3A_1885 = vector.shape_cast %swap3A_1884 : vector<1x16xi32> to vector<16xi32>
    %swap3A_1886 = vector.shape_cast %convert_element_type3A_1880 : vector<16xi32> to vector<1x16xi32>
    tpu.vector_store %arg7[%swap3A_1882, %swap3A_1883], %swap3A_1886 {strides = array<i32>} : memref<12x128xi32, #tpu.memory_space<vmem>>, vector<1x16xi32>,
    %get3A_1887 = arith.constant 8 : i32
    %get3A_1888 = arith.index_cast %get3A_1887 : i32 to index
    %get3A_1889 = arith.constant 112 : index
    %get3A_1890 = tpu.vector_load %arg6[%get3A_1888, %get3A_1889] {strides = array<i32>} : memref<12x128xf32, #tpu.memory_space<vmem>>, vector<1x16xf32>,
    %get3A_1891 = vector.shape_cast %get3A_1890 : vector<1x16xf32> to vector<16xf32>
    %convert_element_type3A_1892 = arith.fptosi %get3A_1891 : vector<16xf32> to vector<16xi32>
    %swap3A_1893 = arith.constant 8 : i32
    %swap3A_1894 = arith.index_cast %swap3A_1893 : i32 to index
    %swap3A_1895 = arith.constant 112 : index
    %swap3A_1896 = tpu.vector_load %arg7[%swap3A_1894, %swap3A_1895] {strides = array<i32>} : memref<12x128xi32, #tpu.memory_space<vmem>>, vector<1x16xi32>,
    %swap3A_1897 = vector.shape_cast %swap3A_1896 : vector<1x16xi32> to vector<16xi32>
    %swap3A_1898 = vector.shape_cast %convert_element_type3A_1892 : vector<16xi32> to vector<1x16xi32>
    tpu.vector_store %arg7[%swap3A_1894, %swap3A_1895], %swap3A_1898 {strides = array<i32>} : memref<12x128xi32, #tpu.memory_space<vmem>>, vector<1x16xi32>,
    %get3A_1899 = arith.constant 9 : i32
    %get3A_1900 = arith.index_cast %get3A_1899 : i32 to index
    %get3A_1901 = arith.constant 0 : index
    %get3A_1902 = tpu.vector_load %arg6[%get3A_1900, %get3A_1901] {strides = array<i32>} : memref<12x128xf32, #tpu.memory_space<vmem>>, vector<1x16xf32>,
    %get3A_1903 = vector.shape_cast %get3A_1902 : vector<1x16xf32> to vector<16xf32>
    %convert_element_type3A_1904 = arith.fptosi %get3A_1903 : vector<16xf32> to vector<16xi32>
    %swap3A_1905 = arith.constant 9 : i32
    %swap3A_1906 = arith.index_cast %swap3A_1905 : i32 to index
    %swap3A_1907 = arith.constant 0 : index
    %swap3A_1908 = tpu.vector_load %arg7[%swap3A_1906, %swap3A_1907] {strides = array<i32>} : memref<12x128xi32, #tpu.memory_space<vmem>>, vector<1x16xi32>,
    %swap3A_1909 = vector.shape_cast %swap3A_1908 : vector<1x16xi32> to vector<16xi32>
    %swap3A_1910 = vector.shape_cast %convert_element_type3A_1904 : vector<16xi32> to vector<1x16xi32>
    tpu.vector_store %arg7[%swap3A_1906, %swap3A_1907], %swap3A_1910 {strides = array<i32>} : memref<12x128xi32, #tpu.memory_space<vmem>>, vector<1x16xi32>,
    %get3A_1911 = arith.constant 9 : i32
    %get3A_1912 = arith.index_cast %get3A_1911 : i32 to index
    %get3A_1913 = arith.constant 16 : index
    %get3A_1914 = tpu.vector_load %arg6[%get3A_1912, %get3A_1913] {strides = array<i32>} : memref<12x128xf32, #tpu.memory_space<vmem>>, vector<1x16xf32>,
    %get3A_1915 = vector.shape_cast %get3A_1914 : vector<1x16xf32> to vector<16xf32>
    %convert_element_type3A_1916 = arith.fptosi %get3A_1915 : vector<16xf32> to vector<16xi32>
    %swap3A_1917 = arith.constant 9 : i32
    %swap3A_1918 = arith.index_cast %swap3A_1917 : i32 to index
    %swap3A_1919 = arith.constant 16 : index
    %swap3A_1920 = tpu.vector_load %arg7[%swap3A_1918, %swap3A_1919] {strides = array<i32>} : memref<12x128xi32, #tpu.memory_space<vmem>>, vector<1x16xi32>,
    %swap3A_1921 = vector.shape_cast %swap3A_1920 : vector<1x16xi32> to vector<16xi32>
    %swap3A_1922 = vector.shape_cast %convert_element_type3A_1916 : vector<16xi32> to vector<1x16xi32>
    tpu.vector_store %arg7[%swap3A_1918, %swap3A_1919], %swap3A_1922 {strides = array<i32>} : memref<12x128xi32, #tpu.memory_space<vmem>>, vector<1x16xi32>,
    %get3A_1923 = arith.constant 9 : i32
    %get3A_1924 = arith.index_cast %get3A_1923 : i32 to index
    %get3A_1925 = arith.constant 32 : index
    %get3A_1926 = tpu.vector_load %arg6[%get3A_1924, %get3A_1925] {strides = array<i32>} : memref<12x128xf32, #tpu.memory_space<vmem>>, vector<1x16xf32>,
    %get3A_1927 = vector.shape_cast %get3A_1926 : vector<1x16xf32> to vector<16xf32>
    %convert_element_type3A_1928 = arith.fptosi %get3A_1927 : vector<16xf32> to vector<16xi32>
    %swap3A_1929 = arith.constant 9 : i32
    %swap3A_1930 = arith.index_cast %swap3A_1929 : i32 to index
    %swap3A_1931 = arith.constant 32 : index
    %swap3A_1932 = tpu.vector_load %arg7[%swap3A_1930, %swap3A_1931] {strides = array<i32>} : memref<12x128xi32, #tpu.memory_space<vmem>>, vector<1x16xi32>,
    %swap3A_1933 = vector.shape_cast %swap3A_1932 : vector<1x16xi32> to vector<16xi32>
    %swap3A_1934 = vector.shape_cast %convert_element_type3A_1928 : vector<16xi32> to vector<1x16xi32>
    tpu.vector_store %arg7[%swap3A_1930, %swap3A_1931], %swap3A_1934 {strides = array<i32>} : memref<12x128xi32, #tpu.memory_space<vmem>>, vector<1x16xi32>,
    %get3A_1935 = arith.constant 9 : i32
    %get3A_1936 = arith.index_cast %get3A_1935 : i32 to index
    %get3A_1937 = arith.constant 48 : index
    %get3A_1938 = tpu.vector_load %arg6[%get3A_1936, %get3A_1937] {strides = array<i32>} : memref<12x128xf32, #tpu.memory_space<vmem>>, vector<1x16xf32>,
    %get3A_1939 = vector.shape_cast %get3A_1938 : vector<1x16xf32> to vector<16xf32>
    %convert_element_type3A_1940 = arith.fptosi %get3A_1939 : vector<16xf32> to vector<16xi32>
    %swap3A_1941 = arith.constant 9 : i32
    %swap3A_1942 = arith.index_cast %swap3A_1941 : i32 to index
    %swap3A_1943 = arith.constant 48 : index
    %swap3A_1944 = tpu.vector_load %arg7[%swap3A_1942, %swap3A_1943] {strides = array<i32>} : memref<12x128xi32, #tpu.memory_space<vmem>>, vector<1x16xi32>,
    %swap3A_1945 = vector.shape_cast %swap3A_1944 : vector<1x16xi32> to vector<16xi32>
    %swap3A_1946 = vector.shape_cast %convert_element_type3A_1940 : vector<16xi32> to vector<1x16xi32>
    tpu.vector_store %arg7[%swap3A_1942, %swap3A_1943], %swap3A_1946 {strides = array<i32>} : memref<12x128xi32, #tpu.memory_space<vmem>>, vector<1x16xi32>,
    %get3A_1947 = arith.constant 9 : i32
    %get3A_1948 = arith.index_cast %get3A_1947 : i32 to index
    %get3A_1949 = arith.constant 64 : index
    %get3A_1950 = tpu.vector_load %arg6[%get3A_1948, %get3A_1949] {strides = array<i32>} : memref<12x128xf32, #tpu.memory_space<vmem>>, vector<1x16xf32>,
    %get3A_1951 = vector.shape_cast %get3A_1950 : vector<1x16xf32> to vector<16xf32>
    %convert_element_type3A_1952 = arith.fptosi %get3A_1951 : vector<16xf32> to vector<16xi32>
    %swap3A_1953 = arith.constant 9 : i32
    %swap3A_1954 = arith.index_cast %swap3A_1953 : i32 to index
    %swap3A_1955 = arith.constant 64 : index
    %swap3A_1956 = tpu.vector_load %arg7[%swap3A_1954, %swap3A_1955] {strides = array<i32>} : memref<12x128xi32, #tpu.memory_space<vmem>>, vector<1x16xi32>,
    %swap3A_1957 = vector.shape_cast %swap3A_1956 : vector<1x16xi32> to vector<16xi32>
    %swap3A_1958 = vector.shape_cast %convert_element_type3A_1952 : vector<16xi32> to vector<1x16xi32>
    tpu.vector_store %arg7[%swap3A_1954, %swap3A_1955], %swap3A_1958 {strides = array<i32>} : memref<12x128xi32, #tpu.memory_space<vmem>>, vector<1x16xi32>,
    %get3A_1959 = arith.constant 9 : i32
    %get3A_1960 = arith.index_cast %get3A_1959 : i32 to index
    %get3A_1961 = arith.constant 80 : index
    %get3A_1962 = tpu.vector_load %arg6[%get3A_1960, %get3A_1961] {strides = array<i32>} : memref<12x128xf32, #tpu.memory_space<vmem>>, vector<1x16xf32>,
    %get3A_1963 = vector.shape_cast %get3A_1962 : vector<1x16xf32> to vector<16xf32>
    %convert_element_type3A_1964 = arith.fptosi %get3A_1963 : vector<16xf32> to vector<16xi32>
    %swap3A_1965 = arith.constant 9 : i32
    %swap3A_1966 = arith.index_cast %swap3A_1965 : i32 to index
    %swap3A_1967 = arith.constant 80 : index
    %swap3A_1968 = tpu.vector_load %arg7[%swap3A_1966, %swap3A_1967] {strides = array<i32>} : memref<12x128xi32, #tpu.memory_space<vmem>>, vector<1x16xi32>,
    %swap3A_1969 = vector.shape_cast %swap3A_1968 : vector<1x16xi32> to vector<16xi32>
    %swap3A_1970 = vector.shape_cast %convert_element_type3A_1964 : vector<16xi32> to vector<1x16xi32>
    tpu.vector_store %arg7[%swap3A_1966, %swap3A_1967], %swap3A_1970 {strides = array<i32>} : memref<12x128xi32, #tpu.memory_space<vmem>>, vector<1x16xi32>,
    %get3A_1971 = arith.constant 9 : i32
    %get3A_1972 = arith.index_cast %get3A_1971 : i32 to index
    %get3A_1973 = arith.constant 96 : index
    %get3A_1974 = tpu.vector_load %arg6[%get3A_1972, %get3A_1973] {strides = array<i32>} : memref<12x128xf32, #tpu.memory_space<vmem>>, vector<1x16xf32>,
    %get3A_1975 = vector.shape_cast %get3A_1974 : vector<1x16xf32> to vector<16xf32>
    %convert_element_type3A_1976 = arith.fptosi %get3A_1975 : vector<16xf32> to vector<16xi32>
    %swap3A_1977 = arith.constant 9 : i32
    %swap3A_1978 = arith.index_cast %swap3A_1977 : i32 to index
    %swap3A_1979 = arith.constant 96 : index
    %swap3A_1980 = tpu.vector_load %arg7[%swap3A_1978, %swap3A_1979] {strides = array<i32>} : memref<12x128xi32, #tpu.memory_space<vmem>>, vector<1x16xi32>,
    %swap3A_1981 = vector.shape_cast %swap3A_1980 : vector<1x16xi32> to vector<16xi32>
    %swap3A_1982 = vector.shape_cast %convert_element_type3A_1976 : vector<16xi32> to vector<1x16xi32>
    tpu.vector_store %arg7[%swap3A_1978, %swap3A_1979], %swap3A_1982 {strides = array<i32>} : memref<12x128xi32, #tpu.memory_space<vmem>>, vector<1x16xi32>,
    %get3A_1983 = arith.constant 9 : i32
    %get3A_1984 = arith.index_cast %get3A_1983 : i32 to index
    %get3A_1985 = arith.constant 112 : index
    %get3A_1986 = tpu.vector_load %arg6[%get3A_1984, %get3A_1985] {strides = array<i32>} : memref<12x128xf32, #tpu.memory_space<vmem>>, vector<1x16xf32>,
    %get3A_1987 = vector.shape_cast %get3A_1986 : vector<1x16xf32> to vector<16xf32>
    %convert_element_type3A_1988 = arith.fptosi %get3A_1987 : vector<16xf32> to vector<16xi32>
    %swap3A_1989 = arith.constant 9 : i32
    %swap3A_1990 = arith.index_cast %swap3A_1989 : i32 to index
    %swap3A_1991 = arith.constant 112 : index
    %swap3A_1992 = tpu.vector_load %arg7[%swap3A_1990, %swap3A_1991] {strides = array<i32>} : memref<12x128xi32, #tpu.memory_space<vmem>>, vector<1x16xi32>,
    %swap3A_1993 = vector.shape_cast %swap3A_1992 : vector<1x16xi32> to vector<16xi32>
    %swap3A_1994 = vector.shape_cast %convert_element_type3A_1988 : vector<16xi32> to vector<1x16xi32>
    tpu.vector_store %arg7[%swap3A_1990, %swap3A_1991], %swap3A_1994 {strides = array<i32>} : memref<12x128xi32, #tpu.memory_space<vmem>>, vector<1x16xi32>,
    %get3A_1995 = arith.constant 10 : i32
    %get3A_1996 = arith.index_cast %get3A_1995 : i32 to index
    %get3A_1997 = arith.constant 0 : index
    %get3A_1998 = tpu.vector_load %arg6[%get3A_1996, %get3A_1997] {strides = array<i32>} : memref<12x128xf32, #tpu.memory_space<vmem>>, vector<1x16xf32>,
    %get3A_1999 = vector.shape_cast %get3A_1998 : vector<1x16xf32> to vector<16xf32>
    %convert_element_type3A_2000 = arith.fptosi %get3A_1999 : vector<16xf32> to vector<16xi32>
    %swap3A_2001 = arith.constant 10 : i32
    %swap3A_2002 = arith.index_cast %swap3A_2001 : i32 to index
    %swap3A_2003 = arith.constant 0 : index
    %swap3A_2004 = tpu.vector_load %arg7[%swap3A_2002, %swap3A_2003] {strides = array<i32>} : memref<12x128xi32, #tpu.memory_space<vmem>>, vector<1x16xi32>,
    %swap3A_2005 = vector.shape_cast %swap3A_2004 : vector<1x16xi32> to vector<16xi32>
    %swap3A_2006 = vector.shape_cast %convert_element_type3A_2000 : vector<16xi32> to vector<1x16xi32>
    tpu.vector_store %arg7[%swap3A_2002, %swap3A_2003], %swap3A_2006 {strides = array<i32>} : memref<12x128xi32, #tpu.memory_space<vmem>>, vector<1x16xi32>,
    %get3A_2007 = arith.constant 10 : i32
    %get3A_2008 = arith.index_cast %get3A_2007 : i32 to index
    %get3A_2009 = arith.constant 16 : index
    %get3A_2010 = tpu.vector_load %arg6[%get3A_2008, %get3A_2009] {strides = array<i32>} : memref<12x128xf32, #tpu.memory_space<vmem>>, vector<1x16xf32>,
    %get3A_2011 = vector.shape_cast %get3A_2010 : vector<1x16xf32> to vector<16xf32>
    %convert_element_type3A_2012 = arith.fptosi %get3A_2011 : vector<16xf32> to vector<16xi32>
    %swap3A_2013 = arith.constant 10 : i32
    %swap3A_2014 = arith.index_cast %swap3A_2013 : i32 to index
    %swap3A_2015 = arith.constant 16 : index
    %swap3A_2016 = tpu.vector_load %arg7[%swap3A_2014, %swap3A_2015] {strides = array<i32>} : memref<12x128xi32, #tpu.memory_space<vmem>>, vector<1x16xi32>,
    %swap3A_2017 = vector.shape_cast %swap3A_2016 : vector<1x16xi32> to vector<16xi32>
    %swap3A_2018 = vector.shape_cast %convert_element_type3A_2012 : vector<16xi32> to vector<1x16xi32>
    tpu.vector_store %arg7[%swap3A_2014, %swap3A_2015], %swap3A_2018 {strides = array<i32>} : memref<12x128xi32, #tpu.memory_space<vmem>>, vector<1x16xi32>,
    %get3A_2019 = arith.constant 10 : i32
    %get3A_2020 = arith.index_cast %get3A_2019 : i32 to index
    %get3A_2021 = arith.constant 32 : index
    %get3A_2022 = tpu.vector_load %arg6[%get3A_2020, %get3A_2021] {strides = array<i32>} : memref<12x128xf32, #tpu.memory_space<vmem>>, vector<1x16xf32>,
    %get3A_2023 = vector.shape_cast %get3A_2022 : vector<1x16xf32> to vector<16xf32>
    %convert_element_type3A_2024 = arith.fptosi %get3A_2023 : vector<16xf32> to vector<16xi32>
    %swap3A_2025 = arith.constant 10 : i32
    %swap3A_2026 = arith.index_cast %swap3A_2025 : i32 to index
    %swap3A_2027 = arith.constant 32 : index
    %swap3A_2028 = tpu.vector_load %arg7[%swap3A_2026, %swap3A_2027] {strides = array<i32>} : memref<12x128xi32, #tpu.memory_space<vmem>>, vector<1x16xi32>,
    %swap3A_2029 = vector.shape_cast %swap3A_2028 : vector<1x16xi32> to vector<16xi32>
    %swap3A_2030 = vector.shape_cast %convert_element_type3A_2024 : vector<16xi32> to vector<1x16xi32>
    tpu.vector_store %arg7[%swap3A_2026, %swap3A_2027], %swap3A_2030 {strides = array<i32>} : memref<12x128xi32, #tpu.memory_space<vmem>>, vector<1x16xi32>,
    %get3A_2031 = arith.constant 10 : i32
    %get3A_2032 = arith.index_cast %get3A_2031 : i32 to index
    %get3A_2033 = arith.constant 48 : index
    %get3A_2034 = tpu.vector_load %arg6[%get3A_2032, %get3A_2033] {strides = array<i32>} : memref<12x128xf32, #tpu.memory_space<vmem>>, vector<1x16xf32>,
    %get3A_2035 = vector.shape_cast %get3A_2034 : vector<1x16xf32> to vector<16xf32>
    %convert_element_type3A_2036 = arith.fptosi %get3A_2035 : vector<16xf32> to vector<16xi32>
    %swap3A_2037 = arith.constant 10 : i32
    %swap3A_2038 = arith.index_cast %swap3A_2037 : i32 to index
    %swap3A_2039 = arith.constant 48 : index
    %swap3A_2040 = tpu.vector_load %arg7[%swap3A_2038, %swap3A_2039] {strides = array<i32>} : memref<12x128xi32, #tpu.memory_space<vmem>>, vector<1x16xi32>,
    %swap3A_2041 = vector.shape_cast %swap3A_2040 : vector<1x16xi32> to vector<16xi32>
    %swap3A_2042 = vector.shape_cast %convert_element_type3A_2036 : vector<16xi32> to vector<1x16xi32>
    tpu.vector_store %arg7[%swap3A_2038, %swap3A_2039], %swap3A_2042 {strides = array<i32>} : memref<12x128xi32, #tpu.memory_space<vmem>>, vector<1x16xi32>,
    %get3A_2043 = arith.constant 10 : i32
    %get3A_2044 = arith.index_cast %get3A_2043 : i32 to index
    %get3A_2045 = arith.constant 64 : index
    %get3A_2046 = tpu.vector_load %arg6[%get3A_2044, %get3A_2045] {strides = array<i32>} : memref<12x128xf32, #tpu.memory_space<vmem>>, vector<1x16xf32>,
    %get3A_2047 = vector.shape_cast %get3A_2046 : vector<1x16xf32> to vector<16xf32>
    %convert_element_type3A_2048 = arith.fptosi %get3A_2047 : vector<16xf32> to vector<16xi32>
    %swap3A_2049 = arith.constant 10 : i32
    %swap3A_2050 = arith.index_cast %swap3A_2049 : i32 to index
    %swap3A_2051 = arith.constant 64 : index
    %swap3A_2052 = tpu.vector_load %arg7[%swap3A_2050, %swap3A_2051] {strides = array<i32>} : memref<12x128xi32, #tpu.memory_space<vmem>>, vector<1x16xi32>,
    %swap3A_2053 = vector.shape_cast %swap3A_2052 : vector<1x16xi32> to vector<16xi32>
    %swap3A_2054 = vector.shape_cast %convert_element_type3A_2048 : vector<16xi32> to vector<1x16xi32>
    tpu.vector_store %arg7[%swap3A_2050, %swap3A_2051], %swap3A_2054 {strides = array<i32>} : memref<12x128xi32, #tpu.memory_space<vmem>>, vector<1x16xi32>,
    %get3A_2055 = arith.constant 10 : i32
    %get3A_2056 = arith.index_cast %get3A_2055 : i32 to index
    %get3A_2057 = arith.constant 80 : index
    %get3A_2058 = tpu.vector_load %arg6[%get3A_2056, %get3A_2057] {strides = array<i32>} : memref<12x128xf32, #tpu.memory_space<vmem>>, vector<1x16xf32>,
    %get3A_2059 = vector.shape_cast %get3A_2058 : vector<1x16xf32> to vector<16xf32>
    %convert_element_type3A_2060 = arith.fptosi %get3A_2059 : vector<16xf32> to vector<16xi32>
    %swap3A_2061 = arith.constant 10 : i32
    %swap3A_2062 = arith.index_cast %swap3A_2061 : i32 to index
    %swap3A_2063 = arith.constant 80 : index
    %swap3A_2064 = tpu.vector_load %arg7[%swap3A_2062, %swap3A_2063] {strides = array<i32>} : memref<12x128xi32, #tpu.memory_space<vmem>>, vector<1x16xi32>,
    %swap3A_2065 = vector.shape_cast %swap3A_2064 : vector<1x16xi32> to vector<16xi32>
    %swap3A_2066 = vector.shape_cast %convert_element_type3A_2060 : vector<16xi32> to vector<1x16xi32>
    tpu.vector_store %arg7[%swap3A_2062, %swap3A_2063], %swap3A_2066 {strides = array<i32>} : memref<12x128xi32, #tpu.memory_space<vmem>>, vector<1x16xi32>,
    %get3A_2067 = arith.constant 10 : i32
    %get3A_2068 = arith.index_cast %get3A_2067 : i32 to index
    %get3A_2069 = arith.constant 96 : index
    %get3A_2070 = tpu.vector_load %arg6[%get3A_2068, %get3A_2069] {strides = array<i32>} : memref<12x128xf32, #tpu.memory_space<vmem>>, vector<1x16xf32>,
    %get3A_2071 = vector.shape_cast %get3A_2070 : vector<1x16xf32> to vector<16xf32>
    %convert_element_type3A_2072 = arith.fptosi %get3A_2071 : vector<16xf32> to vector<16xi32>
    %swap3A_2073 = arith.constant 10 : i32
    %swap3A_2074 = arith.index_cast %swap3A_2073 : i32 to index
    %swap3A_2075 = arith.constant 96 : index
    %swap3A_2076 = tpu.vector_load %arg7[%swap3A_2074, %swap3A_2075] {strides = array<i32>} : memref<12x128xi32, #tpu.memory_space<vmem>>, vector<1x16xi32>,
    %swap3A_2077 = vector.shape_cast %swap3A_2076 : vector<1x16xi32> to vector<16xi32>
    %swap3A_2078 = vector.shape_cast %convert_element_type3A_2072 : vector<16xi32> to vector<1x16xi32>
    tpu.vector_store %arg7[%swap3A_2074, %swap3A_2075], %swap3A_2078 {strides = array<i32>} : memref<12x128xi32, #tpu.memory_space<vmem>>, vector<1x16xi32>,
    %get3A_2079 = arith.constant 10 : i32
    %get3A_2080 = arith.index_cast %get3A_2079 : i32 to index
    %get3A_2081 = arith.constant 112 : index
    %get3A_2082 = tpu.vector_load %arg6[%get3A_2080, %get3A_2081] {strides = array<i32>} : memref<12x128xf32, #tpu.memory_space<vmem>>, vector<1x16xf32>,
    %get3A_2083 = vector.shape_cast %get3A_2082 : vector<1x16xf32> to vector<16xf32>
    %convert_element_type3A_2084 = arith.fptosi %get3A_2083 : vector<16xf32> to vector<16xi32>
    %swap3A_2085 = arith.constant 10 : i32
    %swap3A_2086 = arith.index_cast %swap3A_2085 : i32 to index
    %swap3A_2087 = arith.constant 112 : index
    %swap3A_2088 = tpu.vector_load %arg7[%swap3A_2086, %swap3A_2087] {strides = array<i32>} : memref<12x128xi32, #tpu.memory_space<vmem>>, vector<1x16xi32>,
    %swap3A_2089 = vector.shape_cast %swap3A_2088 : vector<1x16xi32> to vector<16xi32>
    %swap3A_2090 = vector.shape_cast %convert_element_type3A_2084 : vector<16xi32> to vector<1x16xi32>
    tpu.vector_store %arg7[%swap3A_2086, %swap3A_2087], %swap3A_2090 {strides = array<i32>} : memref<12x128xi32, #tpu.memory_space<vmem>>, vector<1x16xi32>,
    %get3A_2091 = arith.constant 11 : i32
    %get3A_2092 = arith.index_cast %get3A_2091 : i32 to index
    %get3A_2093 = arith.constant 0 : index
    %get3A_2094 = tpu.vector_load %arg6[%get3A_2092, %get3A_2093] {strides = array<i32>} : memref<12x128xf32, #tpu.memory_space<vmem>>, vector<1x16xf32>,
    %get3A_2095 = vector.shape_cast %get3A_2094 : vector<1x16xf32> to vector<16xf32>
    %convert_element_type3A_2096 = arith.fptosi %get3A_2095 : vector<16xf32> to vector<16xi32>
    %swap3A_2097 = arith.constant 11 : i32
    %swap3A_2098 = arith.index_cast %swap3A_2097 : i32 to index
    %swap3A_2099 = arith.constant 0 : index
    %swap3A_2100 = tpu.vector_load %arg7[%swap3A_2098, %swap3A_2099] {strides = array<i32>} : memref<12x128xi32, #tpu.memory_space<vmem>>, vector<1x16xi32>,
    %swap3A_2101 = vector.shape_cast %swap3A_2100 : vector<1x16xi32> to vector<16xi32>
    %swap3A_2102 = vector.shape_cast %convert_element_type3A_2096 : vector<16xi32> to vector<1x16xi32>
    tpu.vector_store %arg7[%swap3A_2098, %swap3A_2099], %swap3A_2102 {strides = array<i32>} : memref<12x128xi32, #tpu.memory_space<vmem>>, vector<1x16xi32>,
    %get3A_2103 = arith.constant 11 : i32
    %get3A_2104 = arith.index_cast %get3A_2103 : i32 to index
    %get3A_2105 = arith.constant 16 : index
    %get3A_2106 = tpu.vector_load %arg6[%get3A_2104, %get3A_2105] {strides = array<i32>} : memref<12x128xf32, #tpu.memory_space<vmem>>, vector<1x16xf32>,
    %get3A_2107 = vector.shape_cast %get3A_2106 : vector<1x16xf32> to vector<16xf32>
    %convert_element_type3A_2108 = arith.fptosi %get3A_2107 : vector<16xf32> to vector<16xi32>
    %swap3A_2109 = arith.constant 11 : i32
    %swap3A_2110 = arith.index_cast %swap3A_2109 : i32 to index
    %swap3A_2111 = arith.constant 16 : index
    %swap3A_2112 = tpu.vector_load %arg7[%swap3A_2110, %swap3A_2111] {strides = array<i32>} : memref<12x128xi32, #tpu.memory_space<vmem>>, vector<1x16xi32>,
    %swap3A_2113 = vector.shape_cast %swap3A_2112 : vector<1x16xi32> to vector<16xi32>
    %swap3A_2114 = vector.shape_cast %convert_element_type3A_2108 : vector<16xi32> to vector<1x16xi32>
    tpu.vector_store %arg7[%swap3A_2110, %swap3A_2111], %swap3A_2114 {strides = array<i32>} : memref<12x128xi32, #tpu.memory_space<vmem>>, vector<1x16xi32>,
    %get3A_2115 = arith.constant 11 : i32
    %get3A_2116 = arith.index_cast %get3A_2115 : i32 to index
    %get3A_2117 = arith.constant 32 : index
    %get3A_2118 = tpu.vector_load %arg6[%get3A_2116, %get3A_2117] {strides = array<i32>} : memref<12x128xf32, #tpu.memory_space<vmem>>, vector<1x16xf32>,
    %get3A_2119 = vector.shape_cast %get3A_2118 : vector<1x16xf32> to vector<16xf32>
    %convert_element_type3A_2120 = arith.fptosi %get3A_2119 : vector<16xf32> to vector<16xi32>
    %swap3A_2121 = arith.constant 11 : i32
    %swap3A_2122 = arith.index_cast %swap3A_2121 : i32 to index
    %swap3A_2123 = arith.constant 32 : index
    %swap3A_2124 = tpu.vector_load %arg7[%swap3A_2122, %swap3A_2123] {strides = array<i32>} : memref<12x128xi32, #tpu.memory_space<vmem>>, vector<1x16xi32>,
    %swap3A_2125 = vector.shape_cast %swap3A_2124 : vector<1x16xi32> to vector<16xi32>
    %swap3A_2126 = vector.shape_cast %convert_element_type3A_2120 : vector<16xi32> to vector<1x16xi32>
    tpu.vector_store %arg7[%swap3A_2122, %swap3A_2123], %swap3A_2126 {strides = array<i32>} : memref<12x128xi32, #tpu.memory_space<vmem>>, vector<1x16xi32>,
    %get3A_2127 = arith.constant 11 : i32
    %get3A_2128 = arith.index_cast %get3A_2127 : i32 to index
    %get3A_2129 = arith.constant 48 : index
    %get3A_2130 = tpu.vector_load %arg6[%get3A_2128, %get3A_2129] {strides = array<i32>} : memref<12x128xf32, #tpu.memory_space<vmem>>, vector<1x16xf32>,
    %get3A_2131 = vector.shape_cast %get3A_2130 : vector<1x16xf32> to vector<16xf32>
    %convert_element_type3A_2132 = arith.fptosi %get3A_2131 : vector<16xf32> to vector<16xi32>
    %swap3A_2133 = arith.constant 11 : i32
    %swap3A_2134 = arith.index_cast %swap3A_2133 : i32 to index
    %swap3A_2135 = arith.constant 48 : index
    %swap3A_2136 = tpu.vector_load %arg7[%swap3A_2134, %swap3A_2135] {strides = array<i32>} : memref<12x128xi32, #tpu.memory_space<vmem>>, vector<1x16xi32>,
    %swap3A_2137 = vector.shape_cast %swap3A_2136 : vector<1x16xi32> to vector<16xi32>
    %swap3A_2138 = vector.shape_cast %convert_element_type3A_2132 : vector<16xi32> to vector<1x16xi32>
    tpu.vector_store %arg7[%swap3A_2134, %swap3A_2135], %swap3A_2138 {strides = array<i32>} : memref<12x128xi32, #tpu.memory_space<vmem>>, vector<1x16xi32>,
    %get3A_2139 = arith.constant 11 : i32
    %get3A_2140 = arith.index_cast %get3A_2139 : i32 to index
    %get3A_2141 = arith.constant 64 : index
    %get3A_2142 = tpu.vector_load %arg6[%get3A_2140, %get3A_2141] {strides = array<i32>} : memref<12x128xf32, #tpu.memory_space<vmem>>, vector<1x16xf32>,
    %get3A_2143 = vector.shape_cast %get3A_2142 : vector<1x16xf32> to vector<16xf32>
    %convert_element_type3A_2144 = arith.fptosi %get3A_2143 : vector<16xf32> to vector<16xi32>
    %swap3A_2145 = arith.constant 11 : i32
    %swap3A_2146 = arith.index_cast %swap3A_2145 : i32 to index
    %swap3A_2147 = arith.constant 64 : index
    %swap3A_2148 = tpu.vector_load %arg7[%swap3A_2146, %swap3A_2147] {strides = array<i32>} : memref<12x128xi32, #tpu.memory_space<vmem>>, vector<1x16xi32>,
    %swap3A_2149 = vector.shape_cast %swap3A_2148 : vector<1x16xi32> to vector<16xi32>
    %swap3A_2150 = vector.shape_cast %convert_element_type3A_2144 : vector<16xi32> to vector<1x16xi32>
    tpu.vector_store %arg7[%swap3A_2146, %swap3A_2147], %swap3A_2150 {strides = array<i32>} : memref<12x128xi32, #tpu.memory_space<vmem>>, vector<1x16xi32>,
    %get3A_2151 = arith.constant 11 : i32
    %get3A_2152 = arith.index_cast %get3A_2151 : i32 to index
    %get3A_2153 = arith.constant 80 : index
    %get3A_2154 = tpu.vector_load %arg6[%get3A_2152, %get3A_2153] {strides = array<i32>} : memref<12x128xf32, #tpu.memory_space<vmem>>, vector<1x16xf32>,
    %get3A_2155 = vector.shape_cast %get3A_2154 : vector<1x16xf32> to vector<16xf32>
    %convert_element_type3A_2156 = arith.fptosi %get3A_2155 : vector<16xf32> to vector<16xi32>
    %swap3A_2157 = arith.constant 11 : i32
    %swap3A_2158 = arith.index_cast %swap3A_2157 : i32 to index
    %swap3A_2159 = arith.constant 80 : index
    %swap3A_2160 = tpu.vector_load %arg7[%swap3A_2158, %swap3A_2159] {strides = array<i32>} : memref<12x128xi32, #tpu.memory_space<vmem>>, vector<1x16xi32>,
    %swap3A_2161 = vector.shape_cast %swap3A_2160 : vector<1x16xi32> to vector<16xi32>
    %swap3A_2162 = vector.shape_cast %convert_element_type3A_2156 : vector<16xi32> to vector<1x16xi32>
    tpu.vector_store %arg7[%swap3A_2158, %swap3A_2159], %swap3A_2162 {strides = array<i32>} : memref<12x128xi32, #tpu.memory_space<vmem>>, vector<1x16xi32>,
    %get3A_2163 = arith.constant 11 : i32
    %get3A_2164 = arith.index_cast %get3A_2163 : i32 to index
    %get3A_2165 = arith.constant 96 : index
    %get3A_2166 = tpu.vector_load %arg6[%get3A_2164, %get3A_2165] {strides = array<i32>} : memref<12x128xf32, #tpu.memory_space<vmem>>, vector<1x16xf32>,
    %get3A_2167 = vector.shape_cast %get3A_2166 : vector<1x16xf32> to vector<16xf32>
    %convert_element_type3A_2168 = arith.fptosi %get3A_2167 : vector<16xf32> to vector<16xi32>
    %swap3A_2169 = arith.constant 11 : i32
    %swap3A_2170 = arith.index_cast %swap3A_2169 : i32 to index
    %swap3A_2171 = arith.constant 96 : index
    %swap3A_2172 = tpu.vector_load %arg7[%swap3A_2170, %swap3A_2171] {strides = array<i32>} : memref<12x128xi32, #tpu.memory_space<vmem>>, vector<1x16xi32>,
    %swap3A_2173 = vector.shape_cast %swap3A_2172 : vector<1x16xi32> to vector<16xi32>
    %swap3A_2174 = vector.shape_cast %convert_element_type3A_2168 : vector<16xi32> to vector<1x16xi32>
    tpu.vector_store %arg7[%swap3A_2170, %swap3A_2171], %swap3A_2174 {strides = array<i32>} : memref<12x128xi32, #tpu.memory_space<vmem>>, vector<1x16xi32>,
    %get3A_2175 = arith.constant 11 : i32
    %get3A_2176 = arith.index_cast %get3A_2175 : i32 to index
    %get3A_2177 = arith.constant 112 : index
    %get3A_2178 = tpu.vector_load %arg6[%get3A_2176, %get3A_2177] {strides = array<i32>} : memref<12x128xf32, #tpu.memory_space<vmem>>, vector<1x16xf32>,
    %get3A_2179 = vector.shape_cast %get3A_2178 : vector<1x16xf32> to vector<16xf32>
    %convert_element_type3A_2180 = arith.fptosi %get3A_2179 : vector<16xf32> to vector<16xi32>
    %swap3A_2181 = arith.constant 11 : i32
    %swap3A_2182 = arith.index_cast %swap3A_2181 : i32 to index
    %swap3A_2183 = arith.constant 112 : index
    %swap3A_2184 = tpu.vector_load %arg7[%swap3A_2182, %swap3A_2183] {strides = array<i32>} : memref<12x128xi32, #tpu.memory_space<vmem>>, vector<1x16xi32>,
    %swap3A_2185 = vector.shape_cast %swap3A_2184 : vector<1x16xi32> to vector<16xi32>
    %swap3A_2186 = vector.shape_cast %convert_element_type3A_2180 : vector<16xi32> to vector<1x16xi32>
    tpu.vector_store %arg7[%swap3A_2182, %swap3A_2183], %swap3A_2186 {strides = array<i32>} : memref<12x128xi32, #tpu.memory_space<vmem>>, vector<1x16xi32>,
    %dma_start3A = arith.constant 0 : i32
    %dma_start3A_2187 = arith.constant 0 : i32
    %dma_start3A_2188 = arith.constant 0 : i32
    %dma_start3A_2189 = arith.constant 0 : i32
    %dma_start3A_2190 = tpu.memref_slice %arg8[%dma_start3A_2187, %dma_start3A_2188, %dma_start3A_2189] : memref<2x128x64xf32, #tpu.memory_space<vmem>> -> memref<1x128x64xf32, #tpu.memory_space<vmem>>
    %dma_start3A_2191 = tpu.memref_squeeze %dma_start3A_2190 : memref<1x128x64xf32, #tpu.memory_space<vmem>> -> memref<128x64xf32, #tpu.memory_space<vmem>>
    %dma_start3A_2192 = arith.constant 0 : i32
    %dma_start3A_2193 = tpu.memref_slice %arg7[%dma_start3A, %dma_start3A_2192] : memref<12x128xi32, #tpu.memory_space<vmem>> -> memref<1x128xi32, #tpu.memory_space<vmem>>
    %dma_start3A_2194 = tpu.memref_squeeze %dma_start3A_2193 : memref<1x128xi32, #tpu.memory_space<vmem>> -> memref<128xi32, #tpu.memory_space<vmem>>
    %dma_start3A_2195 = arith.constant 0 : i32
    %dma_start3A_2196 = arith.constant 0 : i32
    %dma_start3A_2197 = tpu.memref_slice %arg5[%dma_start3A_2195, %dma_start3A_2196] : memref<4096x64xf32, #tpu.memory_space<vmem_shared>> -> memref<4096x64xf32, #tpu.memory_space<vmem_shared>>
    tpu.enqueue_indirect_dma source(%dma_start3A_2197 : memref<4096x64xf32, #tpu.memory_space<vmem_shared>>) target(%dma_start3A_2191 : memref<128x64xf32, #tpu.memory_space<vmem>>) offsets(%dma_start3A_2194 : memref<128xi32, #tpu.memory_space<vmem>>) semaphore(%arg9 : memref<!tpu.dma_semaphore, #tpu.memory_space<semaphore_mem>>)
    %dma_start3A_2198 = arith.constant 1 : i32
    %dma_start3A_2199 = arith.constant 1 : i32
    %dma_start3A_2200 = arith.constant 0 : i32
    %dma_start3A_2201 = arith.constant 0 : i32
    %dma_start3A_2202 = tpu.memref_slice %arg8[%dma_start3A_2199, %dma_start3A_2200, %dma_start3A_2201] : memref<2x128x64xf32, #tpu.memory_space<vmem>> -> memref<1x128x64xf32, #tpu.memory_space<vmem>>
    %dma_start3A_2203 = tpu.memref_squeeze %dma_start3A_2202 : memref<1x128x64xf32, #tpu.memory_space<vmem>> -> memref<128x64xf32, #tpu.memory_space<vmem>>
    %dma_start3A_2204 = arith.constant 0 : i32
    %dma_start3A_2205 = tpu.memref_slice %arg7[%dma_start3A_2198, %dma_start3A_2204] : memref<12x128xi32, #tpu.memory_space<vmem>> -> memref<1x128xi32, #tpu.memory_space<vmem>>
    %dma_start3A_2206 = tpu.memref_squeeze %dma_start3A_2205 : memref<1x128xi32, #tpu.memory_space<vmem>> -> memref<128xi32, #tpu.memory_space<vmem>>
    %dma_start3A_2207 = arith.constant 0 : i32
    %dma_start3A_2208 = arith.constant 0 : i32
    %dma_start3A_2209 = tpu.memref_slice %arg5[%dma_start3A_2207, %dma_start3A_2208] : memref<4096x64xf32, #tpu.memory_space<vmem_shared>> -> memref<4096x64xf32, #tpu.memory_space<vmem_shared>>
    tpu.enqueue_indirect_dma source(%dma_start3A_2209 : memref<4096x64xf32, #tpu.memory_space<vmem_shared>>) target(%dma_start3A_2203 : memref<128x64xf32, #tpu.memory_space<vmem>>) offsets(%dma_start3A_2206 : memref<128xi32, #tpu.memory_space<vmem>>) semaphore(%arg10 : memref<!tpu.dma_semaphore, #tpu.memory_space<semaphore_mem>>)
    %dma_wait3A = arith.constant 0 : i32
    %dma_wait3A_2210 = arith.constant 0 : i32
    %dma_wait3A_2211 = arith.constant 0 : i32
    %dma_wait3A_2212 = arith.constant 0 : i32
    %dma_wait3A_2213 = tpu.memref_slice %arg8[%dma_wait3A_2210, %dma_wait3A_2211, %dma_wait3A_2212] : memref<2x128x64xf32, #tpu.memory_space<vmem>> -> memref<1x128x64xf32, #tpu.memory_space<vmem>>
    %dma_wait3A_2214 = tpu.memref_squeeze %dma_wait3A_2213 : memref<1x128x64xf32, #tpu.memory_space<vmem>> -> memref<128x64xf32, #tpu.memory_space<vmem>>
    %dma_wait3A_2215 = arith.constant 0 : i32
    %dma_wait3A_2216 = tpu.memref_slice %arg7[%dma_wait3A, %dma_wait3A_2215] : memref<12x128xi32, #tpu.memory_space<vmem>> -> memref<1x128xi32, #tpu.memory_space<vmem>>
    %dma_wait3A_2217 = tpu.memref_squeeze %dma_wait3A_2216 : memref<1x128xi32, #tpu.memory_space<vmem>> -> memref<128xi32, #tpu.memory_space<vmem>>
    %dma_wait3A_2218 = arith.constant 0 : i32
    %dma_wait3A_2219 = arith.constant 0 : i32
    %dma_wait3A_2220 = tpu.memref_slice %arg5[%dma_wait3A_2218, %dma_wait3A_2219] : memref<4096x64xf32, #tpu.memory_space<vmem_shared>> -> memref<4096x64xf32, #tpu.memory_space<vmem_shared>>
    tpu.wait_indirect_dma semaphore(%arg9 : memref<!tpu.dma_semaphore, #tpu.memory_space<semaphore_mem>>) src(%dma_wait3A_2220 : memref<4096x64xf32, #tpu.memory_space<vmem_shared>>) dst(%dma_wait3A_2214 : memref<128x64xf32, #tpu.memory_space<vmem>>)
    %mul3A_2221 = arith.constant 12 : i32
    %mul3A_2222 = arith.muli %add3A, %mul3A_2221 : i32
    %add3A_2223 = arith.constant 0 : i32
    %add3A_2224 = arith.addi %mul3A_2222, %add3A_2223 : i32
    %mul3A_2225 = arith.constant 128 : i32
    %mul3A_2226 = arith.muli %add3A_2224, %mul3A_2225 : i32
    %run_scoped3A_2227 = arith.constant 0 : i32
    "tpu.region"() ({
      %run_scoped3A_2557 = tpu.sem_alloc : memref<!tpu.dma_semaphore, #tpu.memory_space<semaphore_mem>>
      %dma_start3A_2558 = arith.constant 0 : i32
      %dma_start3A_2559 = arith.constant 0 : i32
      %dma_start3A_2560 = tpu.memref_slice %arg8[%run_scoped3A_2227, %dma_start3A_2558, %dma_start3A_2559] : memref<2x128x64xf32, #tpu.memory_space<vmem>> -> memref<1x128x64xf32, #tpu.memory_space<vmem>>
      %dma_start3A_2561 = tpu.memref_squeeze %dma_start3A_2560 : memref<1x128x64xf32, #tpu.memory_space<vmem>> -> memref<128x64xf32, #tpu.memory_space<vmem>>
      %dma_start3A_2562 = arith.constant 0 : i32
      %dma_start3A_2563 = tpu.memref_slice %arg4[%mul3A_2226, %dma_start3A_2562] : memref<49152x64xf32, #tpu.memory_space<hbm>> -> memref<128x64xf32, #tpu.memory_space<hbm>>
      %dma_start3A_2564 = arith.constant 0 : i32
      %dma_start3A_2565 = tpu.memref_slice %arg4[%mul3A_2226, %dma_start3A_2564] : memref<49152x64xf32, #tpu.memory_space<hbm>> -> memref<128x64xf32, #tpu.memory_space<hbm>>
      %dma_start3A_2566 = arith.constant 0 : i32
      %dma_start3A_2567 = arith.constant 0 : i32
      %dma_start3A_2568 = tpu.memref_slice %arg8[%run_scoped3A_2227, %dma_start3A_2566, %dma_start3A_2567] : memref<2x128x64xf32, #tpu.memory_space<vmem>> -> memref<1x128x64xf32, #tpu.memory_space<vmem>>
      %dma_start3A_2569 = tpu.memref_squeeze %dma_start3A_2568 : memref<1x128x64xf32, #tpu.memory_space<vmem>> -> memref<128x64xf32, #tpu.memory_space<vmem>>
      tpu.enqueue_dma source(%dma_start3A_2569 : memref<128x64xf32, #tpu.memory_space<vmem>>) target(%dma_start3A_2565 : memref<128x64xf32, #tpu.memory_space<hbm>>) target_semaphore(%run_scoped3A_2557 : memref<!tpu.dma_semaphore, #tpu.memory_space<semaphore_mem>>)
      %dma_wait3A_2570 = arith.constant 0 : i32
      %dma_wait3A_2571 = arith.constant 0 : i32
      %dma_wait3A_2572 = tpu.memref_slice %arg8[%run_scoped3A_2227, %dma_wait3A_2570, %dma_wait3A_2571] : memref<2x128x64xf32, #tpu.memory_space<vmem>> -> memref<1x128x64xf32, #tpu.memory_space<vmem>>
      %dma_wait3A_2573 = tpu.memref_squeeze %dma_wait3A_2572 : memref<1x128x64xf32, #tpu.memory_space<vmem>> -> memref<128x64xf32, #tpu.memory_space<vmem>>
      %dma_wait3A_2574 = arith.constant 0 : i32
      %dma_wait3A_2575 = tpu.memref_slice %arg4[%mul3A_2226, %dma_wait3A_2574] : memref<49152x64xf32, #tpu.memory_space<hbm>> -> memref<128x64xf32, #tpu.memory_space<hbm>>
      %dma_wait3A_2576 = arith.constant 0 : i32
      %dma_wait3A_2577 = tpu.memref_slice %arg4[%mul3A_2226, %dma_wait3A_2576] : memref<49152x64xf32, #tpu.memory_space<hbm>> -> memref<128x64xf32, #tpu.memory_space<hbm>>
      %dma_wait3A_2578 = arith.constant 0 : i32
      %dma_wait3A_2579 = arith.constant 0 : i32
      %dma_wait3A_2580 = tpu.memref_slice %arg8[%run_scoped3A_2227, %dma_wait3A_2578, %dma_wait3A_2579] : memref<2x128x64xf32, #tpu.memory_space<vmem>> -> memref<1x128x64xf32, #tpu.memory_space<vmem>>
      %dma_wait3A_2581 = tpu.memref_squeeze %dma_wait3A_2580 : memref<1x128x64xf32, #tpu.memory_space<vmem>> -> memref<128x64xf32, #tpu.memory_space<vmem>>
      tpu.wait_dma2 semaphore(%run_scoped3A_2557 : memref<!tpu.dma_semaphore, #tpu.memory_space<semaphore_mem>>) src(%dma_wait3A_2581 : memref<128x64xf32, #tpu.memory_space<vmem>>) dst(%dma_wait3A_2577 : memref<128x64xf32, #tpu.memory_space<hbm>>)
      tpu.yield
    }) : () -> ()
    %dma_start3A_2228 = arith.constant 2 : i32
    %dma_start3A_2229 = arith.constant 0 : i32
    %dma_start3A_2230 = arith.constant 0 : i32
    %dma_start3A_2231 = arith.constant 0 : i32
    %dma_start3A_2232 = tpu.memref_slice %arg8[%dma_start3A_2229, %dma_start3A_2230, %dma_start3A_2231] : memref<2x128x64xf32, #tpu.memory_space<vmem>> -> memref<1x128x64xf32, #tpu.memory_space<vmem>>
    %dma_start3A_2233 = tpu.memref_squeeze %dma_start3A_2232 : memref<1x128x64xf32, #tpu.memory_space<vmem>> -> memref<128x64xf32, #tpu.memory_space<vmem>>
    %dma_start3A_2234 = arith.constant 0 : i32
    %dma_start3A_2235 = tpu.memref_slice %arg7[%dma_start3A_2228, %dma_start3A_2234] : memref<12x128xi32, #tpu.memory_space<vmem>> -> memref<1x128xi32, #tpu.memory_space<vmem>>
    %dma_start3A_2236 = tpu.memref_squeeze %dma_start3A_2235 : memref<1x128xi32, #tpu.memory_space<vmem>> -> memref<128xi32, #tpu.memory_space<vmem>>
    %dma_start3A_2237 = arith.constant 0 : i32
    %dma_start3A_2238 = arith.constant 0 : i32
    %dma_start3A_2239 = tpu.memref_slice %arg5[%dma_start3A_2237, %dma_start3A_2238] : memref<4096x64xf32, #tpu.memory_space<vmem_shared>> -> memref<4096x64xf32, #tpu.memory_space<vmem_shared>>
    tpu.enqueue_indirect_dma source(%dma_start3A_2239 : memref<4096x64xf32, #tpu.memory_space<vmem_shared>>) target(%dma_start3A_2233 : memref<128x64xf32, #tpu.memory_space<vmem>>) offsets(%dma_start3A_2236 : memref<128xi32, #tpu.memory_space<vmem>>) semaphore(%arg9 : memref<!tpu.dma_semaphore, #tpu.memory_space<semaphore_mem>>)
    %dma_wait3A_2240 = arith.constant 1 : i32
    %dma_wait3A_2241 = arith.constant 1 : i32
    %dma_wait3A_2242 = arith.constant 0 : i32
    %dma_wait3A_2243 = arith.constant 0 : i32
    %dma_wait3A_2244 = tpu.memref_slice %arg8[%dma_wait3A_2241, %dma_wait3A_2242, %dma_wait3A_2243] : memref<2x128x64xf32, #tpu.memory_space<vmem>> -> memref<1x128x64xf32, #tpu.memory_space<vmem>>
    %dma_wait3A_2245 = tpu.memref_squeeze %dma_wait3A_2244 : memref<1x128x64xf32, #tpu.memory_space<vmem>> -> memref<128x64xf32, #tpu.memory_space<vmem>>
    %dma_wait3A_2246 = arith.constant 0 : i32
    %dma_wait3A_2247 = tpu.memref_slice %arg7[%dma_wait3A_2240, %dma_wait3A_2246] : memref<12x128xi32, #tpu.memory_space<vmem>> -> memref<1x128xi32, #tpu.memory_space<vmem>>
    %dma_wait3A_2248 = tpu.memref_squeeze %dma_wait3A_2247 : memref<1x128xi32, #tpu.memory_space<vmem>> -> memref<128xi32, #tpu.memory_space<vmem>>
    %dma_wait3A_2249 = arith.constant 0 : i32
    %dma_wait3A_2250 = arith.constant 0 : i32
    %dma_wait3A_2251 = tpu.memref_slice %arg5[%dma_wait3A_2249, %dma_wait3A_2250] : memref<4096x64xf32, #tpu.memory_space<vmem_shared>> -> memref<4096x64xf32, #tpu.memory_space<vmem_shared>>
    tpu.wait_indirect_dma semaphore(%arg10 : memref<!tpu.dma_semaphore, #tpu.memory_space<semaphore_mem>>) src(%dma_wait3A_2251 : memref<4096x64xf32, #tpu.memory_space<vmem_shared>>) dst(%dma_wait3A_2245 : memref<128x64xf32, #tpu.memory_space<vmem>>)
    %mul3A_2252 = arith.constant 12 : i32
    %mul3A_2253 = arith.muli %add3A, %mul3A_2252 : i32
    %add3A_2254 = arith.constant 1 : i32
    %add3A_2255 = arith.addi %mul3A_2253, %add3A_2254 : i32
    %mul3A_2256 = arith.constant 128 : i32
    %mul3A_2257 = arith.muli %add3A_2255, %mul3A_2256 : i32
    %run_scoped3A_2258 = arith.constant 1 : i32
    "tpu.region"() ({
      %run_scoped3A_2557 = tpu.sem_alloc : memref<!tpu.dma_semaphore, #tpu.memory_space<semaphore_mem>>
      %dma_start3A_2558 = arith.constant 0 : i32
      %dma_start3A_2559 = arith.constant 0 : i32
      %dma_start3A_2560 = tpu.memref_slice %arg8[%run_scoped3A_2258, %dma_start3A_2558, %dma_start3A_2559] : memref<2x128x64xf32, #tpu.memory_space<vmem>> -> memref<1x128x64xf32, #tpu.memory_space<vmem>>
      %dma_start3A_2561 = tpu.memref_squeeze %dma_start3A_2560 : memref<1x128x64xf32, #tpu.memory_space<vmem>> -> memref<128x64xf32, #tpu.memory_space<vmem>>
      %dma_start3A_2562 = arith.constant 0 : i32
      %dma_start3A_2563 = tpu.memref_slice %arg4[%mul3A_2257, %dma_start3A_2562] : memref<49152x64xf32, #tpu.memory_space<hbm>> -> memref<128x64xf32, #tpu.memory_space<hbm>>
      %dma_start3A_2564 = arith.constant 0 : i32
      %dma_start3A_2565 = tpu.memref_slice %arg4[%mul3A_2257, %dma_start3A_2564] : memref<49152x64xf32, #tpu.memory_space<hbm>> -> memref<128x64xf32, #tpu.memory_space<hbm>>
      %dma_start3A_2566 = arith.constant 0 : i32
      %dma_start3A_2567 = arith.constant 0 : i32
      %dma_start3A_2568 = tpu.memref_slice %arg8[%run_scoped3A_2258, %dma_start3A_2566, %dma_start3A_2567] : memref<2x128x64xf32, #tpu.memory_space<vmem>> -> memref<1x128x64xf32, #tpu.memory_space<vmem>>
      %dma_start3A_2569 = tpu.memref_squeeze %dma_start3A_2568 : memref<1x128x64xf32, #tpu.memory_space<vmem>> -> memref<128x64xf32, #tpu.memory_space<vmem>>
      tpu.enqueue_dma source(%dma_start3A_2569 : memref<128x64xf32, #tpu.memory_space<vmem>>) target(%dma_start3A_2565 : memref<128x64xf32, #tpu.memory_space<hbm>>) target_semaphore(%run_scoped3A_2557 : memref<!tpu.dma_semaphore, #tpu.memory_space<semaphore_mem>>)
      %dma_wait3A_2570 = arith.constant 0 : i32
      %dma_wait3A_2571 = arith.constant 0 : i32
      %dma_wait3A_2572 = tpu.memref_slice %arg8[%run_scoped3A_2258, %dma_wait3A_2570, %dma_wait3A_2571] : memref<2x128x64xf32, #tpu.memory_space<vmem>> -> memref<1x128x64xf32, #tpu.memory_space<vmem>>
      %dma_wait3A_2573 = tpu.memref_squeeze %dma_wait3A_2572 : memref<1x128x64xf32, #tpu.memory_space<vmem>> -> memref<128x64xf32, #tpu.memory_space<vmem>>
      %dma_wait3A_2574 = arith.constant 0 : i32
      %dma_wait3A_2575 = tpu.memref_slice %arg4[%mul3A_2257, %dma_wait3A_2574] : memref<49152x64xf32, #tpu.memory_space<hbm>> -> memref<128x64xf32, #tpu.memory_space<hbm>>
      %dma_wait3A_2576 = arith.constant 0 : i32
      %dma_wait3A_2577 = tpu.memref_slice %arg4[%mul3A_2257, %dma_wait3A_2576] : memref<49152x64xf32, #tpu.memory_space<hbm>> -> memref<128x64xf32, #tpu.memory_space<hbm>>
      %dma_wait3A_2578 = arith.constant 0 : i32
      %dma_wait3A_2579 = arith.constant 0 : i32
      %dma_wait3A_2580 = tpu.memref_slice %arg8[%run_scoped3A_2258, %dma_wait3A_2578, %dma_wait3A_2579] : memref<2x128x64xf32, #tpu.memory_space<vmem>> -> memref<1x128x64xf32, #tpu.memory_space<vmem>>
      %dma_wait3A_2581 = tpu.memref_squeeze %dma_wait3A_2580 : memref<1x128x64xf32, #tpu.memory_space<vmem>> -> memref<128x64xf32, #tpu.memory_space<vmem>>
      tpu.wait_dma2 semaphore(%run_scoped3A_2557 : memref<!tpu.dma_semaphore, #tpu.memory_space<semaphore_mem>>) src(%dma_wait3A_2581 : memref<128x64xf32, #tpu.memory_space<vmem>>) dst(%dma_wait3A_2577 : memref<128x64xf32, #tpu.memory_space<hbm>>)
      tpu.yield
    }) : () -> ()
    %dma_start3A_2259 = arith.constant 3 : i32
    %dma_start3A_2260 = arith.constant 1 : i32
    %dma_start3A_2261 = arith.constant 0 : i32
    %dma_start3A_2262 = arith.constant 0 : i32
    %dma_start3A_2263 = tpu.memref_slice %arg8[%dma_start3A_2260, %dma_start3A_2261, %dma_start3A_2262] : memref<2x128x64xf32, #tpu.memory_space<vmem>> -> memref<1x128x64xf32, #tpu.memory_space<vmem>>
    %dma_start3A_2264 = tpu.memref_squeeze %dma_start3A_2263 : memref<1x128x64xf32, #tpu.memory_space<vmem>> -> memref<128x64xf32, #tpu.memory_space<vmem>>
    %dma_start3A_2265 = arith.constant 0 : i32
    %dma_start3A_2266 = tpu.memref_slice %arg7[%dma_start3A_2259, %dma_start3A_2265] : memref<12x128xi32, #tpu.memory_space<vmem>> -> memref<1x128xi32, #tpu.memory_space<vmem>>
    %dma_start3A_2267 = tpu.memref_squeeze %dma_start3A_2266 : memref<1x128xi32, #tpu.memory_space<vmem>> -> memref<128xi32, #tpu.memory_space<vmem>>
    %dma_start3A_2268 = arith.constant 0 : i32
    %dma_start3A_2269 = arith.constant 0 : i32
    %dma_start3A_2270 = tpu.memref_slice %arg5[%dma_start3A_2268, %dma_start3A_2269] : memref<4096x64xf32, #tpu.memory_space<vmem_shared>> -> memref<4096x64xf32, #tpu.memory_space<vmem_shared>>
    tpu.enqueue_indirect_dma source(%dma_start3A_2270 : memref<4096x64xf32, #tpu.memory_space<vmem_shared>>) target(%dma_start3A_2264 : memref<128x64xf32, #tpu.memory_space<vmem>>) offsets(%dma_start3A_2267 : memref<128xi32, #tpu.memory_space<vmem>>) semaphore(%arg10 : memref<!tpu.dma_semaphore, #tpu.memory_space<semaphore_mem>>)
    %dma_wait3A_2271 = arith.constant 2 : i32
    %dma_wait3A_2272 = arith.constant 0 : i32
    %dma_wait3A_2273 = arith.constant 0 : i32
    %dma_wait3A_2274 = arith.constant 0 : i32
    %dma_wait3A_2275 = tpu.memref_slice %arg8[%dma_wait3A_2272, %dma_wait3A_2273, %dma_wait3A_2274] : memref<2x128x64xf32, #tpu.memory_space<vmem>> -> memref<1x128x64xf32, #tpu.memory_space<vmem>>
    %dma_wait3A_2276 = tpu.memref_squeeze %dma_wait3A_2275 : memref<1x128x64xf32, #tpu.memory_space<vmem>> -> memref<128x64xf32, #tpu.memory_space<vmem>>
    %dma_wait3A_2277 = arith.constant 0 : i32
    %dma_wait3A_2278 = tpu.memref_slice %arg7[%dma_wait3A_2271, %dma_wait3A_2277] : memref<12x128xi32, #tpu.memory_space<vmem>> -> memref<1x128xi32, #tpu.memory_space<vmem>>
    %dma_wait3A_2279 = tpu.memref_squeeze %dma_wait3A_2278 : memref<1x128xi32, #tpu.memory_space<vmem>> -> memref<128xi32, #tpu.memory_space<vmem>>
    %dma_wait3A_2280 = arith.constant 0 : i32
    %dma_wait3A_2281 = arith.constant 0 : i32
    %dma_wait3A_2282 = tpu.memref_slice %arg5[%dma_wait3A_2280, %dma_wait3A_2281] : memref<4096x64xf32, #tpu.memory_space<vmem_shared>> -> memref<4096x64xf32, #tpu.memory_space<vmem_shared>>
    tpu.wait_indirect_dma semaphore(%arg9 : memref<!tpu.dma_semaphore, #tpu.memory_space<semaphore_mem>>) src(%dma_wait3A_2282 : memref<4096x64xf32, #tpu.memory_space<vmem_shared>>) dst(%dma_wait3A_2276 : memref<128x64xf32, #tpu.memory_space<vmem>>)
    %mul3A_2283 = arith.constant 12 : i32
    %mul3A_2284 = arith.muli %add3A, %mul3A_2283 : i32
    %add3A_2285 = arith.constant 2 : i32
    %add3A_2286 = arith.addi %mul3A_2284, %add3A_2285 : i32
    %mul3A_2287 = arith.constant 128 : i32
    %mul3A_2288 = arith.muli %add3A_2286, %mul3A_2287 : i32
    %run_scoped3A_2289 = arith.constant 0 : i32
    "tpu.region"() ({
      %run_scoped3A_2557 = tpu.sem_alloc : memref<!tpu.dma_semaphore, #tpu.memory_space<semaphore_mem>>
      %dma_start3A_2558 = arith.constant 0 : i32
      %dma_start3A_2559 = arith.constant 0 : i32
      %dma_start3A_2560 = tpu.memref_slice %arg8[%run_scoped3A_2289, %dma_start3A_2558, %dma_start3A_2559] : memref<2x128x64xf32, #tpu.memory_space<vmem>> -> memref<1x128x64xf32, #tpu.memory_space<vmem>>
      %dma_start3A_2561 = tpu.memref_squeeze %dma_start3A_2560 : memref<1x128x64xf32, #tpu.memory_space<vmem>> -> memref<128x64xf32, #tpu.memory_space<vmem>>
      %dma_start3A_2562 = arith.constant 0 : i32
      %dma_start3A_2563 = tpu.memref_slice %arg4[%mul3A_2288, %dma_start3A_2562] : memref<49152x64xf32, #tpu.memory_space<hbm>> -> memref<128x64xf32, #tpu.memory_space<hbm>>
      %dma_start3A_2564 = arith.constant 0 : i32
      %dma_start3A_2565 = tpu.memref_slice %arg4[%mul3A_2288, %dma_start3A_2564] : memref<49152x64xf32, #tpu.memory_space<hbm>> -> memref<128x64xf32, #tpu.memory_space<hbm>>
      %dma_start3A_2566 = arith.constant 0 : i32
      %dma_start3A_2567 = arith.constant 0 : i32
      %dma_start3A_2568 = tpu.memref_slice %arg8[%run_scoped3A_2289, %dma_start3A_2566, %dma_start3A_2567] : memref<2x128x64xf32, #tpu.memory_space<vmem>> -> memref<1x128x64xf32, #tpu.memory_space<vmem>>
      %dma_start3A_2569 = tpu.memref_squeeze %dma_start3A_2568 : memref<1x128x64xf32, #tpu.memory_space<vmem>> -> memref<128x64xf32, #tpu.memory_space<vmem>>
      tpu.enqueue_dma source(%dma_start3A_2569 : memref<128x64xf32, #tpu.memory_space<vmem>>) target(%dma_start3A_2565 : memref<128x64xf32, #tpu.memory_space<hbm>>) target_semaphore(%run_scoped3A_2557 : memref<!tpu.dma_semaphore, #tpu.memory_space<semaphore_mem>>)
      %dma_wait3A_2570 = arith.constant 0 : i32
      %dma_wait3A_2571 = arith.constant 0 : i32
      %dma_wait3A_2572 = tpu.memref_slice %arg8[%run_scoped3A_2289, %dma_wait3A_2570, %dma_wait3A_2571] : memref<2x128x64xf32, #tpu.memory_space<vmem>> -> memref<1x128x64xf32, #tpu.memory_space<vmem>>
      %dma_wait3A_2573 = tpu.memref_squeeze %dma_wait3A_2572 : memref<1x128x64xf32, #tpu.memory_space<vmem>> -> memref<128x64xf32, #tpu.memory_space<vmem>>
      %dma_wait3A_2574 = arith.constant 0 : i32
      %dma_wait3A_2575 = tpu.memref_slice %arg4[%mul3A_2288, %dma_wait3A_2574] : memref<49152x64xf32, #tpu.memory_space<hbm>> -> memref<128x64xf32, #tpu.memory_space<hbm>>
      %dma_wait3A_2576 = arith.constant 0 : i32
      %dma_wait3A_2577 = tpu.memref_slice %arg4[%mul3A_2288, %dma_wait3A_2576] : memref<49152x64xf32, #tpu.memory_space<hbm>> -> memref<128x64xf32, #tpu.memory_space<hbm>>
      %dma_wait3A_2578 = arith.constant 0 : i32
      %dma_wait3A_2579 = arith.constant 0 : i32
      %dma_wait3A_2580 = tpu.memref_slice %arg8[%run_scoped3A_2289, %dma_wait3A_2578, %dma_wait3A_2579] : memref<2x128x64xf32, #tpu.memory_space<vmem>> -> memref<1x128x64xf32, #tpu.memory_space<vmem>>
      %dma_wait3A_2581 = tpu.memref_squeeze %dma_wait3A_2580 : memref<1x128x64xf32, #tpu.memory_space<vmem>> -> memref<128x64xf32, #tpu.memory_space<vmem>>
      tpu.wait_dma2 semaphore(%run_scoped3A_2557 : memref<!tpu.dma_semaphore, #tpu.memory_space<semaphore_mem>>) src(%dma_wait3A_2581 : memref<128x64xf32, #tpu.memory_space<vmem>>) dst(%dma_wait3A_2577 : memref<128x64xf32, #tpu.memory_space<hbm>>)
      tpu.yield
    }) : () -> ()
    %dma_start3A_2290 = arith.constant 4 : i32
    %dma_start3A_2291 = arith.constant 0 : i32
    %dma_start3A_2292 = arith.constant 0 : i32
    %dma_start3A_2293 = arith.constant 0 : i32
    %dma_start3A_2294 = tpu.memref_slice %arg8[%dma_start3A_2291, %dma_start3A_2292, %dma_start3A_2293] : memref<2x128x64xf32, #tpu.memory_space<vmem>> -> memref<1x128x64xf32, #tpu.memory_space<vmem>>
    %dma_start3A_2295 = tpu.memref_squeeze %dma_start3A_2294 : memref<1x128x64xf32, #tpu.memory_space<vmem>> -> memref<128x64xf32, #tpu.memory_space<vmem>>
    %dma_start3A_2296 = arith.constant 0 : i32
    %dma_start3A_2297 = tpu.memref_slice %arg7[%dma_start3A_2290, %dma_start3A_2296] : memref<12x128xi32, #tpu.memory_space<vmem>> -> memref<1x128xi32, #tpu.memory_space<vmem>>
    %dma_start3A_2298 = tpu.memref_squeeze %dma_start3A_2297 : memref<1x128xi32, #tpu.memory_space<vmem>> -> memref<128xi32, #tpu.memory_space<vmem>>
    %dma_start3A_2299 = arith.constant 0 : i32
    %dma_start3A_2300 = arith.constant 0 : i32
    %dma_start3A_2301 = tpu.memref_slice %arg5[%dma_start3A_2299, %dma_start3A_2300] : memref<4096x64xf32, #tpu.memory_space<vmem_shared>> -> memref<4096x64xf32, #tpu.memory_space<vmem_shared>>
    tpu.enqueue_indirect_dma source(%dma_start3A_2301 : memref<4096x64xf32, #tpu.memory_space<vmem_shared>>) target(%dma_start3A_2295 : memref<128x64xf32, #tpu.memory_space<vmem>>) offsets(%dma_start3A_2298 : memref<128xi32, #tpu.memory_space<vmem>>) semaphore(%arg9 : memref<!tpu.dma_semaphore, #tpu.memory_space<semaphore_mem>>)
    %dma_wait3A_2302 = arith.constant 3 : i32
    %dma_wait3A_2303 = arith.constant 1 : i32
    %dma_wait3A_2304 = arith.constant 0 : i32
    %dma_wait3A_2305 = arith.constant 0 : i32
    %dma_wait3A_2306 = tpu.memref_slice %arg8[%dma_wait3A_2303, %dma_wait3A_2304, %dma_wait3A_2305] : memref<2x128x64xf32, #tpu.memory_space<vmem>> -> memref<1x128x64xf32, #tpu.memory_space<vmem>>
    %dma_wait3A_2307 = tpu.memref_squeeze %dma_wait3A_2306 : memref<1x128x64xf32, #tpu.memory_space<vmem>> -> memref<128x64xf32, #tpu.memory_space<vmem>>
    %dma_wait3A_2308 = arith.constant 0 : i32
    %dma_wait3A_2309 = tpu.memref_slice %arg7[%dma_wait3A_2302, %dma_wait3A_2308] : memref<12x128xi32, #tpu.memory_space<vmem>> -> memref<1x128xi32, #tpu.memory_space<vmem>>
    %dma_wait3A_2310 = tpu.memref_squeeze %dma_wait3A_2309 : memref<1x128xi32, #tpu.memory_space<vmem>> -> memref<128xi32, #tpu.memory_space<vmem>>
    %dma_wait3A_2311 = arith.constant 0 : i32
    %dma_wait3A_2312 = arith.constant 0 : i32
    %dma_wait3A_2313 = tpu.memref_slice %arg5[%dma_wait3A_2311, %dma_wait3A_2312] : memref<4096x64xf32, #tpu.memory_space<vmem_shared>> -> memref<4096x64xf32, #tpu.memory_space<vmem_shared>>
    tpu.wait_indirect_dma semaphore(%arg10 : memref<!tpu.dma_semaphore, #tpu.memory_space<semaphore_mem>>) src(%dma_wait3A_2313 : memref<4096x64xf32, #tpu.memory_space<vmem_shared>>) dst(%dma_wait3A_2307 : memref<128x64xf32, #tpu.memory_space<vmem>>)
    %mul3A_2314 = arith.constant 12 : i32
    %mul3A_2315 = arith.muli %add3A, %mul3A_2314 : i32
    %add3A_2316 = arith.constant 3 : i32
    %add3A_2317 = arith.addi %mul3A_2315, %add3A_2316 : i32
    %mul3A_2318 = arith.constant 128 : i32
    %mul3A_2319 = arith.muli %add3A_2317, %mul3A_2318 : i32
    %run_scoped3A_2320 = arith.constant 1 : i32
    "tpu.region"() ({
      %run_scoped3A_2557 = tpu.sem_alloc : memref<!tpu.dma_semaphore, #tpu.memory_space<semaphore_mem>>
      %dma_start3A_2558 = arith.constant 0 : i32
      %dma_start3A_2559 = arith.constant 0 : i32
      %dma_start3A_2560 = tpu.memref_slice %arg8[%run_scoped3A_2320, %dma_start3A_2558, %dma_start3A_2559] : memref<2x128x64xf32, #tpu.memory_space<vmem>> -> memref<1x128x64xf32, #tpu.memory_space<vmem>>
      %dma_start3A_2561 = tpu.memref_squeeze %dma_start3A_2560 : memref<1x128x64xf32, #tpu.memory_space<vmem>> -> memref<128x64xf32, #tpu.memory_space<vmem>>
      %dma_start3A_2562 = arith.constant 0 : i32
      %dma_start3A_2563 = tpu.memref_slice %arg4[%mul3A_2319, %dma_start3A_2562] : memref<49152x64xf32, #tpu.memory_space<hbm>> -> memref<128x64xf32, #tpu.memory_space<hbm>>
      %dma_start3A_2564 = arith.constant 0 : i32
      %dma_start3A_2565 = tpu.memref_slice %arg4[%mul3A_2319, %dma_start3A_2564] : memref<49152x64xf32, #tpu.memory_space<hbm>> -> memref<128x64xf32, #tpu.memory_space<hbm>>
      %dma_start3A_2566 = arith.constant 0 : i32
      %dma_start3A_2567 = arith.constant 0 : i32
      %dma_start3A_2568 = tpu.memref_slice %arg8[%run_scoped3A_2320, %dma_start3A_2566, %dma_start3A_2567] : memref<2x128x64xf32, #tpu.memory_space<vmem>> -> memref<1x128x64xf32, #tpu.memory_space<vmem>>
      %dma_start3A_2569 = tpu.memref_squeeze %dma_start3A_2568 : memref<1x128x64xf32, #tpu.memory_space<vmem>> -> memref<128x64xf32, #tpu.memory_space<vmem>>
      tpu.enqueue_dma source(%dma_start3A_2569 : memref<128x64xf32, #tpu.memory_space<vmem>>) target(%dma_start3A_2565 : memref<128x64xf32, #tpu.memory_space<hbm>>) target_semaphore(%run_scoped3A_2557 : memref<!tpu.dma_semaphore, #tpu.memory_space<semaphore_mem>>)
      %dma_wait3A_2570 = arith.constant 0 : i32
      %dma_wait3A_2571 = arith.constant 0 : i32
      %dma_wait3A_2572 = tpu.memref_slice %arg8[%run_scoped3A_2320, %dma_wait3A_2570, %dma_wait3A_2571] : memref<2x128x64xf32, #tpu.memory_space<vmem>> -> memref<1x128x64xf32, #tpu.memory_space<vmem>>
      %dma_wait3A_2573 = tpu.memref_squeeze %dma_wait3A_2572 : memref<1x128x64xf32, #tpu.memory_space<vmem>> -> memref<128x64xf32, #tpu.memory_space<vmem>>
      %dma_wait3A_2574 = arith.constant 0 : i32
      %dma_wait3A_2575 = tpu.memref_slice %arg4[%mul3A_2319, %dma_wait3A_2574] : memref<49152x64xf32, #tpu.memory_space<hbm>> -> memref<128x64xf32, #tpu.memory_space<hbm>>
      %dma_wait3A_2576 = arith.constant 0 : i32
      %dma_wait3A_2577 = tpu.memref_slice %arg4[%mul3A_2319, %dma_wait3A_2576] : memref<49152x64xf32, #tpu.memory_space<hbm>> -> memref<128x64xf32, #tpu.memory_space<hbm>>
      %dma_wait3A_2578 = arith.constant 0 : i32
      %dma_wait3A_2579 = arith.constant 0 : i32
      %dma_wait3A_2580 = tpu.memref_slice %arg8[%run_scoped3A_2320, %dma_wait3A_2578, %dma_wait3A_2579] : memref<2x128x64xf32, #tpu.memory_space<vmem>> -> memref<1x128x64xf32, #tpu.memory_space<vmem>>
      %dma_wait3A_2581 = tpu.memref_squeeze %dma_wait3A_2580 : memref<1x128x64xf32, #tpu.memory_space<vmem>> -> memref<128x64xf32, #tpu.memory_space<vmem>>
      tpu.wait_dma2 semaphore(%run_scoped3A_2557 : memref<!tpu.dma_semaphore, #tpu.memory_space<semaphore_mem>>) src(%dma_wait3A_2581 : memref<128x64xf32, #tpu.memory_space<vmem>>) dst(%dma_wait3A_2577 : memref<128x64xf32, #tpu.memory_space<hbm>>)
      tpu.yield
    }) : () -> ()
    %dma_start3A_2321 = arith.constant 5 : i32
    %dma_start3A_2322 = arith.constant 1 : i32
    %dma_start3A_2323 = arith.constant 0 : i32
    %dma_start3A_2324 = arith.constant 0 : i32
    %dma_start3A_2325 = tpu.memref_slice %arg8[%dma_start3A_2322, %dma_start3A_2323, %dma_start3A_2324] : memref<2x128x64xf32, #tpu.memory_space<vmem>> -> memref<1x128x64xf32, #tpu.memory_space<vmem>>
    %dma_start3A_2326 = tpu.memref_squeeze %dma_start3A_2325 : memref<1x128x64xf32, #tpu.memory_space<vmem>> -> memref<128x64xf32, #tpu.memory_space<vmem>>
    %dma_start3A_2327 = arith.constant 0 : i32
    %dma_start3A_2328 = tpu.memref_slice %arg7[%dma_start3A_2321, %dma_start3A_2327] : memref<12x128xi32, #tpu.memory_space<vmem>> -> memref<1x128xi32, #tpu.memory_space<vmem>>
    %dma_start3A_2329 = tpu.memref_squeeze %dma_start3A_2328 : memref<1x128xi32, #tpu.memory_space<vmem>> -> memref<128xi32, #tpu.memory_space<vmem>>
    %dma_start3A_2330 = arith.constant 0 : i32
    %dma_start3A_2331 = arith.constant 0 : i32
    %dma_start3A_2332 = tpu.memref_slice %arg5[%dma_start3A_2330, %dma_start3A_2331] : memref<4096x64xf32, #tpu.memory_space<vmem_shared>> -> memref<4096x64xf32, #tpu.memory_space<vmem_shared>>
    tpu.enqueue_indirect_dma source(%dma_start3A_2332 : memref<4096x64xf32, #tpu.memory_space<vmem_shared>>) target(%dma_start3A_2326 : memref<128x64xf32, #tpu.memory_space<vmem>>) offsets(%dma_start3A_2329 : memref<128xi32, #tpu.memory_space<vmem>>) semaphore(%arg10 : memref<!tpu.dma_semaphore, #tpu.memory_space<semaphore_mem>>)
    %dma_wait3A_2333 = arith.constant 4 : i32
    %dma_wait3A_2334 = arith.constant 0 : i32
    %dma_wait3A_2335 = arith.constant 0 : i32
    %dma_wait3A_2336 = arith.constant 0 : i32
    %dma_wait3A_2337 = tpu.memref_slice %arg8[%dma_wait3A_2334, %dma_wait3A_2335, %dma_wait3A_2336] : memref<2x128x64xf32, #tpu.memory_space<vmem>> -> memref<1x128x64xf32, #tpu.memory_space<vmem>>
    %dma_wait3A_2338 = tpu.memref_squeeze %dma_wait3A_2337 : memref<1x128x64xf32, #tpu.memory_space<vmem>> -> memref<128x64xf32, #tpu.memory_space<vmem>>
    %dma_wait3A_2339 = arith.constant 0 : i32
    %dma_wait3A_2340 = tpu.memref_slice %arg7[%dma_wait3A_2333, %dma_wait3A_2339] : memref<12x128xi32, #tpu.memory_space<vmem>> -> memref<1x128xi32, #tpu.memory_space<vmem>>
    %dma_wait3A_2341 = tpu.memref_squeeze %dma_wait3A_2340 : memref<1x128xi32, #tpu.memory_space<vmem>> -> memref<128xi32, #tpu.memory_space<vmem>>
    %dma_wait3A_2342 = arith.constant 0 : i32
    %dma_wait3A_2343 = arith.constant 0 : i32
    %dma_wait3A_2344 = tpu.memref_slice %arg5[%dma_wait3A_2342, %dma_wait3A_2343] : memref<4096x64xf32, #tpu.memory_space<vmem_shared>> -> memref<4096x64xf32, #tpu.memory_space<vmem_shared>>
    tpu.wait_indirect_dma semaphore(%arg9 : memref<!tpu.dma_semaphore, #tpu.memory_space<semaphore_mem>>) src(%dma_wait3A_2344 : memref<4096x64xf32, #tpu.memory_space<vmem_shared>>) dst(%dma_wait3A_2338 : memref<128x64xf32, #tpu.memory_space<vmem>>)
    %mul3A_2345 = arith.constant 12 : i32
    %mul3A_2346 = arith.muli %add3A, %mul3A_2345 : i32
    %add3A_2347 = arith.constant 4 : i32
    %add3A_2348 = arith.addi %mul3A_2346, %add3A_2347 : i32
    %mul3A_2349 = arith.constant 128 : i32
    %mul3A_2350 = arith.muli %add3A_2348, %mul3A_2349 : i32
    %run_scoped3A_2351 = arith.constant 0 : i32
    "tpu.region"() ({
      %run_scoped3A_2557 = tpu.sem_alloc : memref<!tpu.dma_semaphore, #tpu.memory_space<semaphore_mem>>
      %dma_start3A_2558 = arith.constant 0 : i32
      %dma_start3A_2559 = arith.constant 0 : i32
      %dma_start3A_2560 = tpu.memref_slice %arg8[%run_scoped3A_2351, %dma_start3A_2558, %dma_start3A_2559] : memref<2x128x64xf32, #tpu.memory_space<vmem>> -> memref<1x128x64xf32, #tpu.memory_space<vmem>>
      %dma_start3A_2561 = tpu.memref_squeeze %dma_start3A_2560 : memref<1x128x64xf32, #tpu.memory_space<vmem>> -> memref<128x64xf32, #tpu.memory_space<vmem>>
      %dma_start3A_2562 = arith.constant 0 : i32
      %dma_start3A_2563 = tpu.memref_slice %arg4[%mul3A_2350, %dma_start3A_2562] : memref<49152x64xf32, #tpu.memory_space<hbm>> -> memref<128x64xf32, #tpu.memory_space<hbm>>
      %dma_start3A_2564 = arith.constant 0 : i32
      %dma_start3A_2565 = tpu.memref_slice %arg4[%mul3A_2350, %dma_start3A_2564] : memref<49152x64xf32, #tpu.memory_space<hbm>> -> memref<128x64xf32, #tpu.memory_space<hbm>>
      %dma_start3A_2566 = arith.constant 0 : i32
      %dma_start3A_2567 = arith.constant 0 : i32
      %dma_start3A_2568 = tpu.memref_slice %arg8[%run_scoped3A_2351, %dma_start3A_2566, %dma_start3A_2567] : memref<2x128x64xf32, #tpu.memory_space<vmem>> -> memref<1x128x64xf32, #tpu.memory_space<vmem>>
      %dma_start3A_2569 = tpu.memref_squeeze %dma_start3A_2568 : memref<1x128x64xf32, #tpu.memory_space<vmem>> -> memref<128x64xf32, #tpu.memory_space<vmem>>
      tpu.enqueue_dma source(%dma_start3A_2569 : memref<128x64xf32, #tpu.memory_space<vmem>>) target(%dma_start3A_2565 : memref<128x64xf32, #tpu.memory_space<hbm>>) target_semaphore(%run_scoped3A_2557 : memref<!tpu.dma_semaphore, #tpu.memory_space<semaphore_mem>>)
      %dma_wait3A_2570 = arith.constant 0 : i32
      %dma_wait3A_2571 = arith.constant 0 : i32
      %dma_wait3A_2572 = tpu.memref_slice %arg8[%run_scoped3A_2351, %dma_wait3A_2570, %dma_wait3A_2571] : memref<2x128x64xf32, #tpu.memory_space<vmem>> -> memref<1x128x64xf32, #tpu.memory_space<vmem>>
      %dma_wait3A_2573 = tpu.memref_squeeze %dma_wait3A_2572 : memref<1x128x64xf32, #tpu.memory_space<vmem>> -> memref<128x64xf32, #tpu.memory_space<vmem>>
      %dma_wait3A_2574 = arith.constant 0 : i32
      %dma_wait3A_2575 = tpu.memref_slice %arg4[%mul3A_2350, %dma_wait3A_2574] : memref<49152x64xf32, #tpu.memory_space<hbm>> -> memref<128x64xf32, #tpu.memory_space<hbm>>
      %dma_wait3A_2576 = arith.constant 0 : i32
      %dma_wait3A_2577 = tpu.memref_slice %arg4[%mul3A_2350, %dma_wait3A_2576] : memref<49152x64xf32, #tpu.memory_space<hbm>> -> memref<128x64xf32, #tpu.memory_space<hbm>>
      %dma_wait3A_2578 = arith.constant 0 : i32
      %dma_wait3A_2579 = arith.constant 0 : i32
      %dma_wait3A_2580 = tpu.memref_slice %arg8[%run_scoped3A_2351, %dma_wait3A_2578, %dma_wait3A_2579] : memref<2x128x64xf32, #tpu.memory_space<vmem>> -> memref<1x128x64xf32, #tpu.memory_space<vmem>>
      %dma_wait3A_2581 = tpu.memref_squeeze %dma_wait3A_2580 : memref<1x128x64xf32, #tpu.memory_space<vmem>> -> memref<128x64xf32, #tpu.memory_space<vmem>>
      tpu.wait_dma2 semaphore(%run_scoped3A_2557 : memref<!tpu.dma_semaphore, #tpu.memory_space<semaphore_mem>>) src(%dma_wait3A_2581 : memref<128x64xf32, #tpu.memory_space<vmem>>) dst(%dma_wait3A_2577 : memref<128x64xf32, #tpu.memory_space<hbm>>)
      tpu.yield
    }) : () -> ()
    %dma_start3A_2352 = arith.constant 6 : i32
    %dma_start3A_2353 = arith.constant 0 : i32
    %dma_start3A_2354 = arith.constant 0 : i32
    %dma_start3A_2355 = arith.constant 0 : i32
    %dma_start3A_2356 = tpu.memref_slice %arg8[%dma_start3A_2353, %dma_start3A_2354, %dma_start3A_2355] : memref<2x128x64xf32, #tpu.memory_space<vmem>> -> memref<1x128x64xf32, #tpu.memory_space<vmem>>
    %dma_start3A_2357 = tpu.memref_squeeze %dma_start3A_2356 : memref<1x128x64xf32, #tpu.memory_space<vmem>> -> memref<128x64xf32, #tpu.memory_space<vmem>>
    %dma_start3A_2358 = arith.constant 0 : i32
    %dma_start3A_2359 = tpu.memref_slice %arg7[%dma_start3A_2352, %dma_start3A_2358] : memref<12x128xi32, #tpu.memory_space<vmem>> -> memref<1x128xi32, #tpu.memory_space<vmem>>
    %dma_start3A_2360 = tpu.memref_squeeze %dma_start3A_2359 : memref<1x128xi32, #tpu.memory_space<vmem>> -> memref<128xi32, #tpu.memory_space<vmem>>
    %dma_start3A_2361 = arith.constant 0 : i32
    %dma_start3A_2362 = arith.constant 0 : i32
    %dma_start3A_2363 = tpu.memref_slice %arg5[%dma_start3A_2361, %dma_start3A_2362] : memref<4096x64xf32, #tpu.memory_space<vmem_shared>> -> memref<4096x64xf32, #tpu.memory_space<vmem_shared>>
    tpu.enqueue_indirect_dma source(%dma_start3A_2363 : memref<4096x64xf32, #tpu.memory_space<vmem_shared>>) target(%dma_start3A_2357 : memref<128x64xf32, #tpu.memory_space<vmem>>) offsets(%dma_start3A_2360 : memref<128xi32, #tpu.memory_space<vmem>>) semaphore(%arg9 : memref<!tpu.dma_semaphore, #tpu.memory_space<semaphore_mem>>)
    %dma_wait3A_2364 = arith.constant 5 : i32
    %dma_wait3A_2365 = arith.constant 1 : i32
    %dma_wait3A_2366 = arith.constant 0 : i32
    %dma_wait3A_2367 = arith.constant 0 : i32
    %dma_wait3A_2368 = tpu.memref_slice %arg8[%dma_wait3A_2365, %dma_wait3A_2366, %dma_wait3A_2367] : memref<2x128x64xf32, #tpu.memory_space<vmem>> -> memref<1x128x64xf32, #tpu.memory_space<vmem>>
    %dma_wait3A_2369 = tpu.memref_squeeze %dma_wait3A_2368 : memref<1x128x64xf32, #tpu.memory_space<vmem>> -> memref<128x64xf32, #tpu.memory_space<vmem>>
    %dma_wait3A_2370 = arith.constant 0 : i32
    %dma_wait3A_2371 = tpu.memref_slice %arg7[%dma_wait3A_2364, %dma_wait3A_2370] : memref<12x128xi32, #tpu.memory_space<vmem>> -> memref<1x128xi32, #tpu.memory_space<vmem>>
    %dma_wait3A_2372 = tpu.memref_squeeze %dma_wait3A_2371 : memref<1x128xi32, #tpu.memory_space<vmem>> -> memref<128xi32, #tpu.memory_space<vmem>>
    %dma_wait3A_2373 = arith.constant 0 : i32
    %dma_wait3A_2374 = arith.constant 0 : i32
    %dma_wait3A_2375 = tpu.memref_slice %arg5[%dma_wait3A_2373, %dma_wait3A_2374] : memref<4096x64xf32, #tpu.memory_space<vmem_shared>> -> memref<4096x64xf32, #tpu.memory_space<vmem_shared>>
    tpu.wait_indirect_dma semaphore(%arg10 : memref<!tpu.dma_semaphore, #tpu.memory_space<semaphore_mem>>) src(%dma_wait3A_2375 : memref<4096x64xf32, #tpu.memory_space<vmem_shared>>) dst(%dma_wait3A_2369 : memref<128x64xf32, #tpu.memory_space<vmem>>)
    %mul3A_2376 = arith.constant 12 : i32
    %mul3A_2377 = arith.muli %add3A, %mul3A_2376 : i32
    %add3A_2378 = arith.constant 5 : i32
    %add3A_2379 = arith.addi %mul3A_2377, %add3A_2378 : i32
    %mul3A_2380 = arith.constant 128 : i32
    %mul3A_2381 = arith.muli %add3A_2379, %mul3A_2380 : i32
    %run_scoped3A_2382 = arith.constant 1 : i32
    "tpu.region"() ({
      %run_scoped3A_2557 = tpu.sem_alloc : memref<!tpu.dma_semaphore, #tpu.memory_space<semaphore_mem>>
      %dma_start3A_2558 = arith.constant 0 : i32
      %dma_start3A_2559 = arith.constant 0 : i32
      %dma_start3A_2560 = tpu.memref_slice %arg8[%run_scoped3A_2382, %dma_start3A_2558, %dma_start3A_2559] : memref<2x128x64xf32, #tpu.memory_space<vmem>> -> memref<1x128x64xf32, #tpu.memory_space<vmem>>
      %dma_start3A_2561 = tpu.memref_squeeze %dma_start3A_2560 : memref<1x128x64xf32, #tpu.memory_space<vmem>> -> memref<128x64xf32, #tpu.memory_space<vmem>>
      %dma_start3A_2562 = arith.constant 0 : i32
      %dma_start3A_2563 = tpu.memref_slice %arg4[%mul3A_2381, %dma_start3A_2562] : memref<49152x64xf32, #tpu.memory_space<hbm>> -> memref<128x64xf32, #tpu.memory_space<hbm>>
      %dma_start3A_2564 = arith.constant 0 : i32
      %dma_start3A_2565 = tpu.memref_slice %arg4[%mul3A_2381, %dma_start3A_2564] : memref<49152x64xf32, #tpu.memory_space<hbm>> -> memref<128x64xf32, #tpu.memory_space<hbm>>
      %dma_start3A_2566 = arith.constant 0 : i32
      %dma_start3A_2567 = arith.constant 0 : i32
      %dma_start3A_2568 = tpu.memref_slice %arg8[%run_scoped3A_2382, %dma_start3A_2566, %dma_start3A_2567] : memref<2x128x64xf32, #tpu.memory_space<vmem>> -> memref<1x128x64xf32, #tpu.memory_space<vmem>>
      %dma_start3A_2569 = tpu.memref_squeeze %dma_start3A_2568 : memref<1x128x64xf32, #tpu.memory_space<vmem>> -> memref<128x64xf32, #tpu.memory_space<vmem>>
      tpu.enqueue_dma source(%dma_start3A_2569 : memref<128x64xf32, #tpu.memory_space<vmem>>) target(%dma_start3A_2565 : memref<128x64xf32, #tpu.memory_space<hbm>>) target_semaphore(%run_scoped3A_2557 : memref<!tpu.dma_semaphore, #tpu.memory_space<semaphore_mem>>)
      %dma_wait3A_2570 = arith.constant 0 : i32
      %dma_wait3A_2571 = arith.constant 0 : i32
      %dma_wait3A_2572 = tpu.memref_slice %arg8[%run_scoped3A_2382, %dma_wait3A_2570, %dma_wait3A_2571] : memref<2x128x64xf32, #tpu.memory_space<vmem>> -> memref<1x128x64xf32, #tpu.memory_space<vmem>>
      %dma_wait3A_2573 = tpu.memref_squeeze %dma_wait3A_2572 : memref<1x128x64xf32, #tpu.memory_space<vmem>> -> memref<128x64xf32, #tpu.memory_space<vmem>>
      %dma_wait3A_2574 = arith.constant 0 : i32
      %dma_wait3A_2575 = tpu.memref_slice %arg4[%mul3A_2381, %dma_wait3A_2574] : memref<49152x64xf32, #tpu.memory_space<hbm>> -> memref<128x64xf32, #tpu.memory_space<hbm>>
      %dma_wait3A_2576 = arith.constant 0 : i32
      %dma_wait3A_2577 = tpu.memref_slice %arg4[%mul3A_2381, %dma_wait3A_2576] : memref<49152x64xf32, #tpu.memory_space<hbm>> -> memref<128x64xf32, #tpu.memory_space<hbm>>
      %dma_wait3A_2578 = arith.constant 0 : i32
      %dma_wait3A_2579 = arith.constant 0 : i32
      %dma_wait3A_2580 = tpu.memref_slice %arg8[%run_scoped3A_2382, %dma_wait3A_2578, %dma_wait3A_2579] : memref<2x128x64xf32, #tpu.memory_space<vmem>> -> memref<1x128x64xf32, #tpu.memory_space<vmem>>
      %dma_wait3A_2581 = tpu.memref_squeeze %dma_wait3A_2580 : memref<1x128x64xf32, #tpu.memory_space<vmem>> -> memref<128x64xf32, #tpu.memory_space<vmem>>
      tpu.wait_dma2 semaphore(%run_scoped3A_2557 : memref<!tpu.dma_semaphore, #tpu.memory_space<semaphore_mem>>) src(%dma_wait3A_2581 : memref<128x64xf32, #tpu.memory_space<vmem>>) dst(%dma_wait3A_2577 : memref<128x64xf32, #tpu.memory_space<hbm>>)
      tpu.yield
    }) : () -> ()
    %dma_start3A_2383 = arith.constant 7 : i32
    %dma_start3A_2384 = arith.constant 1 : i32
    %dma_start3A_2385 = arith.constant 0 : i32
    %dma_start3A_2386 = arith.constant 0 : i32
    %dma_start3A_2387 = tpu.memref_slice %arg8[%dma_start3A_2384, %dma_start3A_2385, %dma_start3A_2386] : memref<2x128x64xf32, #tpu.memory_space<vmem>> -> memref<1x128x64xf32, #tpu.memory_space<vmem>>
    %dma_start3A_2388 = tpu.memref_squeeze %dma_start3A_2387 : memref<1x128x64xf32, #tpu.memory_space<vmem>> -> memref<128x64xf32, #tpu.memory_space<vmem>>
    %dma_start3A_2389 = arith.constant 0 : i32
    %dma_start3A_2390 = tpu.memref_slice %arg7[%dma_start3A_2383, %dma_start3A_2389] : memref<12x128xi32, #tpu.memory_space<vmem>> -> memref<1x128xi32, #tpu.memory_space<vmem>>
    %dma_start3A_2391 = tpu.memref_squeeze %dma_start3A_2390 : memref<1x128xi32, #tpu.memory_space<vmem>> -> memref<128xi32, #tpu.memory_space<vmem>>
    %dma_start3A_2392 = arith.constant 0 : i32
    %dma_start3A_2393 = arith.constant 0 : i32
    %dma_start3A_2394 = tpu.memref_slice %arg5[%dma_start3A_2392, %dma_start3A_2393] : memref<4096x64xf32, #tpu.memory_space<vmem_shared>> -> memref<4096x64xf32, #tpu.memory_space<vmem_shared>>
    tpu.enqueue_indirect_dma source(%dma_start3A_2394 : memref<4096x64xf32, #tpu.memory_space<vmem_shared>>) target(%dma_start3A_2388 : memref<128x64xf32, #tpu.memory_space<vmem>>) offsets(%dma_start3A_2391 : memref<128xi32, #tpu.memory_space<vmem>>) semaphore(%arg10 : memref<!tpu.dma_semaphore, #tpu.memory_space<semaphore_mem>>)
    %dma_wait3A_2395 = arith.constant 6 : i32
    %dma_wait3A_2396 = arith.constant 0 : i32
    %dma_wait3A_2397 = arith.constant 0 : i32
    %dma_wait3A_2398 = arith.constant 0 : i32
    %dma_wait3A_2399 = tpu.memref_slice %arg8[%dma_wait3A_2396, %dma_wait3A_2397, %dma_wait3A_2398] : memref<2x128x64xf32, #tpu.memory_space<vmem>> -> memref<1x128x64xf32, #tpu.memory_space<vmem>>
    %dma_wait3A_2400 = tpu.memref_squeeze %dma_wait3A_2399 : memref<1x128x64xf32, #tpu.memory_space<vmem>> -> memref<128x64xf32, #tpu.memory_space<vmem>>
    %dma_wait3A_2401 = arith.constant 0 : i32
    %dma_wait3A_2402 = tpu.memref_slice %arg7[%dma_wait3A_2395, %dma_wait3A_2401] : memref<12x128xi32, #tpu.memory_space<vmem>> -> memref<1x128xi32, #tpu.memory_space<vmem>>
    %dma_wait3A_2403 = tpu.memref_squeeze %dma_wait3A_2402 : memref<1x128xi32, #tpu.memory_space<vmem>> -> memref<128xi32, #tpu.memory_space<vmem>>
    %dma_wait3A_2404 = arith.constant 0 : i32
    %dma_wait3A_2405 = arith.constant 0 : i32
    %dma_wait3A_2406 = tpu.memref_slice %arg5[%dma_wait3A_2404, %dma_wait3A_2405] : memref<4096x64xf32, #tpu.memory_space<vmem_shared>> -> memref<4096x64xf32, #tpu.memory_space<vmem_shared>>
    tpu.wait_indirect_dma semaphore(%arg9 : memref<!tpu.dma_semaphore, #tpu.memory_space<semaphore_mem>>) src(%dma_wait3A_2406 : memref<4096x64xf32, #tpu.memory_space<vmem_shared>>) dst(%dma_wait3A_2400 : memref<128x64xf32, #tpu.memory_space<vmem>>)
    %mul3A_2407 = arith.constant 12 : i32
    %mul3A_2408 = arith.muli %add3A, %mul3A_2407 : i32
    %add3A_2409 = arith.constant 6 : i32
    %add3A_2410 = arith.addi %mul3A_2408, %add3A_2409 : i32
    %mul3A_2411 = arith.constant 128 : i32
    %mul3A_2412 = arith.muli %add3A_2410, %mul3A_2411 : i32
    %run_scoped3A_2413 = arith.constant 0 : i32
    "tpu.region"() ({
      %run_scoped3A_2557 = tpu.sem_alloc : memref<!tpu.dma_semaphore, #tpu.memory_space<semaphore_mem>>
      %dma_start3A_2558 = arith.constant 0 : i32
      %dma_start3A_2559 = arith.constant 0 : i32
      %dma_start3A_2560 = tpu.memref_slice %arg8[%run_scoped3A_2413, %dma_start3A_2558, %dma_start3A_2559] : memref<2x128x64xf32, #tpu.memory_space<vmem>> -> memref<1x128x64xf32, #tpu.memory_space<vmem>>
      %dma_start3A_2561 = tpu.memref_squeeze %dma_start3A_2560 : memref<1x128x64xf32, #tpu.memory_space<vmem>> -> memref<128x64xf32, #tpu.memory_space<vmem>>
      %dma_start3A_2562 = arith.constant 0 : i32
      %dma_start3A_2563 = tpu.memref_slice %arg4[%mul3A_2412, %dma_start3A_2562] : memref<49152x64xf32, #tpu.memory_space<hbm>> -> memref<128x64xf32, #tpu.memory_space<hbm>>
      %dma_start3A_2564 = arith.constant 0 : i32
      %dma_start3A_2565 = tpu.memref_slice %arg4[%mul3A_2412, %dma_start3A_2564] : memref<49152x64xf32, #tpu.memory_space<hbm>> -> memref<128x64xf32, #tpu.memory_space<hbm>>
      %dma_start3A_2566 = arith.constant 0 : i32
      %dma_start3A_2567 = arith.constant 0 : i32
      %dma_start3A_2568 = tpu.memref_slice %arg8[%run_scoped3A_2413, %dma_start3A_2566, %dma_start3A_2567] : memref<2x128x64xf32, #tpu.memory_space<vmem>> -> memref<1x128x64xf32, #tpu.memory_space<vmem>>
      %dma_start3A_2569 = tpu.memref_squeeze %dma_start3A_2568 : memref<1x128x64xf32, #tpu.memory_space<vmem>> -> memref<128x64xf32, #tpu.memory_space<vmem>>
      tpu.enqueue_dma source(%dma_start3A_2569 : memref<128x64xf32, #tpu.memory_space<vmem>>) target(%dma_start3A_2565 : memref<128x64xf32, #tpu.memory_space<hbm>>) target_semaphore(%run_scoped3A_2557 : memref<!tpu.dma_semaphore, #tpu.memory_space<semaphore_mem>>)
      %dma_wait3A_2570 = arith.constant 0 : i32
      %dma_wait3A_2571 = arith.constant 0 : i32
      %dma_wait3A_2572 = tpu.memref_slice %arg8[%run_scoped3A_2413, %dma_wait3A_2570, %dma_wait3A_2571] : memref<2x128x64xf32, #tpu.memory_space<vmem>> -> memref<1x128x64xf32, #tpu.memory_space<vmem>>
      %dma_wait3A_2573 = tpu.memref_squeeze %dma_wait3A_2572 : memref<1x128x64xf32, #tpu.memory_space<vmem>> -> memref<128x64xf32, #tpu.memory_space<vmem>>
      %dma_wait3A_2574 = arith.constant 0 : i32
      %dma_wait3A_2575 = tpu.memref_slice %arg4[%mul3A_2412, %dma_wait3A_2574] : memref<49152x64xf32, #tpu.memory_space<hbm>> -> memref<128x64xf32, #tpu.memory_space<hbm>>
      %dma_wait3A_2576 = arith.constant 0 : i32
      %dma_wait3A_2577 = tpu.memref_slice %arg4[%mul3A_2412, %dma_wait3A_2576] : memref<49152x64xf32, #tpu.memory_space<hbm>> -> memref<128x64xf32, #tpu.memory_space<hbm>>
      %dma_wait3A_2578 = arith.constant 0 : i32
      %dma_wait3A_2579 = arith.constant 0 : i32
      %dma_wait3A_2580 = tpu.memref_slice %arg8[%run_scoped3A_2413, %dma_wait3A_2578, %dma_wait3A_2579] : memref<2x128x64xf32, #tpu.memory_space<vmem>> -> memref<1x128x64xf32, #tpu.memory_space<vmem>>
      %dma_wait3A_2581 = tpu.memref_squeeze %dma_wait3A_2580 : memref<1x128x64xf32, #tpu.memory_space<vmem>> -> memref<128x64xf32, #tpu.memory_space<vmem>>
      tpu.wait_dma2 semaphore(%run_scoped3A_2557 : memref<!tpu.dma_semaphore, #tpu.memory_space<semaphore_mem>>) src(%dma_wait3A_2581 : memref<128x64xf32, #tpu.memory_space<vmem>>) dst(%dma_wait3A_2577 : memref<128x64xf32, #tpu.memory_space<hbm>>)
      tpu.yield
    }) : () -> ()
    %dma_start3A_2414 = arith.constant 8 : i32
    %dma_start3A_2415 = arith.constant 0 : i32
    %dma_start3A_2416 = arith.constant 0 : i32
    %dma_start3A_2417 = arith.constant 0 : i32
    %dma_start3A_2418 = tpu.memref_slice %arg8[%dma_start3A_2415, %dma_start3A_2416, %dma_start3A_2417] : memref<2x128x64xf32, #tpu.memory_space<vmem>> -> memref<1x128x64xf32, #tpu.memory_space<vmem>>
    %dma_start3A_2419 = tpu.memref_squeeze %dma_start3A_2418 : memref<1x128x64xf32, #tpu.memory_space<vmem>> -> memref<128x64xf32, #tpu.memory_space<vmem>>
    %dma_start3A_2420 = arith.constant 0 : i32
    %dma_start3A_2421 = tpu.memref_slice %arg7[%dma_start3A_2414, %dma_start3A_2420] : memref<12x128xi32, #tpu.memory_space<vmem>> -> memref<1x128xi32, #tpu.memory_space<vmem>>
    %dma_start3A_2422 = tpu.memref_squeeze %dma_start3A_2421 : memref<1x128xi32, #tpu.memory_space<vmem>> -> memref<128xi32, #tpu.memory_space<vmem>>
    %dma_start3A_2423 = arith.constant 0 : i32
    %dma_start3A_2424 = arith.constant 0 : i32
    %dma_start3A_2425 = tpu.memref_slice %arg5[%dma_start3A_2423, %dma_start3A_2424] : memref<4096x64xf32, #tpu.memory_space<vmem_shared>> -> memref<4096x64xf32, #tpu.memory_space<vmem_shared>>
    tpu.enqueue_indirect_dma source(%dma_start3A_2425 : memref<4096x64xf32, #tpu.memory_space<vmem_shared>>) target(%dma_start3A_2419 : memref<128x64xf32, #tpu.memory_space<vmem>>) offsets(%dma_start3A_2422 : memref<128xi32, #tpu.memory_space<vmem>>) semaphore(%arg9 : memref<!tpu.dma_semaphore, #tpu.memory_space<semaphore_mem>>)
    %dma_wait3A_2426 = arith.constant 7 : i32
    %dma_wait3A_2427 = arith.constant 1 : i32
    %dma_wait3A_2428 = arith.constant 0 : i32
    %dma_wait3A_2429 = arith.constant 0 : i32
    %dma_wait3A_2430 = tpu.memref_slice %arg8[%dma_wait3A_2427, %dma_wait3A_2428, %dma_wait3A_2429] : memref<2x128x64xf32, #tpu.memory_space<vmem>> -> memref<1x128x64xf32, #tpu.memory_space<vmem>>
    %dma_wait3A_2431 = tpu.memref_squeeze %dma_wait3A_2430 : memref<1x128x64xf32, #tpu.memory_space<vmem>> -> memref<128x64xf32, #tpu.memory_space<vmem>>
    %dma_wait3A_2432 = arith.constant 0 : i32
    %dma_wait3A_2433 = tpu.memref_slice %arg7[%dma_wait3A_2426, %dma_wait3A_2432] : memref<12x128xi32, #tpu.memory_space<vmem>> -> memref<1x128xi32, #tpu.memory_space<vmem>>
    %dma_wait3A_2434 = tpu.memref_squeeze %dma_wait3A_2433 : memref<1x128xi32, #tpu.memory_space<vmem>> -> memref<128xi32, #tpu.memory_space<vmem>>
    %dma_wait3A_2435 = arith.constant 0 : i32
    %dma_wait3A_2436 = arith.constant 0 : i32
    %dma_wait3A_2437 = tpu.memref_slice %arg5[%dma_wait3A_2435, %dma_wait3A_2436] : memref<4096x64xf32, #tpu.memory_space<vmem_shared>> -> memref<4096x64xf32, #tpu.memory_space<vmem_shared>>
    tpu.wait_indirect_dma semaphore(%arg10 : memref<!tpu.dma_semaphore, #tpu.memory_space<semaphore_mem>>) src(%dma_wait3A_2437 : memref<4096x64xf32, #tpu.memory_space<vmem_shared>>) dst(%dma_wait3A_2431 : memref<128x64xf32, #tpu.memory_space<vmem>>)
    %mul3A_2438 = arith.constant 12 : i32
    %mul3A_2439 = arith.muli %add3A, %mul3A_2438 : i32
    %add3A_2440 = arith.constant 7 : i32
    %add3A_2441 = arith.addi %mul3A_2439, %add3A_2440 : i32
    %mul3A_2442 = arith.constant 128 : i32
    %mul3A_2443 = arith.muli %add3A_2441, %mul3A_2442 : i32
    %run_scoped3A_2444 = arith.constant 1 : i32
    "tpu.region"() ({
      %run_scoped3A_2557 = tpu.sem_alloc : memref<!tpu.dma_semaphore, #tpu.memory_space<semaphore_mem>>
      %dma_start3A_2558 = arith.constant 0 : i32
      %dma_start3A_2559 = arith.constant 0 : i32
      %dma_start3A_2560 = tpu.memref_slice %arg8[%run_scoped3A_2444, %dma_start3A_2558, %dma_start3A_2559] : memref<2x128x64xf32, #tpu.memory_space<vmem>> -> memref<1x128x64xf32, #tpu.memory_space<vmem>>
      %dma_start3A_2561 = tpu.memref_squeeze %dma_start3A_2560 : memref<1x128x64xf32, #tpu.memory_space<vmem>> -> memref<128x64xf32, #tpu.memory_space<vmem>>
      %dma_start3A_2562 = arith.constant 0 : i32
      %dma_start3A_2563 = tpu.memref_slice %arg4[%mul3A_2443, %dma_start3A_2562] : memref<49152x64xf32, #tpu.memory_space<hbm>> -> memref<128x64xf32, #tpu.memory_space<hbm>>
      %dma_start3A_2564 = arith.constant 0 : i32
      %dma_start3A_2565 = tpu.memref_slice %arg4[%mul3A_2443, %dma_start3A_2564] : memref<49152x64xf32, #tpu.memory_space<hbm>> -> memref<128x64xf32, #tpu.memory_space<hbm>>
      %dma_start3A_2566 = arith.constant 0 : i32
      %dma_start3A_2567 = arith.constant 0 : i32
      %dma_start3A_2568 = tpu.memref_slice %arg8[%run_scoped3A_2444, %dma_start3A_2566, %dma_start3A_2567] : memref<2x128x64xf32, #tpu.memory_space<vmem>> -> memref<1x128x64xf32, #tpu.memory_space<vmem>>
      %dma_start3A_2569 = tpu.memref_squeeze %dma_start3A_2568 : memref<1x128x64xf32, #tpu.memory_space<vmem>> -> memref<128x64xf32, #tpu.memory_space<vmem>>
      tpu.enqueue_dma source(%dma_start3A_2569 : memref<128x64xf32, #tpu.memory_space<vmem>>) target(%dma_start3A_2565 : memref<128x64xf32, #tpu.memory_space<hbm>>) target_semaphore(%run_scoped3A_2557 : memref<!tpu.dma_semaphore, #tpu.memory_space<semaphore_mem>>)
      %dma_wait3A_2570 = arith.constant 0 : i32
      %dma_wait3A_2571 = arith.constant 0 : i32
      %dma_wait3A_2572 = tpu.memref_slice %arg8[%run_scoped3A_2444, %dma_wait3A_2570, %dma_wait3A_2571] : memref<2x128x64xf32, #tpu.memory_space<vmem>> -> memref<1x128x64xf32, #tpu.memory_space<vmem>>
      %dma_wait3A_2573 = tpu.memref_squeeze %dma_wait3A_2572 : memref<1x128x64xf32, #tpu.memory_space<vmem>> -> memref<128x64xf32, #tpu.memory_space<vmem>>
      %dma_wait3A_2574 = arith.constant 0 : i32
      %dma_wait3A_2575 = tpu.memref_slice %arg4[%mul3A_2443, %dma_wait3A_2574] : memref<49152x64xf32, #tpu.memory_space<hbm>> -> memref<128x64xf32, #tpu.memory_space<hbm>>
      %dma_wait3A_2576 = arith.constant 0 : i32
      %dma_wait3A_2577 = tpu.memref_slice %arg4[%mul3A_2443, %dma_wait3A_2576] : memref<49152x64xf32, #tpu.memory_space<hbm>> -> memref<128x64xf32, #tpu.memory_space<hbm>>
      %dma_wait3A_2578 = arith.constant 0 : i32
      %dma_wait3A_2579 = arith.constant 0 : i32
      %dma_wait3A_2580 = tpu.memref_slice %arg8[%run_scoped3A_2444, %dma_wait3A_2578, %dma_wait3A_2579] : memref<2x128x64xf32, #tpu.memory_space<vmem>> -> memref<1x128x64xf32, #tpu.memory_space<vmem>>
      %dma_wait3A_2581 = tpu.memref_squeeze %dma_wait3A_2580 : memref<1x128x64xf32, #tpu.memory_space<vmem>> -> memref<128x64xf32, #tpu.memory_space<vmem>>
      tpu.wait_dma2 semaphore(%run_scoped3A_2557 : memref<!tpu.dma_semaphore, #tpu.memory_space<semaphore_mem>>) src(%dma_wait3A_2581 : memref<128x64xf32, #tpu.memory_space<vmem>>) dst(%dma_wait3A_2577 : memref<128x64xf32, #tpu.memory_space<hbm>>)
      tpu.yield
    }) : () -> ()
    %dma_start3A_2445 = arith.constant 9 : i32
    %dma_start3A_2446 = arith.constant 1 : i32
    %dma_start3A_2447 = arith.constant 0 : i32
    %dma_start3A_2448 = arith.constant 0 : i32
    %dma_start3A_2449 = tpu.memref_slice %arg8[%dma_start3A_2446, %dma_start3A_2447, %dma_start3A_2448] : memref<2x128x64xf32, #tpu.memory_space<vmem>> -> memref<1x128x64xf32, #tpu.memory_space<vmem>>
    %dma_start3A_2450 = tpu.memref_squeeze %dma_start3A_2449 : memref<1x128x64xf32, #tpu.memory_space<vmem>> -> memref<128x64xf32, #tpu.memory_space<vmem>>
    %dma_start3A_2451 = arith.constant 0 : i32
    %dma_start3A_2452 = tpu.memref_slice %arg7[%dma_start3A_2445, %dma_start3A_2451] : memref<12x128xi32, #tpu.memory_space<vmem>> -> memref<1x128xi32, #tpu.memory_space<vmem>>
    %dma_start3A_2453 = tpu.memref_squeeze %dma_start3A_2452 : memref<1x128xi32, #tpu.memory_space<vmem>> -> memref<128xi32, #tpu.memory_space<vmem>>
    %dma_start3A_2454 = arith.constant 0 : i32
    %dma_start3A_2455 = arith.constant 0 : i32
    %dma_start3A_2456 = tpu.memref_slice %arg5[%dma_start3A_2454, %dma_start3A_2455] : memref<4096x64xf32, #tpu.memory_space<vmem_shared>> -> memref<4096x64xf32, #tpu.memory_space<vmem_shared>>
    tpu.enqueue_indirect_dma source(%dma_start3A_2456 : memref<4096x64xf32, #tpu.memory_space<vmem_shared>>) target(%dma_start3A_2450 : memref<128x64xf32, #tpu.memory_space<vmem>>) offsets(%dma_start3A_2453 : memref<128xi32, #tpu.memory_space<vmem>>) semaphore(%arg10 : memref<!tpu.dma_semaphore, #tpu.memory_space<semaphore_mem>>)
    %dma_wait3A_2457 = arith.constant 8 : i32
    %dma_wait3A_2458 = arith.constant 0 : i32
    %dma_wait3A_2459 = arith.constant 0 : i32
    %dma_wait3A_2460 = arith.constant 0 : i32
    %dma_wait3A_2461 = tpu.memref_slice %arg8[%dma_wait3A_2458, %dma_wait3A_2459, %dma_wait3A_2460] : memref<2x128x64xf32, #tpu.memory_space<vmem>> -> memref<1x128x64xf32, #tpu.memory_space<vmem>>
    %dma_wait3A_2462 = tpu.memref_squeeze %dma_wait3A_2461 : memref<1x128x64xf32, #tpu.memory_space<vmem>> -> memref<128x64xf32, #tpu.memory_space<vmem>>
    %dma_wait3A_2463 = arith.constant 0 : i32
    %dma_wait3A_2464 = tpu.memref_slice %arg7[%dma_wait3A_2457, %dma_wait3A_2463] : memref<12x128xi32, #tpu.memory_space<vmem>> -> memref<1x128xi32, #tpu.memory_space<vmem>>
    %dma_wait3A_2465 = tpu.memref_squeeze %dma_wait3A_2464 : memref<1x128xi32, #tpu.memory_space<vmem>> -> memref<128xi32, #tpu.memory_space<vmem>>
    %dma_wait3A_2466 = arith.constant 0 : i32
    %dma_wait3A_2467 = arith.constant 0 : i32
    %dma_wait3A_2468 = tpu.memref_slice %arg5[%dma_wait3A_2466, %dma_wait3A_2467] : memref<4096x64xf32, #tpu.memory_space<vmem_shared>> -> memref<4096x64xf32, #tpu.memory_space<vmem_shared>>
    tpu.wait_indirect_dma semaphore(%arg9 : memref<!tpu.dma_semaphore, #tpu.memory_space<semaphore_mem>>) src(%dma_wait3A_2468 : memref<4096x64xf32, #tpu.memory_space<vmem_shared>>) dst(%dma_wait3A_2462 : memref<128x64xf32, #tpu.memory_space<vmem>>)
    %mul3A_2469 = arith.constant 12 : i32
    %mul3A_2470 = arith.muli %add3A, %mul3A_2469 : i32
    %add3A_2471 = arith.constant 8 : i32
    %add3A_2472 = arith.addi %mul3A_2470, %add3A_2471 : i32
    %mul3A_2473 = arith.constant 128 : i32
    %mul3A_2474 = arith.muli %add3A_2472, %mul3A_2473 : i32
    %run_scoped3A_2475 = arith.constant 0 : i32
    "tpu.region"() ({
      %run_scoped3A_2557 = tpu.sem_alloc : memref<!tpu.dma_semaphore, #tpu.memory_space<semaphore_mem>>
      %dma_start3A_2558 = arith.constant 0 : i32
      %dma_start3A_2559 = arith.constant 0 : i32
      %dma_start3A_2560 = tpu.memref_slice %arg8[%run_scoped3A_2475, %dma_start3A_2558, %dma_start3A_2559] : memref<2x128x64xf32, #tpu.memory_space<vmem>> -> memref<1x128x64xf32, #tpu.memory_space<vmem>>
      %dma_start3A_2561 = tpu.memref_squeeze %dma_start3A_2560 : memref<1x128x64xf32, #tpu.memory_space<vmem>> -> memref<128x64xf32, #tpu.memory_space<vmem>>
      %dma_start3A_2562 = arith.constant 0 : i32
      %dma_start3A_2563 = tpu.memref_slice %arg4[%mul3A_2474, %dma_start3A_2562] : memref<49152x64xf32, #tpu.memory_space<hbm>> -> memref<128x64xf32, #tpu.memory_space<hbm>>
      %dma_start3A_2564 = arith.constant 0 : i32
      %dma_start3A_2565 = tpu.memref_slice %arg4[%mul3A_2474, %dma_start3A_2564] : memref<49152x64xf32, #tpu.memory_space<hbm>> -> memref<128x64xf32, #tpu.memory_space<hbm>>
      %dma_start3A_2566 = arith.constant 0 : i32
      %dma_start3A_2567 = arith.constant 0 : i32
      %dma_start3A_2568 = tpu.memref_slice %arg8[%run_scoped3A_2475, %dma_start3A_2566, %dma_start3A_2567] : memref<2x128x64xf32, #tpu.memory_space<vmem>> -> memref<1x128x64xf32, #tpu.memory_space<vmem>>
      %dma_start3A_2569 = tpu.memref_squeeze %dma_start3A_2568 : memref<1x128x64xf32, #tpu.memory_space<vmem>> -> memref<128x64xf32, #tpu.memory_space<vmem>>
      tpu.enqueue_dma source(%dma_start3A_2569 : memref<128x64xf32, #tpu.memory_space<vmem>>) target(%dma_start3A_2565 : memref<128x64xf32, #tpu.memory_space<hbm>>) target_semaphore(%run_scoped3A_2557 : memref<!tpu.dma_semaphore, #tpu.memory_space<semaphore_mem>>)
      %dma_wait3A_2570 = arith.constant 0 : i32
      %dma_wait3A_2571 = arith.constant 0 : i32
      %dma_wait3A_2572 = tpu.memref_slice %arg8[%run_scoped3A_2475, %dma_wait3A_2570, %dma_wait3A_2571] : memref<2x128x64xf32, #tpu.memory_space<vmem>> -> memref<1x128x64xf32, #tpu.memory_space<vmem>>
      %dma_wait3A_2573 = tpu.memref_squeeze %dma_wait3A_2572 : memref<1x128x64xf32, #tpu.memory_space<vmem>> -> memref<128x64xf32, #tpu.memory_space<vmem>>
      %dma_wait3A_2574 = arith.constant 0 : i32
      %dma_wait3A_2575 = tpu.memref_slice %arg4[%mul3A_2474, %dma_wait3A_2574] : memref<49152x64xf32, #tpu.memory_space<hbm>> -> memref<128x64xf32, #tpu.memory_space<hbm>>
      %dma_wait3A_2576 = arith.constant 0 : i32
      %dma_wait3A_2577 = tpu.memref_slice %arg4[%mul3A_2474, %dma_wait3A_2576] : memref<49152x64xf32, #tpu.memory_space<hbm>> -> memref<128x64xf32, #tpu.memory_space<hbm>>
      %dma_wait3A_2578 = arith.constant 0 : i32
      %dma_wait3A_2579 = arith.constant 0 : i32
      %dma_wait3A_2580 = tpu.memref_slice %arg8[%run_scoped3A_2475, %dma_wait3A_2578, %dma_wait3A_2579] : memref<2x128x64xf32, #tpu.memory_space<vmem>> -> memref<1x128x64xf32, #tpu.memory_space<vmem>>
      %dma_wait3A_2581 = tpu.memref_squeeze %dma_wait3A_2580 : memref<1x128x64xf32, #tpu.memory_space<vmem>> -> memref<128x64xf32, #tpu.memory_space<vmem>>
      tpu.wait_dma2 semaphore(%run_scoped3A_2557 : memref<!tpu.dma_semaphore, #tpu.memory_space<semaphore_mem>>) src(%dma_wait3A_2581 : memref<128x64xf32, #tpu.memory_space<vmem>>) dst(%dma_wait3A_2577 : memref<128x64xf32, #tpu.memory_space<hbm>>)
      tpu.yield
    }) : () -> ()
    %dma_start3A_2476 = arith.constant 10 : i32
    %dma_start3A_2477 = arith.constant 0 : i32
    %dma_start3A_2478 = arith.constant 0 : i32
    %dma_start3A_2479 = arith.constant 0 : i32
    %dma_start3A_2480 = tpu.memref_slice %arg8[%dma_start3A_2477, %dma_start3A_2478, %dma_start3A_2479] : memref<2x128x64xf32, #tpu.memory_space<vmem>> -> memref<1x128x64xf32, #tpu.memory_space<vmem>>
    %dma_start3A_2481 = tpu.memref_squeeze %dma_start3A_2480 : memref<1x128x64xf32, #tpu.memory_space<vmem>> -> memref<128x64xf32, #tpu.memory_space<vmem>>
    %dma_start3A_2482 = arith.constant 0 : i32
    %dma_start3A_2483 = tpu.memref_slice %arg7[%dma_start3A_2476, %dma_start3A_2482] : memref<12x128xi32, #tpu.memory_space<vmem>> -> memref<1x128xi32, #tpu.memory_space<vmem>>
    %dma_start3A_2484 = tpu.memref_squeeze %dma_start3A_2483 : memref<1x128xi32, #tpu.memory_space<vmem>> -> memref<128xi32, #tpu.memory_space<vmem>>
    %dma_start3A_2485 = arith.constant 0 : i32
    %dma_start3A_2486 = arith.constant 0 : i32
    %dma_start3A_2487 = tpu.memref_slice %arg5[%dma_start3A_2485, %dma_start3A_2486] : memref<4096x64xf32, #tpu.memory_space<vmem_shared>> -> memref<4096x64xf32, #tpu.memory_space<vmem_shared>>
    tpu.enqueue_indirect_dma source(%dma_start3A_2487 : memref<4096x64xf32, #tpu.memory_space<vmem_shared>>) target(%dma_start3A_2481 : memref<128x64xf32, #tpu.memory_space<vmem>>) offsets(%dma_start3A_2484 : memref<128xi32, #tpu.memory_space<vmem>>) semaphore(%arg9 : memref<!tpu.dma_semaphore, #tpu.memory_space<semaphore_mem>>)
    %dma_wait3A_2488 = arith.constant 9 : i32
    %dma_wait3A_2489 = arith.constant 1 : i32
    %dma_wait3A_2490 = arith.constant 0 : i32
    %dma_wait3A_2491 = arith.constant 0 : i32
    %dma_wait3A_2492 = tpu.memref_slice %arg8[%dma_wait3A_2489, %dma_wait3A_2490, %dma_wait3A_2491] : memref<2x128x64xf32, #tpu.memory_space<vmem>> -> memref<1x128x64xf32, #tpu.memory_space<vmem>>
    %dma_wait3A_2493 = tpu.memref_squeeze %dma_wait3A_2492 : memref<1x128x64xf32, #tpu.memory_space<vmem>> -> memref<128x64xf32, #tpu.memory_space<vmem>>
    %dma_wait3A_2494 = arith.constant 0 : i32
    %dma_wait3A_2495 = tpu.memref_slice %arg7[%dma_wait3A_2488, %dma_wait3A_2494] : memref<12x128xi32, #tpu.memory_space<vmem>> -> memref<1x128xi32, #tpu.memory_space<vmem>>
    %dma_wait3A_2496 = tpu.memref_squeeze %dma_wait3A_2495 : memref<1x128xi32, #tpu.memory_space<vmem>> -> memref<128xi32, #tpu.memory_space<vmem>>
    %dma_wait3A_2497 = arith.constant 0 : i32
    %dma_wait3A_2498 = arith.constant 0 : i32
    %dma_wait3A_2499 = tpu.memref_slice %arg5[%dma_wait3A_2497, %dma_wait3A_2498] : memref<4096x64xf32, #tpu.memory_space<vmem_shared>> -> memref<4096x64xf32, #tpu.memory_space<vmem_shared>>
    tpu.wait_indirect_dma semaphore(%arg10 : memref<!tpu.dma_semaphore, #tpu.memory_space<semaphore_mem>>) src(%dma_wait3A_2499 : memref<4096x64xf32, #tpu.memory_space<vmem_shared>>) dst(%dma_wait3A_2493 : memref<128x64xf32, #tpu.memory_space<vmem>>)
    %mul3A_2500 = arith.constant 12 : i32
    %mul3A_2501 = arith.muli %add3A, %mul3A_2500 : i32
    %add3A_2502 = arith.constant 9 : i32
    %add3A_2503 = arith.addi %mul3A_2501, %add3A_2502 : i32
    %mul3A_2504 = arith.constant 128 : i32
    %mul3A_2505 = arith.muli %add3A_2503, %mul3A_2504 : i32
    %run_scoped3A_2506 = arith.constant 1 : i32
    "tpu.region"() ({
      %run_scoped3A_2557 = tpu.sem_alloc : memref<!tpu.dma_semaphore, #tpu.memory_space<semaphore_mem>>
      %dma_start3A_2558 = arith.constant 0 : i32
      %dma_start3A_2559 = arith.constant 0 : i32
      %dma_start3A_2560 = tpu.memref_slice %arg8[%run_scoped3A_2506, %dma_start3A_2558, %dma_start3A_2559] : memref<2x128x64xf32, #tpu.memory_space<vmem>> -> memref<1x128x64xf32, #tpu.memory_space<vmem>>
      %dma_start3A_2561 = tpu.memref_squeeze %dma_start3A_2560 : memref<1x128x64xf32, #tpu.memory_space<vmem>> -> memref<128x64xf32, #tpu.memory_space<vmem>>
      %dma_start3A_2562 = arith.constant 0 : i32
      %dma_start3A_2563 = tpu.memref_slice %arg4[%mul3A_2505, %dma_start3A_2562] : memref<49152x64xf32, #tpu.memory_space<hbm>> -> memref<128x64xf32, #tpu.memory_space<hbm>>
      %dma_start3A_2564 = arith.constant 0 : i32
      %dma_start3A_2565 = tpu.memref_slice %arg4[%mul3A_2505, %dma_start3A_2564] : memref<49152x64xf32, #tpu.memory_space<hbm>> -> memref<128x64xf32, #tpu.memory_space<hbm>>
      %dma_start3A_2566 = arith.constant 0 : i32
      %dma_start3A_2567 = arith.constant 0 : i32
      %dma_start3A_2568 = tpu.memref_slice %arg8[%run_scoped3A_2506, %dma_start3A_2566, %dma_start3A_2567] : memref<2x128x64xf32, #tpu.memory_space<vmem>> -> memref<1x128x64xf32, #tpu.memory_space<vmem>>
      %dma_start3A_2569 = tpu.memref_squeeze %dma_start3A_2568 : memref<1x128x64xf32, #tpu.memory_space<vmem>> -> memref<128x64xf32, #tpu.memory_space<vmem>>
      tpu.enqueue_dma source(%dma_start3A_2569 : memref<128x64xf32, #tpu.memory_space<vmem>>) target(%dma_start3A_2565 : memref<128x64xf32, #tpu.memory_space<hbm>>) target_semaphore(%run_scoped3A_2557 : memref<!tpu.dma_semaphore, #tpu.memory_space<semaphore_mem>>)
      %dma_wait3A_2570 = arith.constant 0 : i32
      %dma_wait3A_2571 = arith.constant 0 : i32
      %dma_wait3A_2572 = tpu.memref_slice %arg8[%run_scoped3A_2506, %dma_wait3A_2570, %dma_wait3A_2571] : memref<2x128x64xf32, #tpu.memory_space<vmem>> -> memref<1x128x64xf32, #tpu.memory_space<vmem>>
      %dma_wait3A_2573 = tpu.memref_squeeze %dma_wait3A_2572 : memref<1x128x64xf32, #tpu.memory_space<vmem>> -> memref<128x64xf32, #tpu.memory_space<vmem>>
      %dma_wait3A_2574 = arith.constant 0 : i32
      %dma_wait3A_2575 = tpu.memref_slice %arg4[%mul3A_2505, %dma_wait3A_2574] : memref<49152x64xf32, #tpu.memory_space<hbm>> -> memref<128x64xf32, #tpu.memory_space<hbm>>
      %dma_wait3A_2576 = arith.constant 0 : i32
      %dma_wait3A_2577 = tpu.memref_slice %arg4[%mul3A_2505, %dma_wait3A_2576] : memref<49152x64xf32, #tpu.memory_space<hbm>> -> memref<128x64xf32, #tpu.memory_space<hbm>>
      %dma_wait3A_2578 = arith.constant 0 : i32
      %dma_wait3A_2579 = arith.constant 0 : i32
      %dma_wait3A_2580 = tpu.memref_slice %arg8[%run_scoped3A_2506, %dma_wait3A_2578, %dma_wait3A_2579] : memref<2x128x64xf32, #tpu.memory_space<vmem>> -> memref<1x128x64xf32, #tpu.memory_space<vmem>>
      %dma_wait3A_2581 = tpu.memref_squeeze %dma_wait3A_2580 : memref<1x128x64xf32, #tpu.memory_space<vmem>> -> memref<128x64xf32, #tpu.memory_space<vmem>>
      tpu.wait_dma2 semaphore(%run_scoped3A_2557 : memref<!tpu.dma_semaphore, #tpu.memory_space<semaphore_mem>>) src(%dma_wait3A_2581 : memref<128x64xf32, #tpu.memory_space<vmem>>) dst(%dma_wait3A_2577 : memref<128x64xf32, #tpu.memory_space<hbm>>)
      tpu.yield
    }) : () -> ()
    %dma_start3A_2507 = arith.constant 11 : i32
    %dma_start3A_2508 = arith.constant 1 : i32
    %dma_start3A_2509 = arith.constant 0 : i32
    %dma_start3A_2510 = arith.constant 0 : i32
    %dma_start3A_2511 = tpu.memref_slice %arg8[%dma_start3A_2508, %dma_start3A_2509, %dma_start3A_2510] : memref<2x128x64xf32, #tpu.memory_space<vmem>> -> memref<1x128x64xf32, #tpu.memory_space<vmem>>
    %dma_start3A_2512 = tpu.memref_squeeze %dma_start3A_2511 : memref<1x128x64xf32, #tpu.memory_space<vmem>> -> memref<128x64xf32, #tpu.memory_space<vmem>>
    %dma_start3A_2513 = arith.constant 0 : i32
    %dma_start3A_2514 = tpu.memref_slice %arg7[%dma_start3A_2507, %dma_start3A_2513] : memref<12x128xi32, #tpu.memory_space<vmem>> -> memref<1x128xi32, #tpu.memory_space<vmem>>
    %dma_start3A_2515 = tpu.memref_squeeze %dma_start3A_2514 : memref<1x128xi32, #tpu.memory_space<vmem>> -> memref<128xi32, #tpu.memory_space<vmem>>
    %dma_start3A_2516 = arith.constant 0 : i32
    %dma_start3A_2517 = arith.constant 0 : i32
    %dma_start3A_2518 = tpu.memref_slice %arg5[%dma_start3A_2516, %dma_start3A_2517] : memref<4096x64xf32, #tpu.memory_space<vmem_shared>> -> memref<4096x64xf32, #tpu.memory_space<vmem_shared>>
    tpu.enqueue_indirect_dma source(%dma_start3A_2518 : memref<4096x64xf32, #tpu.memory_space<vmem_shared>>) target(%dma_start3A_2512 : memref<128x64xf32, #tpu.memory_space<vmem>>) offsets(%dma_start3A_2515 : memref<128xi32, #tpu.memory_space<vmem>>) semaphore(%arg10 : memref<!tpu.dma_semaphore, #tpu.memory_space<semaphore_mem>>)
    %dma_wait3A_2519 = arith.constant 10 : i32
    %dma_wait3A_2520 = arith.constant 0 : i32
    %dma_wait3A_2521 = arith.constant 0 : i32
    %dma_wait3A_2522 = arith.constant 0 : i32
    %dma_wait3A_2523 = tpu.memref_slice %arg8[%dma_wait3A_2520, %dma_wait3A_2521, %dma_wait3A_2522] : memref<2x128x64xf32, #tpu.memory_space<vmem>> -> memref<1x128x64xf32, #tpu.memory_space<vmem>>
    %dma_wait3A_2524 = tpu.memref_squeeze %dma_wait3A_2523 : memref<1x128x64xf32, #tpu.memory_space<vmem>> -> memref<128x64xf32, #tpu.memory_space<vmem>>
    %dma_wait3A_2525 = arith.constant 0 : i32
    %dma_wait3A_2526 = tpu.memref_slice %arg7[%dma_wait3A_2519, %dma_wait3A_2525] : memref<12x128xi32, #tpu.memory_space<vmem>> -> memref<1x128xi32, #tpu.memory_space<vmem>>
    %dma_wait3A_2527 = tpu.memref_squeeze %dma_wait3A_2526 : memref<1x128xi32, #tpu.memory_space<vmem>> -> memref<128xi32, #tpu.memory_space<vmem>>
    %dma_wait3A_2528 = arith.constant 0 : i32
    %dma_wait3A_2529 = arith.constant 0 : i32
    %dma_wait3A_2530 = tpu.memref_slice %arg5[%dma_wait3A_2528, %dma_wait3A_2529] : memref<4096x64xf32, #tpu.memory_space<vmem_shared>> -> memref<4096x64xf32, #tpu.memory_space<vmem_shared>>
    tpu.wait_indirect_dma semaphore(%arg9 : memref<!tpu.dma_semaphore, #tpu.memory_space<semaphore_mem>>) src(%dma_wait3A_2530 : memref<4096x64xf32, #tpu.memory_space<vmem_shared>>) dst(%dma_wait3A_2524 : memref<128x64xf32, #tpu.memory_space<vmem>>)
    %mul3A_2531 = arith.constant 12 : i32
    %mul3A_2532 = arith.muli %add3A, %mul3A_2531 : i32
    %add3A_2533 = arith.constant 10 : i32
    %add3A_2534 = arith.addi %mul3A_2532, %add3A_2533 : i32
    %mul3A_2535 = arith.constant 128 : i32
    %mul3A_2536 = arith.muli %add3A_2534, %mul3A_2535 : i32
    %run_scoped3A_2537 = arith.constant 0 : i32
    "tpu.region"() ({
      %run_scoped3A_2557 = tpu.sem_alloc : memref<!tpu.dma_semaphore, #tpu.memory_space<semaphore_mem>>
      %dma_start3A_2558 = arith.constant 0 : i32
      %dma_start3A_2559 = arith.constant 0 : i32
      %dma_start3A_2560 = tpu.memref_slice %arg8[%run_scoped3A_2537, %dma_start3A_2558, %dma_start3A_2559] : memref<2x128x64xf32, #tpu.memory_space<vmem>> -> memref<1x128x64xf32, #tpu.memory_space<vmem>>
      %dma_start3A_2561 = tpu.memref_squeeze %dma_start3A_2560 : memref<1x128x64xf32, #tpu.memory_space<vmem>> -> memref<128x64xf32, #tpu.memory_space<vmem>>
      %dma_start3A_2562 = arith.constant 0 : i32
      %dma_start3A_2563 = tpu.memref_slice %arg4[%mul3A_2536, %dma_start3A_2562] : memref<49152x64xf32, #tpu.memory_space<hbm>> -> memref<128x64xf32, #tpu.memory_space<hbm>>
      %dma_start3A_2564 = arith.constant 0 : i32
      %dma_start3A_2565 = tpu.memref_slice %arg4[%mul3A_2536, %dma_start3A_2564] : memref<49152x64xf32, #tpu.memory_space<hbm>> -> memref<128x64xf32, #tpu.memory_space<hbm>>
      %dma_start3A_2566 = arith.constant 0 : i32
      %dma_start3A_2567 = arith.constant 0 : i32
      %dma_start3A_2568 = tpu.memref_slice %arg8[%run_scoped3A_2537, %dma_start3A_2566, %dma_start3A_2567] : memref<2x128x64xf32, #tpu.memory_space<vmem>> -> memref<1x128x64xf32, #tpu.memory_space<vmem>>
      %dma_start3A_2569 = tpu.memref_squeeze %dma_start3A_2568 : memref<1x128x64xf32, #tpu.memory_space<vmem>> -> memref<128x64xf32, #tpu.memory_space<vmem>>
      tpu.enqueue_dma source(%dma_start3A_2569 : memref<128x64xf32, #tpu.memory_space<vmem>>) target(%dma_start3A_2565 : memref<128x64xf32, #tpu.memory_space<hbm>>) target_semaphore(%run_scoped3A_2557 : memref<!tpu.dma_semaphore, #tpu.memory_space<semaphore_mem>>)
      %dma_wait3A_2570 = arith.constant 0 : i32
      %dma_wait3A_2571 = arith.constant 0 : i32
      %dma_wait3A_2572 = tpu.memref_slice %arg8[%run_scoped3A_2537, %dma_wait3A_2570, %dma_wait3A_2571] : memref<2x128x64xf32, #tpu.memory_space<vmem>> -> memref<1x128x64xf32, #tpu.memory_space<vmem>>
      %dma_wait3A_2573 = tpu.memref_squeeze %dma_wait3A_2572 : memref<1x128x64xf32, #tpu.memory_space<vmem>> -> memref<128x64xf32, #tpu.memory_space<vmem>>
      %dma_wait3A_2574 = arith.constant 0 : i32
      %dma_wait3A_2575 = tpu.memref_slice %arg4[%mul3A_2536, %dma_wait3A_2574] : memref<49152x64xf32, #tpu.memory_space<hbm>> -> memref<128x64xf32, #tpu.memory_space<hbm>>
      %dma_wait3A_2576 = arith.constant 0 : i32
      %dma_wait3A_2577 = tpu.memref_slice %arg4[%mul3A_2536, %dma_wait3A_2576] : memref<49152x64xf32, #tpu.memory_space<hbm>> -> memref<128x64xf32, #tpu.memory_space<hbm>>
      %dma_wait3A_2578 = arith.constant 0 : i32
      %dma_wait3A_2579 = arith.constant 0 : i32
      %dma_wait3A_2580 = tpu.memref_slice %arg8[%run_scoped3A_2537, %dma_wait3A_2578, %dma_wait3A_2579] : memref<2x128x64xf32, #tpu.memory_space<vmem>> -> memref<1x128x64xf32, #tpu.memory_space<vmem>>
      %dma_wait3A_2581 = tpu.memref_squeeze %dma_wait3A_2580 : memref<1x128x64xf32, #tpu.memory_space<vmem>> -> memref<128x64xf32, #tpu.memory_space<vmem>>
      tpu.wait_dma2 semaphore(%run_scoped3A_2557 : memref<!tpu.dma_semaphore, #tpu.memory_space<semaphore_mem>>) src(%dma_wait3A_2581 : memref<128x64xf32, #tpu.memory_space<vmem>>) dst(%dma_wait3A_2577 : memref<128x64xf32, #tpu.memory_space<hbm>>)
      tpu.yield
    }) : () -> ()
    %dma_wait3A_2538 = arith.constant 11 : i32
    %dma_wait3A_2539 = arith.constant 1 : i32
    %dma_wait3A_2540 = arith.constant 0 : i32
    %dma_wait3A_2541 = arith.constant 0 : i32
    %dma_wait3A_2542 = tpu.memref_slice %arg8[%dma_wait3A_2539, %dma_wait3A_2540, %dma_wait3A_2541] : memref<2x128x64xf32, #tpu.memory_space<vmem>> -> memref<1x128x64xf32, #tpu.memory_space<vmem>>
    %dma_wait3A_2543 = tpu.memref_squeeze %dma_wait3A_2542 : memref<1x128x64xf32, #tpu.memory_space<vmem>> -> memref<128x64xf32, #tpu.memory_space<vmem>>
    %dma_wait3A_2544 = arith.constant 0 : i32
    %dma_wait3A_2545 = tpu.memref_slice %arg7[%dma_wait3A_2538, %dma_wait3A_2544] : memref<12x128xi32, #tpu.memory_space<vmem>> -> memref<1x128xi32, #tpu.memory_space<vmem>>
    %dma_wait3A_2546 = tpu.memref_squeeze %dma_wait3A_2545 : memref<1x128xi32, #tpu.memory_space<vmem>> -> memref<128xi32, #tpu.memory_space<vmem>>
    %dma_wait3A_2547 = arith.constant 0 : i32
    %dma_wait3A_2548 = arith.constant 0 : i32
    %dma_wait3A_2549 = tpu.memref_slice %arg5[%dma_wait3A_2547, %dma_wait3A_2548] : memref<4096x64xf32, #tpu.memory_space<vmem_shared>> -> memref<4096x64xf32, #tpu.memory_space<vmem_shared>>
    tpu.wait_indirect_dma semaphore(%arg10 : memref<!tpu.dma_semaphore, #tpu.memory_space<semaphore_mem>>) src(%dma_wait3A_2549 : memref<4096x64xf32, #tpu.memory_space<vmem_shared>>) dst(%dma_wait3A_2543 : memref<128x64xf32, #tpu.memory_space<vmem>>)
    %mul3A_2550 = arith.constant 12 : i32
    %mul3A_2551 = arith.muli %add3A, %mul3A_2550 : i32
    %add3A_2552 = arith.constant 11 : i32
    %add3A_2553 = arith.addi %mul3A_2551, %add3A_2552 : i32
    %mul3A_2554 = arith.constant 128 : i32
    %mul3A_2555 = arith.muli %add3A_2553, %mul3A_2554 : i32
    %run_scoped3A_2556 = arith.constant 1 : i32
    "tpu.region"() ({
      %run_scoped3A_2557 = tpu.sem_alloc : memref<!tpu.dma_semaphore, #tpu.memory_space<semaphore_mem>>
      %dma_start3A_2558 = arith.constant 0 : i32
      %dma_start3A_2559 = arith.constant 0 : i32
      %dma_start3A_2560 = tpu.memref_slice %arg8[%run_scoped3A_2556, %dma_start3A_2558, %dma_start3A_2559] : memref<2x128x64xf32, #tpu.memory_space<vmem>> -> memref<1x128x64xf32, #tpu.memory_space<vmem>>
      %dma_start3A_2561 = tpu.memref_squeeze %dma_start3A_2560 : memref<1x128x64xf32, #tpu.memory_space<vmem>> -> memref<128x64xf32, #tpu.memory_space<vmem>>
      %dma_start3A_2562 = arith.constant 0 : i32
      %dma_start3A_2563 = tpu.memref_slice %arg4[%mul3A_2555, %dma_start3A_2562] : memref<49152x64xf32, #tpu.memory_space<hbm>> -> memref<128x64xf32, #tpu.memory_space<hbm>>
      %dma_start3A_2564 = arith.constant 0 : i32
      %dma_start3A_2565 = tpu.memref_slice %arg4[%mul3A_2555, %dma_start3A_2564] : memref<49152x64xf32, #tpu.memory_space<hbm>> -> memref<128x64xf32, #tpu.memory_space<hbm>>
      %dma_start3A_2566 = arith.constant 0 : i32
      %dma_start3A_2567 = arith.constant 0 : i32
      %dma_start3A_2568 = tpu.memref_slice %arg8[%run_scoped3A_2556, %dma_start3A_2566, %dma_start3A_2567] : memref<2x128x64xf32, #tpu.memory_space<vmem>> -> memref<1x128x64xf32, #tpu.memory_space<vmem>>
      %dma_start3A_2569 = tpu.memref_squeeze %dma_start3A_2568 : memref<1x128x64xf32, #tpu.memory_space<vmem>> -> memref<128x64xf32, #tpu.memory_space<vmem>>
      tpu.enqueue_dma source(%dma_start3A_2569 : memref<128x64xf32, #tpu.memory_space<vmem>>) target(%dma_start3A_2565 : memref<128x64xf32, #tpu.memory_space<hbm>>) target_semaphore(%run_scoped3A_2557 : memref<!tpu.dma_semaphore, #tpu.memory_space<semaphore_mem>>)
      %dma_wait3A_2570 = arith.constant 0 : i32
      %dma_wait3A_2571 = arith.constant 0 : i32
      %dma_wait3A_2572 = tpu.memref_slice %arg8[%run_scoped3A_2556, %dma_wait3A_2570, %dma_wait3A_2571] : memref<2x128x64xf32, #tpu.memory_space<vmem>> -> memref<1x128x64xf32, #tpu.memory_space<vmem>>
      %dma_wait3A_2573 = tpu.memref_squeeze %dma_wait3A_2572 : memref<1x128x64xf32, #tpu.memory_space<vmem>> -> memref<128x64xf32, #tpu.memory_space<vmem>>
      %dma_wait3A_2574 = arith.constant 0 : i32
      %dma_wait3A_2575 = tpu.memref_slice %arg4[%mul3A_2555, %dma_wait3A_2574] : memref<49152x64xf32, #tpu.memory_space<hbm>> -> memref<128x64xf32, #tpu.memory_space<hbm>>
      %dma_wait3A_2576 = arith.constant 0 : i32
      %dma_wait3A_2577 = tpu.memref_slice %arg4[%mul3A_2555, %dma_wait3A_2576] : memref<49152x64xf32, #tpu.memory_space<hbm>> -> memref<128x64xf32, #tpu.memory_space<hbm>>
      %dma_wait3A_2578 = arith.constant 0 : i32
      %dma_wait3A_2579 = arith.constant 0 : i32
      %dma_wait3A_2580 = tpu.memref_slice %arg8[%run_scoped3A_2556, %dma_wait3A_2578, %dma_wait3A_2579] : memref<2x128x64xf32, #tpu.memory_space<vmem>> -> memref<1x128x64xf32, #tpu.memory_space<vmem>>
      %dma_wait3A_2581 = tpu.memref_squeeze %dma_wait3A_2580 : memref<1x128x64xf32, #tpu.memory_space<vmem>> -> memref<128x64xf32, #tpu.memory_space<vmem>>
      tpu.wait_dma2 semaphore(%run_scoped3A_2557 : memref<!tpu.dma_semaphore, #tpu.memory_space<semaphore_mem>>) src(%dma_wait3A_2581 : memref<128x64xf32, #tpu.memory_space<vmem>>) dst(%dma_wait3A_2577 : memref<128x64xf32, #tpu.memory_space<hbm>>)
      tpu.yield
    }) : () -> ()
    return
  }
}

module attributes {stable_mosaic.version = 14 : i64} {
  func.func @_prep_kernel(%arg0: memref<4x64x1024xf32, #tpu.memory_space<vmem>>, %arg1: memref<4x32x4096xf32, #tpu.memory_space<vmem>>, %arg2: memref<64x64xf32, #tpu.memory_space<vmem>>, %arg3: memref<1x64xf32, #tpu.memory_space<vmem>>, %arg4: memref<1x64xf32, #tpu.memory_space<vmem>>, %arg5: memref<1x64xf32, #tpu.memory_space<vmem>>, %arg6: memref<32x64xf32, #tpu.memory_space<vmem>>, %arg7: memref<1x64xf32, #tpu.memory_space<vmem>>, %arg8: memref<1x64xf32, #tpu.memory_space<vmem>>, %arg9: memref<1x64xf32, #tpu.memory_space<vmem>>, %arg10: memref<4096x64xf32, #tpu.memory_space<vmem>>, %arg11: memref<4x4096x64xf32, #tpu.memory_space<vmem>>) attributes {dimension_semantics = [], scalar_prefetch = 0 : i64, scratch_operands = 0 : i64, tpu.core_type = #tpu.core_type<tc>} {
    %get3A = arith.constant 0 : index
    %get3A_0 = arith.constant 0 : index
    %get3A_1 = arith.constant 0 : index
    %get3A_2 = vector.load %arg0[%get3A, %get3A_0, %get3A_1] : memref<4x64x1024xf32, #tpu.memory_space<vmem>>, vector<1x64x1024xf32>
    %get3A_3 = vector.shape_cast %get3A_2 : vector<1x64x1024xf32> to vector<64x1024xf32>
    %get3A_4 = arith.constant 1 : index
    %get3A_5 = arith.constant 0 : index
    %get3A_6 = arith.constant 0 : index
    %get3A_7 = vector.load %arg0[%get3A_4, %get3A_5, %get3A_6] : memref<4x64x1024xf32, #tpu.memory_space<vmem>>, vector<1x64x1024xf32>
    %get3A_8 = vector.shape_cast %get3A_7 : vector<1x64x1024xf32> to vector<64x1024xf32>
    %get3A_9 = arith.constant 2 : index
    %get3A_10 = arith.constant 0 : index
    %get3A_11 = arith.constant 0 : index
    %get3A_12 = vector.load %arg0[%get3A_9, %get3A_10, %get3A_11] : memref<4x64x1024xf32, #tpu.memory_space<vmem>>, vector<1x64x1024xf32>
    %get3A_13 = vector.shape_cast %get3A_12 : vector<1x64x1024xf32> to vector<64x1024xf32>
    %get3A_14 = arith.constant 3 : index
    %get3A_15 = arith.constant 0 : index
    %get3A_16 = arith.constant 0 : index
    %get3A_17 = vector.load %arg0[%get3A_14, %get3A_15, %get3A_16] : memref<4x64x1024xf32, #tpu.memory_space<vmem>>, vector<1x64x1024xf32>
    %get3A_18 = vector.shape_cast %get3A_17 : vector<1x64x1024xf32> to vector<64x1024xf32>
    %concatenate3A = tpu.concatenate %get3A_3, %get3A_8, %get3A_13, %get3A_18 in 1 : vector<64x1024xf32>, vector<64x1024xf32>, vector<64x1024xf32>, vector<64x1024xf32> -> vector<64x4096xf32>
    %get3A_19 = arith.constant 0 : index
    %get3A_20 = arith.constant 0 : index
    %get3A_21 = vector.load %arg2[%get3A_19, %get3A_20] : memref<64x64xf32, #tpu.memory_space<vmem>>, vector<64x64xf32>
    %convert_element_type3A = arith.truncf %concatenate3A : vector<64x4096xf32> to vector<64x4096xbf16>
    %convert_element_type3A_22 = arith.truncf %get3A_21 : vector<64x64xf32> to vector<64x64xbf16>
    %dot_general3A = arith.constant dense<0.000000e+00> : vector<4096x64xf32>
    %dot_general3A_23 = tpu.matmul %convert_element_type3A, %convert_element_type3A_22, %dot_general3A {dimension_numbers = #tpu.dot_dimension_numbers<[0], [0], [1], [1], [0, 1, 1, 1], [], []>, transpose_lhs_hint = false} : vector<64x4096xbf16>, vector<64x64xbf16>, vector<4096x64xf32> -> vector<4096x64xf32>
    %get3A_24 = arith.constant 0 : index
    %get3A_25 = arith.constant 0 : index
    %get3A_26 = vector.load %arg3[%get3A_24, %get3A_25] : memref<1x64xf32, #tpu.memory_space<vmem>>, vector<1x64xf32>
    %add3A = vector.broadcast %get3A_26 : vector<1x64xf32> to vector<4096x64xf32>
    %add3A_27 = arith.addf %dot_general3A_23, %add3A : vector<4096x64xf32>
    %get3A_28 = arith.constant 0 : index
    %get3A_29 = arith.constant 0 : index
    %get3A_30 = vector.load %arg4[%get3A_28, %get3A_29] : memref<1x64xf32, #tpu.memory_space<vmem>>, vector<1x64xf32>
    %get3A_31 = arith.constant 0 : index
    %get3A_32 = arith.constant 0 : index
    %get3A_33 = vector.load %arg5[%get3A_31, %get3A_32] : memref<1x64xf32, #tpu.memory_space<vmem>>, vector<1x64xf32>
    %reduce_sum3A = arith.constant dense<0.000000e+00> : vector<64xf32>
    %reduce_sum3A_34 = vector.multi_reduction <add>, %add3A_27, %reduce_sum3A [0] : vector<4096x64xf32> to vector<64xf32>
    %broadcast_in_dim3A = vector.shape_cast %reduce_sum3A_34 : vector<64xf32> to vector<1x64xf32>
    %div3A = arith.constant 4.096000e+03 : f32
    %div3A_35 = vector.broadcast %div3A : f32 to vector<1x64xf32>
    %div3A_36 = arith.divf %broadcast_in_dim3A, %div3A_35 : vector<1x64xf32>
    %sub3A = vector.broadcast %div3A_36 : vector<1x64xf32> to vector<4096x64xf32>
    %sub3A_37 = arith.subf %add3A_27, %sub3A : vector<4096x64xf32>
    %mul3A = arith.mulf %sub3A_37, %sub3A_37 : vector<4096x64xf32>
    %reduce_sum3A_38 = arith.constant dense<0.000000e+00> : vector<64xf32>
    %reduce_sum3A_39 = vector.multi_reduction <add>, %mul3A, %reduce_sum3A_38 [0] : vector<4096x64xf32> to vector<64xf32>
    %broadcast_in_dim3A_40 = vector.shape_cast %reduce_sum3A_39 : vector<64xf32> to vector<1x64xf32>
    %div3A_41 = arith.constant 4.096000e+03 : f32
    %div3A_42 = vector.broadcast %div3A_41 : f32 to vector<1x64xf32>
    %div3A_43 = arith.divf %broadcast_in_dim3A_40, %div3A_42 : vector<1x64xf32>
    %add3A_44 = arith.constant 9.99999974E-6 : f32
    %add3A_45 = vector.broadcast %add3A_44 : f32 to vector<1x64xf32>
    %add3A_46 = arith.addf %div3A_43, %add3A_45 : vector<1x64xf32>
    %rsqrt3A = math.rsqrt %add3A_46 : vector<1x64xf32>
    %mul3A_47 = arith.mulf %get3A_30, %rsqrt3A : vector<1x64xf32>
    %mul3A_48 = vector.broadcast %mul3A_47 : vector<1x64xf32> to vector<4096x64xf32>
    %mul3A_49 = arith.mulf %sub3A_37, %mul3A_48 : vector<4096x64xf32>
    %add3A_50 = vector.broadcast %get3A_33 : vector<1x64xf32> to vector<4096x64xf32>
    %add3A_51 = arith.addf %mul3A_49, %add3A_50 : vector<4096x64xf32>
    %swap3A = arith.constant 0 : index
    %swap3A_52 = arith.constant 0 : index
    %swap3A_53 = vector.load %arg10[%swap3A, %swap3A_52] : memref<4096x64xf32, #tpu.memory_space<vmem>>, vector<4096x64xf32>
    tpu.vector_store %arg10[%swap3A, %swap3A_52], %add3A_51 {strides = array<i32>} : memref<4096x64xf32, #tpu.memory_space<vmem>>, vector<4096x64xf32>,
    %get3A_54 = arith.constant 0 : index
    %get3A_55 = arith.constant 0 : index
    %get3A_56 = arith.constant 0 : index
    %get3A_57 = vector.load %arg1[%get3A_54, %get3A_55, %get3A_56] : memref<4x32x4096xf32, #tpu.memory_space<vmem>>, vector<1x32x4096xf32>
    %get3A_58 = vector.shape_cast %get3A_57 : vector<1x32x4096xf32> to vector<32x4096xf32>
    %get3A_59 = arith.constant 1 : index
    %get3A_60 = arith.constant 0 : index
    %get3A_61 = arith.constant 0 : index
    %get3A_62 = vector.load %arg1[%get3A_59, %get3A_60, %get3A_61] : memref<4x32x4096xf32, #tpu.memory_space<vmem>>, vector<1x32x4096xf32>
    %get3A_63 = vector.shape_cast %get3A_62 : vector<1x32x4096xf32> to vector<32x4096xf32>
    %get3A_64 = arith.constant 2 : index
    %get3A_65 = arith.constant 0 : index
    %get3A_66 = arith.constant 0 : index
    %get3A_67 = vector.load %arg1[%get3A_64, %get3A_65, %get3A_66] : memref<4x32x4096xf32, #tpu.memory_space<vmem>>, vector<1x32x4096xf32>
    %get3A_68 = vector.shape_cast %get3A_67 : vector<1x32x4096xf32> to vector<32x4096xf32>
    %get3A_69 = arith.constant 3 : index
    %get3A_70 = arith.constant 0 : index
    %get3A_71 = arith.constant 0 : index
    %get3A_72 = vector.load %arg1[%get3A_69, %get3A_70, %get3A_71] : memref<4x32x4096xf32, #tpu.memory_space<vmem>>, vector<1x32x4096xf32>
    %get3A_73 = vector.shape_cast %get3A_72 : vector<1x32x4096xf32> to vector<32x4096xf32>
    %concatenate3A_74 = tpu.concatenate %get3A_58, %get3A_63, %get3A_68, %get3A_73 in 1 : vector<32x4096xf32>, vector<32x4096xf32>, vector<32x4096xf32>, vector<32x4096xf32> -> vector<32x16384xf32>
    %get3A_75 = arith.constant 0 : index
    %get3A_76 = arith.constant 0 : index
    %get3A_77 = vector.load %arg6[%get3A_75, %get3A_76] : memref<32x64xf32, #tpu.memory_space<vmem>>, vector<32x64xf32>
    %convert_element_type3A_78 = arith.truncf %concatenate3A_74 : vector<32x16384xf32> to vector<32x16384xbf16>
    %convert_element_type3A_79 = arith.truncf %get3A_77 : vector<32x64xf32> to vector<32x64xbf16>
    %dot_general3A_80 = arith.constant dense<0.000000e+00> : vector<16384x64xf32>
    %dot_general3A_81 = tpu.matmul %convert_element_type3A_78, %convert_element_type3A_79, %dot_general3A_80 {dimension_numbers = #tpu.dot_dimension_numbers<[0], [0], [1], [1], [0, 1, 1, 1], [], []>, transpose_lhs_hint = false} : vector<32x16384xbf16>, vector<32x64xbf16>, vector<16384x64xf32> -> vector<16384x64xf32>
    %get3A_82 = arith.constant 0 : index
    %get3A_83 = arith.constant 0 : index
    %get3A_84 = vector.load %arg7[%get3A_82, %get3A_83] : memref<1x64xf32, #tpu.memory_space<vmem>>, vector<1x64xf32>
    %add3A_85 = vector.broadcast %get3A_84 : vector<1x64xf32> to vector<16384x64xf32>
    %add3A_86 = arith.addf %dot_general3A_81, %add3A_85 : vector<16384x64xf32>
    %get3A_87 = arith.constant 0 : index
    %get3A_88 = arith.constant 0 : index
    %get3A_89 = vector.load %arg8[%get3A_87, %get3A_88] : memref<1x64xf32, #tpu.memory_space<vmem>>, vector<1x64xf32>
    %get3A_90 = arith.constant 0 : index
    %get3A_91 = arith.constant 0 : index
    %get3A_92 = vector.load %arg9[%get3A_90, %get3A_91] : memref<1x64xf32, #tpu.memory_space<vmem>>, vector<1x64xf32>
    %reduce_sum3A_93 = arith.constant dense<0.000000e+00> : vector<64xf32>
    %reduce_sum3A_94 = vector.multi_reduction <add>, %add3A_86, %reduce_sum3A_93 [0] : vector<16384x64xf32> to vector<64xf32>
    %broadcast_in_dim3A_95 = vector.shape_cast %reduce_sum3A_94 : vector<64xf32> to vector<1x64xf32>
    %div3A_96 = arith.constant 1.638400e+04 : f32
    %div3A_97 = vector.broadcast %div3A_96 : f32 to vector<1x64xf32>
    %div3A_98 = arith.divf %broadcast_in_dim3A_95, %div3A_97 : vector<1x64xf32>
    %sub3A_99 = vector.broadcast %div3A_98 : vector<1x64xf32> to vector<16384x64xf32>
    %sub3A_100 = arith.subf %add3A_86, %sub3A_99 : vector<16384x64xf32>
    %mul3A_101 = arith.mulf %sub3A_100, %sub3A_100 : vector<16384x64xf32>
    %reduce_sum3A_102 = arith.constant dense<0.000000e+00> : vector<64xf32>
    %reduce_sum3A_103 = vector.multi_reduction <add>, %mul3A_101, %reduce_sum3A_102 [0] : vector<16384x64xf32> to vector<64xf32>
    %broadcast_in_dim3A_104 = vector.shape_cast %reduce_sum3A_103 : vector<64xf32> to vector<1x64xf32>
    %div3A_105 = arith.constant 1.638400e+04 : f32
    %div3A_106 = vector.broadcast %div3A_105 : f32 to vector<1x64xf32>
    %div3A_107 = arith.divf %broadcast_in_dim3A_104, %div3A_106 : vector<1x64xf32>
    %add3A_108 = arith.constant 9.99999974E-6 : f32
    %add3A_109 = vector.broadcast %add3A_108 : f32 to vector<1x64xf32>
    %add3A_110 = arith.addf %div3A_107, %add3A_109 : vector<1x64xf32>
    %rsqrt3A_111 = math.rsqrt %add3A_110 : vector<1x64xf32>
    %mul3A_112 = arith.mulf %get3A_89, %rsqrt3A_111 : vector<1x64xf32>
    %mul3A_113 = vector.broadcast %mul3A_112 : vector<1x64xf32> to vector<16384x64xf32>
    %mul3A_114 = arith.mulf %sub3A_100, %mul3A_113 : vector<16384x64xf32>
    %add3A_115 = vector.broadcast %get3A_92 : vector<1x64xf32> to vector<16384x64xf32>
    %add3A_116 = arith.addf %mul3A_114, %add3A_115 : vector<16384x64xf32>
    %reshape3A = vector.shape_cast %add3A_116 : vector<16384x64xf32> to vector<4x4096x64xf32>
    %swap3A_117 = arith.constant 0 : index
    %swap3A_118 = arith.constant 0 : index
    %swap3A_119 = arith.constant 0 : index
    %swap3A_120 = vector.load %arg11[%swap3A_117, %swap3A_118, %swap3A_119] : memref<4x4096x64xf32, #tpu.memory_space<vmem>>, vector<4x4096x64xf32>
    tpu.vector_store %arg11[%swap3A_117, %swap3A_118, %swap3A_119], %reshape3A {strides = array<i32>} : memref<4x4096x64xf32, #tpu.memory_space<vmem>>, vector<4x4096x64xf32>,
    return
  }
}

module attributes {stable_mosaic.version = 14 : i64} {
  func.func @_search_kernel(%arg0: i32, %arg1: i32, %arg2: memref<1x3x4096xf32, #tpu.memory_space<vmem>>, %arg3: memref<1x3x1024xf32, #tpu.memory_space<vmem>>, %arg4: memref<1x8x4096xf32, #tpu.memory_space<vmem>>) attributes {dimension_semantics = [#tpu.dimension_semantics<arbitrary>, #tpu.dimension_semantics<arbitrary>], iteration_bounds = array<i64: 4, 1>, scalar_prefetch = 0 : i64, scratch_operands = 0 : i64, tpu.core_type = #tpu.core_type<tc>, window_params = [{transform_indices = @transform_0, window_bounds = array<i64: 1, 3, 4096>}, {transform_indices = @transform_1, window_bounds = array<i64: 1, 3, 1024>}, {transform_indices = @transform_2, window_bounds = array<i64: 1, 8, 4096>}]} {
    %get3A = arith.constant 0 : index
    %get3A_0 = arith.constant 0 : index
    %get3A_1 = arith.constant 0 : index
    %get3A_2 = vector.load %arg2[%get3A, %get3A_0, %get3A_1] : memref<1x3x4096xf32, #tpu.memory_space<vmem>>, vector<1x3x4096xf32>
    %get3A_3 = vector.shape_cast %get3A_2 : vector<1x3x4096xf32> to vector<3x4096xf32>
    %get3A_4 = arith.constant 0 : index
    %get3A_5 = arith.constant 0 : index
    %get3A_6 = arith.constant 0 : index
    %get3A_7 = vector.load %arg3[%get3A_4, %get3A_5, %get3A_6] : memref<1x3x1024xf32, #tpu.memory_space<vmem>>, vector<1x3x1024xf32>
    %get3A_8 = vector.shape_cast %get3A_7 : vector<1x3x1024xf32> to vector<3x1024xf32>
    %convert_element_type3A = arith.truncf %get3A_3 : vector<3x4096xf32> to vector<3x4096xbf16>
    %convert_element_type3A_9 = arith.truncf %get3A_8 : vector<3x1024xf32> to vector<3x1024xbf16>
    %dot_general3A = arith.constant dense<0.000000e+00> : vector<4096x1024xf32>
    %dot_general3A_10 = tpu.matmul %convert_element_type3A, %convert_element_type3A_9, %dot_general3A {dimension_numbers = #tpu.dot_dimension_numbers<[0], [0], [1], [1], [0, 1, 1, 1], [], []>, transpose_lhs_hint = false} : vector<3x4096xbf16>, vector<3x1024xbf16>, vector<4096x1024xf32> -> vector<4096x1024xf32>
    %slice3A = vector.extract_strided_slice %get3A_3 {offsets = [0, 0], sizes = [1, 4096], strides = [1, 1]} : vector<3x4096xf32> to vector<1x4096xf32>
    %slice3A_11 = vector.extract_strided_slice %get3A_3 {offsets = [0, 0], sizes = [1, 4096], strides = [1, 1]} : vector<3x4096xf32> to vector<1x4096xf32>
    %mul3A = arith.mulf %slice3A, %slice3A_11 : vector<1x4096xf32>
    %slice3A_12 = vector.extract_strided_slice %get3A_3 {offsets = [1, 0], sizes = [1, 4096], strides = [1, 1]} : vector<3x4096xf32> to vector<1x4096xf32>
    %slice3A_13 = vector.extract_strided_slice %get3A_3 {offsets = [1, 0], sizes = [1, 4096], strides = [1, 1]} : vector<3x4096xf32> to vector<1x4096xf32>
    %mul3A_14 = arith.mulf %slice3A_12, %slice3A_13 : vector<1x4096xf32>
    %add3A = arith.addf %mul3A, %mul3A_14 : vector<1x4096xf32>
    %slice3A_15 = vector.extract_strided_slice %get3A_3 {offsets = [2, 0], sizes = [1, 4096], strides = [1, 1]} : vector<3x4096xf32> to vector<1x4096xf32>
    %slice3A_16 = vector.extract_strided_slice %get3A_3 {offsets = [2, 0], sizes = [1, 4096], strides = [1, 1]} : vector<3x4096xf32> to vector<1x4096xf32>
    %mul3A_17 = arith.mulf %slice3A_15, %slice3A_16 : vector<1x4096xf32>
    %add3A_18 = arith.addf %add3A, %mul3A_17 : vector<1x4096xf32>
    %transpose3A = tpu.transpose %add3A_18, [1, 0] : vector<1x4096xf32> -> vector<4096x1xf32>
    %slice3A_19 = vector.extract_strided_slice %get3A_8 {offsets = [0, 0], sizes = [1, 1024], strides = [1, 1]} : vector<3x1024xf32> to vector<1x1024xf32>
    %slice3A_20 = vector.extract_strided_slice %get3A_8 {offsets = [0, 0], sizes = [1, 1024], strides = [1, 1]} : vector<3x1024xf32> to vector<1x1024xf32>
    %mul3A_21 = arith.mulf %slice3A_19, %slice3A_20 : vector<1x1024xf32>
    %slice3A_22 = vector.extract_strided_slice %get3A_8 {offsets = [1, 0], sizes = [1, 1024], strides = [1, 1]} : vector<3x1024xf32> to vector<1x1024xf32>
    %slice3A_23 = vector.extract_strided_slice %get3A_8 {offsets = [1, 0], sizes = [1, 1024], strides = [1, 1]} : vector<3x1024xf32> to vector<1x1024xf32>
    %mul3A_24 = arith.mulf %slice3A_22, %slice3A_23 : vector<1x1024xf32>
    %add3A_25 = arith.addf %mul3A_21, %mul3A_24 : vector<1x1024xf32>
    %slice3A_26 = vector.extract_strided_slice %get3A_8 {offsets = [2, 0], sizes = [1, 1024], strides = [1, 1]} : vector<3x1024xf32> to vector<1x1024xf32>
    %slice3A_27 = vector.extract_strided_slice %get3A_8 {offsets = [2, 0], sizes = [1, 1024], strides = [1, 1]} : vector<3x1024xf32> to vector<1x1024xf32>
    %mul3A_28 = arith.mulf %slice3A_26, %slice3A_27 : vector<1x1024xf32>
    %add3A_29 = arith.addf %add3A_25, %mul3A_28 : vector<1x1024xf32>
    %add3A_30 = vector.broadcast %transpose3A : vector<4096x1xf32> to vector<4096x1024xf32>
    %add3A_31 = vector.broadcast %add3A_29 : vector<1x1024xf32> to vector<4096x1024xf32>
    %add3A_32 = arith.addf %add3A_30, %add3A_31 : vector<4096x1024xf32>
    %mul3A_33 = arith.constant 2.000000e+00 : f32
    %mul3A_34 = vector.broadcast %mul3A_33 : f32 to vector<4096x1024xf32>
    %mul3A_35 = arith.mulf %mul3A_34, %dot_general3A_10 : vector<4096x1024xf32>
    %sub3A = arith.subf %add3A_32, %mul3A_35 : vector<4096x1024xf32>
    %iota3A = tpu.iota {dimensions = array<i32: 1>} : vector<1x1024xi32>
    %convert_element_type3A_36 = arith.sitofp %iota3A : vector<1x1024xi32> to vector<1x1024xf32>
    %reduce_min3A = arith.constant dense<0x7F800000> : vector<4096xf32>
    %reduce_min3A_37 = vector.multi_reduction <minimumf>, %sub3A, %reduce_min3A [1] : vector<4096x1024xf32> to vector<4096xf32>
    %broadcast_in_dim3A = vector.shape_cast %reduce_min3A_37 : vector<4096xf32> to vector<4096x1xf32>
    %eq3A = vector.broadcast %broadcast_in_dim3A : vector<4096x1xf32> to vector<4096x1024xf32>
    %eq3A_38 = arith.cmpf oeq, %sub3A, %eq3A : vector<4096x1024xf32>
    %jit3A = arith.constant 1.024000e+03 : f32
    %broadcast_in_dim3A_39 = vector.shape_cast %convert_element_type3A_36 : vector<1x1024xf32> to vector<1x1024xf32>
    %broadcast_in_dim3A_40 = vector.broadcast %broadcast_in_dim3A_39 : vector<1x1024xf32> to vector<4096x1024xf32>
    %broadcast_in_dim3A_41 = vector.broadcast %jit3A : f32 to vector<4096x1024xf32>
    %select_n3A = arith.select %eq3A_38, %broadcast_in_dim3A_40, %broadcast_in_dim3A_41 : vector<4096x1024xi1>, vector<4096x1024xf32>
    %reduce_min3A_42 = arith.constant dense<0x7F800000> : vector<4096xf32>
    %reduce_min3A_43 = vector.multi_reduction <minimumf>, %select_n3A, %reduce_min3A_42 [1] : vector<4096x1024xf32> to vector<4096xf32>
    %broadcast_in_dim3A_44 = vector.shape_cast %reduce_min3A_43 : vector<4096xf32> to vector<4096x1xf32>
    %eq3A_45 = vector.broadcast %convert_element_type3A_36 : vector<1x1024xf32> to vector<4096x1024xf32>
    %eq3A_46 = vector.broadcast %broadcast_in_dim3A_44 : vector<4096x1xf32> to vector<4096x1024xf32>
    %eq3A_47 = arith.cmpf oeq, %eq3A_45, %eq3A_46 : vector<4096x1024xf32>
    %jit3A_48 = arith.constant 1.000000e+30 : f32
    %broadcast_in_dim3A_49 = vector.broadcast %jit3A_48 : f32 to vector<4096x1024xf32>
    %select_n3A_50 = arith.select %eq3A_47, %broadcast_in_dim3A_49, %sub3A : vector<4096x1024xi1>, vector<4096x1024xf32>
    %reduce_min3A_51 = arith.constant dense<0x7F800000> : vector<4096xf32>
    %reduce_min3A_52 = vector.multi_reduction <minimumf>, %select_n3A_50, %reduce_min3A_51 [1] : vector<4096x1024xf32> to vector<4096xf32>
    %broadcast_in_dim3A_53 = vector.shape_cast %reduce_min3A_52 : vector<4096xf32> to vector<4096x1xf32>
    %eq3A_54 = vector.broadcast %broadcast_in_dim3A_53 : vector<4096x1xf32> to vector<4096x1024xf32>
    %eq3A_55 = arith.cmpf oeq, %select_n3A_50, %eq3A_54 : vector<4096x1024xf32>
    %jit3A_56 = arith.constant 1.024000e+03 : f32
    %broadcast_in_dim3A_57 = vector.shape_cast %convert_element_type3A_36 : vector<1x1024xf32> to vector<1x1024xf32>
    %broadcast_in_dim3A_58 = vector.broadcast %broadcast_in_dim3A_57 : vector<1x1024xf32> to vector<4096x1024xf32>
    %broadcast_in_dim3A_59 = vector.broadcast %jit3A_56 : f32 to vector<4096x1024xf32>
    %select_n3A_60 = arith.select %eq3A_55, %broadcast_in_dim3A_58, %broadcast_in_dim3A_59 : vector<4096x1024xi1>, vector<4096x1024xf32>
    %reduce_min3A_61 = arith.constant dense<0x7F800000> : vector<4096xf32>
    %reduce_min3A_62 = vector.multi_reduction <minimumf>, %select_n3A_60, %reduce_min3A_61 [1] : vector<4096x1024xf32> to vector<4096xf32>
    %broadcast_in_dim3A_63 = vector.shape_cast %reduce_min3A_62 : vector<4096xf32> to vector<4096x1xf32>
    %eq3A_64 = vector.broadcast %convert_element_type3A_36 : vector<1x1024xf32> to vector<4096x1024xf32>
    %eq3A_65 = vector.broadcast %broadcast_in_dim3A_63 : vector<4096x1xf32> to vector<4096x1024xf32>
    %eq3A_66 = arith.cmpf oeq, %eq3A_64, %eq3A_65 : vector<4096x1024xf32>
    %jit3A_67 = arith.constant 1.000000e+30 : f32
    %broadcast_in_dim3A_68 = vector.broadcast %jit3A_67 : f32 to vector<4096x1024xf32>
    %select_n3A_69 = arith.select %eq3A_66, %broadcast_in_dim3A_68, %select_n3A_50 : vector<4096x1024xi1>, vector<4096x1024xf32>
    %reduce_min3A_70 = arith.constant dense<0x7F800000> : vector<4096xf32>
    %reduce_min3A_71 = vector.multi_reduction <minimumf>, %select_n3A_69, %reduce_min3A_70 [1] : vector<4096x1024xf32> to vector<4096xf32>
    %broadcast_in_dim3A_72 = vector.shape_cast %reduce_min3A_71 : vector<4096xf32> to vector<4096x1xf32>
    %eq3A_73 = vector.broadcast %broadcast_in_dim3A_72 : vector<4096x1xf32> to vector<4096x1024xf32>
    %eq3A_74 = arith.cmpf oeq, %select_n3A_69, %eq3A_73 : vector<4096x1024xf32>
    %jit3A_75 = arith.constant 1.024000e+03 : f32
    %broadcast_in_dim3A_76 = vector.shape_cast %convert_element_type3A_36 : vector<1x1024xf32> to vector<1x1024xf32>
    %broadcast_in_dim3A_77 = vector.broadcast %broadcast_in_dim3A_76 : vector<1x1024xf32> to vector<4096x1024xf32>
    %broadcast_in_dim3A_78 = vector.broadcast %jit3A_75 : f32 to vector<4096x1024xf32>
    %select_n3A_79 = arith.select %eq3A_74, %broadcast_in_dim3A_77, %broadcast_in_dim3A_78 : vector<4096x1024xi1>, vector<4096x1024xf32>
    %reduce_min3A_80 = arith.constant dense<0x7F800000> : vector<4096xf32>
    %reduce_min3A_81 = vector.multi_reduction <minimumf>, %select_n3A_79, %reduce_min3A_80 [1] : vector<4096x1024xf32> to vector<4096xf32>
    %broadcast_in_dim3A_82 = vector.shape_cast %reduce_min3A_81 : vector<4096xf32> to vector<4096x1xf32>
    %add3A_83 = arith.constant 9.99999993E-9 : f32
    %add3A_84 = vector.broadcast %add3A_83 : f32 to vector<4096x1xf32>
    %add3A_85 = arith.addf %broadcast_in_dim3A, %add3A_84 : vector<4096x1xf32>
    %div3A = arith.constant 1.000000e+00 : f32
    %div3A_86 = vector.broadcast %div3A : f32 to vector<4096x1xf32>
    %div3A_87 = arith.divf %div3A_86, %add3A_85 : vector<4096x1xf32>
    %add3A_88 = arith.constant 9.99999993E-9 : f32
    %add3A_89 = vector.broadcast %add3A_88 : f32 to vector<4096x1xf32>
    %add3A_90 = arith.addf %broadcast_in_dim3A_53, %add3A_89 : vector<4096x1xf32>
    %div3A_91 = arith.constant 1.000000e+00 : f32
    %div3A_92 = vector.broadcast %div3A_91 : f32 to vector<4096x1xf32>
    %div3A_93 = arith.divf %div3A_92, %add3A_90 : vector<4096x1xf32>
    %add3A_94 = arith.constant 9.99999993E-9 : f32
    %add3A_95 = vector.broadcast %add3A_94 : f32 to vector<4096x1xf32>
    %add3A_96 = arith.addf %broadcast_in_dim3A_72, %add3A_95 : vector<4096x1xf32>
    %div3A_97 = arith.constant 1.000000e+00 : f32
    %div3A_98 = vector.broadcast %div3A_97 : f32 to vector<4096x1xf32>
    %div3A_99 = arith.divf %div3A_98, %add3A_96 : vector<4096x1xf32>
    %add3A_100 = arith.addf %div3A_87, %div3A_93 : vector<4096x1xf32>
    %add3A_101 = arith.addf %add3A_100, %div3A_99 : vector<4096x1xf32>
    %mul3A_102 = arith.constant 1024 : i32
    %mul3A_103 = arith.muli %arg0, %mul3A_102 : i32
    %convert_element_type3A_104 = arith.sitofp %mul3A_103 : i32 to f32
    %add3A_105 = vector.broadcast %convert_element_type3A_104 : f32 to vector<4096x1xf32>
    %add3A_106 = arith.addf %broadcast_in_dim3A_44, %add3A_105 : vector<4096x1xf32>
    %add3A_107 = vector.broadcast %convert_element_type3A_104 : f32 to vector<4096x1xf32>
    %add3A_108 = arith.addf %broadcast_in_dim3A_63, %add3A_107 : vector<4096x1xf32>
    %add3A_109 = vector.broadcast %convert_element_type3A_104 : f32 to vector<4096x1xf32>
    %add3A_110 = arith.addf %broadcast_in_dim3A_82, %add3A_109 : vector<4096x1xf32>
    %div3A_111 = arith.divf %div3A_87, %add3A_101 : vector<4096x1xf32>
    %div3A_112 = arith.divf %div3A_93, %add3A_101 : vector<4096x1xf32>
    %div3A_113 = arith.divf %div3A_99, %add3A_101 : vector<4096x1xf32>
    %concatenate3A = tpu.concatenate %add3A_106, %add3A_108, %add3A_110, %div3A_111, %div3A_112, %div3A_113, %div3A_87, %div3A_87 in 1 : vector<4096x1xf32>, vector<4096x1xf32>, vector<4096x1xf32>, vector<4096x1xf32>, vector<4096x1xf32>, vector<4096x1xf32>, vector<4096x1xf32>, vector<4096x1xf32> -> vector<4096x8xf32>
    %transpose3A_114 = tpu.transpose %concatenate3A, [1, 0] : vector<4096x8xf32> -> vector<8x4096xf32>
    %swap3A = arith.constant 0 : index
    %swap3A_115 = arith.constant 0 : index
    %swap3A_116 = arith.constant 0 : index
    %swap3A_117 = vector.load %arg4[%swap3A, %swap3A_115, %swap3A_116] : memref<1x8x4096xf32, #tpu.memory_space<vmem>>, vector<1x8x4096xf32>
    %swap3A_118 = vector.shape_cast %swap3A_117 : vector<1x8x4096xf32> to vector<8x4096xf32>
    %swap3A_119 = vector.shape_cast %transpose3A_114 : vector<8x4096xf32> to vector<1x8x4096xf32>
    tpu.vector_store %arg4[%swap3A, %swap3A_115, %swap3A_116], %swap3A_119 {strides = array<i32>} : memref<1x8x4096xf32, #tpu.memory_space<vmem>>, vector<1x8x4096xf32>,
    return
  }
  func.func @transform_0(%arg0: i32, %arg1: i32) -> (i32, i32, i32) {
    %c0_i32 = arith.constant 0 : i32
    %c0_i32_0 = arith.constant 0 : i32
    return %arg0, %c0_i32, %arg1 : i32, i32, i32
  }
  func.func @transform_1(%arg0: i32, %arg1: i32) -> (i32, i32, i32) {
    %c0_i32 = arith.constant 0 : i32
    %c0_i32_0 = arith.constant 0 : i32
    %c0_i32_1 = arith.constant 0 : i32
    return %arg0, %c0_i32, %c0_i32_0 : i32, i32, i32
  }
  func.func @transform_2(%arg0: i32, %arg1: i32) -> (i32, i32, i32) {
    %mul3A = arith.constant 1 : i32
    %mul3A_0 = arith.muli %arg0, %mul3A : i32
    %add3A = arith.addi %mul3A_0, %arg1 : i32
    %c0_i32 = arith.constant 0 : i32
    %c0_i32_1 = arith.constant 0 : i32
    %c0_i32_2 = arith.constant 0 : i32
    return %add3A, %c0_i32, %c0_i32_1 : i32, i32, i32
  }
}

module attributes {stable_mosaic.version = 14 : i64} {
  func.func @_combine_kernel(%arg0: i32, %arg1: i32, %arg2: memref<3x1x4096x64xf32, #tpu.memory_space<vmem>>, %arg3: memref<1x8x4096xf32, #tpu.memory_space<vmem>>, %arg4: memref<1x4096x64xf32, #tpu.memory_space<vmem>>, %arg5: memref<64x64xf32, #tpu.memory_space<vmem>>, %arg6: memref<1x64xf32, #tpu.memory_space<vmem>>, %arg7: memref<1x4096x64xf32, #tpu.memory_space<vmem>>, %arg8: memref<8x64xf32, #tpu.memory_space<vmem>>, %arg9: memref<8x64xf32, #tpu.memory_space<vmem>>) attributes {dimension_semantics = [#tpu.dimension_semantics<arbitrary>, #tpu.dimension_semantics<arbitrary>], iteration_bounds = array<i64: 4, 1>, scalar_prefetch = 0 : i64, scratch_operands = 0 : i64, tpu.core_type = #tpu.core_type<tc>, window_params = [{transform_indices = @transform_0, window_bounds = array<i64: 3, 1, 4096, 64>}, {transform_indices = @transform_1, window_bounds = array<i64: 1, 8, 4096>}, {transform_indices = @transform_2, window_bounds = array<i64: 1, 4096, 64>}, {pipeline_mode = #tpu.pipeline_mode<synchronous>, transform_indices = @transform_3, window_bounds = array<i64: 64, 64>}, {pipeline_mode = #tpu.pipeline_mode<synchronous>, transform_indices = @transform_4, window_bounds = array<i64: 1, 64>}, {transform_indices = @transform_5, window_bounds = array<i64: 1, 4096, 64>}, {pipeline_mode = #tpu.pipeline_mode<synchronous>, transform_indices = @transform_6, window_bounds = array<i64: 8, 64>}, {pipeline_mode = #tpu.pipeline_mode<synchronous>, transform_indices = @transform_7, window_bounds = array<i64: 8, 64>}]} {
    %get3A = arith.constant 0 : index
    %get3A_0 = arith.constant 0 : index
    %get3A_1 = arith.constant 0 : index
    %get3A_2 = vector.load %arg3[%get3A, %get3A_0, %get3A_1] : memref<1x8x4096xf32, #tpu.memory_space<vmem>>, vector<1x8x4096xf32>
    %get3A_3 = vector.shape_cast %get3A_2 : vector<1x8x4096xf32> to vector<8x4096xf32>
    %transpose3A = tpu.transpose %get3A_3, [1, 0] : vector<8x4096xf32> -> vector<4096x8xf32>
    %slice3A = vector.extract_strided_slice %transpose3A {offsets = [0, 3], sizes = [4096, 1], strides = [1, 1]} : vector<4096x8xf32> to vector<4096x1xf32>
    %slice3A_4 = vector.extract_strided_slice %transpose3A {offsets = [0, 4], sizes = [4096, 1], strides = [1, 1]} : vector<4096x8xf32> to vector<4096x1xf32>
    %slice3A_5 = vector.extract_strided_slice %transpose3A {offsets = [0, 5], sizes = [4096, 1], strides = [1, 1]} : vector<4096x8xf32> to vector<4096x1xf32>
    %get3A_6 = arith.constant 0 : index
    %get3A_7 = arith.constant 0 : index
    %get3A_8 = arith.constant 0 : index
    %get3A_9 = arith.constant 0 : index
    %get3A_10 = vector.load %arg2[%get3A_6, %get3A_7, %get3A_8, %get3A_9] : memref<3x1x4096x64xf32, #tpu.memory_space<vmem>>, vector<1x1x4096x64xf32>
    %get3A_11 = vector.shape_cast %get3A_10 : vector<1x1x4096x64xf32> to vector<4096x64xf32>
    %mul3A = vector.broadcast %slice3A : vector<4096x1xf32> to vector<4096x64xf32>
    %mul3A_12 = arith.mulf %mul3A, %get3A_11 : vector<4096x64xf32>
    %get3A_13 = arith.constant 1 : index
    %get3A_14 = arith.constant 0 : index
    %get3A_15 = arith.constant 0 : index
    %get3A_16 = arith.constant 0 : index
    %get3A_17 = vector.load %arg2[%get3A_13, %get3A_14, %get3A_15, %get3A_16] : memref<3x1x4096x64xf32, #tpu.memory_space<vmem>>, vector<1x1x4096x64xf32>
    %get3A_18 = vector.shape_cast %get3A_17 : vector<1x1x4096x64xf32> to vector<4096x64xf32>
    %mul3A_19 = vector.broadcast %slice3A_4 : vector<4096x1xf32> to vector<4096x64xf32>
    %mul3A_20 = arith.mulf %mul3A_19, %get3A_18 : vector<4096x64xf32>
    %add3A = arith.addf %mul3A_12, %mul3A_20 : vector<4096x64xf32>
    %get3A_21 = arith.constant 2 : index
    %get3A_22 = arith.constant 0 : index
    %get3A_23 = arith.constant 0 : index
    %get3A_24 = arith.constant 0 : index
    %get3A_25 = vector.load %arg2[%get3A_21, %get3A_22, %get3A_23, %get3A_24] : memref<3x1x4096x64xf32, #tpu.memory_space<vmem>>, vector<1x1x4096x64xf32>
    %get3A_26 = vector.shape_cast %get3A_25 : vector<1x1x4096x64xf32> to vector<4096x64xf32>
    %mul3A_27 = vector.broadcast %slice3A_5 : vector<4096x1xf32> to vector<4096x64xf32>
    %mul3A_28 = arith.mulf %mul3A_27, %get3A_26 : vector<4096x64xf32>
    %add3A_29 = arith.addf %add3A, %mul3A_28 : vector<4096x64xf32>
    %get3A_30 = arith.constant 0 : index
    %get3A_31 = arith.constant 0 : index
    %get3A_32 = arith.constant 0 : index
    %get3A_33 = vector.load %arg4[%get3A_30, %get3A_31, %get3A_32] : memref<1x4096x64xf32, #tpu.memory_space<vmem>>, vector<1x4096x64xf32>
    %get3A_34 = vector.shape_cast %get3A_33 : vector<1x4096x64xf32> to vector<4096x64xf32>
    %add3A_35 = arith.addf %add3A_29, %get3A_34 : vector<4096x64xf32>
    %max3A = arith.constant 0.000000e+00 : f32
    %max3A_36 = vector.broadcast %max3A : f32 to vector<4096x64xf32>
    %max3A_37 = arith.maximumf %add3A_35, %max3A_36 : vector<4096x64xf32>
    %get3A_38 = arith.constant 0 : index
    %get3A_39 = arith.constant 0 : index
    %get3A_40 = vector.load %arg5[%get3A_38, %get3A_39] : memref<64x64xf32, #tpu.memory_space<vmem>>, vector<64x64xf32>
    %convert_element_type3A = arith.truncf %max3A_37 : vector<4096x64xf32> to vector<4096x64xbf16>
    %convert_element_type3A_41 = arith.truncf %get3A_40 : vector<64x64xf32> to vector<64x64xbf16>
    %dot_general3A = arith.constant dense<0.000000e+00> : vector<4096x64xf32>
    %dot_general3A_42 = tpu.matmul %convert_element_type3A, %convert_element_type3A_41, %dot_general3A {dimension_numbers = #tpu.dot_dimension_numbers<[1], [0], [0], [1], [0, 0, 1, 1], [], []>, transpose_lhs_hint = false} : vector<4096x64xbf16>, vector<64x64xbf16>, vector<4096x64xf32> -> vector<4096x64xf32>
    %get3A_43 = arith.constant 0 : index
    %get3A_44 = arith.constant 0 : index
    %get3A_45 = vector.load %arg6[%get3A_43, %get3A_44] : memref<1x64xf32, #tpu.memory_space<vmem>>, vector<1x64xf32>
    %add3A_46 = vector.broadcast %get3A_45 : vector<1x64xf32> to vector<4096x64xf32>
    %add3A_47 = arith.addf %dot_general3A_42, %add3A_46 : vector<4096x64xf32>
    %swap3A = arith.constant 0 : index
    %swap3A_48 = arith.constant 0 : index
    %swap3A_49 = arith.constant 0 : index
    %swap3A_50 = vector.load %arg7[%swap3A, %swap3A_48, %swap3A_49] : memref<1x4096x64xf32, #tpu.memory_space<vmem>>, vector<1x4096x64xf32>
    %swap3A_51 = vector.shape_cast %swap3A_50 : vector<1x4096x64xf32> to vector<4096x64xf32>
    %swap3A_52 = vector.shape_cast %add3A_47 : vector<4096x64xf32> to vector<1x4096x64xf32>
    tpu.vector_store %arg7[%swap3A, %swap3A_48, %swap3A_49], %swap3A_52 {strides = array<i32>} : memref<1x4096x64xf32, #tpu.memory_space<vmem>>, vector<1x4096x64xf32>,
    %reduce_sum3A = arith.constant dense<0.000000e+00> : vector<64xf32>
    %reduce_sum3A_53 = vector.multi_reduction <add>, %add3A_47, %reduce_sum3A [0] : vector<4096x64xf32> to vector<64xf32>
    %broadcast_in_dim3A = vector.shape_cast %reduce_sum3A_53 : vector<64xf32> to vector<1x64xf32>
    %mul3A_54 = arith.mulf %add3A_47, %add3A_47 : vector<4096x64xf32>
    %reduce_sum3A_55 = arith.constant dense<0.000000e+00> : vector<64xf32>
    %reduce_sum3A_56 = vector.multi_reduction <add>, %mul3A_54, %reduce_sum3A_55 [0] : vector<4096x64xf32> to vector<64xf32>
    %broadcast_in_dim3A_57 = vector.shape_cast %reduce_sum3A_56 : vector<64xf32> to vector<1x64xf32>
    %eq3A = arith.constant 0 : i32
    %eq3A_58 = arith.cmpi eq, %arg0, %eq3A : i32
    %eq3A_59 = arith.constant 0 : i32
    %eq3A_60 = arith.cmpi eq, %arg1, %eq3A_59 : i32
    %and3A = arith.andi %eq3A_58, %eq3A_60 : i1
    %convert_element_type3A_61 = arith.extui %and3A : i1 to i32
    %cond3A = arith.constant 0 : i32
    %cond3A_62 = arith.cmpi ne, %convert_element_type3A_61, %cond3A : i32
    scf.if %cond3A_62 {
      %broadcast_in_dim3A_81 = arith.constant 0.000000e+00 : f32
      %broadcast_in_dim3A_82 = vector.broadcast %broadcast_in_dim3A_81 : f32 to vector<8x64xf32>
      %swap3A_83 = arith.constant 0 : index
      %swap3A_84 = arith.constant 0 : index
      %swap3A_85 = vector.load %arg8[%swap3A_83, %swap3A_84] : memref<8x64xf32, #tpu.memory_space<vmem>>, vector<8x64xf32>
      tpu.vector_store %arg8[%swap3A_83, %swap3A_84], %broadcast_in_dim3A_82 {strides = array<i32>} : memref<8x64xf32, #tpu.memory_space<vmem>>, vector<8x64xf32>,
      %broadcast_in_dim3A_86 = arith.constant 0.000000e+00 : f32
      %broadcast_in_dim3A_87 = vector.broadcast %broadcast_in_dim3A_86 : f32 to vector<8x64xf32>
      %swap3A_88 = arith.constant 0 : index
      %swap3A_89 = arith.constant 0 : index
      %swap3A_90 = vector.load %arg9[%swap3A_88, %swap3A_89] : memref<8x64xf32, #tpu.memory_space<vmem>>, vector<8x64xf32>
      tpu.vector_store %arg9[%swap3A_88, %swap3A_89], %broadcast_in_dim3A_87 {strides = array<i32>} : memref<8x64xf32, #tpu.memory_space<vmem>>, vector<8x64xf32>,
    } else {
    }
    %get3A_63 = arith.constant 0 : index
    %get3A_64 = arith.constant 0 : index
    %get3A_65 = vector.load %arg8[%get3A_63, %get3A_64] : memref<8x64xf32, #tpu.memory_space<vmem>>, vector<8x64xf32>
    %broadcast_in_dim3A_66 = vector.shape_cast %broadcast_in_dim3A : vector<1x64xf32> to vector<1x64xf32>
    %broadcast_in_dim3A_67 = vector.broadcast %broadcast_in_dim3A_66 : vector<1x64xf32> to vector<8x64xf32>
    %add3A_68 = arith.addf %get3A_65, %broadcast_in_dim3A_67 : vector<8x64xf32>
    %swap3A_69 = arith.constant 0 : index
    %swap3A_70 = arith.constant 0 : index
    %swap3A_71 = vector.load %arg8[%swap3A_69, %swap3A_70] : memref<8x64xf32, #tpu.memory_space<vmem>>, vector<8x64xf32>
    tpu.vector_store %arg8[%swap3A_69, %swap3A_70], %add3A_68 {strides = array<i32>} : memref<8x64xf32, #tpu.memory_space<vmem>>, vector<8x64xf32>,
    %get3A_72 = arith.constant 0 : index
    %get3A_73 = arith.constant 0 : index
    %get3A_74 = vector.load %arg9[%get3A_72, %get3A_73] : memref<8x64xf32, #tpu.memory_space<vmem>>, vector<8x64xf32>
    %broadcast_in_dim3A_75 = vector.shape_cast %broadcast_in_dim3A_57 : vector<1x64xf32> to vector<1x64xf32>
    %broadcast_in_dim3A_76 = vector.broadcast %broadcast_in_dim3A_75 : vector<1x64xf32> to vector<8x64xf32>
    %add3A_77 = arith.addf %get3A_74, %broadcast_in_dim3A_76 : vector<8x64xf32>
    %swap3A_78 = arith.constant 0 : index
    %swap3A_79 = arith.constant 0 : index
    %swap3A_80 = vector.load %arg9[%swap3A_78, %swap3A_79] : memref<8x64xf32, #tpu.memory_space<vmem>>, vector<8x64xf32>
    tpu.vector_store %arg9[%swap3A_78, %swap3A_79], %add3A_77 {strides = array<i32>} : memref<8x64xf32, #tpu.memory_space<vmem>>, vector<8x64xf32>,
    return
  }
  func.func @transform_0(%arg0: i32, %arg1: i32) -> (i32, i32, i32, i32) {
    %mul3A = arith.constant 1 : i32
    %mul3A_0 = arith.muli %arg0, %mul3A : i32
    %add3A = arith.addi %mul3A_0, %arg1 : i32
    %c0_i32 = arith.constant 0 : i32
    %c0_i32_1 = arith.constant 0 : i32
    %c0_i32_2 = arith.constant 0 : i32
    %c0_i32_3 = arith.constant 0 : i32
    return %c0_i32, %add3A, %c0_i32_1, %c0_i32_2 : i32, i32, i32, i32
  }
  func.func @transform_1(%arg0: i32, %arg1: i32) -> (i32, i32, i32) {
    %mul3A = arith.constant 1 : i32
    %mul3A_0 = arith.muli %arg0, %mul3A : i32
    %add3A = arith.addi %mul3A_0, %arg1 : i32
    %c0_i32 = arith.constant 0 : i32
    %c0_i32_1 = arith.constant 0 : i32
    %c0_i32_2 = arith.constant 0 : i32
    return %add3A, %c0_i32, %c0_i32_1 : i32, i32, i32
  }
  func.func @transform_2(%arg0: i32, %arg1: i32) -> (i32, i32, i32) {
    %c0_i32 = arith.constant 0 : i32
    %c0_i32_0 = arith.constant 0 : i32
    return %arg0, %arg1, %c0_i32 : i32, i32, i32
  }
  func.func @transform_3(%arg0: i32, %arg1: i32) -> (i32, i32) {
    %c0_i32 = arith.constant 0 : i32
    %c0_i32_0 = arith.constant 0 : i32
    %c0_i32_1 = arith.constant 0 : i32
    return %c0_i32, %c0_i32_0 : i32, i32
  }
  func.func @transform_4(%arg0: i32, %arg1: i32) -> (i32, i32) {
    %c0_i32 = arith.constant 0 : i32
    %c0_i32_0 = arith.constant 0 : i32
    %c0_i32_1 = arith.constant 0 : i32
    return %c0_i32, %c0_i32_0 : i32, i32
  }
  func.func @transform_5(%arg0: i32, %arg1: i32) -> (i32, i32, i32) {
    %c0_i32 = arith.constant 0 : i32
    %c0_i32_0 = arith.constant 0 : i32
    return %arg0, %arg1, %c0_i32 : i32, i32, i32
  }
  func.func @transform_6(%arg0: i32, %arg1: i32) -> (i32, i32) {
    %c0_i32 = arith.constant 0 : i32
    %c0_i32_0 = arith.constant 0 : i32
    %c0_i32_1 = arith.constant 0 : i32
    return %c0_i32, %c0_i32_0 : i32, i32
  }
  func.func @transform_7(%arg0: i32, %arg1: i32) -> (i32, i32) {
    %c0_i32 = arith.constant 0 : i32
    %c0_i32_0 = arith.constant 0 : i32
    %c0_i32_1 = arith.constant 0 : i32
    return %c0_i32, %c0_i32_0 : i32, i32
  }
}

module attributes {stable_mosaic.version = 14 : i64} {
  func.func @_final_kernel(%arg0: i32, %arg1: i32, %arg2: memref<1x4096x64xf32, #tpu.memory_space<vmem>>, %arg3: memref<8x64xf32, #tpu.memory_space<vmem>>, %arg4: memref<8x64xf32, #tpu.memory_space<vmem>>, %arg5: memref<1x64xf32, #tpu.memory_space<vmem>>, %arg6: memref<1x64xf32, #tpu.memory_space<vmem>>, %arg7: memref<1x64x4096xf32, #tpu.memory_space<vmem>>) attributes {dimension_semantics = [#tpu.dimension_semantics<arbitrary>, #tpu.dimension_semantics<arbitrary>], iteration_bounds = array<i64: 4, 1>, scalar_prefetch = 0 : i64, scratch_operands = 0 : i64, tpu.core_type = #tpu.core_type<tc>, window_params = [{transform_indices = @transform_0, window_bounds = array<i64: 1, 4096, 64>}, {pipeline_mode = #tpu.pipeline_mode<synchronous>, transform_indices = @transform_1, window_bounds = array<i64: 8, 64>}, {pipeline_mode = #tpu.pipeline_mode<synchronous>, transform_indices = @transform_2, window_bounds = array<i64: 8, 64>}, {pipeline_mode = #tpu.pipeline_mode<synchronous>, transform_indices = @transform_3, window_bounds = array<i64: 1, 64>}, {pipeline_mode = #tpu.pipeline_mode<synchronous>, transform_indices = @transform_4, window_bounds = array<i64: 1, 64>}, {transform_indices = @transform_5, window_bounds = array<i64: 1, 64, 4096>}]} {
    %get3A = arith.constant 0 : index
    %get3A_0 = arith.constant 0 : index
    %get3A_1 = vector.load %arg3[%get3A, %get3A_0] : memref<8x64xf32, #tpu.memory_space<vmem>>, vector<1x64xf32>
    %div3A = arith.constant 1.638400e+04 : f32
    %div3A_2 = vector.broadcast %div3A : f32 to vector<1x64xf32>
    %div3A_3 = arith.divf %get3A_1, %div3A_2 : vector<1x64xf32>
    %get3A_4 = arith.constant 0 : index
    %get3A_5 = arith.constant 0 : index
    %get3A_6 = vector.load %arg4[%get3A_4, %get3A_5] : memref<8x64xf32, #tpu.memory_space<vmem>>, vector<1x64xf32>
    %div3A_7 = arith.constant 1.638400e+04 : f32
    %div3A_8 = vector.broadcast %div3A_7 : f32 to vector<1x64xf32>
    %div3A_9 = arith.divf %get3A_6, %div3A_8 : vector<1x64xf32>
    %mul3A = arith.mulf %div3A_3, %div3A_3 : vector<1x64xf32>
    %sub3A = arith.subf %div3A_9, %mul3A : vector<1x64xf32>
    %get3A_10 = arith.constant 0 : index
    %get3A_11 = arith.constant 0 : index
    %get3A_12 = vector.load %arg5[%get3A_10, %get3A_11] : memref<1x64xf32, #tpu.memory_space<vmem>>, vector<1x64xf32>
    %add3A = arith.constant 9.99999974E-6 : f32
    %add3A_13 = vector.broadcast %add3A : f32 to vector<1x64xf32>
    %add3A_14 = arith.addf %sub3A, %add3A_13 : vector<1x64xf32>
    %rsqrt3A = math.rsqrt %add3A_14 : vector<1x64xf32>
    %mul3A_15 = arith.mulf %get3A_12, %rsqrt3A : vector<1x64xf32>
    %get3A_16 = arith.constant 0 : index
    %get3A_17 = arith.constant 0 : index
    %get3A_18 = vector.load %arg6[%get3A_16, %get3A_17] : memref<1x64xf32, #tpu.memory_space<vmem>>, vector<1x64xf32>
    %mul3A_19 = arith.mulf %div3A_3, %mul3A_15 : vector<1x64xf32>
    %sub3A_20 = arith.subf %get3A_18, %mul3A_19 : vector<1x64xf32>
    %get3A_21 = arith.constant 0 : index
    %get3A_22 = arith.constant 0 : index
    %get3A_23 = arith.constant 0 : index
    %get3A_24 = vector.load %arg2[%get3A_21, %get3A_22, %get3A_23] : memref<1x4096x64xf32, #tpu.memory_space<vmem>>, vector<1x4096x64xf32>
    %get3A_25 = vector.shape_cast %get3A_24 : vector<1x4096x64xf32> to vector<4096x64xf32>
    %mul3A_26 = vector.broadcast %mul3A_15 : vector<1x64xf32> to vector<4096x64xf32>
    %mul3A_27 = arith.mulf %get3A_25, %mul3A_26 : vector<4096x64xf32>
    %add3A_28 = vector.broadcast %sub3A_20 : vector<1x64xf32> to vector<4096x64xf32>
    %add3A_29 = arith.addf %mul3A_27, %add3A_28 : vector<4096x64xf32>
    %max3A = arith.constant 0.000000e+00 : f32
    %max3A_30 = vector.broadcast %max3A : f32 to vector<4096x64xf32>
    %max3A_31 = arith.maximumf %add3A_29, %max3A_30 : vector<4096x64xf32>
    %transpose3A = tpu.transpose %max3A_31, [1, 0] : vector<4096x64xf32> -> vector<64x4096xf32>
    %swap3A = arith.constant 0 : index
    %swap3A_32 = arith.constant 0 : index
    %swap3A_33 = arith.constant 0 : index
    %swap3A_34 = vector.load %arg7[%swap3A, %swap3A_32, %swap3A_33] : memref<1x64x4096xf32, #tpu.memory_space<vmem>>, vector<1x64x4096xf32>
    %swap3A_35 = vector.shape_cast %swap3A_34 : vector<1x64x4096xf32> to vector<64x4096xf32>
    %swap3A_36 = vector.shape_cast %transpose3A : vector<64x4096xf32> to vector<1x64x4096xf32>
    tpu.vector_store %arg7[%swap3A, %swap3A_32, %swap3A_33], %swap3A_36 {strides = array<i32>} : memref<1x64x4096xf32, #tpu.memory_space<vmem>>, vector<1x64x4096xf32>,
    return
  }
  func.func @transform_0(%arg0: i32, %arg1: i32) -> (i32, i32, i32) {
    %c0_i32 = arith.constant 0 : i32
    %c0_i32_0 = arith.constant 0 : i32
    return %arg0, %arg1, %c0_i32 : i32, i32, i32
  }
  func.func @transform_1(%arg0: i32, %arg1: i32) -> (i32, i32) {
    %c0_i32 = arith.constant 0 : i32
    %c0_i32_0 = arith.constant 0 : i32
    %c0_i32_1 = arith.constant 0 : i32
    return %c0_i32, %c0_i32_0 : i32, i32
  }
  func.func @transform_2(%arg0: i32, %arg1: i32) -> (i32, i32) {
    %c0_i32 = arith.constant 0 : i32
    %c0_i32_0 = arith.constant 0 : i32
    %c0_i32_1 = arith.constant 0 : i32
    return %c0_i32, %c0_i32_0 : i32, i32
  }
  func.func @transform_3(%arg0: i32, %arg1: i32) -> (i32, i32) {
    %c0_i32 = arith.constant 0 : i32
    %c0_i32_0 = arith.constant 0 : i32
    %c0_i32_1 = arith.constant 0 : i32
    return %c0_i32, %c0_i32_0 : i32, i32
  }
  func.func @transform_4(%arg0: i32, %arg1: i32) -> (i32, i32) {
    %c0_i32 = arith.constant 0 : i32
    %c0_i32_0 = arith.constant 0 : i32
    %c0_i32_1 = arith.constant 0 : i32
    return %c0_i32, %c0_i32_0 : i32, i32
  }
  func.func @transform_5(%arg0: i32, %arg1: i32) -> (i32, i32, i32) {
    %c0_i32 = arith.constant 0 : i32
    %c0_i32_0 = arith.constant 0 : i32
    return %arg0, %c0_i32, %arg1 : i32, i32, i32
  }
}

</mosaic_0001>

<sc_bundles>
// kernel: kernel.7.cloned.1.call-start
scs
__scs_entry_jumppad:
0x0: {  	(pc) =	sbr.rel $0x88, $3  }
0x1: {  	(tag) =	ssettag $0x0;
	lr =	simm.s32 $0x1  }
0x2: {  	[smem:$0x3F91] =	sst lr;
	_ =	strace $0xD0000000  }
0x3: {  	_ = 	snop  }
0x4: {  	_ = 	snop  }
0x5: {  	_ = 	snop  }
0x6: {  	_ = 	snop  }
0x7: {  	_ = 	snop  }
__scs_overlays_trampoline_lowered:
0x8: {  	[smem:$0x3FA0] =	sst s0  }
0x9: {  	[smem:$0x3FA1] =	sst s1  }
0xa: {  	[smem:$0x3FA2] =	sst s2  }
0xb: {  	[smem:$0x3FA3] =	sst s3  }
0xc: {  	[smem:$0x3FA4] =	sst s4  }
0xd: {  	[smem:$0x3FA5] =	sst s5  }
0xe: {  	[smem:$0x3FA6] =	sst s6  }
0xf: {  	[smem:$0x3FA7] =	sst s7  }
0x10: {  	[smem:$0x3FA8] =	sst s8  }
0x11: {  	[smem:$0x3FA9] =	sst s9;
	s0 =	simm.s32 @!p0 $0x0  }
0x12: {  	s1 =	sld [smem:$0x3F8F];
	s0 =	simm.s32 @p0 $0x1  }
0x13: {  	[smem:$0x3FAA] =	sst s0;
	s0 =	simm.s32 @!p1 $0x0  }
0x14: {  	s2 =	sld [smem:$0x3F8E];
	s0 =	simm.s32 @p1 $0x1  }
0x15: {  	[smem:$0x3FAB] =	sst s0;
	s0 =	simm.s32 @!p2 $0x0  }
0x16: {  	s3 =	sld [smem:$0x3FDB];
	s0 =	simm.s32 @p2 $0x1  }
0x17: {  	s4 =	simm.s32 $0x1BF5;
	[smem:$0x3FAD] =	sst s0  }
0x18: {  	s0 =	sld [smem:$0x3F90];
	_ =	swait.ge [sflag:s4], $0x0  }
0x19: {  	s7 =	sld [smem:$0x3F91]  }
0x1a: {  	s8 =	sadd.s32 $0xFFFFE003, lr  }
0x1b: {  	s9 =	sadd.s32 $0xFFFFFEF7, lr;
	s5 =	simm.s32 $0xFFFFFFFF;
	p2 =	slt.u32 s8, $0xFFFFF086  }
0x1c: {  	p1 =	slt.u32 s9, $0xF7A;
	s5 =	simm.s32 @!p2 $0x0  }
0x1d: {  	s5 =	simm.s32 @p1 $0x1;
	p0 =	seq.s32 s7, s2  }
0x1e: {  	s7 =	smul.u32 @!p0 $0xF7A, s2;
	p2 =	seq.s32 @!p0 s5, $0x0  }
0x1f: {  	s9 =	smul.u32 $0xF7A, s1;
	s8 =	simm.s32 @!p0 $0x1BF5;
	p2 =	por !p2, p0  }
0x20: {  	[sflag:s8] =	ssyncset.s32 @!p0 $0xFFFFF086;
	s6 =	sadd.s32 @!p0 s3, s7;
	s7 =	simm.s32 @!p0 $0x108  }
0x21: {  	s3 =	sadd.s32 s3, s9;
	s6 =	sadd.s32 @!p0 $0x88, s6;
	s7 =	simm.s32 @p2 $0x1082  }
0x22: {  	[simem:s7], [sflag:s8] =	dma.local @!p0 [hbm:s6], $0xF7A  }
0x23: {  	s9 =	sor.u32 $0xD0000000, s2;
	s6 =	simm.s32 $0x108;
	_ =	swait.ge @!p0 [sflag:s8], $0x0  }
0x24: {  	s3 =	sadd.s32 $0x88, s3;
	s6 =	simm.s32 @!p1 $0x1082;
	[sflag:s4] =	ssyncset.s32 $0xFFFFF086  }
0x25: {  	[simem:s6], [sflag:s4] =	dma.local [hbm:s3], $0xF7A  }
0x26: {  	[smem:$0x3F91] =	sst s1;
	(tag) =	ssettag s2;
	_ =	strace s9  }
0x27: {  	s1 =	sld [smem:$0x3FA1]  }
0x28: {  	s2 =	sld [smem:$0x3FA2]  }
0x29: {  	s4 =	sld [smem:$0x3FA4]  }
0x2a: {  	p0 =	seq.s32 s5, $0x0;
	s5 =	sld [smem:$0x3FA5]  }
0x2b: {  	s6 =	sld [smem:$0x3FA6]  }
0x2c: {  	s7 =	sld [smem:$0x3FA7]  }
0x2d: {  	s3 =	simm.s32 $0x108;
	s8 =	sld [smem:$0x3FA8]  }
0x2e: {  	s3 =	simm.s32 @!p0 $0x1082;
	s9 =	sld [smem:$0x3FA9]  }
0x2f: {  	lr =	sadd.s32 s0, s3;
	s0 =	sld [smem:$0x3FA0]  }
0x30: {  	s3 =	sld [smem:$0x3FA3]  }
0x31: {  	[smem:$0x3FAC] =	sst s10  }
0x32: {  	s10 =	sld [smem:$0x3FAA];
	_ =	sdelay $0x3  }
0x33: {  	p0 =	seq.s32 s10, $0x1;
	s10 =	sld [smem:$0x3FAC];
	_ =	sdelay $0x3  }
0x34: {  	[smem:$0x3FAC] =	sst s10  }
0x35: {  	s10 =	sld [smem:$0x3FAB];
	_ =	sdelay $0x3  }
0x36: {  	p1 =	seq.s32 s10, $0x1;
	s10 =	sld [smem:$0x3FAC];
	_ =	sdelay $0x3  }
0x37: {  	[smem:$0x3FAC] =	sst s10  }
0x38: {  	s10 =	sld [smem:$0x3FAD]  }
0x39: {  	_ = 	snop;
	(pc) =	sbr.ind lr, $3  }
0x3a: {  	_ = 	snop  }
0x3b: {  	_ = 	snop  }
0x3c: {  	p2 =	seq.s32 s10, $0x1;
	s10 =	sld [smem:$0x3FAC]  }
0x3d: {  	_ =	shalt  }
0x3e: {  	_ =	shalt  }
0x3f: {  	_ =	shalt  }
0x40: {  	_ =	shalt  }
0x41: {  	_ =	shalt  }
0x42: {  	_ =	shalt  }
0x43: {  	_ =	shalt  }
0x44: {  	_ =	shalt  }
0x45: {  	_ =	shalt  }
0x46: {  	_ =	shalt  }
0x47: {  	_ =	shalt  }
0x48: {  	_ =	shalt  }
0x49: {  	_ =	shalt  }
0x4a: {  	_ =	shalt  }
0x4b: {  	_ =	shalt  }
0x4c: {  	_ =	shalt  }
0x4d: {  	_ =	shalt  }
0x4e: {  	_ =	shalt  }
0x4f: {  	_ =	shalt  }
0x50: {  	_ =	shalt  }
0x51: {  	_ =	shalt  }
0x52: {  	_ =	shalt  }
0x53: {  	_ =	shalt  }
0x54: {  	_ =	shalt  }
0x55: {  	_ =	shalt  }
0x56: {  	_ =	shalt  }
0x57: {  	_ =	shalt  }
0x58: {  	_ =	shalt  }
0x59: {  	_ =	shalt  }
0x5a: {  	_ =	shalt  }
0x5b: {  	_ =	shalt  }
0x5c: {  	_ =	shalt  }
0x5d: {  	_ =	shalt  }
0x5e: {  	_ =	shalt  }
0x5f: {  	_ =	shalt  }
0x60: {  	_ =	shalt  }
0x61: {  	_ =	shalt  }
0x62: {  	_ =	shalt  }
0x63: {  	_ =	shalt  }
0x64: {  	_ =	shalt  }
0x65: {  	_ =	shalt  }
0x66: {  	_ =	shalt  }
0x67: {  	_ =	shalt  }
0x68: {  	_ =	shalt  }
0x69: {  	_ =	shalt  }
0x6a: {  	_ =	shalt  }
0x6b: {  	_ =	shalt  }
0x6c: {  	_ =	shalt  }
0x6d: {  	_ =	shalt  }
0x6e: {  	_ =	shalt  }
0x6f: {  	_ =	shalt  }
0x70: {  	_ =	shalt  }
0x71: {  	_ =	shalt  }
0x72: {  	_ =	shalt  }
0x73: {  	_ =	shalt  }
0x74: {  	_ =	shalt  }
0x75: {  	_ =	shalt  }
0x76: {  	_ =	shalt  }
0x77: {  	_ =	shalt  }
0x78: {  	_ =	shalt  }
0x79: {  	_ =	shalt  }
0x7a: {  	_ =	shalt  }
0x7b: {  	_ =	shalt  }
0x7c: {  	_ =	shalt  }
0x7d: {  	_ =	shalt  }
0x7e: {  	_ =	shalt  }
0x7f: {  	_ =	shalt  }
0x80: {  	_ =	shalt  }
0x81: {  	_ =	shalt  }
0x82: {  	_ =	shalt  }
0x83: {  	_ =	shalt  }
0x84: {  	_ =	shalt  }
0x85: {  	_ =	shalt  }
0x86: {  	_ =	shalt  }
0x87: {  	_ =	shalt  }
.Lfunc_end0:
.L_simem_size_0:
called_computation_lowered:
.L_overlay_start_0:
0x88: {  	s2 =	sld [smem:$0x3FD9]  }
0x89: {  	s3 =	sld [smem:$0x3FFE];
	_ =	sdelay $0x1  }
0x8a: {  	s1 =	srdreg.scid  }
0x8b: {  	s0 =	sand.u32 $0x1, s1  }
0x8c: {  	s17 =	sshll.u32 s0, $0xA;
	s2 =	sadd.s32 s3, s2  }
0x8d: {  	s2 =	sadd.s32 s2, s17  }
0x8e: {  	[smem:$0x3FB8] =	sst s2  }
0x8f: {  	_ = 	snop  }
0x90: {  	s2 =	sld [smem:$0x3FD0];
	(tm) =	ssettm $0x1  }
0x91: {  	s18 =	sld [smem:$0x3FFB];
	_ =	sdelay $0x3  }
0x92: {  	_ =	strace s18  }
0x93: {  	s3 =	sld [smem:$0x3FFC];
	_ =	sdelay $0x3  }
0x94: {  	_ =	strace s3  }
0x95: {  	s3 =	sld [smem:$0x3FFD];
	_ =	sdelay $0x3  }
0x96: {  	_ =	strace s3  }
0x97: {  	_ =	strace $0x8FFFFFFF  }
0x98: {  	s19 =	sld [smem:$0x3FDB];
	_ =	sdelay $0x1  }
0x99: {  	s4 =	simm.s32 $_scs_section_size  }
0x9a: {  	s5 =	simm.s32 $_size__tile_overlayer_lowered;
	s6 =	simm.s32 $_tile_overlayer_lowered  }
0x9b: {  	s22 =	simm.s32 $0x1BFF;
	s21 =	sshll.u32 s6, $0x1;
	s3 =	sadd.s32 s4, s19  }
0x9c: {  	s7 =	simm.s32 $0x0;
	s20 =	sshll.u32 s5, $0x1;
	s5 =	sadd.s32 s21, s3  }
0x9d: {  	[timem:s7], [sflag:s22] =	dma.local [hbm:s5], s20  }
0x9e: {  	_ =	swait.ge [sflag:s22], s20  }
0x9f: {  	s4 =	ssub.s32 $0x0, s20;
	[sflag:s22] =	ssyncset.done $0x0  }
0xa0: {  	[sflag:s22] =	ssyncadd.s32 s4;
	_ =	sdelay $0x1  }
0xa1: {  	s23 =	simm.s32 $0x1B8B  }
0xa2: {  	_ =	swait.ge [sflag:s23], $0x1  }
0xa3: {  	[sflag:s23] =	ssyncset.done $0x0  }
0xa4: {  	s25 =	simm.s32 $0x1B8E;
	s24 =	sld [smem:$0x3FFE];
	[sflag:s23] =	ssyncadd.s32 $0xFFFFFFFF  }
0xa5: {  	s26 =	simm.s32 $execute0_lowered;
	[smem:$0x3FD2] =	sst s25  }
0xa6: {  	s5 =	sshll.u32 s26, $0x1;
	_ =	strace $0x80000046;
	[dreg:$0x1] =	wrdreg $0xFFFFFFFF  }
0xa7: {  	s28 =	simm.s32 $_size_execute0_lowered;
	s3 =	sadd.s32 s3, s5;
	[dreg:$0x0] =	wrdreg $0x0  }
0xa8: {  	s5 =	sshll.u32 s28, $0x1;
	[dreg:$0x2] =	wrdreg s3  }
0xa9: {  	[dreg:$0x3] =	wrdreg s5  }
0xaa: {  	[dreg:$0x4] =	wrdreg $0xC0  }
0xab: {  	_ =	task [dreg:s7], $0x5FFFF  }
0xac: {  	[dreg:$0x1] =	wrdreg $0xFFFFFFFF  }
0xad: {  	[dreg:$0x0] =	wrdreg $0x60  }
0xae: {  	[dreg:$0x2] =	wrdreg s24  }
0xaf: {  	[dreg:$0x3] =	wrdreg s2  }
0xb0: {  	[dreg:$0x4] =	wrdreg $0x0  }
0xb1: {  	[dreg:$0x5] =	wrdreg $0x9  }
0xb2: {  	_ =	task.clear_ibuf [dreg:s7], $0x6FFFF;
	_ =	strace $0x90000046  }
0xb3: {  	s29 =	simm.s32 $0x9;
	_ =	strace $0x80000048  }
0xb4: {  	_ =	swait.ge [sflag:s29], $0x1  }
0xb5: {  	[sflag:s29] =	ssyncadd.s32 $0xFFFFFFFF  }
0xb6: {  	_ =	strace $0x90000048  }
0xb7: {  	_ =	sfence  }
0xb8: {  	s30 =	sld [smem:$0x0];
	_ =	sdelay $0x2  }
0xb9: {  	s31 =	sshll.u32 s1, $0xD;
	s1 =	sshrl.u32 s1, $0x2  }
0xba: {  	s3 =	sand.u32 $0x4000, s31;
	s1 =	sadd.s32 s1, s30  }
0xbb: {  	s0 =	sor.u32 s3, s0;
	s1 =	sshll.u32 s1, $0x11  }
0xbc: {  	s0 =	sor.u32 s1, s0  }
0xbd: {  	s0 =	sadd.s32 $0x8F2B, s0  }
0xbe: {  	[sflag:s0] =	ssyncadd.remote.s32 $0x1  }
0xbf: {  	_ =	sfence.sel $0xFFFF  }
0xc0: {  	[dreg:$0x0] =	wrdreg $0xFFFFFFFF;
	(pc) =	sbr.abs _section_cstart, $3  }
0xc1: {  	[dreg:$0x1] =	wrdreg $0xFFFFFFFF  }
0xc2: {  	_ =	task.clear_ibuf [dreg:s7], $0x2FFFF;
	_ =	strace $0x9FFFFFFF  }
0xc3: {  	(tm) =	ssettm $0x7FFFFFFF  }
tec
execute0_lowered:
.L_overlay_start_1:
0x0: {  	(tag) =	ssettag $0x1  }
0x1: {  	s5 =	rddreg [dreg:$0x0]  }
0x2: {  	s1 =	rddreg [dreg:$0x1]  }
0x3: {  	s0 =	srdreg.scid;
	[dreg:$0x4] =	wrdreg s1  }
0x4: {  	s4 =	stileid.u32;
	s2 =	simm.s32 $0x0;
	s1 =	rddreg [dreg:$0x2]  }
0x5: {  	s3 =	sand.u32 $0x1, s0;
	s29 =	sshll.u32 s4, $0x1;
	s0 =	rddreg [dreg:$0x3]  }
0x6: {  	s28 =	simm.s32 $0x4D80;
	[smem:$0x7FF] =	sst s2;
	s6 =	sor.u32 s3, s29  }
0x7: {  	s7 =	sadd.s32 $0x2A00, s5;
	s5 =	sadd.s32 $0x6A00, s5;
	s10 =	smul.u32 $0xC, s6  }
0x8: {  	p0 =	sne.s32 s4, $0x0;
	s4 =	simm.s32 $0x3;
	s11 =	smul.u32 $0x3000, s6  }
0x9: {  	_ =	strace $0x80000047;
	s3 =	ssub.s32 $0x2, s3;
	s6 =	smul.u32 $0x6000, s6  }
0xa: {  	s8 =	sor.u32 s10, s11;
	s13 =	sand.u32 $0x180, s10;
	s15 =	sand.u32 $0x18000, s11  }
0xb: {  	s6 =	sadd.s32 s5, s6;
	s9 =	sand.u32 $0x1F180, s8;
	s8 =	sor.u32 $0x1, s10  }
0xc: {  	s12 =	sshrl.u32 s9, $0x3;
	s14 =	sshll.u32 s8, $0xA;
	s9 =	sor.u32 $0x2, s10  }
0xd: {  	[dreg:$0x11] =	wrdreg s6;
	s30 =	sand.u32 $0x7400, s14;
	s31 =	sshll.u32 s9, $0xA  }
0xe: {  	s12 =	sadd.s32 s7, s12;
	s11 =	sor.u32 s30, s15;
	s14 =	sand.u32 $0x7800, s31  }
0xf: {  	[dreg:$0x5] =	wrdreg s12;
	s11 =	sor.u32 s13, s11;
	s14 =	sor.u32 s14, s15  }
0x10: {  	s16 =	sshrl.u32 s11, $0x3;
	s12 =	sor.u32 s13, s14;
	s11 =	sor.u32 $0x3, s10  }
0x11: {  	s14 =	sadd.s32 s7, s16;
	s12 =	sshrl.u32 s12, $0x3;
	s16 =	sshll.u32 s11, $0xA  }
0x12: {  	[dreg:$0x6] =	wrdreg s14;
	s12 =	sadd.s32 s7, s12;
	s17 =	sand.u32 $0x7C00, s16  }
0x13: {  	[dreg:$0x7] =	wrdreg s12;
	s14 =	sor.u32 s17, s15;
	s12 =	sadd.s32 $0x4, s10  }
0x14: {  	s6 =	simm.s32 $0x4380;
	s14 =	sor.u32 s13, s14;
	s18 =	sshll.u32 s12, $0xA  }
0x15: {  	s13 =	sadd.s32 $0x5, s10;
	s14 =	sshrl.u32 s14, $0x3;
	s15 =	sor.u32 s12, s18  }
0x16: {  	s19 =	sshll.u32 s13, $0xA;
	s18 =	sadd.s32 $0x8, s10;
	s14 =	sadd.s32 s7, s14  }
0x17: {  	s15 =	sand.u32 $0x1F380, s15;
	s16 =	sor.u32 s13, s19;
	s19 =	sshll.u32 s18, $0xA  }
0x18: {  	[dreg:$0x8] =	wrdreg s14;
	s20 =	sshrl.u32 s15, $0x3;
	s21 =	sand.u32 $0x1F780, s16  }
0x19: {  	s14 =	sadd.s32 $0x6, s10;
	s16 =	sadd.s32 $0x7, s10;
	s19 =	sor.u32 s18, s19  }
0x1a: {  	s22 =	sadd.s32 s7, s20;
	s15 =	sshrl.u32 s21, $0x3;
	s23 =	sshll.u32 s14, $0xA  }
0x1b: {  	s17 =	sshll.u32 s16, $0xA;
	s26 =	sand.u32 $0x1F380, s19;
	s19 =	sadd.s32 $0x9, s10  }
0x1c: {  	[dreg:$0x9] =	wrdreg s22;
	s15 =	sadd.s32 s7, s15;
	s24 =	sor.u32 s14, s23  }
0x1d: {  	s17 =	sor.u32 s16, s17;
	s30 =	sshll.u32 s19, $0xA;
	s23 =	sshll.u32 s8, $0xB  }
0x1e: {  	s8 =	sshll.u32 s13, $0xB;
	s13 =	sshll.u32 s16, $0xB;
	[dreg:$0xa] =	wrdreg s15  }
0x1f: {  	s15 =	sand.u32 $0x1FB80, s24;
	s17 =	sand.u32 $0x1FF80, s17;
	s31 =	sor.u32 s19, s30  }
0x20: {  	s24 =	sadd.s32 s5, s23;
	s23 =	simm.s32 $0x4000;
	s15 =	sshrl.u32 s15, $0x3  }
0x21: {  	s25 =	sshrl.u32 s17, $0x3;
	s17 =	sshrl.u32 s26, $0x3;
	[dreg:$0x12] =	wrdreg s24  }
0x22: {  	s24 =	sshrl.u32 s3, $0x1;
	[dreg:$0x1d] =	wrdreg s23;
	s23 =	simm.s32 $0x4B80  }
0x23: {  	s15 =	sadd.s32 s7, s15;
	s29 =	sadd.s32 s7, s17;
	s17 =	sadd.s32 $0xA, s10  }
0x24: {  	s10 =	sadd.s32 $0xB, s10;
	s3 =	ssub.s32 s3, s24;
	[dreg:$0xb] =	wrdreg s15  }
0x25: {  	s24 =	simm.s32 $0x4C00;
	s15 =	sadd.s32 s7, s25;
	[dreg:$0xd] =	wrdreg s29  }
0x26: {  	s20 =	sshll.u32 s17, $0xA;
	s21 =	sshll.u32 s10, $0xA;
	s25 =	sshll.u32 s9, $0xB  }
0x27: {  	s29 =	sshll.u32 s11, $0xB;
	s9 =	sadd.s32 s5, s8;
	s11 =	sshll.u32 s14, $0xB  }
0x28: {  	s14 =	sadd.s32 s5, s13;
	s3 =	smax.u32 s3, $0x1;
	s8 =	simm.s32 $0x4480  }
0x29: {  	s13 =	simm.s32 $0x5000;
	[dreg:$0xc] =	wrdreg s15;
	s15 =	sand.u32 $0x1F780, s31  }
0x2a: {  	s20 =	sor.u32 s17, s20;
	s21 =	sor.u32 s10, s21;
	s26 =	sadd.s32 s5, s25  }
0x2b: {  	s30 =	sadd.s32 s5, s29;
	s31 =	sshll.u32 s12, $0xB;
	[dreg:$0x16] =	wrdreg s9  }
0x2c: {  	s12 =	sadd.s32 s5, s11;
	[dreg:$0x18] =	wrdreg s14;
	s25 =	simm.s32 $0x4080  }
0x2d: {  	s29 =	simm.s32 $0x4180;
	s9 =	simm.s32 $0x4500;
	[dreg:$0x13] =	wrdreg s26  }
0x2e: {  	s11 =	simm.s32 $0x80;
	s14 =	simm.s32 $0x4880;
	[dreg:$0x14] =	wrdreg s30  }
0x2f: {  	s15 =	sshrl.u32 s15, $0x3;
	s20 =	sand.u32 $0x1FB80, s20;
	[dreg:$0x17] =	wrdreg s12  }
0x30: {  	s22 =	sand.u32 $0x1FF80, s21;
	[dreg:$0x1e] =	wrdreg s25;
	s26 =	simm.s32 $0x4100  }
0x31: {  	[smem:$0x7FB] =	sst s29;
	s30 =	simm.s32 $0x4200;
	s12 =	simm.s32 $0x4800  }
0x32: {  	s25 =	simm.s32 $0x4C80;
	s15 =	sadd.s32 s7, s15;
	[dreg:$0x1f] =	wrdreg s26  }
0x33: {  	s20 =	sshrl.u32 s20, $0x3;
	[smem:$0x7FC] =	sst s30;
	s26 =	simm.s32 $0x4D00  }
0x34: {  	[dreg:$0xe] =	wrdreg s15;
	s15 =	sadd.s32 s7, s20;
	s20 =	sshrl.u32 s22, $0x3  }
0x35: {  	s22 =	sshll.u32 s10, $0xB;
	s10 =	simm.s32 $0x4580;
	[dreg:$0xf] =	wrdreg s15  }
0x36: {  	s7 =	sadd.s32 s7, s20;
	s15 =	sshll.u32 s18, $0xB;
	s18 =	sshll.u32 s19, $0xB  }
0x37: {  	s20 =	sshll.u32 s17, $0xB;
	[dreg:$0x10] =	wrdreg s7;
	s7 =	sadd.s32 s5, s31  }
0x38: {  	s17 =	simm.s32 $0x4900;
	s16 =	sadd.s32 s5, s15;
	[dreg:$0x15] =	wrdreg s7  }
0x39: {  	s19 =	sadd.s32 s5, s18;
	s21 =	sadd.s32 s5, s20;
	[dreg:$0x19] =	wrdreg s16  }
0x3a: {  	s5 =	sadd.s32 s5, s22;
	s31 =	simm.s32 $0x4280;
	[dreg:$0x1a] =	wrdreg s19  }
0x3b: {  	s15 =	simm.s32 $0x9000;
	s18 =	simm.s32 $0x2;
	[dreg:$0x1b] =	wrdreg s21  }
0x3c: {  	s20 =	simm.s32 $0x4A00;
	s22 =	simm.s32 $0x4B00;
	[dreg:$0x1c] =	wrdreg s5  }
0x3d: {  	[smem:$0x7FD] =	sst s31;
	s5 =	simm.s32 $0x4300;
	s7 =	simm.s32 $0x4400  }
0x3e: {  	s16 =	simm.s32 $0x1;
	s19 =	simm.s32 $0x4980;
	s21 =	simm.s32 $0x4A80  }
.LBB2_1:
0x3f: {  	s29 =	rddreg [dreg:$0x4];
	s30 =	sshrl.u32 @!p0 s1, $0x3;
	s31 =	simm.s32 @!p0 $0x1C03  }
0x40: {  	[spmem:s30], [sflag:s31] =	dma.local @!p0 [hbm:s29], $0x10000  }
0x41: {  	s29 =	simm.s32 @!p0 $0x3  }
0x42: {  	_ =	swait.ge @!p0 [sflag:s29], $0x10000  }
0x43: {  	[sflag:s29] =	ssyncset.done @!p0 $0x0  }
0x44: {  	[sflag:s29] =	ssyncadd.s32 @!p0 $0xFFFF0000  }
0x45: {  	[bflag:$0x0] =	sbarrier.arrive $0xFFFF  }
0x46: {  	s29 =	rddreg [dreg:$0x5]  }
0x47: {  	s31 =	rddreg [dreg:$0x1d]  }
0x48: {  	[tilespmem:s31], [sflag:$0x3] =	stream.linear.gather [hbm4b:s29+s2], $0x80, $0x38;
	[tilespmem:$0xD000] =	vst v63  }
0x49: {  	_ =	swait.ge [sflag:s4], $0x80  }
0x4a: {  	s29 =	rddreg [dreg:$0x6];
	[sflag:s4] =	ssyncset.done $0x0  }
0x4b: {  	s31 =	rddreg [dreg:$0x1e];
	[sflag:s4] =	ssyncadd.s32 $0xFFFFFF80  }
0x4c: {  	[tilespmem:s31], [sflag:$0x3] =	stream.linear.gather [hbm4b:s29+s2], $0x80, $0x38;
	[tilespmem:$0xD000] =	vst v63  }
0x4d: {  	_ =	swait.ge [sflag:s4], $0x80  }
0x4e: {  	s29 =	rddreg [dreg:$0x7];
	[sflag:s4] =	ssyncset.done $0x0  }
0x4f: {  	s31 =	rddreg [dreg:$0x1f];
	[sflag:s4] =	ssyncadd.s32 $0xFFFFFF80  }
0x50: {  	[tilespmem:s31], [sflag:$0x3] =	stream.linear.gather [hbm4b:s29+s2], $0x80, $0x38;
	[tilespmem:$0xD000] =	vst v63  }
0x51: {  	_ =	swait.ge [sflag:s4], $0x80  }
0x52: {  	s31 =	sld [smem:$0x7FB]  }
0x53: {  	[sflag:s4] =	ssyncset.done $0x0  }
0x54: {  	s29 =	rddreg [dreg:$0x8];
	[sflag:s4] =	ssyncadd.s32 $0xFFFFFF80  }
0x55: {  	[tilespmem:s31], [sflag:$0x3] =	stream.linear.gather [hbm4b:s29+s2], $0x80, $0x38;
	[tilespmem:$0xD000] =	vst v63  }
0x56: {  	_ =	swait.ge [sflag:s4], $0x80  }
0x57: {  	s31 =	sld [smem:$0x7FC]  }
0x58: {  	[sflag:s4] =	ssyncset.done $0x0  }
0x59: {  	s29 =	rddreg [dreg:$0x9];
	[sflag:s4] =	ssyncadd.s32 $0xFFFFFF80  }
0x5a: {  	[tilespmem:s31], [sflag:$0x3] =	stream.linear.gather [hbm4b:s29+s2], $0x80, $0x38;
	[tilespmem:$0xD000] =	vst v63  }
0x5b: {  	_ =	swait.ge [sflag:s4], $0x80  }
0x5c: {  	s31 =	sld [smem:$0x7FD]  }
0x5d: {  	[sflag:s4] =	ssyncset.done $0x0  }
0x5e: {  	s29 =	rddreg [dreg:$0xa];
	[sflag:s4] =	ssyncadd.s32 $0xFFFFFF80  }
0x5f: {  	[tilespmem:s31], [sflag:$0x3] =	stream.linear.gather [hbm4b:s29+s2], $0x80, $0x38;
	[tilespmem:$0xD000] =	vst v63  }
0x60: {  	_ =	swait.ge [sflag:s4], $0x80  }
0x61: {  	[sflag:s4] =	ssyncset.done $0x0  }
0x62: {  	s30 =	rddreg [dreg:$0xb];
	[sflag:s4] =	ssyncadd.s32 $0xFFFFFF80  }
0x63: {  	[tilespmem:s5], [sflag:$0x3] =	stream.linear.gather [hbm4b:s30+s2], $0x80, $0x38;
	[tilespmem:$0xD000] =	vst v63  }
0x64: {  	_ =	swait.ge [sflag:s4], $0x80  }
0x65: {  	[sflag:s4] =	ssyncset.done $0x0  }
0x66: {  	s31 =	rddreg [dreg:$0xc];
	[sflag:s4] =	ssyncadd.s32 $0xFFFFFF80  }
0x67: {  	[tilespmem:s6], [sflag:$0x3] =	stream.linear.gather [hbm4b:s31+s2], $0x80, $0x38;
	[tilespmem:$0xD000] =	vst v63  }
0x68: {  	_ =	swait.ge [sflag:s4], $0x80  }
0x69: {  	[sflag:s4] =	ssyncset.done $0x0  }
0x6a: {  	s30 =	rddreg [dreg:$0xd];
	[sflag:s4] =	ssyncadd.s32 $0xFFFFFF80  }
0x6b: {  	[tilespmem:s7], [sflag:$0x3] =	stream.linear.gather [hbm4b:s30+s2], $0x80, $0x38;
	[tilespmem:$0xD000] =	vst v63  }
0x6c: {  	_ =	swait.ge [sflag:s4], $0x80  }
0x6d: {  	[sflag:s4] =	ssyncset.done $0x0  }
0x6e: {  	s31 =	rddreg [dreg:$0xe];
	[sflag:s4] =	ssyncadd.s32 $0xFFFFFF80  }
0x6f: {  	[tilespmem:s8], [sflag:$0x3] =	stream.linear.gather [hbm4b:s31+s2], $0x80, $0x38;
	[tilespmem:$0xD000] =	vst v63  }
0x70: {  	_ =	swait.ge [sflag:s4], $0x80  }
0x71: {  	[sflag:s4] =	ssyncset.done $0x0  }
0x72: {  	s30 =	rddreg [dreg:$0xf];
	[sflag:s4] =	ssyncadd.s32 $0xFFFFFF80  }
0x73: {  	[tilespmem:s9], [sflag:$0x3] =	stream.linear.gather [hbm4b:s30+s2], $0x80, $0x38;
	[tilespmem:$0xD000] =	vst v63  }
0x74: {  	_ =	swait.ge [sflag:s4], $0x80  }
0x75: {  	[sflag:s4] =	ssyncset.done $0x0  }
0x76: {  	s31 =	rddreg [dreg:$0x10];
	[sflag:s4] =	ssyncadd.s32 $0xFFFFFF80  }
0x77: {  	[tilespmem:s10], [sflag:$0x3] =	stream.linear.gather [hbm4b:s31+s2], $0x80, $0x38;
	[tilespmem:$0xD000] =	vst v63  }
0x78: {  	_ =	swait.ge [sflag:s4], $0x80  }
0x79: {  	[sflag:s4] =	ssyncset.done $0x0  }
0x7a: {  	[sflag:s4] =	ssyncadd.s32 $0xFFFFFF80  }
0x7b: {  	v0 =	vld [tilespmem:$0x4000]  }
0x7c: {  	v1 =	vld [tilespmem:$0x4010]  }
0x7d: {  	v2 =	vld [tilespmem:$0x4020]  }
0x7e: {  	v3 =	vld [tilespmem:$0x4030]  }
0x7f: {  	v4 =	vld [tilespmem:$0x4040]  }
0x80: {  	v5 =	vld [tilespmem:$0x4050];
	v0 =	vtrunc.f32 v0  }
0x81: {  	v6 =	vld [tilespmem:$0x4060];
	v1 =	vtrunc.f32 v1;
	v0 =	vcvt.f32.s32 v0  }
0x82: {  	v7 =	vld [tilespmem:$0x4070];
	v2 =	vtrunc.f32 v2;
	v1 =	vcvt.f32.s32 v1  }
0x83: {  	v12 =	vld [tilespmem:$0x4080];
	v11 =	vtrunc.f32 v3;
	v10 =	vcvt.f32.s32 v2;
	[tilespmem:$0x4800] =	vst v0  }
0x84: {  	v15 =	vld [tilespmem:$0x4090];
	v14 =	vtrunc.f32 v4;
	v13 =	vcvt.f32.s32 v11;
	[tilespmem:$0x4810] =	vst v1  }
0x85: {  	v18 =	vld [tilespmem:$0x40A0];
	v17 =	vtrunc.f32 v5;
	v16 =	vcvt.f32.s32 v14;
	[tilespmem:$0x4820] =	vst v10  }
0x86: {  	v21 =	vld [tilespmem:$0x40B0];
	v20 =	vtrunc.f32 v6;
	v19 =	vcvt.f32.s32 v17;
	[tilespmem:$0x4830] =	vst v13  }
0x87: {  	v24 =	vld [tilespmem:$0x40C0];
	v23 =	vtrunc.f32 v7;
	v22 =	vcvt.f32.s32 v20;
	[tilespmem:$0x4840] =	vst v16  }
0x88: {  	v27 =	vld [tilespmem:$0x40D0];
	v26 =	vtrunc.f32 v12;
	v25 =	vcvt.f32.s32 v23;
	[tilespmem:$0x4850] =	vst v19  }
0x89: {  	v30 =	vld [tilespmem:$0x40E0];
	v29 =	vtrunc.f32 v15;
	v28 =	vcvt.f32.s32 v26;
	[tilespmem:$0x4860] =	vst v22  }
0x8a: {  	v33 =	vld [tilespmem:$0x40F0];
	v32 =	vtrunc.f32 v18;
	v31 =	vcvt.f32.s32 v29;
	[tilespmem:$0x4870] =	vst v25  }
0x8b: {  	v36 =	vld [tilespmem:$0x4100];
	v35 =	vtrunc.f32 v21;
	v34 =	vcvt.f32.s32 v32;
	[tilespmem:$0x4880] =	vst v28  }
0x8c: {  	v39 =	vld [tilespmem:$0x4110];
	v38 =	vtrunc.f32 v24;
	v37 =	vcvt.f32.s32 v35;
	[tilespmem:$0x4890] =	vst v31  }
0x8d: {  	v42 =	vld [tilespmem:$0x4120];
	v41 =	vtrunc.f32 v27;
	v40 =	vcvt.f32.s32 v38;
	[tilespmem:$0x48A0] =	vst v34  }
0x8e: {  	v45 =	vld [tilespmem:$0x4130];
	v44 =	vtrunc.f32 v30;
	v43 =	vcvt.f32.s32 v41;
	[tilespmem:$0x48B0] =	vst v37  }
0x8f: {  	v48 =	vld [tilespmem:$0x4140];
	v47 =	vtrunc.f32 v33;
	v46 =	vcvt.f32.s32 v44;
	[tilespmem:$0x48C0] =	vst v40  }
0x90: {  	v51 =	vld [tilespmem:$0x4150];
	v50 =	vtrunc.f32 v36;
	v49 =	vcvt.f32.s32 v47;
	[tilespmem:$0x48D0] =	vst v43  }
0x91: {  	v54 =	vld [tilespmem:$0x4160];
	v53 =	vtrunc.f32 v39;
	v52 =	vcvt.f32.s32 v50;
	[tilespmem:$0x48E0] =	vst v46  }
0x92: {  	v57 =	vld [tilespmem:$0x4170];
	v56 =	vtrunc.f32 v42;
	v55 =	vcvt.f32.s32 v53;
	[tilespmem:$0x48F0] =	vst v49  }
0x93: {  	v60 =	vld [tilespmem:$0x4180];
	v59 =	vtrunc.f32 v45;
	v58 =	vcvt.f32.s32 v56;
	[tilespmem:$0x4900] =	vst v52  }
0x94: {  	v63 =	vld [tilespmem:$0x4190];
	v62 =	vtrunc.f32 v48;
	v61 =	vcvt.f32.s32 v59;
	[tilespmem:$0x4910] =	vst v55  }
0x95: {  	v9 =	vcvt.f32.s32 v62;
	v11 =	vld [tilespmem:$0x41A0];
	[tilespmem:$0x4920] =	vst v58;
	v10 =	vtrunc.f32 v51  }
0x96: {  	v14 =	vld [tilespmem:$0x41B0];
	[tilespmem:$0x4930] =	vst v61;
	v13 =	vtrunc.f32 v54;
	v12 =	vcvt.f32.s32 v10  }
0x97: {  	v17 =	vld [tilespmem:$0x41C0];
	[tilespmem:$0x4940] =	vst v9;
	v16 =	vtrunc.f32 v57;
	v15 =	vcvt.f32.s32 v13  }
0x98: {  	v20 =	vld [tilespmem:$0x41D0];
	v19 =	vtrunc.f32 v60;
	v18 =	vcvt.f32.s32 v16;
	[tilespmem:$0x4950] =	vst v12  }
0x99: {  	v23 =	vld [tilespmem:$0x41E0];
	v22 =	vtrunc.f32 v63;
	v21 =	vcvt.f32.s32 v19;
	[tilespmem:$0x4960] =	vst v15  }
0x9a: {  	v26 =	vld [tilespmem:$0x41F0];
	v24 =	vcvt.f32.s32 v22;
	[tilespmem:$0x4970] =	vst v18;
	v25 =	vtrunc.f32 v11  }
0x9b: {  	v29 =	vld [tilespmem:$0x4200];
	[tilespmem:$0x4980] =	vst v21;
	v28 =	vtrunc.f32 v14;
	v27 =	vcvt.f32.s32 v25  }
0x9c: {  	v32 =	vld [tilespmem:$0x4210];
	[tilespmem:$0x4990] =	vst v24;
	v31 =	vtrunc.f32 v17;
	v30 =	vcvt.f32.s32 v28  }
0x9d: {  	v35 =	vld [tilespmem:$0x4220];
	v34 =	vtrunc.f32 v20;
	v33 =	vcvt.f32.s32 v31;
	[tilespmem:$0x49A0] =	vst v27  }
0x9e: {  	v38 =	vld [tilespmem:$0x4230];
	v37 =	vtrunc.f32 v23;
	v36 =	vcvt.f32.s32 v34;
	[tilespmem:$0x49B0] =	vst v30  }
0x9f: {  	v41 =	vld [tilespmem:$0x4240];
	v40 =	vtrunc.f32 v26;
	v39 =	vcvt.f32.s32 v37;
	[tilespmem:$0x49C0] =	vst v33  }
0xa0: {  	v44 =	vld [tilespmem:$0x4250];
	v43 =	vtrunc.f32 v29;
	v42 =	vcvt.f32.s32 v40;
	[tilespmem:$0x49D0] =	vst v36  }
0xa1: {  	v47 =	vld [tilespmem:$0x4260];
	v46 =	vtrunc.f32 v32;
	v45 =	vcvt.f32.s32 v43;
	[tilespmem:$0x49E0] =	vst v39  }
0xa2: {  	v50 =	vld [tilespmem:$0x4270];
	v49 =	vtrunc.f32 v35;
	v48 =	vcvt.f32.s32 v46;
	[tilespmem:$0x49F0] =	vst v42  }
0xa3: {  	v53 =	vld [tilespmem:$0x4280];
	v52 =	vtrunc.f32 v38;
	v51 =	vcvt.f32.s32 v49;
	[tilespmem:$0x4A00] =	vst v45  }
0xa4: {  	v56 =	vld [tilespmem:$0x4290];
	v55 =	vtrunc.f32 v41;
	v54 =	vcvt.f32.s32 v52;
	[tilespmem:$0x4A10] =	vst v48  }
0xa5: {  	v59 =	vld [tilespmem:$0x42A0];
	v58 =	vtrunc.f32 v44;
	v57 =	vcvt.f32.s32 v55;
	[tilespmem:$0x4A20] =	vst v51  }
0xa6: {  	v62 =	vld [tilespmem:$0x42B0];
	v61 =	vtrunc.f32 v47;
	v60 =	vcvt.f32.s32 v58;
	[tilespmem:$0x4A30] =	vst v54  }
0xa7: {  	v9 =	vld [tilespmem:$0x42C0];
	v8 =	vtrunc.f32 v50;
	v63 =	vcvt.f32.s32 v61;
	[tilespmem:$0x4A40] =	vst v57  }
0xa8: {  	v11 =	vtrunc.f32 v53;
	v12 =	vld [tilespmem:$0x42D0];
	v10 =	vcvt.f32.s32 v8;
	[tilespmem:$0x4A50] =	vst v60  }
0xa9: {  	v14 =	vtrunc.f32 v56;
	v15 =	vld [tilespmem:$0x42E0];
	v13 =	vcvt.f32.s32 v11;
	[tilespmem:$0x4A60] =	vst v63  }
0xaa: {  	v17 =	vtrunc.f32 v59;
	v18 =	vld [tilespmem:$0x42F0];
	v16 =	vcvt.f32.s32 v14;
	[tilespmem:$0x4A70] =	vst v10  }
0xab: {  	v20 =	vtrunc.f32 v62;
	v21 =	vld [tilespmem:$0x4300];
	v19 =	vcvt.f32.s32 v17;
	[tilespmem:$0x4A80] =	vst v13  }
0xac: {  	v24 =	vld [tilespmem:$0x4310];
	v22 =	vcvt.f32.s32 v20;
	v23 =	vtrunc.f32 v9;
	[tilespmem:$0x4A90] =	vst v16  }
0xad: {  	v11 =	vld [tilespmem:$0x43F0];
	[tilespmem:$0x4AA0] =	vst v19;
	v25 =	vcvt.f32.s32 v23;
	v26 =	vtrunc.f32 v12  }
0xae: {  	v27 =	vld [tilespmem:$0x4320];
	[tilespmem:$0x4AB0] =	vst v22;
	v29 =	vtrunc.f32 v15;
	v28 =	vcvt.f32.s32 v26  }
0xaf: {  	v30 =	vld [tilespmem:$0x4330];
	[tilespmem:$0x4AC0] =	vst v25;
	v32 =	vtrunc.f32 v18;
	v31 =	vcvt.f32.s32 v29  }
0xb0: {  	v33 =	vld [tilespmem:$0x4340];
	v35 =	vtrunc.f32 v21;
	v34 =	vcvt.f32.s32 v32;
	[tilespmem:$0x4AD0] =	vst v28  }
0xb1: {  	v36 =	vld [tilespmem:$0x4350];
	v38 =	vtrunc.f32 v24;
	v37 =	vcvt.f32.s32 v35;
	[tilespmem:$0x4AE0] =	vst v31  }
0xb2: {  	v39 =	vld [tilespmem:$0x4360];
	v40 =	vcvt.f32.s32 v38;
	v25 =	vtrunc.f32 v11;
	[tilespmem:$0x4AF0] =	vst v34  }
0xb3: {  	v42 =	vld [tilespmem:$0x4370];
	v41 =	vtrunc.f32 v27;
	[tilespmem:$0x4B00] =	vst v37;
	v27 =	vcvt.f32.s32 v25  }
0xb4: {  	v45 =	vld [tilespmem:$0x4380];
	v44 =	vtrunc.f32 v30;
	[tilespmem:$0x4B10] =	vst v40;
	v43 =	vcvt.f32.s32 v41  }
0xb5: {  	v48 =	vld [tilespmem:$0x4390];
	v47 =	vtrunc.f32 v33;
	v46 =	vcvt.f32.s32 v44;
	[tilespmem:$0x4BF0] =	vst v27  }
0xb6: {  	v51 =	vld [tilespmem:$0x43A0];
	v50 =	vtrunc.f32 v36;
	v49 =	vcvt.f32.s32 v47;
	[tilespmem:$0x4B20] =	vst v43  }
0xb7: {  	v54 =	vld [tilespmem:$0x43B0];
	v53 =	vtrunc.f32 v39;
	v52 =	vcvt.f32.s32 v50;
	[tilespmem:$0x4B30] =	vst v46  }
0xb8: {  	v57 =	vld [tilespmem:$0x43C0];
	v56 =	vtrunc.f32 v42;
	v55 =	vcvt.f32.s32 v53;
	[tilespmem:$0x4B40] =	vst v49  }
0xb9: {  	v60 =	vld [tilespmem:$0x43D0];
	v59 =	vtrunc.f32 v45;
	v58 =	vcvt.f32.s32 v56;
	[tilespmem:$0x4B50] =	vst v52  }
0xba: {  	v63 =	vld [tilespmem:$0x43E0];
	v62 =	vtrunc.f32 v48;
	v61 =	vcvt.f32.s32 v59;
	[tilespmem:$0x4B60] =	vst v55  }
0xbb: {  	v14 =	vld [tilespmem:$0x4400];
	v10 =	vtrunc.f32 v51;
	v9 =	vcvt.f32.s32 v62;
	[tilespmem:$0x4B70] =	vst v58  }
0xbc: {  	v17 =	vld [tilespmem:$0x4410];
	v13 =	vtrunc.f32 v54;
	v12 =	vcvt.f32.s32 v10;
	[tilespmem:$0x4B80] =	vst v61  }
0xbd: {  	v20 =	vld [tilespmem:$0x4420];
	v16 =	vtrunc.f32 v57;
	v15 =	vcvt.f32.s32 v13;
	[tilespmem:$0x4B90] =	vst v9  }
0xbe: {  	v23 =	vld [tilespmem:$0x4430];
	v19 =	vtrunc.f32 v60;
	v18 =	vcvt.f32.s32 v16;
	[tilespmem:$0x4BA0] =	vst v12  }
0xbf: {  	v26 =	vld [tilespmem:$0x4440];
	v22 =	vtrunc.f32 v63;
	v21 =	vcvt.f32.s32 v19;
	[tilespmem:$0x4BB0] =	vst v15  }
0xc0: {  	v29 =	vld [tilespmem:$0x4450];
	v28 =	vtrunc.f32 v14;
	v24 =	vcvt.f32.s32 v22;
	[tilespmem:$0x4BC0] =	vst v18  }
0xc1: {  	v32 =	vld [tilespmem:$0x4460];
	v31 =	vtrunc.f32 v17;
	v30 =	vcvt.f32.s32 v28;
	[tilespmem:$0x4BD0] =	vst v21  }
0xc2: {  	v35 =	vld [tilespmem:$0x4470];
	v34 =	vtrunc.f32 v20;
	v33 =	vcvt.f32.s32 v31;
	[tilespmem:$0x4BE0] =	vst v24  }
0xc3: {  	v38 =	vld [tilespmem:$0x4480];
	v37 =	vtrunc.f32 v23;
	v36 =	vcvt.f32.s32 v34;
	[tilespmem:$0x4C00] =	vst v30  }
0xc4: {  	v25 =	vld [tilespmem:$0x4560];
	v39 =	vcvt.f32.s32 v37;
	[tilespmem:$0x4C10] =	vst v33;
	v40 =	vtrunc.f32 v26  }
0xc5: {  	v41 =	vld [tilespmem:$0x4490];
	[tilespmem:$0x4C20] =	vst v36;
	v43 =	vtrunc.f32 v29;
	v42 =	vcvt.f32.s32 v40  }
0xc6: {  	v44 =	vld [tilespmem:$0x44A0];
	[tilespmem:$0x4C30] =	vst v39;
	v46 =	vtrunc.f32 v32;
	v45 =	vcvt.f32.s32 v43  }
0xc7: {  	v47 =	vld [tilespmem:$0x44B0];
	v49 =	vtrunc.f32 v35;
	v48 =	vcvt.f32.s32 v46;
	[tilespmem:$0x4C40] =	vst v42  }
0xc8: {  	v50 =	vld [tilespmem:$0x44C0];
	v52 =	vtrunc.f32 v38;
	v51 =	vcvt.f32.s32 v49;
	[tilespmem:$0x4C50] =	vst v45  }
0xc9: {  	v53 =	vld [tilespmem:$0x44D0];
	v54 =	vcvt.f32.s32 v52;
	v39 =	vtrunc.f32 v25;
	[tilespmem:$0x4C60] =	vst v48  }
0xca: {  	v56 =	vld [tilespmem:$0x44E0];
	v55 =	vtrunc.f32 v41;
	[tilespmem:$0x4C70] =	vst v51;
	v41 =	vcvt.f32.s32 v39  }
0xcb: {  	v59 =	vld [tilespmem:$0x44F0];
	v58 =	vtrunc.f32 v44;
	[tilespmem:$0x4C80] =	vst v54;
	v57 =	vcvt.f32.s32 v55  }
0xcc: {  	v62 =	vld [tilespmem:$0x4500];
	v61 =	vtrunc.f32 v47;
	v60 =	vcvt.f32.s32 v58;
	[tilespmem:$0x4D60] =	vst v41  }
0xcd: {  	v10 =	vld [tilespmem:$0x4510];
	v9 =	vtrunc.f32 v50;
	v63 =	vcvt.f32.s32 v61;
	[tilespmem:$0x4C90] =	vst v57  }
0xce: {  	v13 =	vld [tilespmem:$0x4520];
	v12 =	vtrunc.f32 v53;
	v11 =	vcvt.f32.s32 v9;
	[tilespmem:$0x4CA0] =	vst v60  }
0xcf: {  	v16 =	vld [tilespmem:$0x4530];
	v15 =	vtrunc.f32 v56;
	v14 =	vcvt.f32.s32 v12;
	[tilespmem:$0x4CB0] =	vst v63  }
0xd0: {  	v19 =	vld [tilespmem:$0x4540];
	v18 =	vtrunc.f32 v59;
	v17 =	vcvt.f32.s32 v15;
	[tilespmem:$0x4CC0] =	vst v11  }
0xd1: {  	v22 =	vld [tilespmem:$0x4550];
	v21 =	vtrunc.f32 v62;
	v20 =	vcvt.f32.s32 v18;
	[tilespmem:$0x4CD0] =	vst v14  }
0xd2: {  	v28 =	vld [tilespmem:$0x4570];
	v24 =	vtrunc.f32 v10;
	v23 =	vcvt.f32.s32 v21;
	[tilespmem:$0x4CE0] =	vst v17  }
0xd3: {  	v31 =	vld [tilespmem:$0x4580];
	v27 =	vtrunc.f32 v13;
	v26 =	vcvt.f32.s32 v24;
	[tilespmem:$0x4CF0] =	vst v20  }
0xd4: {  	v34 =	vld [tilespmem:$0x4590];
	v30 =	vtrunc.f32 v16;
	v29 =	vcvt.f32.s32 v27;
	[tilespmem:$0x4D00] =	vst v23  }
0xd5: {  	v37 =	vld [tilespmem:$0x45A0];
	v33 =	vtrunc.f32 v19;
	v32 =	vcvt.f32.s32 v30;
	[tilespmem:$0x4D10] =	vst v26  }
0xd6: {  	v40 =	vld [tilespmem:$0x45B0];
	v36 =	vtrunc.f32 v22;
	v35 =	vcvt.f32.s32 v33;
	[tilespmem:$0x4D20] =	vst v29  }
0xd7: {  	v43 =	vld [tilespmem:$0x45C0];
	v42 =	vtrunc.f32 v28;
	v38 =	vcvt.f32.s32 v36;
	[tilespmem:$0x4D30] =	vst v32  }
0xd8: {  	v46 =	vld [tilespmem:$0x45D0];
	v45 =	vtrunc.f32 v31;
	v44 =	vcvt.f32.s32 v42;
	[tilespmem:$0x4D40] =	vst v35  }
0xd9: {  	v49 =	vld [tilespmem:$0x45E0];
	v48 =	vtrunc.f32 v34;
	v47 =	vcvt.f32.s32 v45;
	[tilespmem:$0x4D50] =	vst v38  }
0xda: {  	v52 =	vld [tilespmem:$0x45F0];
	v51 =	vtrunc.f32 v37;
	v50 =	vcvt.f32.s32 v48;
	[tilespmem:$0x4D70] =	vst v44  }
0xdb: {  	v53 =	vcvt.f32.s32 v51;
	[tilespmem:$0x4D80] =	vst v47;
	v54 =	vtrunc.f32 v40  }
0xdc: {  	[tilespmem:$0x4D90] =	vst v50;
	v56 =	vtrunc.f32 v43;
	v55 =	vcvt.f32.s32 v54  }
0xdd: {  	[tilespmem:$0x4DA0] =	vst v53;
	v58 =	vtrunc.f32 v46;
	v57 =	vcvt.f32.s32 v56  }
0xde: {  	v60 =	vtrunc.f32 v49;
	v59 =	vcvt.f32.s32 v58;
	[tilespmem:$0x4DB0] =	vst v55  }
0xdf: {  	v62 =	vtrunc.f32 v52;
	v61 =	vcvt.f32.s32 v60;
	[tilespmem:$0x4DC0] =	vst v57  }
0xe0: {  	v63 =	vcvt.f32.s32 v62;
	[tilespmem:$0x4DD0] =	vst v59  }
0xe1: {  	[tilespmem:$0x4DE0] =	vst v61  }
0xe2: {  	[tilespmem:$0x4DF0] =	vst v63  }
0xe3: {  	[tilespmem:s13], [sflag:$0x1] =	stream.indirect.gather [spmem:s1], $0x40, s12, s11, $0xb8;
	[tilespmem:$0xD000] =	vst v63  }
0xe4: {  	_ = 	snop  }
0xe5: {  	[tilespmem:s15], [sflag:$0x2] =	stream.indirect.gather [spmem:s1], $0x40, s14, s11, $0xb8;
	[tilespmem:$0xD000] =	vst v63  }
0xe6: {  	_ =	swait.ge [sflag:s16], $0x2000  }
0xe7: {  	[sflag:s16] =	ssyncset.done $0x0  }
0xe8: {  	s30 =	rddreg [dreg:$0x11];
	[sflag:s16] =	ssyncadd.s32 $0xFFFFE000  }
0xe9: {  	[hbm4b:s30+s2] =	stream.linear.scatter [tilespmem:s13], [sflag:$0x3], $0x4000, $0x38;
	[tilespmem:$0xD000] =	vst v63  }
0xea: {  	_ =	swait.ge [sflag:s4], $0x4000  }
0xeb: {  	[sflag:s4] =	ssyncset.done $0x0  }
0xec: {  	[sflag:s4] =	ssyncadd.s32 $0xFFFFC000  }
0xed: {  	[tilespmem:s13], [sflag:$0x1] =	stream.indirect.gather [spmem:s1], $0x40, s17, s11, $0xb8;
	[tilespmem:$0xD000] =	vst v63  }
0xee: {  	_ =	swait.ge [sflag:s18], $0x2000  }
0xef: {  	[sflag:s18] =	ssyncset.done $0x0  }
0xf0: {  	s31 =	rddreg [dreg:$0x12];
	[sflag:s18] =	ssyncadd.s32 $0xFFFFE000  }
0xf1: {  	[hbm4b:s31+s2] =	stream.linear.scatter [tilespmem:s15], [sflag:$0x3], $0x4000, $0x38;
	[tilespmem:$0xD000] =	vst v63  }
0xf2: {  	_ =	swait.ge [sflag:s4], $0x4000  }
0xf3: {  	[sflag:s4] =	ssyncset.done $0x0  }
0xf4: {  	[sflag:s4] =	ssyncadd.s32 $0xFFFFC000  }
0xf5: {  	[tilespmem:s15], [sflag:$0x2] =	stream.indirect.gather [spmem:s1], $0x40, s19, s11, $0xb8;
	[tilespmem:$0xD000] =	vst v63  }
0xf6: {  	_ =	swait.ge [sflag:s16], $0x2000  }
0xf7: {  	[sflag:s16] =	ssyncset.done $0x0  }
0xf8: {  	s30 =	rddreg [dreg:$0x13];
	[sflag:s16] =	ssyncadd.s32 $0xFFFFE000  }
0xf9: {  	[hbm4b:s30+s2] =	stream.linear.scatter [tilespmem:s13], [sflag:$0x3], $0x4000, $0x38;
	[tilespmem:$0xD000] =	vst v63  }
0xfa: {  	_ =	swait.ge [sflag:s4], $0x4000  }
0xfb: {  	[sflag:s4] =	ssyncset.done $0x0  }
0xfc: {  	[sflag:s4] =	ssyncadd.s32 $0xFFFFC000  }
0xfd: {  	[tilespmem:s13], [sflag:$0x1] =	stream.indirect.gather [spmem:s1], $0x40, s20, s11, $0xb8;
	[tilespmem:$0xD000] =	vst v63  }
0xfe: {  	_ =	swait.ge [sflag:s18], $0x2000  }
0xff: {  	[sflag:s18] =	ssyncset.done $0x0  }
0x100: {  	s31 =	rddreg [dreg:$0x14];
	[sflag:s18] =	ssyncadd.s32 $0xFFFFE000  }
0x101: {  	[hbm4b:s31+s2] =	stream.linear.scatter [tilespmem:s15], [sflag:$0x3], $0x4000, $0x38;
	[tilespmem:$0xD000] =	vst v63  }
0x102: {  	_ =	swait.ge [sflag:s4], $0x4000  }
0x103: {  	[sflag:s4] =	ssyncset.done $0x0  }
0x104: {  	[sflag:s4] =	ssyncadd.s32 $0xFFFFC000  }
0x105: {  	[tilespmem:s15], [sflag:$0x2] =	stream.indirect.gather [spmem:s1], $0x40, s21, s11, $0xb8;
	[tilespmem:$0xD000] =	vst v63  }
0x106: {  	_ =	swait.ge [sflag:s16], $0x2000  }
0x107: {  	[sflag:s16] =	ssyncset.done $0x0  }
0x108: {  	s30 =	rddreg [dreg:$0x15];
	[sflag:s16] =	ssyncadd.s32 $0xFFFFE000  }
0x109: {  	[hbm4b:s30+s2] =	stream.linear.scatter [tilespmem:s13], [sflag:$0x3], $0x4000, $0x38;
	[tilespmem:$0xD000] =	vst v63  }
0x10a: {  	_ =	swait.ge [sflag:s4], $0x4000  }
0x10b: {  	[sflag:s4] =	ssyncset.done $0x0  }
0x10c: {  	[sflag:s4] =	ssyncadd.s32 $0xFFFFC000  }
0x10d: {  	[tilespmem:s13], [sflag:$0x1] =	stream.indirect.gather [spmem:s1], $0x40, s22, s11, $0xb8;
	[tilespmem:$0xD000] =	vst v63  }
0x10e: {  	_ =	swait.ge [sflag:s18], $0x2000  }
0x10f: {  	[sflag:s18] =	ssyncset.done $0x0  }
0x110: {  	s31 =	rddreg [dreg:$0x16];
	[sflag:s18] =	ssyncadd.s32 $0xFFFFE000  }
0x111: {  	[hbm4b:s31+s2] =	stream.linear.scatter [tilespmem:s15], [sflag:$0x3], $0x4000, $0x38;
	[tilespmem:$0xD000] =	vst v63  }
0x112: {  	_ =	swait.ge [sflag:s4], $0x4000  }
0x113: {  	[sflag:s4] =	ssyncset.done $0x0  }
0x114: {  	[sflag:s4] =	ssyncadd.s32 $0xFFFFC000  }
0x115: {  	[tilespmem:s15], [sflag:$0x2] =	stream.indirect.gather [spmem:s1], $0x40, s23, s11, $0xb8;
	[tilespmem:$0xD000] =	vst v63  }
0x116: {  	_ =	swait.ge [sflag:s16], $0x2000  }
0x117: {  	[sflag:s16] =	ssyncset.done $0x0  }
0x118: {  	s30 =	rddreg [dreg:$0x17];
	[sflag:s16] =	ssyncadd.s32 $0xFFFFE000  }
0x119: {  	[hbm4b:s30+s2] =	stream.linear.scatter [tilespmem:s13], [sflag:$0x3], $0x4000, $0x38;
	[tilespmem:$0xD000] =	vst v63  }
0x11a: {  	_ =	swait.ge [sflag:s4], $0x4000  }
0x11b: {  	[sflag:s4] =	ssyncset.done $0x0  }
0x11c: {  	[sflag:s4] =	ssyncadd.s32 $0xFFFFC000  }
0x11d: {  	[tilespmem:s13], [sflag:$0x1] =	stream.indirect.gather [spmem:s1], $0x40, s24, s11, $0xb8;
	[tilespmem:$0xD000] =	vst v63  }
0x11e: {  	_ =	swait.ge [sflag:s18], $0x2000  }
0x11f: {  	[sflag:s18] =	ssyncset.done $0x0  }
0x120: {  	s31 =	rddreg [dreg:$0x18];
	[sflag:s18] =	ssyncadd.s32 $0xFFFFE000  }
0x121: {  	[hbm4b:s31+s2] =	stream.linear.scatter [tilespmem:s15], [sflag:$0x3], $0x4000, $0x38;
	[tilespmem:$0xD000] =	vst v63  }
0x122: {  	_ =	swait.ge [sflag:s4], $0x4000  }
0x123: {  	[sflag:s4] =	ssyncset.done $0x0  }
0x124: {  	[sflag:s4] =	ssyncadd.s32 $0xFFFFC000  }
0x125: {  	[tilespmem:s15], [sflag:$0x2] =	stream.indirect.gather [spmem:s1], $0x40, s25, s11, $0xb8;
	[tilespmem:$0xD000] =	vst v63  }
0x126: {  	_ =	swait.ge [sflag:s16], $0x2000  }
0x127: {  	[sflag:s16] =	ssyncset.done $0x0  }
0x128: {  	s30 =	rddreg [dreg:$0x19];
	[sflag:s16] =	ssyncadd.s32 $0xFFFFE000  }
0x129: {  	[hbm4b:s30+s2] =	stream.linear.scatter [tilespmem:s13], [sflag:$0x3], $0x4000, $0x38;
	[tilespmem:$0xD000] =	vst v63  }
0x12a: {  	_ =	swait.ge [sflag:s4], $0x4000  }
0x12b: {  	[sflag:s4] =	ssyncset.done $0x0  }
0x12c: {  	[sflag:s4] =	ssyncadd.s32 $0xFFFFC000  }
0x12d: {  	[tilespmem:s13], [sflag:$0x1] =	stream.indirect.gather [spmem:s1], $0x40, s26, s11, $0xb8;
	[tilespmem:$0xD000] =	vst v63  }
0x12e: {  	_ =	swait.ge [sflag:s18], $0x2000  }
0x12f: {  	[sflag:s18] =	ssyncset.done $0x0  }
0x130: {  	s31 =	rddreg [dreg:$0x1a];
	[sflag:s18] =	ssyncadd.s32 $0xFFFFE000  }
0x131: {  	[hbm4b:s31+s2] =	stream.linear.scatter [tilespmem:s15], [sflag:$0x3], $0x4000, $0x38;
	[tilespmem:$0xD000] =	vst v63  }
0x132: {  	_ =	swait.ge [sflag:s4], $0x4000  }
0x133: {  	[sflag:s4] =	ssyncset.done $0x0  }
0x134: {  	[sflag:s4] =	ssyncadd.s32 $0xFFFFC000  }
0x135: {  	[tilespmem:s15], [sflag:$0x2] =	stream.indirect.gather [spmem:s1], $0x40, s28, s11, $0xb8;
	[tilespmem:$0xD000] =	vst v63  }
0x136: {  	_ =	swait.ge [sflag:s16], $0x2000  }
0x137: {  	[sflag:s16] =	ssyncset.done $0x0  }
0x138: {  	s30 =	rddreg [dreg:$0x1b];
	[sflag:s16] =	ssyncadd.s32 $0xFFFFE000  }
0x139: {  	[hbm4b:s30+s2] =	stream.linear.scatter [tilespmem:s13], [sflag:$0x3], $0x4000, $0x38;
	[tilespmem:$0xD000] =	vst v63  }
0x13a: {  	_ =	swait.ge [sflag:s4], $0x4000  }
0x13b: {  	[sflag:s4] =	ssyncset.done $0x0  }
0x13c: {  	[sflag:s4] =	ssyncadd.s32 $0xFFFFC000  }
0x13d: {  	s3 =	sadd.s32 $0xFFFFFFFF, s3;
	_ =	swait.ge [sflag:s18], $0x2000  }
0x13e: {  	p1 =	sne.s32 s3, $0x0;
	[sflag:s18] =	ssyncset.done $0x0  }
.Ltmp0:
0x13f: {  	s31 =	rddreg [dreg:$0x1c];
	[sflag:s18] =	ssyncadd.s32 $0xFFFFE000;
	(pc) =	sbr.rel @p1 .LBB2_1-.Ltmp0, $4  }
0x140: {  	[hbm4b:s31+s2] =	stream.linear.scatter [tilespmem:s15], [sflag:$0x3], $0x4000, $0x38;
	[tilespmem:$0xD000] =	vst v63  }
0x141: {  	_ =	swait.ge [sflag:s4], $0x4000  }
0x142: {  	[sflag:s4] =	ssyncset.done $0x0  }
0x143: {  	[sflag:s4] =	ssyncadd.s32 $0xFFFFC000  }
0x144: {  	_ =	sfence.sel $0x180000  }
0x145: {  	[bflag:$0x0] =	sbarrier.arrive $0xFFFF  }
0x146: {  	_ =	strace $0x90000047  }
0x147: {  	s0 =	sadd.s32 @!p0 $0x100000, s0;
	[bflag:$0x2] =	sbarrier.arrive $0xFFFF  }
0x148: {  	[sflag:s0] =	ssyncadd.tile.s32 @!p0 $0x1;
	_ =	shalt  }
.Lfunc_end2:
_tile_overlayer_lowered:
.L_overlay_start_2:
0x149: {  	(tag) =	ssettag $0x2  }
0x14a: {  	s0 =	rddreg [dreg:$0x0];
	s2 =	stileid.u32  }
0x14b: {  	s1 =	rddreg [dreg:$0x1];
	p0 =	sne.s32 s2, $0x0  }
0x14c: {  	s3 =	rddreg [dreg:$0x2];
	[bflag:$0x3] =	sbarrier.arrive $0xFFFF;
	s2 =	simm.s32 @!p0 $0x1C03  }
0x14d: {  	[timem:s3], [sflag:s2] =	dma.local @!p0 [hbm:s0], s1  }
0x14e: {  	s0 =	simm.s32 @!p0 $0x3  }
0x14f: {  	_ =	swait.ge @!p0 [sflag:s0], s1  }
0x150: {  	s1 =	ssub.s32 @!p0 $0x0, s1;
	[sflag:s0] =	ssyncset.done @!p0 $0x0  }
0x151: {  	[sflag:s0] =	ssyncadd.s32 @!p0 s1  }
0x152: {  	[bflag:$0x3] =	sbarrier.arrive $0xFFFF  }
0x153: {  	_ =	shalt  }

</sc_bundles>
